<compile_context>
chip_gen: v7x
topology: tpu7x:2x2x1
jax: 0.10.2.dev20260603
libtpu: 0.0.44.dev20260713+nightly
codegen_flags: <defaults>
</compile_context>

<pallas_src>
import jax
import jax.numpy as jnp
from jax import lax
from jax.experimental import pallas as pl
from jax.experimental.pallas import tpu as pltpu
from jax.experimental.pallas import tpu_sc as plsc

N0 = 10000
E0 = 320000
D = 128
H = 128
O_ = 10
G = 64

NC, NS = 2, 16
NW = NC * NS
BN = 2048
NP = 10240
ROWS_PT = NP // NS
C = 128
EPW = E0 // NW
CF = EPW // C
CT = EPW - CF * C
CPW = 80
NCH = NW * CPW
NGRID = NP // BN

_f32 = jnp.float32
_MESH = plsc.VectorSubcoreMesh(core_axis_name="c", subcore_axis_name="s")


def _fill(buf, val):
    if len(buf.shape) == 1:
        def elt(r, carry):
            buf[pl.ds(r * 16, 16)] = jnp.full((16,), val, _f32)
            return carry
        lax.fori_loop(0, buf.shape[0] // 16, elt, 0)
        return
    rows, cols = buf.shape
    def row(r, carry):
        for k in range(cols // 16):
            buf[r, pl.ds(k * 16, 16)] = jnp.full((16,), val, _f32)
        return carry
    lax.fori_loop(0, rows, row, 0)


def _zero_acc(acc, zbuf, t0):
    nfull, rem = ROWS_PT // C, ROWS_PT % C
    def cp(j, carry):
        pltpu.sync_copy(zbuf, acc.at[pl.ds(t0 + j * C, C)])
        return carry
    lax.fori_loop(0, nfull, cp, 0)
    if rem:
        pltpu.sync_copy(zbuf.at[pl.ds(0, rem)],
                        acc.at[pl.ds(t0 + nfull * C, rem)])


def _unpack_dst(islab, j, db, n=C):
    for k in range(n // 16):
        p = islab[j, pl.ds(k * 16, 16)]
        db[pl.ds(k * 16, 16)] = lax.shift_right_logical(p, 16)


def _unpack_src(islab, j, sb, n=C):
    for k in range(n // 16):
        p = islab[j, pl.ds(k * 16, 16)]
        sb[pl.ds(k * 16, 16)] = lax.bitwise_and(p, 0xFFFF)


def _deg_body(sd_hbm, out_hbm, acc, buf, islab, dbuf, d0, d1, d2, d3,
              didx_t, isem, s0, s1, s2, s3):
    c = lax.axis_index("c")
    s = lax.axis_index("s")
    wid = s * NC + c
    t0 = s * ROWS_PT
    sems = [s0, s1, s2, s3]
    didx = [d0, d1, d2, d3]
    idesc = pltpu.async_copy(sd_hbm.at[pl.ds(wid * CPW, CPW)], islab, isem)
    _fill(buf, 0.0)
    _zero_acc(acc, buf, t0)
    _fill(buf, 1.0)
    plsc.subcore_barrier()
    idesc.wait()
    for b in range(4):
        _unpack_dst(islab, b, didx[b])
        pltpu.async_copy(buf, acc.at[didx[b]], sems[b], add=True)

    def outer(i, carry):
        for b in range(4):
            j = i * 4 + b
            pltpu.make_async_copy(buf, acc.at[didx[b]], sems[b]).wait()
            jn = j + 4

            @pl.when(jn < CF)
            def _next():
                _unpack_dst(islab, jn, didx[b])
                pltpu.async_copy(buf, acc.at[didx[b]], sems[b], add=True)
        return carry
    lax.fori_loop(0, CF // 4, outer, 0)
    for b in range(CF % 4):
        pltpu.make_async_copy(buf, acc.at[didx[b]], sems[b]).wait()
    _unpack_dst(islab, CF, didx_t, CT)
    pltpu.sync_copy(buf.at[pl.ds(0, CT)], acc.at[didx_t], add=True)
    plsc.subcore_barrier()
    @pl.when(s < NP // 1024)
    def _emit():
        for r in range(8):
            pltpu.sync_copy(acc.at[pl.ds(s * 1024 + r * 128, 128)],
                            dbuf.at[r])
        pltpu.sync_copy(dbuf, out_hbm.at[pl.ds(c * (NP // 128) + s * 8, 8)])


_deg_call = pl.kernel(
    _deg_body,
    out_type=jax.ShapeDtypeStruct((NC * NP // 128, 128), _f32),
    mesh=_MESH,
    scratch_types=[
        pltpu.VMEM_SHARED((NP,), _f32),
        pltpu.VMEM((C,), _f32),
        pltpu.VMEM((CPW, C), jnp.int32),
        pltpu.VMEM((8, 128), _f32),
        pltpu.VMEM((C,), jnp.int32),
        pltpu.VMEM((C,), jnp.int32),
        pltpu.VMEM((C,), jnp.int32),
        pltpu.VMEM((C,), jnp.int32),
        pltpu.VMEM((CT,), jnp.int32),
        pltpu.SemaphoreType.DMA,
        pltpu.SemaphoreType.DMA,
        pltpu.SemaphoreType.DMA,
        pltpu.SemaphoreType.DMA,
        pltpu.SemaphoreType.DMA,
    ],
)


def _agg_body(g_hbm, sd_hbm, out_hbm, acc, r0, r1, islab,
              si0, si1, di0, di1, sidx_t, didx_t, rows_t,
              isem, gs0, gs1, ss0, ss1):
    c = lax.axis_index("c")
    s = lax.axis_index("s")
    wid = s * NC + c
    t0 = s * ROWS_PT
    rowss = [r0, r1]
    sidx = [si0, si1]
    didx = [di0, di1]
    gsems = [gs0, gs1]
    ssems = [ss0, ss1]
    idesc = pltpu.async_copy(sd_hbm.at[pl.ds(wid * CPW, CPW)], islab, isem)
    _fill(r0, 0.0)
    _zero_acc(acc, r0, t0)
    plsc.subcore_barrier()
    idesc.wait()
    for b in range(2):
        _unpack_src(islab, b, sidx[b])
        _unpack_dst(islab, b, didx[b])
        pltpu.async_copy(g_hbm.at[sidx[b]], rowss[b], gsems[b])

    def outer(i, carry):
        for b in range(2):
            j = i * 2 + b
            pltpu.make_async_copy(
                g_hbm.at[sidx[b]], rowss[b], gsems[b]).wait()
            pltpu.async_copy(
                rowss[b], acc.at[didx[b]], ssems[b], add=True)
            jn = j + 2

            @pl.when(jn < CF)
            def _prefetch():
                pltpu.make_async_copy(
                    rowss[b], acc.at[didx[b]], ssems[b]).wait()
                _unpack_src(islab, jn, sidx[b])
                _unpack_dst(islab, jn, didx[b])
                pltpu.async_copy(g_hbm.at[sidx[b]], rowss[b], gsems[b])
        return carry
    lax.fori_loop(0, CF // 2, outer, 0)
    pltpu.make_async_copy(rowss[0], acc.at[didx[0]], ssems[0]).wait()
    pltpu.make_async_copy(rowss[1], acc.at[didx[1]], ssems[1]).wait()
    _unpack_src(islab, CF, sidx_t, CT)
    _unpack_dst(islab, CF, didx_t, CT)
    pltpu.async_copy(g_hbm.at[sidx_t], rows_t, gs0).wait()
    pltpu.sync_copy(rows_t, acc.at[didx_t], add=True)
    plsc.subcore_barrier()
    pltpu.sync_copy(acc.at[pl.ds(t0, ROWS_PT)],
                    out_hbm.at[c, pl.ds(t0, ROWS_PT)])


_agg_call = pl.kernel(
    _agg_body,
    out_type=jax.ShapeDtypeStruct((NC, NP, H), _f32),
    mesh=_MESH,
    scratch_types=[
        pltpu.VMEM_SHARED((NP, H), _f32),
        pltpu.VMEM((C, H), _f32),
        pltpu.VMEM((C, H), _f32),
        pltpu.VMEM((CPW, C), jnp.int32),
        pltpu.VMEM((C,), jnp.int32),
        pltpu.VMEM((C,), jnp.int32),
        pltpu.VMEM((C,), jnp.int32),
        pltpu.VMEM((C,), jnp.int32),
        pltpu.VMEM((CT,), jnp.int32),
        pltpu.VMEM((CT,), jnp.int32),
        pltpu.VMEM((CT, H), _f32),
        pltpu.SemaphoreType.DMA,
        pltpu.SemaphoreType.DMA,
        pltpu.SemaphoreType.DMA,
        pltpu.SemaphoreType.DMA,
        pltpu.SemaphoreType.DMA,
    ],
)


def _k2_body(x_ref, w_ref, dp0_ref, dp1_ref, g_ref, dis_ref):
    v = dp0_ref[...] + dp1_ref[...]
    n_iota = lax.broadcasted_iota(jnp.int32, (BN, 128), 0)
    l_iota = lax.broadcasted_iota(jnp.int32, (BN, 128), 1)
    brd = (l_iota[:, :BN // 128] == n_iota[:, :BN // 128] // 128)
    t = jnp.dot(brd.astype(_f32), v, preferred_element_type=_f32)
    sel = (l_iota == n_iota % 128).astype(_f32)
    deg = jnp.sum(t * sel, axis=1, keepdims=True) + 1.0
    dis = lax.rsqrt(deg)
    m = jnp.dot(x_ref[...], w_ref[...], preferred_element_type=_f32)
    g_ref[...] = dis * m
    dis_ref[...] = jnp.broadcast_to(dis, (BN, 16))


_k2_call = pl.pallas_call(
    _k2_body,
    grid=(NGRID,),
    in_specs=[
        pl.BlockSpec((BN, D), lambda i: (i, 0)),
        pl.BlockSpec((D, H), lambda i: (0, 0)),
        pl.BlockSpec((BN // 128, 128), lambda i: (i, 0)),
        pl.BlockSpec((BN // 128, 128), lambda i: (i + NP // BN, 0)),
    ],
    out_specs=[
        pl.BlockSpec((BN, H), lambda i: (i, 0)),
        pl.BlockSpec((BN, 16), lambda i: (i, 0)),
    ],
    out_shape=[
        jax.ShapeDtypeStruct((NP, H), _f32),
        jax.ShapeDtypeStruct((NP, 16), _f32),
    ],
)


def _k4_body(a_ref, g1_ref, dis_ref, b1_ref, w2_ref, g2_ref):
    dis = dis_ref[:, 0:1]
    t = dis * (a_ref[0] + a_ref[1] + g1_ref[...]) + b1_ref[...]
    h1 = jnp.maximum(t, 0.0)
    g2_ref[...] = dis * jnp.dot(h1, w2_ref[...], preferred_element_type=_f32)


_k4_call = pl.pallas_call(
    _k4_body,
    grid=(NGRID,),
    in_specs=[
        pl.BlockSpec((NC, BN, H), lambda i: (0, i, 0)),
        pl.BlockSpec((BN, H), lambda i: (i, 0)),
        pl.BlockSpec((BN, 16), lambda i: (i, 0)),
        pl.BlockSpec((1, H), lambda i: (0, 0)),
        pl.BlockSpec((H, H), lambda i: (0, 0)),
    ],
    out_specs=pl.BlockSpec((BN, H), lambda i: (i, 0)),
    out_shape=jax.ShapeDtypeStruct((NP, H), _f32),
)


def _k6_body(a_ref, g2_ref, dis_ref, b2_ref, batch_ref, wf1_ref, bf1_ref,
             wf2_ref, bf2_ref, out_ref, sums, cnts):
    i = pl.program_id(0)

    @pl.when(i == 0)
    def _init():
        sums[...] = jnp.zeros((G, H), _f32)
        cnts[...] = jnp.zeros((G, H), _f32)

    dis = dis_ref[:, 0:1]
    t = dis * (a_ref[0] + a_ref[1] + g2_ref[...]) + b2_ref[...]
    h2 = jnp.maximum(t, 0.0)
    gid = lax.broadcasted_iota(jnp.int32, (G, BN), 0)
    mask = (gid == batch_ref[...]).astype(_f32)
    sums[...] += jnp.dot(mask, h2, preferred_element_type=_f32)
    cnts[...] += jnp.broadcast_to(
        jnp.sum(mask, axis=1, keepdims=True), (G, H))

    @pl.when(i == NGRID - 1)
    def _fin():
        pooled = sums[...] / jnp.maximum(cnts[...], 1.0)
        fc1 = jnp.maximum(
            jnp.dot(pooled, wf1_ref[...], preferred_element_type=_f32)
            + bf1_ref[...], 0.0)
        logits = (jnp.dot(fc1, wf2_ref[...], preferred_element_type=_f32)
                  + bf2_ref[...])
        m = jnp.max(logits, axis=1, keepdims=True)
        e = jnp.exp(logits - m)
        out_ref[...] = e / jnp.sum(e, axis=1, keepdims=True)


_k6_call = pl.pallas_call(
    _k6_body,
    grid=(NGRID,),
    in_specs=[
        pl.BlockSpec((NC, BN, H), lambda i: (0, i, 0)),
        pl.BlockSpec((BN, H), lambda i: (i, 0)),
        pl.BlockSpec((BN, 16), lambda i: (i, 0)),
        pl.BlockSpec((1, H), lambda i: (0, 0)),
        pl.BlockSpec((1, BN), lambda i: (0, i)),
        pl.BlockSpec((H, H), lambda i: (0, 0)),
        pl.BlockSpec((1, H), lambda i: (0, 0)),
        pl.BlockSpec((H, O_), lambda i: (0, 0)),
        pl.BlockSpec((1, O_), lambda i: (0, 0)),
    ],
    out_specs=pl.BlockSpec((G, O_), lambda i: (0, 0)),
    out_shape=jax.ShapeDtypeStruct((G, O_), _f32),
    scratch_shapes=[
        pltpu.VMEM((G, H), _f32),
        pltpu.VMEM((G, H), _f32),
    ],
)


def kernel(x, edge_index, batch, W1, b1, W2, b2, Wfc1, bfc1, Wfc2, bfc2):
    src = edge_index[0]
    dst = edge_index[1]
    packed = (src | (dst << 16)).reshape(NW, EPW)
    packed = jnp.pad(packed, ((0, 0), (0, CPW * C - EPW)))
    sdp = packed.reshape(NCH, C)
    xp = jnp.zeros((NP, D), _f32).at[:N0].set(x)
    batchp = jnp.full((1, NP), G, jnp.int32).at[0, :N0].set(batch)

    degp = _deg_call(sdp)
    g1, dis16 = _k2_call(xp, W1, degp, degp)
    agg1 = _agg_call(g1, sdp)
    g2 = _k4_call(agg1, g1, dis16, b1.reshape(1, H), W2)
    agg2 = _agg_call(g2, sdp)
    return _k6_call(agg2, g2, dis16, b2.reshape(1, H), batchp,
                    Wfc1, bfc1.reshape(1, H), Wfc2, bfc2.reshape(1, O_))

# --- scband reference (transcript-rebuilt; emitter-appended) ---
"""Pipeline reference for scband-gnnpolicy-network-91104846283450 (READ-ONLY COPY).

The authoritative reference and input builder live on the scoring server;
editing this copy changes nothing except your own understanding.
"""

import jax, jax.numpy as jnp
import numpy as np

N = 10000
E = 320000
D = 128
H = 128
O = 10
G = 64


def setup_inputs(seed: int = 0) -> dict:
    key = jax.random.key(seed)
    ks = jax.random.split(key, 12)
    x = jax.random.normal(ks[0], (N, D), dtype=jnp.float32)
    edge_index = jax.random.randint(ks[1], (2, E), 0, N, dtype=jnp.int32)
    batch = jnp.sort(jax.random.randint(ks[2], (N,), 0, G, dtype=jnp.int32))
    W1 = jax.random.normal(ks[3], (D, H), dtype=jnp.float32) * (1.0 / np.sqrt(D))
    b1 = jnp.zeros((H,), dtype=jnp.float32)
    W2 = jax.random.normal(ks[4], (H, H), dtype=jnp.float32) * (1.0 / np.sqrt(H))
    b2 = jnp.zeros((H,), dtype=jnp.float32)
    Wfc1 = jax.random.normal(ks[5], (H, H), dtype=jnp.float32) * (1.0 / np.sqrt(H))
    bfc1 = jnp.zeros((H,), dtype=jnp.float32)
    Wfc2 = jax.random.normal(ks[6], (H, O), dtype=jnp.float32) * (1.0 / np.sqrt(H))
    bfc2 = jnp.zeros((O,), dtype=jnp.float32)
    return {"x": x, "edge_index": edge_index, "batch": batch,
            "W1": W1, "b1": b1, "W2": W2, "b2": b2,
            "Wfc1": Wfc1, "bfc1": bfc1, "Wfc2": Wfc2, "bfc2": bfc2}


def _gcn_conv(x, edge_index, W, b):
    # PyG GCNConv: linear transform, add self-loops, symmetric normalization, scatter-add, bias
    num_nodes = x.shape[0]
    h = x @ W
    loop = jnp.arange(num_nodes, dtype=edge_index.dtype)
    src = jnp.concatenate([edge_index[0], loop])
    dst = jnp.concatenate([edge_index[1], loop])
    deg = jnp.zeros((num_nodes,), dtype=h.dtype).at[dst].add(1.0)
    deg_inv_sqrt = jnp.where(deg > 0, jax.lax.rsqrt(jnp.maximum(deg, 1e-12)), 0.0)
    norm = deg_inv_sqrt[src] * deg_inv_sqrt[dst]
    msg = h[src] * norm[:, None]
    out = jnp.zeros_like(h).at[dst].add(msg)
    return out + b


def reference(x, edge_index, batch, W1, b1, W2, b2, Wfc1, bfc1, Wfc2, bfc2):
    h = jax.nn.relu(_gcn_conv(x, edge_index, W1, b1))
    h = jax.nn.relu(_gcn_conv(h, edge_index, W2, b2))
    # global_mean_pool over batch vector
    sums = jax.ops.segment_sum(h, batch, num_segments=G)
    counts = jax.ops.segment_sum(jnp.ones((h.shape[0],), dtype=h.dtype), batch, num_segments=G)
    pooled = sums / jnp.maximum(counts, 1.0)[:, None]
    h = jax.nn.relu(pooled @ Wfc1 + bfc1)
    logits = h @ Wfc2 + bfc2
    return jax.nn.softmax(logits, axis=1)

if __name__ == "__main__":
    import jax
    _d = setup_inputs()
    print(jax.jit(kernel)(*tuple(_d.values())))

</pallas_src>

<mosaic_0001>
#map = affine_map<(d0, d1) -> (0, 0)>
#map1 = affine_map<(d0, d1) -> (0, 0, 0)>
module attributes {stable_mosaic.version = 14 : i64} {
  func.func @_agg_body(%arg0: i32, %arg1: i32, %arg2: memref<10240x128xf32, #tpu.memory_space<hbm>>, %arg3: memref<2560x128xi32, #tpu.memory_space<hbm>>, %arg4: memref<2x10240x128xf32, #tpu.memory_space<hbm>>, %arg5: memref<10240x128xf32, #tpu.memory_space<vmem_shared>>, %arg6: memref<128x128xf32, #tpu.memory_space<vmem>>, %arg7: memref<128x128xf32, #tpu.memory_space<vmem>>, %arg8: memref<80x128xi32, #tpu.memory_space<vmem>>, %arg9: memref<128xi32, #tpu.memory_space<vmem>>, %arg10: memref<128xi32, #tpu.memory_space<vmem>>, %arg11: memref<128xi32, #tpu.memory_space<vmem>>, %arg12: memref<128xi32, #tpu.memory_space<vmem>>, %arg13: memref<16xi32, #tpu.memory_space<vmem>>, %arg14: memref<16xi32, #tpu.memory_space<vmem>>, %arg15: memref<16x128xf32, #tpu.memory_space<vmem>>, %arg16: memref<!tpu.dma_semaphore, #tpu.memory_space<semaphore_mem>>, %arg17: memref<!tpu.dma_semaphore, #tpu.memory_space<semaphore_mem>>, %arg18: memref<!tpu.dma_semaphore, #tpu.memory_space<semaphore_mem>>, %arg19: memref<!tpu.dma_semaphore, #tpu.memory_space<semaphore_mem>>, %arg20: memref<!tpu.dma_semaphore, #tpu.memory_space<semaphore_mem>>) attributes {dimension_semantics = [#tpu.dimension_semantics<core_parallel>, #tpu.dimension_semantics<subcore_parallel>], iteration_bounds = array<i64: 2, 16>, scalar_prefetch = 0 : i64, scratch_operands = 16 : i64, tpu.core_type = #tpu.core_type<sc_vector_subcore>, window_params = [{transform_indices = #map}, {transform_indices = #map}, {transform_indices = #map1}]} {
    %mul3A = arith.constant 2 : i32
    %mul3A_0 = arith.muli %arg1, %mul3A : i32
    %add3A = arith.addi %mul3A_0, %arg0 : i32
    %mul3A_1 = arith.constant 640 : i32
    %mul3A_2 = arith.muli %arg1, %mul3A_1 : i32
    %mul3A_3 = arith.constant 80 : i32
    %mul3A_4 = arith.muli %add3A, %mul3A_3 : i32
    %dma_start3A = arith.constant 0 : i32
    %dma_start3A_5 = tpu.memref_slice %arg3[%mul3A_4, %dma_start3A] : memref<2560x128xi32, #tpu.memory_space<hbm>> -> memref<80x128xi32, #tpu.memory_space<hbm>>
    %dma_start3A_6 = arith.constant 0 : i32
    %dma_start3A_7 = tpu.memref_slice %arg3[%mul3A_4, %dma_start3A_6] : memref<2560x128xi32, #tpu.memory_space<hbm>> -> memref<80x128xi32, #tpu.memory_space<hbm>>
    tpu.enqueue_dma source(%dma_start3A_7 : memref<80x128xi32, #tpu.memory_space<hbm>>) target(%arg8 : memref<80x128xi32, #tpu.memory_space<vmem>>) target_semaphore(%arg16 : memref<!tpu.dma_semaphore, #tpu.memory_space<semaphore_mem>>)
    %scan3A = arith.constant 0 : i32
    %scan3A_8 = arith.constant 0 : i32
    %scan3A_9 = arith.constant 128 : i32
    %scan3A_10 = arith.addi %scan3A_8, %scan3A_9 : i32
    %scan3A_11 = arith.constant 1 : i32
    scf.for %scan3A_451 = %scan3A_8 to %scan3A_10 step %scan3A_11  : i32 {
      %broadcast_in_dim3A = arith.constant 0.000000e+00 : f32
      %broadcast_in_dim3A_452 = vector.broadcast %broadcast_in_dim3A : f32 to vector<16xf32>
      %swap3A_453 = arith.index_cast %scan3A_451 : i32 to index
      %swap3A_454 = arith.constant 0 : index
      %swap3A_455 = tpu.vector_load %arg6[%swap3A_453, %swap3A_454] {strides = array<i32>} : memref<128x128xf32, #tpu.memory_space<vmem>>, vector<1x16xf32>,
      %swap3A_456 = vector.shape_cast %swap3A_455 : vector<1x16xf32> to vector<16xf32>
      %swap3A_457 = vector.shape_cast %broadcast_in_dim3A_452 : vector<16xf32> to vector<1x16xf32>
      tpu.vector_store %arg6[%swap3A_453, %swap3A_454], %swap3A_457 {strides = array<i32>} : memref<128x128xf32, #tpu.memory_space<vmem>>, vector<1x16xf32>,
      %broadcast_in_dim3A_458 = arith.constant 0.000000e+00 : f32
      %broadcast_in_dim3A_459 = vector.broadcast %broadcast_in_dim3A_458 : f32 to vector<16xf32>
      %swap3A_460 = arith.index_cast %scan3A_451 : i32 to index
      %swap3A_461 = arith.constant 16 : index
      %swap3A_462 = tpu.vector_load %arg6[%swap3A_460, %swap3A_461] {strides = array<i32>} : memref<128x128xf32, #tpu.memory_space<vmem>>, vector<1x16xf32>,
      %swap3A_463 = vector.shape_cast %swap3A_462 : vector<1x16xf32> to vector<16xf32>
      %swap3A_464 = vector.shape_cast %broadcast_in_dim3A_459 : vector<16xf32> to vector<1x16xf32>
      tpu.vector_store %arg6[%swap3A_460, %swap3A_461], %swap3A_464 {strides = array<i32>} : memref<128x128xf32, #tpu.memory_space<vmem>>, vector<1x16xf32>,
      %broadcast_in_dim3A_465 = arith.constant 0.000000e+00 : f32
      %broadcast_in_dim3A_466 = vector.broadcast %broadcast_in_dim3A_465 : f32 to vector<16xf32>
      %swap3A_467 = arith.index_cast %scan3A_451 : i32 to index
      %swap3A_468 = arith.constant 32 : index
      %swap3A_469 = tpu.vector_load %arg6[%swap3A_467, %swap3A_468] {strides = array<i32>} : memref<128x128xf32, #tpu.memory_space<vmem>>, vector<1x16xf32>,
      %swap3A_470 = vector.shape_cast %swap3A_469 : vector<1x16xf32> to vector<16xf32>
      %swap3A_471 = vector.shape_cast %broadcast_in_dim3A_466 : vector<16xf32> to vector<1x16xf32>
      tpu.vector_store %arg6[%swap3A_467, %swap3A_468], %swap3A_471 {strides = array<i32>} : memref<128x128xf32, #tpu.memory_space<vmem>>, vector<1x16xf32>,
      %broadcast_in_dim3A_472 = arith.constant 0.000000e+00 : f32
      %broadcast_in_dim3A_473 = vector.broadcast %broadcast_in_dim3A_472 : f32 to vector<16xf32>
      %swap3A_474 = arith.index_cast %scan3A_451 : i32 to index
      %swap3A_475 = arith.constant 48 : index
      %swap3A_476 = tpu.vector_load %arg6[%swap3A_474, %swap3A_475] {strides = array<i32>} : memref<128x128xf32, #tpu.memory_space<vmem>>, vector<1x16xf32>,
      %swap3A_477 = vector.shape_cast %swap3A_476 : vector<1x16xf32> to vector<16xf32>
      %swap3A_478 = vector.shape_cast %broadcast_in_dim3A_473 : vector<16xf32> to vector<1x16xf32>
      tpu.vector_store %arg6[%swap3A_474, %swap3A_475], %swap3A_478 {strides = array<i32>} : memref<128x128xf32, #tpu.memory_space<vmem>>, vector<1x16xf32>,
      %broadcast_in_dim3A_479 = arith.constant 0.000000e+00 : f32
      %broadcast_in_dim3A_480 = vector.broadcast %broadcast_in_dim3A_479 : f32 to vector<16xf32>
      %swap3A_481 = arith.index_cast %scan3A_451 : i32 to index
      %swap3A_482 = arith.constant 64 : index
      %swap3A_483 = tpu.vector_load %arg6[%swap3A_481, %swap3A_482] {strides = array<i32>} : memref<128x128xf32, #tpu.memory_space<vmem>>, vector<1x16xf32>,
      %swap3A_484 = vector.shape_cast %swap3A_483 : vector<1x16xf32> to vector<16xf32>
      %swap3A_485 = vector.shape_cast %broadcast_in_dim3A_480 : vector<16xf32> to vector<1x16xf32>
      tpu.vector_store %arg6[%swap3A_481, %swap3A_482], %swap3A_485 {strides = array<i32>} : memref<128x128xf32, #tpu.memory_space<vmem>>, vector<1x16xf32>,
      %broadcast_in_dim3A_486 = arith.constant 0.000000e+00 : f32
      %broadcast_in_dim3A_487 = vector.broadcast %broadcast_in_dim3A_486 : f32 to vector<16xf32>
      %swap3A_488 = arith.index_cast %scan3A_451 : i32 to index
      %swap3A_489 = arith.constant 80 : index
      %swap3A_490 = tpu.vector_load %arg6[%swap3A_488, %swap3A_489] {strides = array<i32>} : memref<128x128xf32, #tpu.memory_space<vmem>>, vector<1x16xf32>,
      %swap3A_491 = vector.shape_cast %swap3A_490 : vector<1x16xf32> to vector<16xf32>
      %swap3A_492 = vector.shape_cast %broadcast_in_dim3A_487 : vector<16xf32> to vector<1x16xf32>
      tpu.vector_store %arg6[%swap3A_488, %swap3A_489], %swap3A_492 {strides = array<i32>} : memref<128x128xf32, #tpu.memory_space<vmem>>, vector<1x16xf32>,
      %broadcast_in_dim3A_493 = arith.constant 0.000000e+00 : f32
      %broadcast_in_dim3A_494 = vector.broadcast %broadcast_in_dim3A_493 : f32 to vector<16xf32>
      %swap3A_495 = arith.index_cast %scan3A_451 : i32 to index
      %swap3A_496 = arith.constant 96 : index
      %swap3A_497 = tpu.vector_load %arg6[%swap3A_495, %swap3A_496] {strides = array<i32>} : memref<128x128xf32, #tpu.memory_space<vmem>>, vector<1x16xf32>,
      %swap3A_498 = vector.shape_cast %swap3A_497 : vector<1x16xf32> to vector<16xf32>
      %swap3A_499 = vector.shape_cast %broadcast_in_dim3A_494 : vector<16xf32> to vector<1x16xf32>
      tpu.vector_store %arg6[%swap3A_495, %swap3A_496], %swap3A_499 {strides = array<i32>} : memref<128x128xf32, #tpu.memory_space<vmem>>, vector<1x16xf32>,
      %broadcast_in_dim3A_500 = arith.constant 0.000000e+00 : f32
      %broadcast_in_dim3A_501 = vector.broadcast %broadcast_in_dim3A_500 : f32 to vector<16xf32>
      %swap3A_502 = arith.index_cast %scan3A_451 : i32 to index
      %swap3A_503 = arith.constant 112 : index
      %swap3A_504 = tpu.vector_load %arg6[%swap3A_502, %swap3A_503] {strides = array<i32>} : memref<128x128xf32, #tpu.memory_space<vmem>>, vector<1x16xf32>,
      %swap3A_505 = vector.shape_cast %swap3A_504 : vector<1x16xf32> to vector<16xf32>
      %swap3A_506 = vector.shape_cast %broadcast_in_dim3A_501 : vector<16xf32> to vector<1x16xf32>
      tpu.vector_store %arg6[%swap3A_502, %swap3A_503], %swap3A_506 {strides = array<i32>} : memref<128x128xf32, #tpu.memory_space<vmem>>, vector<1x16xf32>,
    }
    %scan3A_12 = arith.constant 128 : i32
    %scan3A_13 = arith.constant 0 : i32
    %scan3A_14 = arith.constant 0 : i32
    %scan3A_15 = arith.constant 5 : i32
    %scan3A_16 = arith.addi %scan3A_14, %scan3A_15 : i32
    %scan3A_17 = arith.constant 1 : i32
    scf.for %scan3A_451 = %scan3A_14 to %scan3A_16 step %scan3A_17  : i32 {
      %mul3A_452 = arith.constant 128 : i32
      %mul3A_453 = arith.muli %scan3A_451, %mul3A_452 : i32
      %add3A_454 = arith.addi %mul3A_2, %mul3A_453 : i32
      "tpu.region"() ({
        %run_scoped3A = tpu.sem_alloc : memref<!tpu.dma_semaphore, #tpu.memory_space<semaphore_mem>>
        %dma_start3A_455 = arith.constant 0 : i32
        %dma_start3A_456 = tpu.memref_slice %arg5[%add3A_454, %dma_start3A_455] : memref<10240x128xf32, #tpu.memory_space<vmem_shared>> -> memref<128x128xf32, #tpu.memory_space<vmem_shared>>
        %dma_start3A_457 = arith.constant 0 : i32
        %dma_start3A_458 = tpu.memref_slice %arg5[%add3A_454, %dma_start3A_457] : memref<10240x128xf32, #tpu.memory_space<vmem_shared>> -> memref<128x128xf32, #tpu.memory_space<vmem_shared>>
        tpu.enqueue_dma source(%arg6 : memref<128x128xf32, #tpu.memory_space<vmem>>) target(%dma_start3A_458 : memref<128x128xf32, #tpu.memory_space<vmem_shared>>) target_semaphore(%run_scoped3A : memref<!tpu.dma_semaphore, #tpu.memory_space<semaphore_mem>>)
        %dma_wait3A_459 = arith.constant 0 : i32
        %dma_wait3A_460 = tpu.memref_slice %arg5[%add3A_454, %dma_wait3A_459] : memref<10240x128xf32, #tpu.memory_space<vmem_shared>> -> memref<128x128xf32, #tpu.memory_space<vmem_shared>>
        %dma_wait3A_461 = arith.constant 0 : i32
        %dma_wait3A_462 = tpu.memref_slice %arg5[%add3A_454, %dma_wait3A_461] : memref<10240x128xf32, #tpu.memory_space<vmem_shared>> -> memref<128x128xf32, #tpu.memory_space<vmem_shared>>
        tpu.wait_dma2 semaphore(%run_scoped3A : memref<!tpu.dma_semaphore, #tpu.memory_space<semaphore_mem>>) src(%arg6 : memref<128x128xf32, #tpu.memory_space<vmem>>) dst(%dma_wait3A_462 : memref<128x128xf32, #tpu.memory_space<vmem_shared>>)
        tpu.yield
      }) : () -> ()
    }
    %scan3A_18 = arith.constant 5 : i32
    %barrier3A = arith.constant 0 : index
    tpu.barrier barrier_id(%barrier3A)
    %dma_wait3A = arith.constant 0 : i32
    %dma_wait3A_19 = tpu.memref_slice %arg3[%mul3A_4, %dma_wait3A] : memref<2560x128xi32, #tpu.memory_space<hbm>> -> memref<80x128xi32, #tpu.memory_space<hbm>>
    %dma_wait3A_20 = arith.constant 0 : i32
    %dma_wait3A_21 = tpu.memref_slice %arg3[%mul3A_4, %dma_wait3A_20] : memref<2560x128xi32, #tpu.memory_space<hbm>> -> memref<80x128xi32, #tpu.memory_space<hbm>>
    tpu.wait_dma2 semaphore(%arg16 : memref<!tpu.dma_semaphore, #tpu.memory_space<semaphore_mem>>) src(%dma_wait3A_21 : memref<80x128xi32, #tpu.memory_space<hbm>>) dst(%arg8 : memref<80x128xi32, #tpu.memory_space<vmem>>)
    %get3A = arith.constant 0 : i32
    %get3A_22 = arith.index_cast %get3A : i32 to index
    %get3A_23 = arith.constant 0 : index
    %get3A_24 = tpu.vector_load %arg8[%get3A_22, %get3A_23] {strides = array<i32>} : memref<80x128xi32, #tpu.memory_space<vmem>>, vector<1x16xi32>,
    %get3A_25 = vector.shape_cast %get3A_24 : vector<1x16xi32> to vector<16xi32>
    %and3A = arith.constant 65535 : i32
    %and3A_26 = vector.broadcast %and3A : i32 to vector<16xi32>
    %and3A_27 = arith.andi %get3A_25, %and3A_26 : vector<16xi32>
    %swap3A = arith.constant 0 : index
    %swap3A_28 = tpu.vector_load %arg9[%swap3A] {strides = array<i32>} : memref<128xi32, #tpu.memory_space<vmem>>, vector<16xi32>,
    %swap3A_29 = vector.shape_cast %swap3A_28 : vector<16xi32> to vector<16xi32>
    %swap3A_30 = vector.shape_cast %and3A_27 : vector<16xi32> to vector<16xi32>
    tpu.vector_store %arg9[%swap3A], %swap3A_30 {strides = array<i32>} : memref<128xi32, #tpu.memory_space<vmem>>, vector<16xi32>,
    %get3A_31 = arith.constant 0 : i32
    %get3A_32 = arith.index_cast %get3A_31 : i32 to index
    %get3A_33 = arith.constant 16 : index
    %get3A_34 = tpu.vector_load %arg8[%get3A_32, %get3A_33] {strides = array<i32>} : memref<80x128xi32, #tpu.memory_space<vmem>>, vector<1x16xi32>,
    %get3A_35 = vector.shape_cast %get3A_34 : vector<1x16xi32> to vector<16xi32>
    %and3A_36 = arith.constant 65535 : i32
    %and3A_37 = vector.broadcast %and3A_36 : i32 to vector<16xi32>
    %and3A_38 = arith.andi %get3A_35, %and3A_37 : vector<16xi32>
    %swap3A_39 = arith.constant 16 : index
    %swap3A_40 = tpu.vector_load %arg9[%swap3A_39] {strides = array<i32>} : memref<128xi32, #tpu.memory_space<vmem>>, vector<16xi32>,
    %swap3A_41 = vector.shape_cast %swap3A_40 : vector<16xi32> to vector<16xi32>
    %swap3A_42 = vector.shape_cast %and3A_38 : vector<16xi32> to vector<16xi32>
    tpu.vector_store %arg9[%swap3A_39], %swap3A_42 {strides = array<i32>} : memref<128xi32, #tpu.memory_space<vmem>>, vector<16xi32>,
    %get3A_43 = arith.constant 0 : i32
    %get3A_44 = arith.index_cast %get3A_43 : i32 to index
    %get3A_45 = arith.constant 32 : index
    %get3A_46 = tpu.vector_load %arg8[%get3A_44, %get3A_45] {strides = array<i32>} : memref<80x128xi32, #tpu.memory_space<vmem>>, vector<1x16xi32>,
    %get3A_47 = vector.shape_cast %get3A_46 : vector<1x16xi32> to vector<16xi32>
    %and3A_48 = arith.constant 65535 : i32
    %and3A_49 = vector.broadcast %and3A_48 : i32 to vector<16xi32>
    %and3A_50 = arith.andi %get3A_47, %and3A_49 : vector<16xi32>
    %swap3A_51 = arith.constant 32 : index
    %swap3A_52 = tpu.vector_load %arg9[%swap3A_51] {strides = array<i32>} : memref<128xi32, #tpu.memory_space<vmem>>, vector<16xi32>,
    %swap3A_53 = vector.shape_cast %swap3A_52 : vector<16xi32> to vector<16xi32>
    %swap3A_54 = vector.shape_cast %and3A_50 : vector<16xi32> to vector<16xi32>
    tpu.vector_store %arg9[%swap3A_51], %swap3A_54 {strides = array<i32>} : memref<128xi32, #tpu.memory_space<vmem>>, vector<16xi32>,
    %get3A_55 = arith.constant 0 : i32
    %get3A_56 = arith.index_cast %get3A_55 : i32 to index
    %get3A_57 = arith.constant 48 : index
    %get3A_58 = tpu.vector_load %arg8[%get3A_56, %get3A_57] {strides = array<i32>} : memref<80x128xi32, #tpu.memory_space<vmem>>, vector<1x16xi32>,
    %get3A_59 = vector.shape_cast %get3A_58 : vector<1x16xi32> to vector<16xi32>
    %and3A_60 = arith.constant 65535 : i32
    %and3A_61 = vector.broadcast %and3A_60 : i32 to vector<16xi32>
    %and3A_62 = arith.andi %get3A_59, %and3A_61 : vector<16xi32>
    %swap3A_63 = arith.constant 48 : index
    %swap3A_64 = tpu.vector_load %arg9[%swap3A_63] {strides = array<i32>} : memref<128xi32, #tpu.memory_space<vmem>>, vector<16xi32>,
    %swap3A_65 = vector.shape_cast %swap3A_64 : vector<16xi32> to vector<16xi32>
    %swap3A_66 = vector.shape_cast %and3A_62 : vector<16xi32> to vector<16xi32>
    tpu.vector_store %arg9[%swap3A_63], %swap3A_66 {strides = array<i32>} : memref<128xi32, #tpu.memory_space<vmem>>, vector<16xi32>,
    %get3A_67 = arith.constant 0 : i32
    %get3A_68 = arith.index_cast %get3A_67 : i32 to index
    %get3A_69 = arith.constant 64 : index
    %get3A_70 = tpu.vector_load %arg8[%get3A_68, %get3A_69] {strides = array<i32>} : memref<80x128xi32, #tpu.memory_space<vmem>>, vector<1x16xi32>,
    %get3A_71 = vector.shape_cast %get3A_70 : vector<1x16xi32> to vector<16xi32>
    %and3A_72 = arith.constant 65535 : i32
    %and3A_73 = vector.broadcast %and3A_72 : i32 to vector<16xi32>
    %and3A_74 = arith.andi %get3A_71, %and3A_73 : vector<16xi32>
    %swap3A_75 = arith.constant 64 : index
    %swap3A_76 = tpu.vector_load %arg9[%swap3A_75] {strides = array<i32>} : memref<128xi32, #tpu.memory_space<vmem>>, vector<16xi32>,
    %swap3A_77 = vector.shape_cast %swap3A_76 : vector<16xi32> to vector<16xi32>
    %swap3A_78 = vector.shape_cast %and3A_74 : vector<16xi32> to vector<16xi32>
    tpu.vector_store %arg9[%swap3A_75], %swap3A_78 {strides = array<i32>} : memref<128xi32, #tpu.memory_space<vmem>>, vector<16xi32>,
    %get3A_79 = arith.constant 0 : i32
    %get3A_80 = arith.index_cast %get3A_79 : i32 to index
    %get3A_81 = arith.constant 80 : index
    %get3A_82 = tpu.vector_load %arg8[%get3A_80, %get3A_81] {strides = array<i32>} : memref<80x128xi32, #tpu.memory_space<vmem>>, vector<1x16xi32>,
    %get3A_83 = vector.shape_cast %get3A_82 : vector<1x16xi32> to vector<16xi32>
    %and3A_84 = arith.constant 65535 : i32
    %and3A_85 = vector.broadcast %and3A_84 : i32 to vector<16xi32>
    %and3A_86 = arith.andi %get3A_83, %and3A_85 : vector<16xi32>
    %swap3A_87 = arith.constant 80 : index
    %swap3A_88 = tpu.vector_load %arg9[%swap3A_87] {strides = array<i32>} : memref<128xi32, #tpu.memory_space<vmem>>, vector<16xi32>,
    %swap3A_89 = vector.shape_cast %swap3A_88 : vector<16xi32> to vector<16xi32>
    %swap3A_90 = vector.shape_cast %and3A_86 : vector<16xi32> to vector<16xi32>
    tpu.vector_store %arg9[%swap3A_87], %swap3A_90 {strides = array<i32>} : memref<128xi32, #tpu.memory_space<vmem>>, vector<16xi32>,
    %get3A_91 = arith.constant 0 : i32
    %get3A_92 = arith.index_cast %get3A_91 : i32 to index
    %get3A_93 = arith.constant 96 : index
    %get3A_94 = tpu.vector_load %arg8[%get3A_92, %get3A_93] {strides = array<i32>} : memref<80x128xi32, #tpu.memory_space<vmem>>, vector<1x16xi32>,
    %get3A_95 = vector.shape_cast %get3A_94 : vector<1x16xi32> to vector<16xi32>
    %and3A_96 = arith.constant 65535 : i32
    %and3A_97 = vector.broadcast %and3A_96 : i32 to vector<16xi32>
    %and3A_98 = arith.andi %get3A_95, %and3A_97 : vector<16xi32>
    %swap3A_99 = arith.constant 96 : index
    %swap3A_100 = tpu.vector_load %arg9[%swap3A_99] {strides = array<i32>} : memref<128xi32, #tpu.memory_space<vmem>>, vector<16xi32>,
    %swap3A_101 = vector.shape_cast %swap3A_100 : vector<16xi32> to vector<16xi32>
    %swap3A_102 = vector.shape_cast %and3A_98 : vector<16xi32> to vector<16xi32>
    tpu.vector_store %arg9[%swap3A_99], %swap3A_102 {strides = array<i32>} : memref<128xi32, #tpu.memory_space<vmem>>, vector<16xi32>,
    %get3A_103 = arith.constant 0 : i32
    %get3A_104 = arith.index_cast %get3A_103 : i32 to index
    %get3A_105 = arith.constant 112 : index
    %get3A_106 = tpu.vector_load %arg8[%get3A_104, %get3A_105] {strides = array<i32>} : memref<80x128xi32, #tpu.memory_space<vmem>>, vector<1x16xi32>,
    %get3A_107 = vector.shape_cast %get3A_106 : vector<1x16xi32> to vector<16xi32>
    %and3A_108 = arith.constant 65535 : i32
    %and3A_109 = vector.broadcast %and3A_108 : i32 to vector<16xi32>
    %and3A_110 = arith.andi %get3A_107, %and3A_109 : vector<16xi32>
    %swap3A_111 = arith.constant 112 : index
    %swap3A_112 = tpu.vector_load %arg9[%swap3A_111] {strides = array<i32>} : memref<128xi32, #tpu.memory_space<vmem>>, vector<16xi32>,
    %swap3A_113 = vector.shape_cast %swap3A_112 : vector<16xi32> to vector<16xi32>
    %swap3A_114 = vector.shape_cast %and3A_110 : vector<16xi32> to vector<16xi32>
    tpu.vector_store %arg9[%swap3A_111], %swap3A_114 {strides = array<i32>} : memref<128xi32, #tpu.memory_space<vmem>>, vector<16xi32>,
    %get3A_115 = arith.constant 0 : i32
    %get3A_116 = arith.index_cast %get3A_115 : i32 to index
    %get3A_117 = arith.constant 0 : index
    %get3A_118 = tpu.vector_load %arg8[%get3A_116, %get3A_117] {strides = array<i32>} : memref<80x128xi32, #tpu.memory_space<vmem>>, vector<1x16xi32>,
    %get3A_119 = vector.shape_cast %get3A_118 : vector<1x16xi32> to vector<16xi32>
    %shift_right_logical3A = arith.constant 16 : i32
    %shift_right_logical3A_120 = vector.broadcast %shift_right_logical3A : i32 to vector<16xi32>
    %shift_right_logical3A_121 = arith.shrui %get3A_119, %shift_right_logical3A_120 : vector<16xi32>
    %swap3A_122 = arith.constant 0 : index
    %swap3A_123 = tpu.vector_load %arg11[%swap3A_122] {strides = array<i32>} : memref<128xi32, #tpu.memory_space<vmem>>, vector<16xi32>,
    %swap3A_124 = vector.shape_cast %swap3A_123 : vector<16xi32> to vector<16xi32>
    %swap3A_125 = vector.shape_cast %shift_right_logical3A_121 : vector<16xi32> to vector<16xi32>
    tpu.vector_store %arg11[%swap3A_122], %swap3A_125 {strides = array<i32>} : memref<128xi32, #tpu.memory_space<vmem>>, vector<16xi32>,
    %get3A_126 = arith.constant 0 : i32
    %get3A_127 = arith.index_cast %get3A_126 : i32 to index
    %get3A_128 = arith.constant 16 : index
    %get3A_129 = tpu.vector_load %arg8[%get3A_127, %get3A_128] {strides = array<i32>} : memref<80x128xi32, #tpu.memory_space<vmem>>, vector<1x16xi32>,
    %get3A_130 = vector.shape_cast %get3A_129 : vector<1x16xi32> to vector<16xi32>
    %shift_right_logical3A_131 = arith.constant 16 : i32
    %shift_right_logical3A_132 = vector.broadcast %shift_right_logical3A_131 : i32 to vector<16xi32>
    %shift_right_logical3A_133 = arith.shrui %get3A_130, %shift_right_logical3A_132 : vector<16xi32>
    %swap3A_134 = arith.constant 16 : index
    %swap3A_135 = tpu.vector_load %arg11[%swap3A_134] {strides = array<i32>} : memref<128xi32, #tpu.memory_space<vmem>>, vector<16xi32>,
    %swap3A_136 = vector.shape_cast %swap3A_135 : vector<16xi32> to vector<16xi32>
    %swap3A_137 = vector.shape_cast %shift_right_logical3A_133 : vector<16xi32> to vector<16xi32>
    tpu.vector_store %arg11[%swap3A_134], %swap3A_137 {strides = array<i32>} : memref<128xi32, #tpu.memory_space<vmem>>, vector<16xi32>,
    %get3A_138 = arith.constant 0 : i32
    %get3A_139 = arith.index_cast %get3A_138 : i32 to index
    %get3A_140 = arith.constant 32 : index
    %get3A_141 = tpu.vector_load %arg8[%get3A_139, %get3A_140] {strides = array<i32>} : memref<80x128xi32, #tpu.memory_space<vmem>>, vector<1x16xi32>,
    %get3A_142 = vector.shape_cast %get3A_141 : vector<1x16xi32> to vector<16xi32>
    %shift_right_logical3A_143 = arith.constant 16 : i32
    %shift_right_logical3A_144 = vector.broadcast %shift_right_logical3A_143 : i32 to vector<16xi32>
    %shift_right_logical3A_145 = arith.shrui %get3A_142, %shift_right_logical3A_144 : vector<16xi32>
    %swap3A_146 = arith.constant 32 : index
    %swap3A_147 = tpu.vector_load %arg11[%swap3A_146] {strides = array<i32>} : memref<128xi32, #tpu.memory_space<vmem>>, vector<16xi32>,
    %swap3A_148 = vector.shape_cast %swap3A_147 : vector<16xi32> to vector<16xi32>
    %swap3A_149 = vector.shape_cast %shift_right_logical3A_145 : vector<16xi32> to vector<16xi32>
    tpu.vector_store %arg11[%swap3A_146], %swap3A_149 {strides = array<i32>} : memref<128xi32, #tpu.memory_space<vmem>>, vector<16xi32>,
    %get3A_150 = arith.constant 0 : i32
    %get3A_151 = arith.index_cast %get3A_150 : i32 to index
    %get3A_152 = arith.constant 48 : index
    %get3A_153 = tpu.vector_load %arg8[%get3A_151, %get3A_152] {strides = array<i32>} : memref<80x128xi32, #tpu.memory_space<vmem>>, vector<1x16xi32>,
    %get3A_154 = vector.shape_cast %get3A_153 : vector<1x16xi32> to vector<16xi32>
    %shift_right_logical3A_155 = arith.constant 16 : i32
    %shift_right_logical3A_156 = vector.broadcast %shift_right_logical3A_155 : i32 to vector<16xi32>
    %shift_right_logical3A_157 = arith.shrui %get3A_154, %shift_right_logical3A_156 : vector<16xi32>
    %swap3A_158 = arith.constant 48 : index
    %swap3A_159 = tpu.vector_load %arg11[%swap3A_158] {strides = array<i32>} : memref<128xi32, #tpu.memory_space<vmem>>, vector<16xi32>,
    %swap3A_160 = vector.shape_cast %swap3A_159 : vector<16xi32> to vector<16xi32>
    %swap3A_161 = vector.shape_cast %shift_right_logical3A_157 : vector<16xi32> to vector<16xi32>
    tpu.vector_store %arg11[%swap3A_158], %swap3A_161 {strides = array<i32>} : memref<128xi32, #tpu.memory_space<vmem>>, vector<16xi32>,
    %get3A_162 = arith.constant 0 : i32
    %get3A_163 = arith.index_cast %get3A_162 : i32 to index
    %get3A_164 = arith.constant 64 : index
    %get3A_165 = tpu.vector_load %arg8[%get3A_163, %get3A_164] {strides = array<i32>} : memref<80x128xi32, #tpu.memory_space<vmem>>, vector<1x16xi32>,
    %get3A_166 = vector.shape_cast %get3A_165 : vector<1x16xi32> to vector<16xi32>
    %shift_right_logical3A_167 = arith.constant 16 : i32
    %shift_right_logical3A_168 = vector.broadcast %shift_right_logical3A_167 : i32 to vector<16xi32>
    %shift_right_logical3A_169 = arith.shrui %get3A_166, %shift_right_logical3A_168 : vector<16xi32>
    %swap3A_170 = arith.constant 64 : index
    %swap3A_171 = tpu.vector_load %arg11[%swap3A_170] {strides = array<i32>} : memref<128xi32, #tpu.memory_space<vmem>>, vector<16xi32>,
    %swap3A_172 = vector.shape_cast %swap3A_171 : vector<16xi32> to vector<16xi32>
    %swap3A_173 = vector.shape_cast %shift_right_logical3A_169 : vector<16xi32> to vector<16xi32>
    tpu.vector_store %arg11[%swap3A_170], %swap3A_173 {strides = array<i32>} : memref<128xi32, #tpu.memory_space<vmem>>, vector<16xi32>,
    %get3A_174 = arith.constant 0 : i32
    %get3A_175 = arith.index_cast %get3A_174 : i32 to index
    %get3A_176 = arith.constant 80 : index
    %get3A_177 = tpu.vector_load %arg8[%get3A_175, %get3A_176] {strides = array<i32>} : memref<80x128xi32, #tpu.memory_space<vmem>>, vector<1x16xi32>,
    %get3A_178 = vector.shape_cast %get3A_177 : vector<1x16xi32> to vector<16xi32>
    %shift_right_logical3A_179 = arith.constant 16 : i32
    %shift_right_logical3A_180 = vector.broadcast %shift_right_logical3A_179 : i32 to vector<16xi32>
    %shift_right_logical3A_181 = arith.shrui %get3A_178, %shift_right_logical3A_180 : vector<16xi32>
    %swap3A_182 = arith.constant 80 : index
    %swap3A_183 = tpu.vector_load %arg11[%swap3A_182] {strides = array<i32>} : memref<128xi32, #tpu.memory_space<vmem>>, vector<16xi32>,
    %swap3A_184 = vector.shape_cast %swap3A_183 : vector<16xi32> to vector<16xi32>
    %swap3A_185 = vector.shape_cast %shift_right_logical3A_181 : vector<16xi32> to vector<16xi32>
    tpu.vector_store %arg11[%swap3A_182], %swap3A_185 {strides = array<i32>} : memref<128xi32, #tpu.memory_space<vmem>>, vector<16xi32>,
    %get3A_186 = arith.constant 0 : i32
    %get3A_187 = arith.index_cast %get3A_186 : i32 to index
    %get3A_188 = arith.constant 96 : index
    %get3A_189 = tpu.vector_load %arg8[%get3A_187, %get3A_188] {strides = array<i32>} : memref<80x128xi32, #tpu.memory_space<vmem>>, vector<1x16xi32>,
    %get3A_190 = vector.shape_cast %get3A_189 : vector<1x16xi32> to vector<16xi32>
    %shift_right_logical3A_191 = arith.constant 16 : i32
    %shift_right_logical3A_192 = vector.broadcast %shift_right_logical3A_191 : i32 to vector<16xi32>
    %shift_right_logical3A_193 = arith.shrui %get3A_190, %shift_right_logical3A_192 : vector<16xi32>
    %swap3A_194 = arith.constant 96 : index
    %swap3A_195 = tpu.vector_load %arg11[%swap3A_194] {strides = array<i32>} : memref<128xi32, #tpu.memory_space<vmem>>, vector<16xi32>,
    %swap3A_196 = vector.shape_cast %swap3A_195 : vector<16xi32> to vector<16xi32>
    %swap3A_197 = vector.shape_cast %shift_right_logical3A_193 : vector<16xi32> to vector<16xi32>
    tpu.vector_store %arg11[%swap3A_194], %swap3A_197 {strides = array<i32>} : memref<128xi32, #tpu.memory_space<vmem>>, vector<16xi32>,
    %get3A_198 = arith.constant 0 : i32
    %get3A_199 = arith.index_cast %get3A_198 : i32 to index
    %get3A_200 = arith.constant 112 : index
    %get3A_201 = tpu.vector_load %arg8[%get3A_199, %get3A_200] {strides = array<i32>} : memref<80x128xi32, #tpu.memory_space<vmem>>, vector<1x16xi32>,
    %get3A_202 = vector.shape_cast %get3A_201 : vector<1x16xi32> to vector<16xi32>
    %shift_right_logical3A_203 = arith.constant 16 : i32
    %shift_right_logical3A_204 = vector.broadcast %shift_right_logical3A_203 : i32 to vector<16xi32>
    %shift_right_logical3A_205 = arith.shrui %get3A_202, %shift_right_logical3A_204 : vector<16xi32>
    %swap3A_206 = arith.constant 112 : index
    %swap3A_207 = tpu.vector_load %arg11[%swap3A_206] {strides = array<i32>} : memref<128xi32, #tpu.memory_space<vmem>>, vector<16xi32>,
    %swap3A_208 = vector.shape_cast %swap3A_207 : vector<16xi32> to vector<16xi32>
    %swap3A_209 = vector.shape_cast %shift_right_logical3A_205 : vector<16xi32> to vector<16xi32>
    tpu.vector_store %arg11[%swap3A_206], %swap3A_209 {strides = array<i32>} : memref<128xi32, #tpu.memory_space<vmem>>, vector<16xi32>,
    %dma_start3A_210 = arith.constant 0 : i32
    %dma_start3A_211 = arith.constant 0 : i32
    %dma_start3A_212 = tpu.memref_slice %arg2[%dma_start3A_210, %dma_start3A_211] : memref<10240x128xf32, #tpu.memory_space<hbm>> -> memref<10240x128xf32, #tpu.memory_space<hbm>>
    tpu.enqueue_indirect_dma source(%dma_start3A_212 : memref<10240x128xf32, #tpu.memory_space<hbm>>) target(%arg6 : memref<128x128xf32, #tpu.memory_space<vmem>>) offsets(%arg9 : memref<128xi32, #tpu.memory_space<vmem>>) semaphore(%arg17 : memref<!tpu.dma_semaphore, #tpu.memory_space<semaphore_mem>>)
    %get3A_213 = arith.constant 1 : i32
    %get3A_214 = arith.index_cast %get3A_213 : i32 to index
    %get3A_215 = arith.constant 0 : index
    %get3A_216 = tpu.vector_load %arg8[%get3A_214, %get3A_215] {strides = array<i32>} : memref<80x128xi32, #tpu.memory_space<vmem>>, vector<1x16xi32>,
    %get3A_217 = vector.shape_cast %get3A_216 : vector<1x16xi32> to vector<16xi32>
    %and3A_218 = arith.constant 65535 : i32
    %and3A_219 = vector.broadcast %and3A_218 : i32 to vector<16xi32>
    %and3A_220 = arith.andi %get3A_217, %and3A_219 : vector<16xi32>
    %swap3A_221 = arith.constant 0 : index
    %swap3A_222 = tpu.vector_load %arg10[%swap3A_221] {strides = array<i32>} : memref<128xi32, #tpu.memory_space<vmem>>, vector<16xi32>,
    %swap3A_223 = vector.shape_cast %swap3A_222 : vector<16xi32> to vector<16xi32>
    %swap3A_224 = vector.shape_cast %and3A_220 : vector<16xi32> to vector<16xi32>
    tpu.vector_store %arg10[%swap3A_221], %swap3A_224 {strides = array<i32>} : memref<128xi32, #tpu.memory_space<vmem>>, vector<16xi32>,
    %get3A_225 = arith.constant 1 : i32
    %get3A_226 = arith.index_cast %get3A_225 : i32 to index
    %get3A_227 = arith.constant 16 : index
    %get3A_228 = tpu.vector_load %arg8[%get3A_226, %get3A_227] {strides = array<i32>} : memref<80x128xi32, #tpu.memory_space<vmem>>, vector<1x16xi32>,
    %get3A_229 = vector.shape_cast %get3A_228 : vector<1x16xi32> to vector<16xi32>
    %and3A_230 = arith.constant 65535 : i32
    %and3A_231 = vector.broadcast %and3A_230 : i32 to vector<16xi32>
    %and3A_232 = arith.andi %get3A_229, %and3A_231 : vector<16xi32>
    %swap3A_233 = arith.constant 16 : index
    %swap3A_234 = tpu.vector_load %arg10[%swap3A_233] {strides = array<i32>} : memref<128xi32, #tpu.memory_space<vmem>>, vector<16xi32>,
    %swap3A_235 = vector.shape_cast %swap3A_234 : vector<16xi32> to vector<16xi32>
    %swap3A_236 = vector.shape_cast %and3A_232 : vector<16xi32> to vector<16xi32>
    tpu.vector_store %arg10[%swap3A_233], %swap3A_236 {strides = array<i32>} : memref<128xi32, #tpu.memory_space<vmem>>, vector<16xi32>,
    %get3A_237 = arith.constant 1 : i32
    %get3A_238 = arith.index_cast %get3A_237 : i32 to index
    %get3A_239 = arith.constant 32 : index
    %get3A_240 = tpu.vector_load %arg8[%get3A_238, %get3A_239] {strides = array<i32>} : memref<80x128xi32, #tpu.memory_space<vmem>>, vector<1x16xi32>,
    %get3A_241 = vector.shape_cast %get3A_240 : vector<1x16xi32> to vector<16xi32>
    %and3A_242 = arith.constant 65535 : i32
    %and3A_243 = vector.broadcast %and3A_242 : i32 to vector<16xi32>
    %and3A_244 = arith.andi %get3A_241, %and3A_243 : vector<16xi32>
    %swap3A_245 = arith.constant 32 : index
    %swap3A_246 = tpu.vector_load %arg10[%swap3A_245] {strides = array<i32>} : memref<128xi32, #tpu.memory_space<vmem>>, vector<16xi32>,
    %swap3A_247 = vector.shape_cast %swap3A_246 : vector<16xi32> to vector<16xi32>
    %swap3A_248 = vector.shape_cast %and3A_244 : vector<16xi32> to vector<16xi32>
    tpu.vector_store %arg10[%swap3A_245], %swap3A_248 {strides = array<i32>} : memref<128xi32, #tpu.memory_space<vmem>>, vector<16xi32>,
    %get3A_249 = arith.constant 1 : i32
    %get3A_250 = arith.index_cast %get3A_249 : i32 to index
    %get3A_251 = arith.constant 48 : index
    %get3A_252 = tpu.vector_load %arg8[%get3A_250, %get3A_251] {strides = array<i32>} : memref<80x128xi32, #tpu.memory_space<vmem>>, vector<1x16xi32>,
    %get3A_253 = vector.shape_cast %get3A_252 : vector<1x16xi32> to vector<16xi32>
    %and3A_254 = arith.constant 65535 : i32
    %and3A_255 = vector.broadcast %and3A_254 : i32 to vector<16xi32>
    %and3A_256 = arith.andi %get3A_253, %and3A_255 : vector<16xi32>
    %swap3A_257 = arith.constant 48 : index
    %swap3A_258 = tpu.vector_load %arg10[%swap3A_257] {strides = array<i32>} : memref<128xi32, #tpu.memory_space<vmem>>, vector<16xi32>,
    %swap3A_259 = vector.shape_cast %swap3A_258 : vector<16xi32> to vector<16xi32>
    %swap3A_260 = vector.shape_cast %and3A_256 : vector<16xi32> to vector<16xi32>
    tpu.vector_store %arg10[%swap3A_257], %swap3A_260 {strides = array<i32>} : memref<128xi32, #tpu.memory_space<vmem>>, vector<16xi32>,
    %get3A_261 = arith.constant 1 : i32
    %get3A_262 = arith.index_cast %get3A_261 : i32 to index
    %get3A_263 = arith.constant 64 : index
    %get3A_264 = tpu.vector_load %arg8[%get3A_262, %get3A_263] {strides = array<i32>} : memref<80x128xi32, #tpu.memory_space<vmem>>, vector<1x16xi32>,
    %get3A_265 = vector.shape_cast %get3A_264 : vector<1x16xi32> to vector<16xi32>
    %and3A_266 = arith.constant 65535 : i32
    %and3A_267 = vector.broadcast %and3A_266 : i32 to vector<16xi32>
    %and3A_268 = arith.andi %get3A_265, %and3A_267 : vector<16xi32>
    %swap3A_269 = arith.constant 64 : index
    %swap3A_270 = tpu.vector_load %arg10[%swap3A_269] {strides = array<i32>} : memref<128xi32, #tpu.memory_space<vmem>>, vector<16xi32>,
    %swap3A_271 = vector.shape_cast %swap3A_270 : vector<16xi32> to vector<16xi32>
    %swap3A_272 = vector.shape_cast %and3A_268 : vector<16xi32> to vector<16xi32>
    tpu.vector_store %arg10[%swap3A_269], %swap3A_272 {strides = array<i32>} : memref<128xi32, #tpu.memory_space<vmem>>, vector<16xi32>,
    %get3A_273 = arith.constant 1 : i32
    %get3A_274 = arith.index_cast %get3A_273 : i32 to index
    %get3A_275 = arith.constant 80 : index
    %get3A_276 = tpu.vector_load %arg8[%get3A_274, %get3A_275] {strides = array<i32>} : memref<80x128xi32, #tpu.memory_space<vmem>>, vector<1x16xi32>,
    %get3A_277 = vector.shape_cast %get3A_276 : vector<1x16xi32> to vector<16xi32>
    %and3A_278 = arith.constant 65535 : i32
    %and3A_279 = vector.broadcast %and3A_278 : i32 to vector<16xi32>
    %and3A_280 = arith.andi %get3A_277, %and3A_279 : vector<16xi32>
    %swap3A_281 = arith.constant 80 : index
    %swap3A_282 = tpu.vector_load %arg10[%swap3A_281] {strides = array<i32>} : memref<128xi32, #tpu.memory_space<vmem>>, vector<16xi32>,
    %swap3A_283 = vector.shape_cast %swap3A_282 : vector<16xi32> to vector<16xi32>
    %swap3A_284 = vector.shape_cast %and3A_280 : vector<16xi32> to vector<16xi32>
    tpu.vector_store %arg10[%swap3A_281], %swap3A_284 {strides = array<i32>} : memref<128xi32, #tpu.memory_space<vmem>>, vector<16xi32>,
    %get3A_285 = arith.constant 1 : i32
    %get3A_286 = arith.index_cast %get3A_285 : i32 to index
    %get3A_287 = arith.constant 96 : index
    %get3A_288 = tpu.vector_load %arg8[%get3A_286, %get3A_287] {strides = array<i32>} : memref<80x128xi32, #tpu.memory_space<vmem>>, vector<1x16xi32>,
    %get3A_289 = vector.shape_cast %get3A_288 : vector<1x16xi32> to vector<16xi32>
    %and3A_290 = arith.constant 65535 : i32
    %and3A_291 = vector.broadcast %and3A_290 : i32 to vector<16xi32>
    %and3A_292 = arith.andi %get3A_289, %and3A_291 : vector<16xi32>
    %swap3A_293 = arith.constant 96 : index
    %swap3A_294 = tpu.vector_load %arg10[%swap3A_293] {strides = array<i32>} : memref<128xi32, #tpu.memory_space<vmem>>, vector<16xi32>,
    %swap3A_295 = vector.shape_cast %swap3A_294 : vector<16xi32> to vector<16xi32>
    %swap3A_296 = vector.shape_cast %and3A_292 : vector<16xi32> to vector<16xi32>
    tpu.vector_store %arg10[%swap3A_293], %swap3A_296 {strides = array<i32>} : memref<128xi32, #tpu.memory_space<vmem>>, vector<16xi32>,
    %get3A_297 = arith.constant 1 : i32
    %get3A_298 = arith.index_cast %get3A_297 : i32 to index
    %get3A_299 = arith.constant 112 : index
    %get3A_300 = tpu.vector_load %arg8[%get3A_298, %get3A_299] {strides = array<i32>} : memref<80x128xi32, #tpu.memory_space<vmem>>, vector<1x16xi32>,
    %get3A_301 = vector.shape_cast %get3A_300 : vector<1x16xi32> to vector<16xi32>
    %and3A_302 = arith.constant 65535 : i32
    %and3A_303 = vector.broadcast %and3A_302 : i32 to vector<16xi32>
    %and3A_304 = arith.andi %get3A_301, %and3A_303 : vector<16xi32>
    %swap3A_305 = arith.constant 112 : index
    %swap3A_306 = tpu.vector_load %arg10[%swap3A_305] {strides = array<i32>} : memref<128xi32, #tpu.memory_space<vmem>>, vector<16xi32>,
    %swap3A_307 = vector.shape_cast %swap3A_306 : vector<16xi32> to vector<16xi32>
    %swap3A_308 = vector.shape_cast %and3A_304 : vector<16xi32> to vector<16xi32>
    tpu.vector_store %arg10[%swap3A_305], %swap3A_308 {strides = array<i32>} : memref<128xi32, #tpu.memory_space<vmem>>, vector<16xi32>,
    %get3A_309 = arith.constant 1 : i32
    %get3A_310 = arith.index_cast %get3A_309 : i32 to index
    %get3A_311 = arith.constant 0 : index
    %get3A_312 = tpu.vector_load %arg8[%get3A_310, %get3A_311] {strides = array<i32>} : memref<80x128xi32, #tpu.memory_space<vmem>>, vector<1x16xi32>,
    %get3A_313 = vector.shape_cast %get3A_312 : vector<1x16xi32> to vector<16xi32>
    %shift_right_logical3A_314 = arith.constant 16 : i32
    %shift_right_logical3A_315 = vector.broadcast %shift_right_logical3A_314 : i32 to vector<16xi32>
    %shift_right_logical3A_316 = arith.shrui %get3A_313, %shift_right_logical3A_315 : vector<16xi32>
    %swap3A_317 = arith.constant 0 : index
    %swap3A_318 = tpu.vector_load %arg12[%swap3A_317] {strides = array<i32>} : memref<128xi32, #tpu.memory_space<vmem>>, vector<16xi32>,
    %swap3A_319 = vector.shape_cast %swap3A_318 : vector<16xi32> to vector<16xi32>
    %swap3A_320 = vector.shape_cast %shift_right_logical3A_316 : vector<16xi32> to vector<16xi32>
    tpu.vector_store %arg12[%swap3A_317], %swap3A_320 {strides = array<i32>} : memref<128xi32, #tpu.memory_space<vmem>>, vector<16xi32>,
    %get3A_321 = arith.constant 1 : i32
    %get3A_322 = arith.index_cast %get3A_321 : i32 to index
    %get3A_323 = arith.constant 16 : index
    %get3A_324 = tpu.vector_load %arg8[%get3A_322, %get3A_323] {strides = array<i32>} : memref<80x128xi32, #tpu.memory_space<vmem>>, vector<1x16xi32>,
    %get3A_325 = vector.shape_cast %get3A_324 : vector<1x16xi32> to vector<16xi32>
    %shift_right_logical3A_326 = arith.constant 16 : i32
    %shift_right_logical3A_327 = vector.broadcast %shift_right_logical3A_326 : i32 to vector<16xi32>
    %shift_right_logical3A_328 = arith.shrui %get3A_325, %shift_right_logical3A_327 : vector<16xi32>
    %swap3A_329 = arith.constant 16 : index
    %swap3A_330 = tpu.vector_load %arg12[%swap3A_329] {strides = array<i32>} : memref<128xi32, #tpu.memory_space<vmem>>, vector<16xi32>,
    %swap3A_331 = vector.shape_cast %swap3A_330 : vector<16xi32> to vector<16xi32>
    %swap3A_332 = vector.shape_cast %shift_right_logical3A_328 : vector<16xi32> to vector<16xi32>
    tpu.vector_store %arg12[%swap3A_329], %swap3A_332 {strides = array<i32>} : memref<128xi32, #tpu.memory_space<vmem>>, vector<16xi32>,
    %get3A_333 = arith.constant 1 : i32
    %get3A_334 = arith.index_cast %get3A_333 : i32 to index
    %get3A_335 = arith.constant 32 : index
    %get3A_336 = tpu.vector_load %arg8[%get3A_334, %get3A_335] {strides = array<i32>} : memref<80x128xi32, #tpu.memory_space<vmem>>, vector<1x16xi32>,
    %get3A_337 = vector.shape_cast %get3A_336 : vector<1x16xi32> to vector<16xi32>
    %shift_right_logical3A_338 = arith.constant 16 : i32
    %shift_right_logical3A_339 = vector.broadcast %shift_right_logical3A_338 : i32 to vector<16xi32>
    %shift_right_logical3A_340 = arith.shrui %get3A_337, %shift_right_logical3A_339 : vector<16xi32>
    %swap3A_341 = arith.constant 32 : index
    %swap3A_342 = tpu.vector_load %arg12[%swap3A_341] {strides = array<i32>} : memref<128xi32, #tpu.memory_space<vmem>>, vector<16xi32>,
    %swap3A_343 = vector.shape_cast %swap3A_342 : vector<16xi32> to vector<16xi32>
    %swap3A_344 = vector.shape_cast %shift_right_logical3A_340 : vector<16xi32> to vector<16xi32>
    tpu.vector_store %arg12[%swap3A_341], %swap3A_344 {strides = array<i32>} : memref<128xi32, #tpu.memory_space<vmem>>, vector<16xi32>,
    %get3A_345 = arith.constant 1 : i32
    %get3A_346 = arith.index_cast %get3A_345 : i32 to index
    %get3A_347 = arith.constant 48 : index
    %get3A_348 = tpu.vector_load %arg8[%get3A_346, %get3A_347] {strides = array<i32>} : memref<80x128xi32, #tpu.memory_space<vmem>>, vector<1x16xi32>,
    %get3A_349 = vector.shape_cast %get3A_348 : vector<1x16xi32> to vector<16xi32>
    %shift_right_logical3A_350 = arith.constant 16 : i32
    %shift_right_logical3A_351 = vector.broadcast %shift_right_logical3A_350 : i32 to vector<16xi32>
    %shift_right_logical3A_352 = arith.shrui %get3A_349, %shift_right_logical3A_351 : vector<16xi32>
    %swap3A_353 = arith.constant 48 : index
    %swap3A_354 = tpu.vector_load %arg12[%swap3A_353] {strides = array<i32>} : memref<128xi32, #tpu.memory_space<vmem>>, vector<16xi32>,
    %swap3A_355 = vector.shape_cast %swap3A_354 : vector<16xi32> to vector<16xi32>
    %swap3A_356 = vector.shape_cast %shift_right_logical3A_352 : vector<16xi32> to vector<16xi32>
    tpu.vector_store %arg12[%swap3A_353], %swap3A_356 {strides = array<i32>} : memref<128xi32, #tpu.memory_space<vmem>>, vector<16xi32>,
    %get3A_357 = arith.constant 1 : i32
    %get3A_358 = arith.index_cast %get3A_357 : i32 to index
    %get3A_359 = arith.constant 64 : index
    %get3A_360 = tpu.vector_load %arg8[%get3A_358, %get3A_359] {strides = array<i32>} : memref<80x128xi32, #tpu.memory_space<vmem>>, vector<1x16xi32>,
    %get3A_361 = vector.shape_cast %get3A_360 : vector<1x16xi32> to vector<16xi32>
    %shift_right_logical3A_362 = arith.constant 16 : i32
    %shift_right_logical3A_363 = vector.broadcast %shift_right_logical3A_362 : i32 to vector<16xi32>
    %shift_right_logical3A_364 = arith.shrui %get3A_361, %shift_right_logical3A_363 : vector<16xi32>
    %swap3A_365 = arith.constant 64 : index
    %swap3A_366 = tpu.vector_load %arg12[%swap3A_365] {strides = array<i32>} : memref<128xi32, #tpu.memory_space<vmem>>, vector<16xi32>,
    %swap3A_367 = vector.shape_cast %swap3A_366 : vector<16xi32> to vector<16xi32>
    %swap3A_368 = vector.shape_cast %shift_right_logical3A_364 : vector<16xi32> to vector<16xi32>
    tpu.vector_store %arg12[%swap3A_365], %swap3A_368 {strides = array<i32>} : memref<128xi32, #tpu.memory_space<vmem>>, vector<16xi32>,
    %get3A_369 = arith.constant 1 : i32
    %get3A_370 = arith.index_cast %get3A_369 : i32 to index
    %get3A_371 = arith.constant 80 : index
    %get3A_372 = tpu.vector_load %arg8[%get3A_370, %get3A_371] {strides = array<i32>} : memref<80x128xi32, #tpu.memory_space<vmem>>, vector<1x16xi32>,
    %get3A_373 = vector.shape_cast %get3A_372 : vector<1x16xi32> to vector<16xi32>
    %shift_right_logical3A_374 = arith.constant 16 : i32
    %shift_right_logical3A_375 = vector.broadcast %shift_right_logical3A_374 : i32 to vector<16xi32>
    %shift_right_logical3A_376 = arith.shrui %get3A_373, %shift_right_logical3A_375 : vector<16xi32>
    %swap3A_377 = arith.constant 80 : index
    %swap3A_378 = tpu.vector_load %arg12[%swap3A_377] {strides = array<i32>} : memref<128xi32, #tpu.memory_space<vmem>>, vector<16xi32>,
    %swap3A_379 = vector.shape_cast %swap3A_378 : vector<16xi32> to vector<16xi32>
    %swap3A_380 = vector.shape_cast %shift_right_logical3A_376 : vector<16xi32> to vector<16xi32>
    tpu.vector_store %arg12[%swap3A_377], %swap3A_380 {strides = array<i32>} : memref<128xi32, #tpu.memory_space<vmem>>, vector<16xi32>,
    %get3A_381 = arith.constant 1 : i32
    %get3A_382 = arith.index_cast %get3A_381 : i32 to index
    %get3A_383 = arith.constant 96 : index
    %get3A_384 = tpu.vector_load %arg8[%get3A_382, %get3A_383] {strides = array<i32>} : memref<80x128xi32, #tpu.memory_space<vmem>>, vector<1x16xi32>,
    %get3A_385 = vector.shape_cast %get3A_384 : vector<1x16xi32> to vector<16xi32>
    %shift_right_logical3A_386 = arith.constant 16 : i32
    %shift_right_logical3A_387 = vector.broadcast %shift_right_logical3A_386 : i32 to vector<16xi32>
    %shift_right_logical3A_388 = arith.shrui %get3A_385, %shift_right_logical3A_387 : vector<16xi32>
    %swap3A_389 = arith.constant 96 : index
    %swap3A_390 = tpu.vector_load %arg12[%swap3A_389] {strides = array<i32>} : memref<128xi32, #tpu.memory_space<vmem>>, vector<16xi32>,
    %swap3A_391 = vector.shape_cast %swap3A_390 : vector<16xi32> to vector<16xi32>
    %swap3A_392 = vector.shape_cast %shift_right_logical3A_388 : vector<16xi32> to vector<16xi32>
    tpu.vector_store %arg12[%swap3A_389], %swap3A_392 {strides = array<i32>} : memref<128xi32, #tpu.memory_space<vmem>>, vector<16xi32>,
    %get3A_393 = arith.constant 1 : i32
    %get3A_394 = arith.index_cast %get3A_393 : i32 to index
    %get3A_395 = arith.constant 112 : index
    %get3A_396 = tpu.vector_load %arg8[%get3A_394, %get3A_395] {strides = array<i32>} : memref<80x128xi32, #tpu.memory_space<vmem>>, vector<1x16xi32>,
    %get3A_397 = vector.shape_cast %get3A_396 : vector<1x16xi32> to vector<16xi32>
    %shift_right_logical3A_398 = arith.constant 16 : i32
    %shift_right_logical3A_399 = vector.broadcast %shift_right_logical3A_398 : i32 to vector<16xi32>
    %shift_right_logical3A_400 = arith.shrui %get3A_397, %shift_right_logical3A_399 : vector<16xi32>
    %swap3A_401 = arith.constant 112 : index
    %swap3A_402 = tpu.vector_load %arg12[%swap3A_401] {strides = array<i32>} : memref<128xi32, #tpu.memory_space<vmem>>, vector<16xi32>,
    %swap3A_403 = vector.shape_cast %swap3A_402 : vector<16xi32> to vector<16xi32>
    %swap3A_404 = vector.shape_cast %shift_right_logical3A_400 : vector<16xi32> to vector<16xi32>
    tpu.vector_store %arg12[%swap3A_401], %swap3A_404 {strides = array<i32>} : memref<128xi32, #tpu.memory_space<vmem>>, vector<16xi32>,
    %dma_start3A_405 = arith.constant 0 : i32
    %dma_start3A_406 = arith.constant 0 : i32
    %dma_start3A_407 = tpu.memref_slice %arg2[%dma_start3A_405, %dma_start3A_406] : memref<10240x128xf32, #tpu.memory_space<hbm>> -> memref<10240x128xf32, #tpu.memory_space<hbm>>
    tpu.enqueue_indirect_dma source(%dma_start3A_407 : memref<10240x128xf32, #tpu.memory_space<hbm>>) target(%arg7 : memref<128x128xf32, #tpu.memory_space<vmem>>) offsets(%arg10 : memref<128xi32, #tpu.memory_space<vmem>>) semaphore(%arg18 : memref<!tpu.dma_semaphore, #tpu.memory_space<semaphore_mem>>)
    %scan3A_408 = arith.constant 0 : i32
    %scan3A_409 = arith.constant 0 : i32
    %scan3A_410 = arith.constant 39 : i32
    %scan3A_411 = arith.addi %scan3A_409, %scan3A_410 : i32
    %scan3A_412 = arith.constant 1 : i32
    scf.for %scan3A_451 = %scan3A_409 to %scan3A_411 step %scan3A_412  : i32 {
      %mul3A_452 = arith.constant 2 : i32
      %mul3A_453 = arith.muli %scan3A_451, %mul3A_452 : i32
      %add3A_454 = arith.constant 0 : i32
      %add3A_455 = arith.addi %mul3A_453, %add3A_454 : i32
      %dma_wait3A_456 = arith.constant 0 : i32
      %dma_wait3A_457 = arith.constant 0 : i32
      %dma_wait3A_458 = tpu.memref_slice %arg2[%dma_wait3A_456, %dma_wait3A_457] : memref<10240x128xf32, #tpu.memory_space<hbm>> -> memref<10240x128xf32, #tpu.memory_space<hbm>>
      tpu.wait_indirect_dma semaphore(%arg17 : memref<!tpu.dma_semaphore, #tpu.memory_space<semaphore_mem>>) src(%dma_wait3A_458 : memref<10240x128xf32, #tpu.memory_space<hbm>>) dst(%arg6 : memref<128x128xf32, #tpu.memory_space<vmem>>)
      %dma_start3A_459 = arith.constant 0 : i32
      %dma_start3A_460 = arith.constant 0 : i32
      %dma_start3A_461 = tpu.memref_slice %arg5[%dma_start3A_459, %dma_start3A_460] : memref<10240x128xf32, #tpu.memory_space<vmem_shared>> -> memref<10240x128xf32, #tpu.memory_space<vmem_shared>>
      tpu.enqueue_indirect_dma source(%arg6 : memref<128x128xf32, #tpu.memory_space<vmem>>) target(%dma_start3A_461 : memref<10240x128xf32, #tpu.memory_space<vmem_shared>>) offsets(%arg11 : memref<128xi32, #tpu.memory_space<vmem>>) semaphore(%arg19 : memref<!tpu.dma_semaphore, #tpu.memory_space<semaphore_mem>>) {add = true}
      %add3A_462 = arith.constant 2 : i32
      %add3A_463 = arith.addi %add3A_455, %add3A_462 : i32
      %lt3A = arith.constant 78 : i32
      %lt3A_464 = arith.cmpi slt, %add3A_463, %lt3A : i32
      %convert_element_type3A = arith.extui %lt3A_464 : i1 to i32
      %cond3A = arith.constant 0 : i32
      %cond3A_465 = arith.cmpi ne, %convert_element_type3A, %cond3A : i32
      scf.if %cond3A_465 {
        %dma_wait3A_483 = arith.constant 0 : i32
        %dma_wait3A_484 = arith.constant 0 : i32
        %dma_wait3A_485 = tpu.memref_slice %arg5[%dma_wait3A_483, %dma_wait3A_484] : memref<10240x128xf32, #tpu.memory_space<vmem_shared>> -> memref<10240x128xf32, #tpu.memory_space<vmem_shared>>
        tpu.wait_indirect_dma semaphore(%arg19 : memref<!tpu.dma_semaphore, #tpu.memory_space<semaphore_mem>>) src(%arg6 : memref<128x128xf32, #tpu.memory_space<vmem>>) dst(%dma_wait3A_485 : memref<10240x128xf32, #tpu.memory_space<vmem_shared>>)
        %get3A_486 = arith.index_cast %add3A_463 : i32 to index
        %get3A_487 = arith.constant 0 : index
        %get3A_488 = tpu.vector_load %arg8[%get3A_486, %get3A_487] {strides = array<i32>} : memref<80x128xi32, #tpu.memory_space<vmem>>, vector<1x16xi32>,
        %get3A_489 = vector.shape_cast %get3A_488 : vector<1x16xi32> to vector<16xi32>
        %and3A_490 = arith.constant 65535 : i32
        %and3A_491 = vector.broadcast %and3A_490 : i32 to vector<16xi32>
        %and3A_492 = arith.andi %get3A_489, %and3A_491 : vector<16xi32>
        %swap3A_493 = arith.constant 0 : index
        %swap3A_494 = tpu.vector_load %arg9[%swap3A_493] {strides = array<i32>} : memref<128xi32, #tpu.memory_space<vmem>>, vector<16xi32>,
        %swap3A_495 = vector.shape_cast %swap3A_494 : vector<16xi32> to vector<16xi32>
        %swap3A_496 = vector.shape_cast %and3A_492 : vector<16xi32> to vector<16xi32>
        tpu.vector_store %arg9[%swap3A_493], %swap3A_496 {strides = array<i32>} : memref<128xi32, #tpu.memory_space<vmem>>, vector<16xi32>,
        %get3A_497 = arith.index_cast %add3A_463 : i32 to index
        %get3A_498 = arith.constant 16 : index
        %get3A_499 = tpu.vector_load %arg8[%get3A_497, %get3A_498] {strides = array<i32>} : memref<80x128xi32, #tpu.memory_space<vmem>>, vector<1x16xi32>,
        %get3A_500 = vector.shape_cast %get3A_499 : vector<1x16xi32> to vector<16xi32>
        %and3A_501 = arith.constant 65535 : i32
        %and3A_502 = vector.broadcast %and3A_501 : i32 to vector<16xi32>
        %and3A_503 = arith.andi %get3A_500, %and3A_502 : vector<16xi32>
        %swap3A_504 = arith.constant 16 : index
        %swap3A_505 = tpu.vector_load %arg9[%swap3A_504] {strides = array<i32>} : memref<128xi32, #tpu.memory_space<vmem>>, vector<16xi32>,
        %swap3A_506 = vector.shape_cast %swap3A_505 : vector<16xi32> to vector<16xi32>
        %swap3A_507 = vector.shape_cast %and3A_503 : vector<16xi32> to vector<16xi32>
        tpu.vector_store %arg9[%swap3A_504], %swap3A_507 {strides = array<i32>} : memref<128xi32, #tpu.memory_space<vmem>>, vector<16xi32>,
        %get3A_508 = arith.index_cast %add3A_463 : i32 to index
        %get3A_509 = arith.constant 32 : index
        %get3A_510 = tpu.vector_load %arg8[%get3A_508, %get3A_509] {strides = array<i32>} : memref<80x128xi32, #tpu.memory_space<vmem>>, vector<1x16xi32>,
        %get3A_511 = vector.shape_cast %get3A_510 : vector<1x16xi32> to vector<16xi32>
        %and3A_512 = arith.constant 65535 : i32
        %and3A_513 = vector.broadcast %and3A_512 : i32 to vector<16xi32>
        %and3A_514 = arith.andi %get3A_511, %and3A_513 : vector<16xi32>
        %swap3A_515 = arith.constant 32 : index
        %swap3A_516 = tpu.vector_load %arg9[%swap3A_515] {strides = array<i32>} : memref<128xi32, #tpu.memory_space<vmem>>, vector<16xi32>,
        %swap3A_517 = vector.shape_cast %swap3A_516 : vector<16xi32> to vector<16xi32>
        %swap3A_518 = vector.shape_cast %and3A_514 : vector<16xi32> to vector<16xi32>
        tpu.vector_store %arg9[%swap3A_515], %swap3A_518 {strides = array<i32>} : memref<128xi32, #tpu.memory_space<vmem>>, vector<16xi32>,
        %get3A_519 = arith.index_cast %add3A_463 : i32 to index
        %get3A_520 = arith.constant 48 : index
        %get3A_521 = tpu.vector_load %arg8[%get3A_519, %get3A_520] {strides = array<i32>} : memref<80x128xi32, #tpu.memory_space<vmem>>, vector<1x16xi32>,
        %get3A_522 = vector.shape_cast %get3A_521 : vector<1x16xi32> to vector<16xi32>
        %and3A_523 = arith.constant 65535 : i32
        %and3A_524 = vector.broadcast %and3A_523 : i32 to vector<16xi32>
        %and3A_525 = arith.andi %get3A_522, %and3A_524 : vector<16xi32>
        %swap3A_526 = arith.constant 48 : index
        %swap3A_527 = tpu.vector_load %arg9[%swap3A_526] {strides = array<i32>} : memref<128xi32, #tpu.memory_space<vmem>>, vector<16xi32>,
        %swap3A_528 = vector.shape_cast %swap3A_527 : vector<16xi32> to vector<16xi32>
        %swap3A_529 = vector.shape_cast %and3A_525 : vector<16xi32> to vector<16xi32>
        tpu.vector_store %arg9[%swap3A_526], %swap3A_529 {strides = array<i32>} : memref<128xi32, #tpu.memory_space<vmem>>, vector<16xi32>,
        %get3A_530 = arith.index_cast %add3A_463 : i32 to index
        %get3A_531 = arith.constant 64 : index
        %get3A_532 = tpu.vector_load %arg8[%get3A_530, %get3A_531] {strides = array<i32>} : memref<80x128xi32, #tpu.memory_space<vmem>>, vector<1x16xi32>,
        %get3A_533 = vector.shape_cast %get3A_532 : vector<1x16xi32> to vector<16xi32>
        %and3A_534 = arith.constant 65535 : i32
        %and3A_535 = vector.broadcast %and3A_534 : i32 to vector<16xi32>
        %and3A_536 = arith.andi %get3A_533, %and3A_535 : vector<16xi32>
        %swap3A_537 = arith.constant 64 : index
        %swap3A_538 = tpu.vector_load %arg9[%swap3A_537] {strides = array<i32>} : memref<128xi32, #tpu.memory_space<vmem>>, vector<16xi32>,
        %swap3A_539 = vector.shape_cast %swap3A_538 : vector<16xi32> to vector<16xi32>
        %swap3A_540 = vector.shape_cast %and3A_536 : vector<16xi32> to vector<16xi32>
        tpu.vector_store %arg9[%swap3A_537], %swap3A_540 {strides = array<i32>} : memref<128xi32, #tpu.memory_space<vmem>>, vector<16xi32>,
        %get3A_541 = arith.index_cast %add3A_463 : i32 to index
        %get3A_542 = arith.constant 80 : index
        %get3A_543 = tpu.vector_load %arg8[%get3A_541, %get3A_542] {strides = array<i32>} : memref<80x128xi32, #tpu.memory_space<vmem>>, vector<1x16xi32>,
        %get3A_544 = vector.shape_cast %get3A_543 : vector<1x16xi32> to vector<16xi32>
        %and3A_545 = arith.constant 65535 : i32
        %and3A_546 = vector.broadcast %and3A_545 : i32 to vector<16xi32>
        %and3A_547 = arith.andi %get3A_544, %and3A_546 : vector<16xi32>
        %swap3A_548 = arith.constant 80 : index
        %swap3A_549 = tpu.vector_load %arg9[%swap3A_548] {strides = array<i32>} : memref<128xi32, #tpu.memory_space<vmem>>, vector<16xi32>,
        %swap3A_550 = vector.shape_cast %swap3A_549 : vector<16xi32> to vector<16xi32>
        %swap3A_551 = vector.shape_cast %and3A_547 : vector<16xi32> to vector<16xi32>
        tpu.vector_store %arg9[%swap3A_548], %swap3A_551 {strides = array<i32>} : memref<128xi32, #tpu.memory_space<vmem>>, vector<16xi32>,
        %get3A_552 = arith.index_cast %add3A_463 : i32 to index
        %get3A_553 = arith.constant 96 : index
        %get3A_554 = tpu.vector_load %arg8[%get3A_552, %get3A_553] {strides = array<i32>} : memref<80x128xi32, #tpu.memory_space<vmem>>, vector<1x16xi32>,
        %get3A_555 = vector.shape_cast %get3A_554 : vector<1x16xi32> to vector<16xi32>
        %and3A_556 = arith.constant 65535 : i32
        %and3A_557 = vector.broadcast %and3A_556 : i32 to vector<16xi32>
        %and3A_558 = arith.andi %get3A_555, %and3A_557 : vector<16xi32>
        %swap3A_559 = arith.constant 96 : index
        %swap3A_560 = tpu.vector_load %arg9[%swap3A_559] {strides = array<i32>} : memref<128xi32, #tpu.memory_space<vmem>>, vector<16xi32>,
        %swap3A_561 = vector.shape_cast %swap3A_560 : vector<16xi32> to vector<16xi32>
        %swap3A_562 = vector.shape_cast %and3A_558 : vector<16xi32> to vector<16xi32>
        tpu.vector_store %arg9[%swap3A_559], %swap3A_562 {strides = array<i32>} : memref<128xi32, #tpu.memory_space<vmem>>, vector<16xi32>,
        %get3A_563 = arith.index_cast %add3A_463 : i32 to index
        %get3A_564 = arith.constant 112 : index
        %get3A_565 = tpu.vector_load %arg8[%get3A_563, %get3A_564] {strides = array<i32>} : memref<80x128xi32, #tpu.memory_space<vmem>>, vector<1x16xi32>,
        %get3A_566 = vector.shape_cast %get3A_565 : vector<1x16xi32> to vector<16xi32>
        %and3A_567 = arith.constant 65535 : i32
        %and3A_568 = vector.broadcast %and3A_567 : i32 to vector<16xi32>
        %and3A_569 = arith.andi %get3A_566, %and3A_568 : vector<16xi32>
        %swap3A_570 = arith.constant 112 : index
        %swap3A_571 = tpu.vector_load %arg9[%swap3A_570] {strides = array<i32>} : memref<128xi32, #tpu.memory_space<vmem>>, vector<16xi32>,
        %swap3A_572 = vector.shape_cast %swap3A_571 : vector<16xi32> to vector<16xi32>
        %swap3A_573 = vector.shape_cast %and3A_569 : vector<16xi32> to vector<16xi32>
        tpu.vector_store %arg9[%swap3A_570], %swap3A_573 {strides = array<i32>} : memref<128xi32, #tpu.memory_space<vmem>>, vector<16xi32>,
        %get3A_574 = arith.index_cast %add3A_463 : i32 to index
        %get3A_575 = arith.constant 0 : index
        %get3A_576 = tpu.vector_load %arg8[%get3A_574, %get3A_575] {strides = array<i32>} : memref<80x128xi32, #tpu.memory_space<vmem>>, vector<1x16xi32>,
        %get3A_577 = vector.shape_cast %get3A_576 : vector<1x16xi32> to vector<16xi32>
        %shift_right_logical3A_578 = arith.constant 16 : i32
        %shift_right_logical3A_579 = vector.broadcast %shift_right_logical3A_578 : i32 to vector<16xi32>
        %shift_right_logical3A_580 = arith.shrui %get3A_577, %shift_right_logical3A_579 : vector<16xi32>
        %swap3A_581 = arith.constant 0 : index
        %swap3A_582 = tpu.vector_load %arg11[%swap3A_581] {strides = array<i32>} : memref<128xi32, #tpu.memory_space<vmem>>, vector<16xi32>,
        %swap3A_583 = vector.shape_cast %swap3A_582 : vector<16xi32> to vector<16xi32>
        %swap3A_584 = vector.shape_cast %shift_right_logical3A_580 : vector<16xi32> to vector<16xi32>
        tpu.vector_store %arg11[%swap3A_581], %swap3A_584 {strides = array<i32>} : memref<128xi32, #tpu.memory_space<vmem>>, vector<16xi32>,
        %get3A_585 = arith.index_cast %add3A_463 : i32 to index
        %get3A_586 = arith.constant 16 : index
        %get3A_587 = tpu.vector_load %arg8[%get3A_585, %get3A_586] {strides = array<i32>} : memref<80x128xi32, #tpu.memory_space<vmem>>, vector<1x16xi32>,
        %get3A_588 = vector.shape_cast %get3A_587 : vector<1x16xi32> to vector<16xi32>
        %shift_right_logical3A_589 = arith.constant 16 : i32
        %shift_right_logical3A_590 = vector.broadcast %shift_right_logical3A_589 : i32 to vector<16xi32>
        %shift_right_logical3A_591 = arith.shrui %get3A_588, %shift_right_logical3A_590 : vector<16xi32>
        %swap3A_592 = arith.constant 16 : index
        %swap3A_593 = tpu.vector_load %arg11[%swap3A_592] {strides = array<i32>} : memref<128xi32, #tpu.memory_space<vmem>>, vector<16xi32>,
        %swap3A_594 = vector.shape_cast %swap3A_593 : vector<16xi32> to vector<16xi32>
        %swap3A_595 = vector.shape_cast %shift_right_logical3A_591 : vector<16xi32> to vector<16xi32>
        tpu.vector_store %arg11[%swap3A_592], %swap3A_595 {strides = array<i32>} : memref<128xi32, #tpu.memory_space<vmem>>, vector<16xi32>,
        %get3A_596 = arith.index_cast %add3A_463 : i32 to index
        %get3A_597 = arith.constant 32 : index
        %get3A_598 = tpu.vector_load %arg8[%get3A_596, %get3A_597] {strides = array<i32>} : memref<80x128xi32, #tpu.memory_space<vmem>>, vector<1x16xi32>,
        %get3A_599 = vector.shape_cast %get3A_598 : vector<1x16xi32> to vector<16xi32>
        %shift_right_logical3A_600 = arith.constant 16 : i32
        %shift_right_logical3A_601 = vector.broadcast %shift_right_logical3A_600 : i32 to vector<16xi32>
        %shift_right_logical3A_602 = arith.shrui %get3A_599, %shift_right_logical3A_601 : vector<16xi32>
        %swap3A_603 = arith.constant 32 : index
        %swap3A_604 = tpu.vector_load %arg11[%swap3A_603] {strides = array<i32>} : memref<128xi32, #tpu.memory_space<vmem>>, vector<16xi32>,
        %swap3A_605 = vector.shape_cast %swap3A_604 : vector<16xi32> to vector<16xi32>
        %swap3A_606 = vector.shape_cast %shift_right_logical3A_602 : vector<16xi32> to vector<16xi32>
        tpu.vector_store %arg11[%swap3A_603], %swap3A_606 {strides = array<i32>} : memref<128xi32, #tpu.memory_space<vmem>>, vector<16xi32>,
        %get3A_607 = arith.index_cast %add3A_463 : i32 to index
        %get3A_608 = arith.constant 48 : index
        %get3A_609 = tpu.vector_load %arg8[%get3A_607, %get3A_608] {strides = array<i32>} : memref<80x128xi32, #tpu.memory_space<vmem>>, vector<1x16xi32>,
        %get3A_610 = vector.shape_cast %get3A_609 : vector<1x16xi32> to vector<16xi32>
        %shift_right_logical3A_611 = arith.constant 16 : i32
        %shift_right_logical3A_612 = vector.broadcast %shift_right_logical3A_611 : i32 to vector<16xi32>
        %shift_right_logical3A_613 = arith.shrui %get3A_610, %shift_right_logical3A_612 : vector<16xi32>
        %swap3A_614 = arith.constant 48 : index
        %swap3A_615 = tpu.vector_load %arg11[%swap3A_614] {strides = array<i32>} : memref<128xi32, #tpu.memory_space<vmem>>, vector<16xi32>,
        %swap3A_616 = vector.shape_cast %swap3A_615 : vector<16xi32> to vector<16xi32>
        %swap3A_617 = vector.shape_cast %shift_right_logical3A_613 : vector<16xi32> to vector<16xi32>
        tpu.vector_store %arg11[%swap3A_614], %swap3A_617 {strides = array<i32>} : memref<128xi32, #tpu.memory_space<vmem>>, vector<16xi32>,
        %get3A_618 = arith.index_cast %add3A_463 : i32 to index
        %get3A_619 = arith.constant 64 : index
        %get3A_620 = tpu.vector_load %arg8[%get3A_618, %get3A_619] {strides = array<i32>} : memref<80x128xi32, #tpu.memory_space<vmem>>, vector<1x16xi32>,
        %get3A_621 = vector.shape_cast %get3A_620 : vector<1x16xi32> to vector<16xi32>
        %shift_right_logical3A_622 = arith.constant 16 : i32
        %shift_right_logical3A_623 = vector.broadcast %shift_right_logical3A_622 : i32 to vector<16xi32>
        %shift_right_logical3A_624 = arith.shrui %get3A_621, %shift_right_logical3A_623 : vector<16xi32>
        %swap3A_625 = arith.constant 64 : index
        %swap3A_626 = tpu.vector_load %arg11[%swap3A_625] {strides = array<i32>} : memref<128xi32, #tpu.memory_space<vmem>>, vector<16xi32>,
        %swap3A_627 = vector.shape_cast %swap3A_626 : vector<16xi32> to vector<16xi32>
        %swap3A_628 = vector.shape_cast %shift_right_logical3A_624 : vector<16xi32> to vector<16xi32>
        tpu.vector_store %arg11[%swap3A_625], %swap3A_628 {strides = array<i32>} : memref<128xi32, #tpu.memory_space<vmem>>, vector<16xi32>,
        %get3A_629 = arith.index_cast %add3A_463 : i32 to index
        %get3A_630 = arith.constant 80 : index
        %get3A_631 = tpu.vector_load %arg8[%get3A_629, %get3A_630] {strides = array<i32>} : memref<80x128xi32, #tpu.memory_space<vmem>>, vector<1x16xi32>,
        %get3A_632 = vector.shape_cast %get3A_631 : vector<1x16xi32> to vector<16xi32>
        %shift_right_logical3A_633 = arith.constant 16 : i32
        %shift_right_logical3A_634 = vector.broadcast %shift_right_logical3A_633 : i32 to vector<16xi32>
        %shift_right_logical3A_635 = arith.shrui %get3A_632, %shift_right_logical3A_634 : vector<16xi32>
        %swap3A_636 = arith.constant 80 : index
        %swap3A_637 = tpu.vector_load %arg11[%swap3A_636] {strides = array<i32>} : memref<128xi32, #tpu.memory_space<vmem>>, vector<16xi32>,
        %swap3A_638 = vector.shape_cast %swap3A_637 : vector<16xi32> to vector<16xi32>
        %swap3A_639 = vector.shape_cast %shift_right_logical3A_635 : vector<16xi32> to vector<16xi32>
        tpu.vector_store %arg11[%swap3A_636], %swap3A_639 {strides = array<i32>} : memref<128xi32, #tpu.memory_space<vmem>>, vector<16xi32>,
        %get3A_640 = arith.index_cast %add3A_463 : i32 to index
        %get3A_641 = arith.constant 96 : index
        %get3A_642 = tpu.vector_load %arg8[%get3A_640, %get3A_641] {strides = array<i32>} : memref<80x128xi32, #tpu.memory_space<vmem>>, vector<1x16xi32>,
        %get3A_643 = vector.shape_cast %get3A_642 : vector<1x16xi32> to vector<16xi32>
        %shift_right_logical3A_644 = arith.constant 16 : i32
        %shift_right_logical3A_645 = vector.broadcast %shift_right_logical3A_644 : i32 to vector<16xi32>
        %shift_right_logical3A_646 = arith.shrui %get3A_643, %shift_right_logical3A_645 : vector<16xi32>
        %swap3A_647 = arith.constant 96 : index
        %swap3A_648 = tpu.vector_load %arg11[%swap3A_647] {strides = array<i32>} : memref<128xi32, #tpu.memory_space<vmem>>, vector<16xi32>,
        %swap3A_649 = vector.shape_cast %swap3A_648 : vector<16xi32> to vector<16xi32>
        %swap3A_650 = vector.shape_cast %shift_right_logical3A_646 : vector<16xi32> to vector<16xi32>
        tpu.vector_store %arg11[%swap3A_647], %swap3A_650 {strides = array<i32>} : memref<128xi32, #tpu.memory_space<vmem>>, vector<16xi32>,
        %get3A_651 = arith.index_cast %add3A_463 : i32 to index
        %get3A_652 = arith.constant 112 : index
        %get3A_653 = tpu.vector_load %arg8[%get3A_651, %get3A_652] {strides = array<i32>} : memref<80x128xi32, #tpu.memory_space<vmem>>, vector<1x16xi32>,
        %get3A_654 = vector.shape_cast %get3A_653 : vector<1x16xi32> to vector<16xi32>
        %shift_right_logical3A_655 = arith.constant 16 : i32
        %shift_right_logical3A_656 = vector.broadcast %shift_right_logical3A_655 : i32 to vector<16xi32>
        %shift_right_logical3A_657 = arith.shrui %get3A_654, %shift_right_logical3A_656 : vector<16xi32>
        %swap3A_658 = arith.constant 112 : index
        %swap3A_659 = tpu.vector_load %arg11[%swap3A_658] {strides = array<i32>} : memref<128xi32, #tpu.memory_space<vmem>>, vector<16xi32>,
        %swap3A_660 = vector.shape_cast %swap3A_659 : vector<16xi32> to vector<16xi32>
        %swap3A_661 = vector.shape_cast %shift_right_logical3A_657 : vector<16xi32> to vector<16xi32>
        tpu.vector_store %arg11[%swap3A_658], %swap3A_661 {strides = array<i32>} : memref<128xi32, #tpu.memory_space<vmem>>, vector<16xi32>,
        %dma_start3A_662 = arith.constant 0 : i32
        %dma_start3A_663 = arith.constant 0 : i32
        %dma_start3A_664 = tpu.memref_slice %arg2[%dma_start3A_662, %dma_start3A_663] : memref<10240x128xf32, #tpu.memory_space<hbm>> -> memref<10240x128xf32, #tpu.memory_space<hbm>>
        tpu.enqueue_indirect_dma source(%dma_start3A_664 : memref<10240x128xf32, #tpu.memory_space<hbm>>) target(%arg6 : memref<128x128xf32, #tpu.memory_space<vmem>>) offsets(%arg9 : memref<128xi32, #tpu.memory_space<vmem>>) semaphore(%arg17 : memref<!tpu.dma_semaphore, #tpu.memory_space<semaphore_mem>>)
      } else {
      }
      %mul3A_466 = arith.constant 2 : i32
      %mul3A_467 = arith.muli %scan3A_451, %mul3A_466 : i32
      %add3A_468 = arith.constant 1 : i32
      %add3A_469 = arith.addi %mul3A_467, %add3A_468 : i32
      %dma_wait3A_470 = arith.constant 0 : i32
      %dma_wait3A_471 = arith.constant 0 : i32
      %dma_wait3A_472 = tpu.memref_slice %arg2[%dma_wait3A_470, %dma_wait3A_471] : memref<10240x128xf32, #tpu.memory_space<hbm>> -> memref<10240x128xf32, #tpu.memory_space<hbm>>
      tpu.wait_indirect_dma semaphore(%arg18 : memref<!tpu.dma_semaphore, #tpu.memory_space<semaphore_mem>>) src(%dma_wait3A_472 : memref<10240x128xf32, #tpu.memory_space<hbm>>) dst(%arg7 : memref<128x128xf32, #tpu.memory_space<vmem>>)
      %dma_start3A_473 = arith.constant 0 : i32
      %dma_start3A_474 = arith.constant 0 : i32
      %dma_start3A_475 = tpu.memref_slice %arg5[%dma_start3A_473, %dma_start3A_474] : memref<10240x128xf32, #tpu.memory_space<vmem_shared>> -> memref<10240x128xf32, #tpu.memory_space<vmem_shared>>
      tpu.enqueue_indirect_dma source(%arg7 : memref<128x128xf32, #tpu.memory_space<vmem>>) target(%dma_start3A_475 : memref<10240x128xf32, #tpu.memory_space<vmem_shared>>) offsets(%arg12 : memref<128xi32, #tpu.memory_space<vmem>>) semaphore(%arg20 : memref<!tpu.dma_semaphore, #tpu.memory_space<semaphore_mem>>) {add = true}
      %add3A_476 = arith.constant 2 : i32
      %add3A_477 = arith.addi %add3A_469, %add3A_476 : i32
      %lt3A_478 = arith.constant 78 : i32
      %lt3A_479 = arith.cmpi slt, %add3A_477, %lt3A_478 : i32
      %convert_element_type3A_480 = arith.extui %lt3A_479 : i1 to i32
      %cond3A_481 = arith.constant 0 : i32
      %cond3A_482 = arith.cmpi ne, %convert_element_type3A_480, %cond3A_481 : i32
      scf.if %cond3A_482 {
        %dma_wait3A_483 = arith.constant 0 : i32
        %dma_wait3A_484 = arith.constant 0 : i32
        %dma_wait3A_485 = tpu.memref_slice %arg5[%dma_wait3A_483, %dma_wait3A_484] : memref<10240x128xf32, #tpu.memory_space<vmem_shared>> -> memref<10240x128xf32, #tpu.memory_space<vmem_shared>>
        tpu.wait_indirect_dma semaphore(%arg20 : memref<!tpu.dma_semaphore, #tpu.memory_space<semaphore_mem>>) src(%arg7 : memref<128x128xf32, #tpu.memory_space<vmem>>) dst(%dma_wait3A_485 : memref<10240x128xf32, #tpu.memory_space<vmem_shared>>)
        %get3A_486 = arith.index_cast %add3A_477 : i32 to index
        %get3A_487 = arith.constant 0 : index
        %get3A_488 = tpu.vector_load %arg8[%get3A_486, %get3A_487] {strides = array<i32>} : memref<80x128xi32, #tpu.memory_space<vmem>>, vector<1x16xi32>,
        %get3A_489 = vector.shape_cast %get3A_488 : vector<1x16xi32> to vector<16xi32>
        %and3A_490 = arith.constant 65535 : i32
        %and3A_491 = vector.broadcast %and3A_490 : i32 to vector<16xi32>
        %and3A_492 = arith.andi %get3A_489, %and3A_491 : vector<16xi32>
        %swap3A_493 = arith.constant 0 : index
        %swap3A_494 = tpu.vector_load %arg10[%swap3A_493] {strides = array<i32>} : memref<128xi32, #tpu.memory_space<vmem>>, vector<16xi32>,
        %swap3A_495 = vector.shape_cast %swap3A_494 : vector<16xi32> to vector<16xi32>
        %swap3A_496 = vector.shape_cast %and3A_492 : vector<16xi32> to vector<16xi32>
        tpu.vector_store %arg10[%swap3A_493], %swap3A_496 {strides = array<i32>} : memref<128xi32, #tpu.memory_space<vmem>>, vector<16xi32>,
        %get3A_497 = arith.index_cast %add3A_477 : i32 to index
        %get3A_498 = arith.constant 16 : index
        %get3A_499 = tpu.vector_load %arg8[%get3A_497, %get3A_498] {strides = array<i32>} : memref<80x128xi32, #tpu.memory_space<vmem>>, vector<1x16xi32>,
        %get3A_500 = vector.shape_cast %get3A_499 : vector<1x16xi32> to vector<16xi32>
        %and3A_501 = arith.constant 65535 : i32
        %and3A_502 = vector.broadcast %and3A_501 : i32 to vector<16xi32>
        %and3A_503 = arith.andi %get3A_500, %and3A_502 : vector<16xi32>
        %swap3A_504 = arith.constant 16 : index
        %swap3A_505 = tpu.vector_load %arg10[%swap3A_504] {strides = array<i32>} : memref<128xi32, #tpu.memory_space<vmem>>, vector<16xi32>,
        %swap3A_506 = vector.shape_cast %swap3A_505 : vector<16xi32> to vector<16xi32>
        %swap3A_507 = vector.shape_cast %and3A_503 : vector<16xi32> to vector<16xi32>
        tpu.vector_store %arg10[%swap3A_504], %swap3A_507 {strides = array<i32>} : memref<128xi32, #tpu.memory_space<vmem>>, vector<16xi32>,
        %get3A_508 = arith.index_cast %add3A_477 : i32 to index
        %get3A_509 = arith.constant 32 : index
        %get3A_510 = tpu.vector_load %arg8[%get3A_508, %get3A_509] {strides = array<i32>} : memref<80x128xi32, #tpu.memory_space<vmem>>, vector<1x16xi32>,
        %get3A_511 = vector.shape_cast %get3A_510 : vector<1x16xi32> to vector<16xi32>
        %and3A_512 = arith.constant 65535 : i32
        %and3A_513 = vector.broadcast %and3A_512 : i32 to vector<16xi32>
        %and3A_514 = arith.andi %get3A_511, %and3A_513 : vector<16xi32>
        %swap3A_515 = arith.constant 32 : index
        %swap3A_516 = tpu.vector_load %arg10[%swap3A_515] {strides = array<i32>} : memref<128xi32, #tpu.memory_space<vmem>>, vector<16xi32>,
        %swap3A_517 = vector.shape_cast %swap3A_516 : vector<16xi32> to vector<16xi32>
        %swap3A_518 = vector.shape_cast %and3A_514 : vector<16xi32> to vector<16xi32>
        tpu.vector_store %arg10[%swap3A_515], %swap3A_518 {strides = array<i32>} : memref<128xi32, #tpu.memory_space<vmem>>, vector<16xi32>,
        %get3A_519 = arith.index_cast %add3A_477 : i32 to index
        %get3A_520 = arith.constant 48 : index
        %get3A_521 = tpu.vector_load %arg8[%get3A_519, %get3A_520] {strides = array<i32>} : memref<80x128xi32, #tpu.memory_space<vmem>>, vector<1x16xi32>,
        %get3A_522 = vector.shape_cast %get3A_521 : vector<1x16xi32> to vector<16xi32>
        %and3A_523 = arith.constant 65535 : i32
        %and3A_524 = vector.broadcast %and3A_523 : i32 to vector<16xi32>
        %and3A_525 = arith.andi %get3A_522, %and3A_524 : vector<16xi32>
        %swap3A_526 = arith.constant 48 : index
        %swap3A_527 = tpu.vector_load %arg10[%swap3A_526] {strides = array<i32>} : memref<128xi32, #tpu.memory_space<vmem>>, vector<16xi32>,
        %swap3A_528 = vector.shape_cast %swap3A_527 : vector<16xi32> to vector<16xi32>
        %swap3A_529 = vector.shape_cast %and3A_525 : vector<16xi32> to vector<16xi32>
        tpu.vector_store %arg10[%swap3A_526], %swap3A_529 {strides = array<i32>} : memref<128xi32, #tpu.memory_space<vmem>>, vector<16xi32>,
        %get3A_530 = arith.index_cast %add3A_477 : i32 to index
        %get3A_531 = arith.constant 64 : index
        %get3A_532 = tpu.vector_load %arg8[%get3A_530, %get3A_531] {strides = array<i32>} : memref<80x128xi32, #tpu.memory_space<vmem>>, vector<1x16xi32>,
        %get3A_533 = vector.shape_cast %get3A_532 : vector<1x16xi32> to vector<16xi32>
        %and3A_534 = arith.constant 65535 : i32
        %and3A_535 = vector.broadcast %and3A_534 : i32 to vector<16xi32>
        %and3A_536 = arith.andi %get3A_533, %and3A_535 : vector<16xi32>
        %swap3A_537 = arith.constant 64 : index
        %swap3A_538 = tpu.vector_load %arg10[%swap3A_537] {strides = array<i32>} : memref<128xi32, #tpu.memory_space<vmem>>, vector<16xi32>,
        %swap3A_539 = vector.shape_cast %swap3A_538 : vector<16xi32> to vector<16xi32>
        %swap3A_540 = vector.shape_cast %and3A_536 : vector<16xi32> to vector<16xi32>
        tpu.vector_store %arg10[%swap3A_537], %swap3A_540 {strides = array<i32>} : memref<128xi32, #tpu.memory_space<vmem>>, vector<16xi32>,
        %get3A_541 = arith.index_cast %add3A_477 : i32 to index
        %get3A_542 = arith.constant 80 : index
        %get3A_543 = tpu.vector_load %arg8[%get3A_541, %get3A_542] {strides = array<i32>} : memref<80x128xi32, #tpu.memory_space<vmem>>, vector<1x16xi32>,
        %get3A_544 = vector.shape_cast %get3A_543 : vector<1x16xi32> to vector<16xi32>
        %and3A_545 = arith.constant 65535 : i32
        %and3A_546 = vector.broadcast %and3A_545 : i32 to vector<16xi32>
        %and3A_547 = arith.andi %get3A_544, %and3A_546 : vector<16xi32>
        %swap3A_548 = arith.constant 80 : index
        %swap3A_549 = tpu.vector_load %arg10[%swap3A_548] {strides = array<i32>} : memref<128xi32, #tpu.memory_space<vmem>>, vector<16xi32>,
        %swap3A_550 = vector.shape_cast %swap3A_549 : vector<16xi32> to vector<16xi32>
        %swap3A_551 = vector.shape_cast %and3A_547 : vector<16xi32> to vector<16xi32>
        tpu.vector_store %arg10[%swap3A_548], %swap3A_551 {strides = array<i32>} : memref<128xi32, #tpu.memory_space<vmem>>, vector<16xi32>,
        %get3A_552 = arith.index_cast %add3A_477 : i32 to index
        %get3A_553 = arith.constant 96 : index
        %get3A_554 = tpu.vector_load %arg8[%get3A_552, %get3A_553] {strides = array<i32>} : memref<80x128xi32, #tpu.memory_space<vmem>>, vector<1x16xi32>,
        %get3A_555 = vector.shape_cast %get3A_554 : vector<1x16xi32> to vector<16xi32>
        %and3A_556 = arith.constant 65535 : i32
        %and3A_557 = vector.broadcast %and3A_556 : i32 to vector<16xi32>
        %and3A_558 = arith.andi %get3A_555, %and3A_557 : vector<16xi32>
        %swap3A_559 = arith.constant 96 : index
        %swap3A_560 = tpu.vector_load %arg10[%swap3A_559] {strides = array<i32>} : memref<128xi32, #tpu.memory_space<vmem>>, vector<16xi32>,
        %swap3A_561 = vector.shape_cast %swap3A_560 : vector<16xi32> to vector<16xi32>
        %swap3A_562 = vector.shape_cast %and3A_558 : vector<16xi32> to vector<16xi32>
        tpu.vector_store %arg10[%swap3A_559], %swap3A_562 {strides = array<i32>} : memref<128xi32, #tpu.memory_space<vmem>>, vector<16xi32>,
        %get3A_563 = arith.index_cast %add3A_477 : i32 to index
        %get3A_564 = arith.constant 112 : index
        %get3A_565 = tpu.vector_load %arg8[%get3A_563, %get3A_564] {strides = array<i32>} : memref<80x128xi32, #tpu.memory_space<vmem>>, vector<1x16xi32>,
        %get3A_566 = vector.shape_cast %get3A_565 : vector<1x16xi32> to vector<16xi32>
        %and3A_567 = arith.constant 65535 : i32
        %and3A_568 = vector.broadcast %and3A_567 : i32 to vector<16xi32>
        %and3A_569 = arith.andi %get3A_566, %and3A_568 : vector<16xi32>
        %swap3A_570 = arith.constant 112 : index
        %swap3A_571 = tpu.vector_load %arg10[%swap3A_570] {strides = array<i32>} : memref<128xi32, #tpu.memory_space<vmem>>, vector<16xi32>,
        %swap3A_572 = vector.shape_cast %swap3A_571 : vector<16xi32> to vector<16xi32>
        %swap3A_573 = vector.shape_cast %and3A_569 : vector<16xi32> to vector<16xi32>
        tpu.vector_store %arg10[%swap3A_570], %swap3A_573 {strides = array<i32>} : memref<128xi32, #tpu.memory_space<vmem>>, vector<16xi32>,
        %get3A_574 = arith.index_cast %add3A_477 : i32 to index
        %get3A_575 = arith.constant 0 : index
        %get3A_576 = tpu.vector_load %arg8[%get3A_574, %get3A_575] {strides = array<i32>} : memref<80x128xi32, #tpu.memory_space<vmem>>, vector<1x16xi32>,
        %get3A_577 = vector.shape_cast %get3A_576 : vector<1x16xi32> to vector<16xi32>
        %shift_right_logical3A_578 = arith.constant 16 : i32
        %shift_right_logical3A_579 = vector.broadcast %shift_right_logical3A_578 : i32 to vector<16xi32>
        %shift_right_logical3A_580 = arith.shrui %get3A_577, %shift_right_logical3A_579 : vector<16xi32>
        %swap3A_581 = arith.constant 0 : index
        %swap3A_582 = tpu.vector_load %arg12[%swap3A_581] {strides = array<i32>} : memref<128xi32, #tpu.memory_space<vmem>>, vector<16xi32>,
        %swap3A_583 = vector.shape_cast %swap3A_582 : vector<16xi32> to vector<16xi32>
        %swap3A_584 = vector.shape_cast %shift_right_logical3A_580 : vector<16xi32> to vector<16xi32>
        tpu.vector_store %arg12[%swap3A_581], %swap3A_584 {strides = array<i32>} : memref<128xi32, #tpu.memory_space<vmem>>, vector<16xi32>,
        %get3A_585 = arith.index_cast %add3A_477 : i32 to index
        %get3A_586 = arith.constant 16 : index
        %get3A_587 = tpu.vector_load %arg8[%get3A_585, %get3A_586] {strides = array<i32>} : memref<80x128xi32, #tpu.memory_space<vmem>>, vector<1x16xi32>,
        %get3A_588 = vector.shape_cast %get3A_587 : vector<1x16xi32> to vector<16xi32>
        %shift_right_logical3A_589 = arith.constant 16 : i32
        %shift_right_logical3A_590 = vector.broadcast %shift_right_logical3A_589 : i32 to vector<16xi32>
        %shift_right_logical3A_591 = arith.shrui %get3A_588, %shift_right_logical3A_590 : vector<16xi32>
        %swap3A_592 = arith.constant 16 : index
        %swap3A_593 = tpu.vector_load %arg12[%swap3A_592] {strides = array<i32>} : memref<128xi32, #tpu.memory_space<vmem>>, vector<16xi32>,
        %swap3A_594 = vector.shape_cast %swap3A_593 : vector<16xi32> to vector<16xi32>
        %swap3A_595 = vector.shape_cast %shift_right_logical3A_591 : vector<16xi32> to vector<16xi32>
        tpu.vector_store %arg12[%swap3A_592], %swap3A_595 {strides = array<i32>} : memref<128xi32, #tpu.memory_space<vmem>>, vector<16xi32>,
        %get3A_596 = arith.index_cast %add3A_477 : i32 to index
        %get3A_597 = arith.constant 32 : index
        %get3A_598 = tpu.vector_load %arg8[%get3A_596, %get3A_597] {strides = array<i32>} : memref<80x128xi32, #tpu.memory_space<vmem>>, vector<1x16xi32>,
        %get3A_599 = vector.shape_cast %get3A_598 : vector<1x16xi32> to vector<16xi32>
        %shift_right_logical3A_600 = arith.constant 16 : i32
        %shift_right_logical3A_601 = vector.broadcast %shift_right_logical3A_600 : i32 to vector<16xi32>
        %shift_right_logical3A_602 = arith.shrui %get3A_599, %shift_right_logical3A_601 : vector<16xi32>
        %swap3A_603 = arith.constant 32 : index
        %swap3A_604 = tpu.vector_load %arg12[%swap3A_603] {strides = array<i32>} : memref<128xi32, #tpu.memory_space<vmem>>, vector<16xi32>,
        %swap3A_605 = vector.shape_cast %swap3A_604 : vector<16xi32> to vector<16xi32>
        %swap3A_606 = vector.shape_cast %shift_right_logical3A_602 : vector<16xi32> to vector<16xi32>
        tpu.vector_store %arg12[%swap3A_603], %swap3A_606 {strides = array<i32>} : memref<128xi32, #tpu.memory_space<vmem>>, vector<16xi32>,
        %get3A_607 = arith.index_cast %add3A_477 : i32 to index
        %get3A_608 = arith.constant 48 : index
        %get3A_609 = tpu.vector_load %arg8[%get3A_607, %get3A_608] {strides = array<i32>} : memref<80x128xi32, #tpu.memory_space<vmem>>, vector<1x16xi32>,
        %get3A_610 = vector.shape_cast %get3A_609 : vector<1x16xi32> to vector<16xi32>
        %shift_right_logical3A_611 = arith.constant 16 : i32
        %shift_right_logical3A_612 = vector.broadcast %shift_right_logical3A_611 : i32 to vector<16xi32>
        %shift_right_logical3A_613 = arith.shrui %get3A_610, %shift_right_logical3A_612 : vector<16xi32>
        %swap3A_614 = arith.constant 48 : index
        %swap3A_615 = tpu.vector_load %arg12[%swap3A_614] {strides = array<i32>} : memref<128xi32, #tpu.memory_space<vmem>>, vector<16xi32>,
        %swap3A_616 = vector.shape_cast %swap3A_615 : vector<16xi32> to vector<16xi32>
        %swap3A_617 = vector.shape_cast %shift_right_logical3A_613 : vector<16xi32> to vector<16xi32>
        tpu.vector_store %arg12[%swap3A_614], %swap3A_617 {strides = array<i32>} : memref<128xi32, #tpu.memory_space<vmem>>, vector<16xi32>,
        %get3A_618 = arith.index_cast %add3A_477 : i32 to index
        %get3A_619 = arith.constant 64 : index
        %get3A_620 = tpu.vector_load %arg8[%get3A_618, %get3A_619] {strides = array<i32>} : memref<80x128xi32, #tpu.memory_space<vmem>>, vector<1x16xi32>,
        %get3A_621 = vector.shape_cast %get3A_620 : vector<1x16xi32> to vector<16xi32>
        %shift_right_logical3A_622 = arith.constant 16 : i32
        %shift_right_logical3A_623 = vector.broadcast %shift_right_logical3A_622 : i32 to vector<16xi32>
        %shift_right_logical3A_624 = arith.shrui %get3A_621, %shift_right_logical3A_623 : vector<16xi32>
        %swap3A_625 = arith.constant 64 : index
        %swap3A_626 = tpu.vector_load %arg12[%swap3A_625] {strides = array<i32>} : memref<128xi32, #tpu.memory_space<vmem>>, vector<16xi32>,
        %swap3A_627 = vector.shape_cast %swap3A_626 : vector<16xi32> to vector<16xi32>
        %swap3A_628 = vector.shape_cast %shift_right_logical3A_624 : vector<16xi32> to vector<16xi32>
        tpu.vector_store %arg12[%swap3A_625], %swap3A_628 {strides = array<i32>} : memref<128xi32, #tpu.memory_space<vmem>>, vector<16xi32>,
        %get3A_629 = arith.index_cast %add3A_477 : i32 to index
        %get3A_630 = arith.constant 80 : index
        %get3A_631 = tpu.vector_load %arg8[%get3A_629, %get3A_630] {strides = array<i32>} : memref<80x128xi32, #tpu.memory_space<vmem>>, vector<1x16xi32>,
        %get3A_632 = vector.shape_cast %get3A_631 : vector<1x16xi32> to vector<16xi32>
        %shift_right_logical3A_633 = arith.constant 16 : i32
        %shift_right_logical3A_634 = vector.broadcast %shift_right_logical3A_633 : i32 to vector<16xi32>
        %shift_right_logical3A_635 = arith.shrui %get3A_632, %shift_right_logical3A_634 : vector<16xi32>
        %swap3A_636 = arith.constant 80 : index
        %swap3A_637 = tpu.vector_load %arg12[%swap3A_636] {strides = array<i32>} : memref<128xi32, #tpu.memory_space<vmem>>, vector<16xi32>,
        %swap3A_638 = vector.shape_cast %swap3A_637 : vector<16xi32> to vector<16xi32>
        %swap3A_639 = vector.shape_cast %shift_right_logical3A_635 : vector<16xi32> to vector<16xi32>
        tpu.vector_store %arg12[%swap3A_636], %swap3A_639 {strides = array<i32>} : memref<128xi32, #tpu.memory_space<vmem>>, vector<16xi32>,
        %get3A_640 = arith.index_cast %add3A_477 : i32 to index
        %get3A_641 = arith.constant 96 : index
        %get3A_642 = tpu.vector_load %arg8[%get3A_640, %get3A_641] {strides = array<i32>} : memref<80x128xi32, #tpu.memory_space<vmem>>, vector<1x16xi32>,
        %get3A_643 = vector.shape_cast %get3A_642 : vector<1x16xi32> to vector<16xi32>
        %shift_right_logical3A_644 = arith.constant 16 : i32
        %shift_right_logical3A_645 = vector.broadcast %shift_right_logical3A_644 : i32 to vector<16xi32>
        %shift_right_logical3A_646 = arith.shrui %get3A_643, %shift_right_logical3A_645 : vector<16xi32>
        %swap3A_647 = arith.constant 96 : index
        %swap3A_648 = tpu.vector_load %arg12[%swap3A_647] {strides = array<i32>} : memref<128xi32, #tpu.memory_space<vmem>>, vector<16xi32>,
        %swap3A_649 = vector.shape_cast %swap3A_648 : vector<16xi32> to vector<16xi32>
        %swap3A_650 = vector.shape_cast %shift_right_logical3A_646 : vector<16xi32> to vector<16xi32>
        tpu.vector_store %arg12[%swap3A_647], %swap3A_650 {strides = array<i32>} : memref<128xi32, #tpu.memory_space<vmem>>, vector<16xi32>,
        %get3A_651 = arith.index_cast %add3A_477 : i32 to index
        %get3A_652 = arith.constant 112 : index
        %get3A_653 = tpu.vector_load %arg8[%get3A_651, %get3A_652] {strides = array<i32>} : memref<80x128xi32, #tpu.memory_space<vmem>>, vector<1x16xi32>,
        %get3A_654 = vector.shape_cast %get3A_653 : vector<1x16xi32> to vector<16xi32>
        %shift_right_logical3A_655 = arith.constant 16 : i32
        %shift_right_logical3A_656 = vector.broadcast %shift_right_logical3A_655 : i32 to vector<16xi32>
        %shift_right_logical3A_657 = arith.shrui %get3A_654, %shift_right_logical3A_656 : vector<16xi32>
        %swap3A_658 = arith.constant 112 : index
        %swap3A_659 = tpu.vector_load %arg12[%swap3A_658] {strides = array<i32>} : memref<128xi32, #tpu.memory_space<vmem>>, vector<16xi32>,
        %swap3A_660 = vector.shape_cast %swap3A_659 : vector<16xi32> to vector<16xi32>
        %swap3A_661 = vector.shape_cast %shift_right_logical3A_657 : vector<16xi32> to vector<16xi32>
        tpu.vector_store %arg12[%swap3A_658], %swap3A_661 {strides = array<i32>} : memref<128xi32, #tpu.memory_space<vmem>>, vector<16xi32>,
        %dma_start3A_662 = arith.constant 0 : i32
        %dma_start3A_663 = arith.constant 0 : i32
        %dma_start3A_664 = tpu.memref_slice %arg2[%dma_start3A_662, %dma_start3A_663] : memref<10240x128xf32, #tpu.memory_space<hbm>> -> memref<10240x128xf32, #tpu.memory_space<hbm>>
        tpu.enqueue_indirect_dma source(%dma_start3A_664 : memref<10240x128xf32, #tpu.memory_space<hbm>>) target(%arg7 : memref<128x128xf32, #tpu.memory_space<vmem>>) offsets(%arg10 : memref<128xi32, #tpu.memory_space<vmem>>) semaphore(%arg18 : memref<!tpu.dma_semaphore, #tpu.memory_space<semaphore_mem>>)
      } else {
      }
    }
    %scan3A_413 = arith.constant 39 : i32
    %dma_wait3A_414 = arith.constant 0 : i32
    %dma_wait3A_415 = arith.constant 0 : i32
    %dma_wait3A_416 = tpu.memref_slice %arg5[%dma_wait3A_414, %dma_wait3A_415] : memref<10240x128xf32, #tpu.memory_space<vmem_shared>> -> memref<10240x128xf32, #tpu.memory_space<vmem_shared>>
    tpu.wait_indirect_dma semaphore(%arg19 : memref<!tpu.dma_semaphore, #tpu.memory_space<semaphore_mem>>) src(%arg6 : memref<128x128xf32, #tpu.memory_space<vmem>>) dst(%dma_wait3A_416 : memref<10240x128xf32, #tpu.memory_space<vmem_shared>>)
    %dma_wait3A_417 = arith.constant 0 : i32
    %dma_wait3A_418 = arith.constant 0 : i32
    %dma_wait3A_419 = tpu.memref_slice %arg5[%dma_wait3A_417, %dma_wait3A_418] : memref<10240x128xf32, #tpu.memory_space<vmem_shared>> -> memref<10240x128xf32, #tpu.memory_space<vmem_shared>>
    tpu.wait_indirect_dma semaphore(%arg20 : memref<!tpu.dma_semaphore, #tpu.memory_space<semaphore_mem>>) src(%arg7 : memref<128x128xf32, #tpu.memory_space<vmem>>) dst(%dma_wait3A_419 : memref<10240x128xf32, #tpu.memory_space<vmem_shared>>)
    %get3A_420 = arith.constant 78 : i32
    %get3A_421 = arith.index_cast %get3A_420 : i32 to index
    %get3A_422 = arith.constant 0 : index
    %get3A_423 = tpu.vector_load %arg8[%get3A_421, %get3A_422] {strides = array<i32>} : memref<80x128xi32, #tpu.memory_space<vmem>>, vector<1x16xi32>,
    %get3A_424 = vector.shape_cast %get3A_423 : vector<1x16xi32> to vector<16xi32>
    %and3A_425 = arith.constant 65535 : i32
    %and3A_426 = vector.broadcast %and3A_425 : i32 to vector<16xi32>
    %and3A_427 = arith.andi %get3A_424, %and3A_426 : vector<16xi32>
    %swap3A_428 = arith.constant 0 : index
    %swap3A_429 = tpu.vector_load %arg13[%swap3A_428] {strides = array<i32>} : memref<16xi32, #tpu.memory_space<vmem>>, vector<16xi32>,
    %swap3A_430 = vector.shape_cast %swap3A_429 : vector<16xi32> to vector<16xi32>
    %swap3A_431 = vector.shape_cast %and3A_427 : vector<16xi32> to vector<16xi32>
    tpu.vector_store %arg13[%swap3A_428], %swap3A_431 {strides = array<i32>} : memref<16xi32, #tpu.memory_space<vmem>>, vector<16xi32>,
    %get3A_432 = arith.constant 78 : i32
    %get3A_433 = arith.index_cast %get3A_432 : i32 to index
    %get3A_434 = arith.constant 0 : index
    %get3A_435 = tpu.vector_load %arg8[%get3A_433, %get3A_434] {strides = array<i32>} : memref<80x128xi32, #tpu.memory_space<vmem>>, vector<1x16xi32>,
    %get3A_436 = vector.shape_cast %get3A_435 : vector<1x16xi32> to vector<16xi32>
    %shift_right_logical3A_437 = arith.constant 16 : i32
    %shift_right_logical3A_438 = vector.broadcast %shift_right_logical3A_437 : i32 to vector<16xi32>
    %shift_right_logical3A_439 = arith.shrui %get3A_436, %shift_right_logical3A_438 : vector<16xi32>
    %swap3A_440 = arith.constant 0 : index
    %swap3A_441 = tpu.vector_load %arg14[%swap3A_440] {strides = array<i32>} : memref<16xi32, #tpu.memory_space<vmem>>, vector<16xi32>,
    %swap3A_442 = vector.shape_cast %swap3A_441 : vector<16xi32> to vector<16xi32>
    %swap3A_443 = vector.shape_cast %shift_right_logical3A_439 : vector<16xi32> to vector<16xi32>
    tpu.vector_store %arg14[%swap3A_440], %swap3A_443 {strides = array<i32>} : memref<16xi32, #tpu.memory_space<vmem>>, vector<16xi32>,
    %dma_start3A_444 = arith.constant 0 : i32
    %dma_start3A_445 = arith.constant 0 : i32
    %dma_start3A_446 = tpu.memref_slice %arg2[%dma_start3A_444, %dma_start3A_445] : memref<10240x128xf32, #tpu.memory_space<hbm>> -> memref<10240x128xf32, #tpu.memory_space<hbm>>
    tpu.enqueue_indirect_dma source(%dma_start3A_446 : memref<10240x128xf32, #tpu.memory_space<hbm>>) target(%arg15 : memref<16x128xf32, #tpu.memory_space<vmem>>) offsets(%arg13 : memref<16xi32, #tpu.memory_space<vmem>>) semaphore(%arg17 : memref<!tpu.dma_semaphore, #tpu.memory_space<semaphore_mem>>)
    %dma_wait3A_447 = arith.constant 0 : i32
    %dma_wait3A_448 = arith.constant 0 : i32
    %dma_wait3A_449 = tpu.memref_slice %arg2[%dma_wait3A_447, %dma_wait3A_448] : memref<10240x128xf32, #tpu.memory_space<hbm>> -> memref<10240x128xf32, #tpu.memory_space<hbm>>
    tpu.wait_indirect_dma semaphore(%arg17 : memref<!tpu.dma_semaphore, #tpu.memory_space<semaphore_mem>>) src(%dma_wait3A_449 : memref<10240x128xf32, #tpu.memory_space<hbm>>) dst(%arg15 : memref<16x128xf32, #tpu.memory_space<vmem>>)
    "tpu.region"() ({
      %run_scoped3A = tpu.sem_alloc : memref<!tpu.dma_semaphore, #tpu.memory_space<semaphore_mem>>
      %dma_start3A_451 = arith.constant 0 : i32
      %dma_start3A_452 = arith.constant 0 : i32
      %dma_start3A_453 = tpu.memref_slice %arg5[%dma_start3A_451, %dma_start3A_452] : memref<10240x128xf32, #tpu.memory_space<vmem_shared>> -> memref<10240x128xf32, #tpu.memory_space<vmem_shared>>
      tpu.enqueue_indirect_dma source(%arg15 : memref<16x128xf32, #tpu.memory_space<vmem>>) target(%dma_start3A_453 : memref<10240x128xf32, #tpu.memory_space<vmem_shared>>) offsets(%arg14 : memref<16xi32, #tpu.memory_space<vmem>>) semaphore(%run_scoped3A : memref<!tpu.dma_semaphore, #tpu.memory_space<semaphore_mem>>) {add = true}
      %dma_wait3A_454 = arith.constant 0 : i32
      %dma_wait3A_455 = arith.constant 0 : i32
      %dma_wait3A_456 = tpu.memref_slice %arg5[%dma_wait3A_454, %dma_wait3A_455] : memref<10240x128xf32, #tpu.memory_space<vmem_shared>> -> memref<10240x128xf32, #tpu.memory_space<vmem_shared>>
      tpu.wait_indirect_dma semaphore(%run_scoped3A : memref<!tpu.dma_semaphore, #tpu.memory_space<semaphore_mem>>) src(%arg15 : memref<16x128xf32, #tpu.memory_space<vmem>>) dst(%dma_wait3A_456 : memref<10240x128xf32, #tpu.memory_space<vmem_shared>>)
      tpu.yield
    }) : () -> ()
    %barrier3A_450 = arith.constant 0 : index
    tpu.barrier barrier_id(%barrier3A_450)
    "tpu.region"() ({
      %run_scoped3A = tpu.sem_alloc : memref<!tpu.dma_semaphore, #tpu.memory_space<semaphore_mem>>
      %dma_start3A_451 = arith.constant 0 : i32
      %dma_start3A_452 = tpu.memref_slice %arg4[%arg0, %mul3A_2, %dma_start3A_451] : memref<2x10240x128xf32, #tpu.memory_space<hbm>> -> memref<1x640x128xf32, #tpu.memory_space<hbm>>
      %dma_start3A_453 = tpu.memref_squeeze %dma_start3A_452 : memref<1x640x128xf32, #tpu.memory_space<hbm>> -> memref<640x128xf32, #tpu.memory_space<hbm>>
      %dma_start3A_454 = arith.constant 0 : i32
      %dma_start3A_455 = tpu.memref_slice %arg5[%mul3A_2, %dma_start3A_454] : memref<10240x128xf32, #tpu.memory_space<vmem_shared>> -> memref<640x128xf32, #tpu.memory_space<vmem_shared>>
      tpu.enqueue_dma source(%dma_start3A_455 : memref<640x128xf32, #tpu.memory_space<vmem_shared>>) target(%dma_start3A_453 : memref<640x128xf32, #tpu.memory_space<hbm>>) target_semaphore(%run_scoped3A : memref<!tpu.dma_semaphore, #tpu.memory_space<semaphore_mem>>)
      %dma_wait3A_456 = arith.constant 0 : i32
      %dma_wait3A_457 = tpu.memref_slice %arg4[%arg0, %mul3A_2, %dma_wait3A_456] : memref<2x10240x128xf32, #tpu.memory_space<hbm>> -> memref<1x640x128xf32, #tpu.memory_space<hbm>>
      %dma_wait3A_458 = tpu.memref_squeeze %dma_wait3A_457 : memref<1x640x128xf32, #tpu.memory_space<hbm>> -> memref<640x128xf32, #tpu.memory_space<hbm>>
      %dma_wait3A_459 = arith.constant 0 : i32
      %dma_wait3A_460 = tpu.memref_slice %arg5[%mul3A_2, %dma_wait3A_459] : memref<10240x128xf32, #tpu.memory_space<vmem_shared>> -> memref<640x128xf32, #tpu.memory_space<vmem_shared>>
      tpu.wait_dma2 semaphore(%run_scoped3A : memref<!tpu.dma_semaphore, #tpu.memory_space<semaphore_mem>>) src(%dma_wait3A_460 : memref<640x128xf32, #tpu.memory_space<vmem_shared>>) dst(%dma_wait3A_458 : memref<640x128xf32, #tpu.memory_space<hbm>>)
      tpu.yield
    }) : () -> ()
    return
  }
}

#map = affine_map<(d0, d1) -> (0, 0)>
module attributes {stable_mosaic.version = 14 : i64} {
  func.func @_deg_body(%arg0: i32, %arg1: i32, %arg2: memref<2560x128xi32, #tpu.memory_space<hbm>>, %arg3: memref<160x128xf32, #tpu.memory_space<hbm>>, %arg4: memref<10240xf32, #tpu.memory_space<vmem_shared>>, %arg5: memref<128xf32, #tpu.memory_space<vmem>>, %arg6: memref<80x128xi32, #tpu.memory_space<vmem>>, %arg7: memref<8x128xf32, #tpu.memory_space<vmem>>, %arg8: memref<128xi32, #tpu.memory_space<vmem>>, %arg9: memref<128xi32, #tpu.memory_space<vmem>>, %arg10: memref<128xi32, #tpu.memory_space<vmem>>, %arg11: memref<128xi32, #tpu.memory_space<vmem>>, %arg12: memref<16xi32, #tpu.memory_space<vmem>>, %arg13: memref<!tpu.dma_semaphore, #tpu.memory_space<semaphore_mem>>, %arg14: memref<!tpu.dma_semaphore, #tpu.memory_space<semaphore_mem>>, %arg15: memref<!tpu.dma_semaphore, #tpu.memory_space<semaphore_mem>>, %arg16: memref<!tpu.dma_semaphore, #tpu.memory_space<semaphore_mem>>, %arg17: memref<!tpu.dma_semaphore, #tpu.memory_space<semaphore_mem>>) attributes {dimension_semantics = [#tpu.dimension_semantics<core_parallel>, #tpu.dimension_semantics<subcore_parallel>], iteration_bounds = array<i64: 2, 16>, scalar_prefetch = 0 : i64, scratch_operands = 14 : i64, tpu.core_type = #tpu.core_type<sc_vector_subcore>, window_params = [{transform_indices = #map}, {transform_indices = #map}]} {
    %mul3A = arith.constant 2 : i32
    %mul3A_0 = arith.muli %arg1, %mul3A : i32
    %add3A = arith.addi %mul3A_0, %arg0 : i32
    %mul3A_1 = arith.constant 640 : i32
    %mul3A_2 = arith.muli %arg1, %mul3A_1 : i32
    %mul3A_3 = arith.constant 80 : i32
    %mul3A_4 = arith.muli %add3A, %mul3A_3 : i32
    %dma_start3A = arith.constant 0 : i32
    %dma_start3A_5 = tpu.memref_slice %arg2[%mul3A_4, %dma_start3A] : memref<2560x128xi32, #tpu.memory_space<hbm>> -> memref<80x128xi32, #tpu.memory_space<hbm>>
    %dma_start3A_6 = arith.constant 0 : i32
    %dma_start3A_7 = tpu.memref_slice %arg2[%mul3A_4, %dma_start3A_6] : memref<2560x128xi32, #tpu.memory_space<hbm>> -> memref<80x128xi32, #tpu.memory_space<hbm>>
    tpu.enqueue_dma source(%dma_start3A_7 : memref<80x128xi32, #tpu.memory_space<hbm>>) target(%arg6 : memref<80x128xi32, #tpu.memory_space<vmem>>) target_semaphore(%arg13 : memref<!tpu.dma_semaphore, #tpu.memory_space<semaphore_mem>>)
    %scan3A = arith.constant 0 : i32
    %scan3A_8 = arith.constant 0 : i32
    %scan3A_9 = arith.constant 8 : i32
    %scan3A_10 = arith.addi %scan3A_8, %scan3A_9 : i32
    %scan3A_11 = arith.constant 1 : i32
    scf.for %scan3A_442 = %scan3A_8 to %scan3A_10 step %scan3A_11  : i32 {
      %broadcast_in_dim3A = arith.constant 0.000000e+00 : f32
      %broadcast_in_dim3A_443 = vector.broadcast %broadcast_in_dim3A : f32 to vector<16xf32>
      %mul3A_444 = arith.constant 16 : i32
      %mul3A_445 = arith.muli %scan3A_442, %mul3A_444 : i32
      %swap3A_446 = arith.index_cast %mul3A_445 : i32 to index
      %swap3A_447 = tpu.vector_load %arg5[%swap3A_446] {strides = array<i32>} : memref<128xf32, #tpu.memory_space<vmem>>, vector<16xf32>,
      %swap3A_448 = vector.shape_cast %swap3A_447 : vector<16xf32> to vector<16xf32>
      %swap3A_449 = vector.shape_cast %broadcast_in_dim3A_443 : vector<16xf32> to vector<16xf32>
      tpu.vector_store %arg5[%swap3A_446], %swap3A_449 {strides = array<i32>} : memref<128xf32, #tpu.memory_space<vmem>>, vector<16xf32>,
    }
    %scan3A_12 = arith.constant 8 : i32
    %scan3A_13 = arith.constant 0 : i32
    %scan3A_14 = arith.constant 0 : i32
    %scan3A_15 = arith.constant 5 : i32
    %scan3A_16 = arith.addi %scan3A_14, %scan3A_15 : i32
    %scan3A_17 = arith.constant 1 : i32
    scf.for %scan3A_442 = %scan3A_14 to %scan3A_16 step %scan3A_17  : i32 {
      %mul3A_443 = arith.constant 128 : i32
      %mul3A_444 = arith.muli %scan3A_442, %mul3A_443 : i32
      %add3A_445 = arith.addi %mul3A_2, %mul3A_444 : i32
      "tpu.region"() ({
        %run_scoped3A = tpu.sem_alloc : memref<!tpu.dma_semaphore, #tpu.memory_space<semaphore_mem>>
        %dma_start3A_446 = tpu.memref_slice %arg4[%add3A_445] : memref<10240xf32, #tpu.memory_space<vmem_shared>> -> memref<128xf32, #tpu.memory_space<vmem_shared>>
        %dma_start3A_447 = tpu.memref_slice %arg4[%add3A_445] : memref<10240xf32, #tpu.memory_space<vmem_shared>> -> memref<128xf32, #tpu.memory_space<vmem_shared>>
        tpu.enqueue_dma source(%arg5 : memref<128xf32, #tpu.memory_space<vmem>>) target(%dma_start3A_447 : memref<128xf32, #tpu.memory_space<vmem_shared>>) target_semaphore(%run_scoped3A : memref<!tpu.dma_semaphore, #tpu.memory_space<semaphore_mem>>)
        %dma_wait3A_448 = tpu.memref_slice %arg4[%add3A_445] : memref<10240xf32, #tpu.memory_space<vmem_shared>> -> memref<128xf32, #tpu.memory_space<vmem_shared>>
        %dma_wait3A_449 = tpu.memref_slice %arg4[%add3A_445] : memref<10240xf32, #tpu.memory_space<vmem_shared>> -> memref<128xf32, #tpu.memory_space<vmem_shared>>
        tpu.wait_dma2 semaphore(%run_scoped3A : memref<!tpu.dma_semaphore, #tpu.memory_space<semaphore_mem>>) src(%arg5 : memref<128xf32, #tpu.memory_space<vmem>>) dst(%dma_wait3A_449 : memref<128xf32, #tpu.memory_space<vmem_shared>>)
        tpu.yield
      }) : () -> ()
    }
    %scan3A_18 = arith.constant 5 : i32
    %scan3A_19 = arith.constant 0 : i32
    %scan3A_20 = arith.constant 0 : i32
    %scan3A_21 = arith.constant 8 : i32
    %scan3A_22 = arith.addi %scan3A_20, %scan3A_21 : i32
    %scan3A_23 = arith.constant 1 : i32
    scf.for %scan3A_442 = %scan3A_20 to %scan3A_22 step %scan3A_23  : i32 {
      %broadcast_in_dim3A = arith.constant 1.000000e+00 : f32
      %broadcast_in_dim3A_443 = vector.broadcast %broadcast_in_dim3A : f32 to vector<16xf32>
      %mul3A_444 = arith.constant 16 : i32
      %mul3A_445 = arith.muli %scan3A_442, %mul3A_444 : i32
      %swap3A_446 = arith.index_cast %mul3A_445 : i32 to index
      %swap3A_447 = tpu.vector_load %arg5[%swap3A_446] {strides = array<i32>} : memref<128xf32, #tpu.memory_space<vmem>>, vector<16xf32>,
      %swap3A_448 = vector.shape_cast %swap3A_447 : vector<16xf32> to vector<16xf32>
      %swap3A_449 = vector.shape_cast %broadcast_in_dim3A_443 : vector<16xf32> to vector<16xf32>
      tpu.vector_store %arg5[%swap3A_446], %swap3A_449 {strides = array<i32>} : memref<128xf32, #tpu.memory_space<vmem>>, vector<16xf32>,
    }
    %scan3A_24 = arith.constant 8 : i32
    %barrier3A = arith.constant 0 : index
    tpu.barrier barrier_id(%barrier3A)
    %dma_wait3A = arith.constant 0 : i32
    %dma_wait3A_25 = tpu.memref_slice %arg2[%mul3A_4, %dma_wait3A] : memref<2560x128xi32, #tpu.memory_space<hbm>> -> memref<80x128xi32, #tpu.memory_space<hbm>>
    %dma_wait3A_26 = arith.constant 0 : i32
    %dma_wait3A_27 = tpu.memref_slice %arg2[%mul3A_4, %dma_wait3A_26] : memref<2560x128xi32, #tpu.memory_space<hbm>> -> memref<80x128xi32, #tpu.memory_space<hbm>>
    tpu.wait_dma2 semaphore(%arg13 : memref<!tpu.dma_semaphore, #tpu.memory_space<semaphore_mem>>) src(%dma_wait3A_27 : memref<80x128xi32, #tpu.memory_space<hbm>>) dst(%arg6 : memref<80x128xi32, #tpu.memory_space<vmem>>)
    %get3A = arith.constant 0 : i32
    %get3A_28 = arith.index_cast %get3A : i32 to index
    %get3A_29 = arith.constant 0 : index
    %get3A_30 = tpu.vector_load %arg6[%get3A_28, %get3A_29] {strides = array<i32>} : memref<80x128xi32, #tpu.memory_space<vmem>>, vector<1x16xi32>,
    %get3A_31 = vector.shape_cast %get3A_30 : vector<1x16xi32> to vector<16xi32>
    %shift_right_logical3A = arith.constant 16 : i32
    %shift_right_logical3A_32 = vector.broadcast %shift_right_logical3A : i32 to vector<16xi32>
    %shift_right_logical3A_33 = arith.shrui %get3A_31, %shift_right_logical3A_32 : vector<16xi32>
    %swap3A = arith.constant 0 : index
    %swap3A_34 = tpu.vector_load %arg8[%swap3A] {strides = array<i32>} : memref<128xi32, #tpu.memory_space<vmem>>, vector<16xi32>,
    %swap3A_35 = vector.shape_cast %swap3A_34 : vector<16xi32> to vector<16xi32>
    %swap3A_36 = vector.shape_cast %shift_right_logical3A_33 : vector<16xi32> to vector<16xi32>
    tpu.vector_store %arg8[%swap3A], %swap3A_36 {strides = array<i32>} : memref<128xi32, #tpu.memory_space<vmem>>, vector<16xi32>,
    %get3A_37 = arith.constant 0 : i32
    %get3A_38 = arith.index_cast %get3A_37 : i32 to index
    %get3A_39 = arith.constant 16 : index
    %get3A_40 = tpu.vector_load %arg6[%get3A_38, %get3A_39] {strides = array<i32>} : memref<80x128xi32, #tpu.memory_space<vmem>>, vector<1x16xi32>,
    %get3A_41 = vector.shape_cast %get3A_40 : vector<1x16xi32> to vector<16xi32>
    %shift_right_logical3A_42 = arith.constant 16 : i32
    %shift_right_logical3A_43 = vector.broadcast %shift_right_logical3A_42 : i32 to vector<16xi32>
    %shift_right_logical3A_44 = arith.shrui %get3A_41, %shift_right_logical3A_43 : vector<16xi32>
    %swap3A_45 = arith.constant 16 : index
    %swap3A_46 = tpu.vector_load %arg8[%swap3A_45] {strides = array<i32>} : memref<128xi32, #tpu.memory_space<vmem>>, vector<16xi32>,
    %swap3A_47 = vector.shape_cast %swap3A_46 : vector<16xi32> to vector<16xi32>
    %swap3A_48 = vector.shape_cast %shift_right_logical3A_44 : vector<16xi32> to vector<16xi32>
    tpu.vector_store %arg8[%swap3A_45], %swap3A_48 {strides = array<i32>} : memref<128xi32, #tpu.memory_space<vmem>>, vector<16xi32>,
    %get3A_49 = arith.constant 0 : i32
    %get3A_50 = arith.index_cast %get3A_49 : i32 to index
    %get3A_51 = arith.constant 32 : index
    %get3A_52 = tpu.vector_load %arg6[%get3A_50, %get3A_51] {strides = array<i32>} : memref<80x128xi32, #tpu.memory_space<vmem>>, vector<1x16xi32>,
    %get3A_53 = vector.shape_cast %get3A_52 : vector<1x16xi32> to vector<16xi32>
    %shift_right_logical3A_54 = arith.constant 16 : i32
    %shift_right_logical3A_55 = vector.broadcast %shift_right_logical3A_54 : i32 to vector<16xi32>
    %shift_right_logical3A_56 = arith.shrui %get3A_53, %shift_right_logical3A_55 : vector<16xi32>
    %swap3A_57 = arith.constant 32 : index
    %swap3A_58 = tpu.vector_load %arg8[%swap3A_57] {strides = array<i32>} : memref<128xi32, #tpu.memory_space<vmem>>, vector<16xi32>,
    %swap3A_59 = vector.shape_cast %swap3A_58 : vector<16xi32> to vector<16xi32>
    %swap3A_60 = vector.shape_cast %shift_right_logical3A_56 : vector<16xi32> to vector<16xi32>
    tpu.vector_store %arg8[%swap3A_57], %swap3A_60 {strides = array<i32>} : memref<128xi32, #tpu.memory_space<vmem>>, vector<16xi32>,
    %get3A_61 = arith.constant 0 : i32
    %get3A_62 = arith.index_cast %get3A_61 : i32 to index
    %get3A_63 = arith.constant 48 : index
    %get3A_64 = tpu.vector_load %arg6[%get3A_62, %get3A_63] {strides = array<i32>} : memref<80x128xi32, #tpu.memory_space<vmem>>, vector<1x16xi32>,
    %get3A_65 = vector.shape_cast %get3A_64 : vector<1x16xi32> to vector<16xi32>
    %shift_right_logical3A_66 = arith.constant 16 : i32
    %shift_right_logical3A_67 = vector.broadcast %shift_right_logical3A_66 : i32 to vector<16xi32>
    %shift_right_logical3A_68 = arith.shrui %get3A_65, %shift_right_logical3A_67 : vector<16xi32>
    %swap3A_69 = arith.constant 48 : index
    %swap3A_70 = tpu.vector_load %arg8[%swap3A_69] {strides = array<i32>} : memref<128xi32, #tpu.memory_space<vmem>>, vector<16xi32>,
    %swap3A_71 = vector.shape_cast %swap3A_70 : vector<16xi32> to vector<16xi32>
    %swap3A_72 = vector.shape_cast %shift_right_logical3A_68 : vector<16xi32> to vector<16xi32>
    tpu.vector_store %arg8[%swap3A_69], %swap3A_72 {strides = array<i32>} : memref<128xi32, #tpu.memory_space<vmem>>, vector<16xi32>,
    %get3A_73 = arith.constant 0 : i32
    %get3A_74 = arith.index_cast %get3A_73 : i32 to index
    %get3A_75 = arith.constant 64 : index
    %get3A_76 = tpu.vector_load %arg6[%get3A_74, %get3A_75] {strides = array<i32>} : memref<80x128xi32, #tpu.memory_space<vmem>>, vector<1x16xi32>,
    %get3A_77 = vector.shape_cast %get3A_76 : vector<1x16xi32> to vector<16xi32>
    %shift_right_logical3A_78 = arith.constant 16 : i32
    %shift_right_logical3A_79 = vector.broadcast %shift_right_logical3A_78 : i32 to vector<16xi32>
    %shift_right_logical3A_80 = arith.shrui %get3A_77, %shift_right_logical3A_79 : vector<16xi32>
    %swap3A_81 = arith.constant 64 : index
    %swap3A_82 = tpu.vector_load %arg8[%swap3A_81] {strides = array<i32>} : memref<128xi32, #tpu.memory_space<vmem>>, vector<16xi32>,
    %swap3A_83 = vector.shape_cast %swap3A_82 : vector<16xi32> to vector<16xi32>
    %swap3A_84 = vector.shape_cast %shift_right_logical3A_80 : vector<16xi32> to vector<16xi32>
    tpu.vector_store %arg8[%swap3A_81], %swap3A_84 {strides = array<i32>} : memref<128xi32, #tpu.memory_space<vmem>>, vector<16xi32>,
    %get3A_85 = arith.constant 0 : i32
    %get3A_86 = arith.index_cast %get3A_85 : i32 to index
    %get3A_87 = arith.constant 80 : index
    %get3A_88 = tpu.vector_load %arg6[%get3A_86, %get3A_87] {strides = array<i32>} : memref<80x128xi32, #tpu.memory_space<vmem>>, vector<1x16xi32>,
    %get3A_89 = vector.shape_cast %get3A_88 : vector<1x16xi32> to vector<16xi32>
    %shift_right_logical3A_90 = arith.constant 16 : i32
    %shift_right_logical3A_91 = vector.broadcast %shift_right_logical3A_90 : i32 to vector<16xi32>
    %shift_right_logical3A_92 = arith.shrui %get3A_89, %shift_right_logical3A_91 : vector<16xi32>
    %swap3A_93 = arith.constant 80 : index
    %swap3A_94 = tpu.vector_load %arg8[%swap3A_93] {strides = array<i32>} : memref<128xi32, #tpu.memory_space<vmem>>, vector<16xi32>,
    %swap3A_95 = vector.shape_cast %swap3A_94 : vector<16xi32> to vector<16xi32>
    %swap3A_96 = vector.shape_cast %shift_right_logical3A_92 : vector<16xi32> to vector<16xi32>
    tpu.vector_store %arg8[%swap3A_93], %swap3A_96 {strides = array<i32>} : memref<128xi32, #tpu.memory_space<vmem>>, vector<16xi32>,
    %get3A_97 = arith.constant 0 : i32
    %get3A_98 = arith.index_cast %get3A_97 : i32 to index
    %get3A_99 = arith.constant 96 : index
    %get3A_100 = tpu.vector_load %arg6[%get3A_98, %get3A_99] {strides = array<i32>} : memref<80x128xi32, #tpu.memory_space<vmem>>, vector<1x16xi32>,
    %get3A_101 = vector.shape_cast %get3A_100 : vector<1x16xi32> to vector<16xi32>
    %shift_right_logical3A_102 = arith.constant 16 : i32
    %shift_right_logical3A_103 = vector.broadcast %shift_right_logical3A_102 : i32 to vector<16xi32>
    %shift_right_logical3A_104 = arith.shrui %get3A_101, %shift_right_logical3A_103 : vector<16xi32>
    %swap3A_105 = arith.constant 96 : index
    %swap3A_106 = tpu.vector_load %arg8[%swap3A_105] {strides = array<i32>} : memref<128xi32, #tpu.memory_space<vmem>>, vector<16xi32>,
    %swap3A_107 = vector.shape_cast %swap3A_106 : vector<16xi32> to vector<16xi32>
    %swap3A_108 = vector.shape_cast %shift_right_logical3A_104 : vector<16xi32> to vector<16xi32>
    tpu.vector_store %arg8[%swap3A_105], %swap3A_108 {strides = array<i32>} : memref<128xi32, #tpu.memory_space<vmem>>, vector<16xi32>,
    %get3A_109 = arith.constant 0 : i32
    %get3A_110 = arith.index_cast %get3A_109 : i32 to index
    %get3A_111 = arith.constant 112 : index
    %get3A_112 = tpu.vector_load %arg6[%get3A_110, %get3A_111] {strides = array<i32>} : memref<80x128xi32, #tpu.memory_space<vmem>>, vector<1x16xi32>,
    %get3A_113 = vector.shape_cast %get3A_112 : vector<1x16xi32> to vector<16xi32>
    %shift_right_logical3A_114 = arith.constant 16 : i32
    %shift_right_logical3A_115 = vector.broadcast %shift_right_logical3A_114 : i32 to vector<16xi32>
    %shift_right_logical3A_116 = arith.shrui %get3A_113, %shift_right_logical3A_115 : vector<16xi32>
    %swap3A_117 = arith.constant 112 : index
    %swap3A_118 = tpu.vector_load %arg8[%swap3A_117] {strides = array<i32>} : memref<128xi32, #tpu.memory_space<vmem>>, vector<16xi32>,
    %swap3A_119 = vector.shape_cast %swap3A_118 : vector<16xi32> to vector<16xi32>
    %swap3A_120 = vector.shape_cast %shift_right_logical3A_116 : vector<16xi32> to vector<16xi32>
    tpu.vector_store %arg8[%swap3A_117], %swap3A_120 {strides = array<i32>} : memref<128xi32, #tpu.memory_space<vmem>>, vector<16xi32>,
    %dma_start3A_121 = arith.constant 0 : i32
    %dma_start3A_122 = tpu.memref_slice %arg4[%dma_start3A_121] : memref<10240xf32, #tpu.memory_space<vmem_shared>> -> memref<10240xf32, #tpu.memory_space<vmem_shared>>
    tpu.enqueue_indirect_dma source(%arg5 : memref<128xf32, #tpu.memory_space<vmem>>) target(%dma_start3A_122 : memref<10240xf32, #tpu.memory_space<vmem_shared>>) offsets(%arg8 : memref<128xi32, #tpu.memory_space<vmem>>) semaphore(%arg14 : memref<!tpu.dma_semaphore, #tpu.memory_space<semaphore_mem>>) {add = true}
    %get3A_123 = arith.constant 1 : i32
    %get3A_124 = arith.index_cast %get3A_123 : i32 to index
    %get3A_125 = arith.constant 0 : index
    %get3A_126 = tpu.vector_load %arg6[%get3A_124, %get3A_125] {strides = array<i32>} : memref<80x128xi32, #tpu.memory_space<vmem>>, vector<1x16xi32>,
    %get3A_127 = vector.shape_cast %get3A_126 : vector<1x16xi32> to vector<16xi32>
    %shift_right_logical3A_128 = arith.constant 16 : i32
    %shift_right_logical3A_129 = vector.broadcast %shift_right_logical3A_128 : i32 to vector<16xi32>
    %shift_right_logical3A_130 = arith.shrui %get3A_127, %shift_right_logical3A_129 : vector<16xi32>
    %swap3A_131 = arith.constant 0 : index
    %swap3A_132 = tpu.vector_load %arg9[%swap3A_131] {strides = array<i32>} : memref<128xi32, #tpu.memory_space<vmem>>, vector<16xi32>,
    %swap3A_133 = vector.shape_cast %swap3A_132 : vector<16xi32> to vector<16xi32>
    %swap3A_134 = vector.shape_cast %shift_right_logical3A_130 : vector<16xi32> to vector<16xi32>
    tpu.vector_store %arg9[%swap3A_131], %swap3A_134 {strides = array<i32>} : memref<128xi32, #tpu.memory_space<vmem>>, vector<16xi32>,
    %get3A_135 = arith.constant 1 : i32
    %get3A_136 = arith.index_cast %get3A_135 : i32 to index
    %get3A_137 = arith.constant 16 : index
    %get3A_138 = tpu.vector_load %arg6[%get3A_136, %get3A_137] {strides = array<i32>} : memref<80x128xi32, #tpu.memory_space<vmem>>, vector<1x16xi32>,
    %get3A_139 = vector.shape_cast %get3A_138 : vector<1x16xi32> to vector<16xi32>
    %shift_right_logical3A_140 = arith.constant 16 : i32
    %shift_right_logical3A_141 = vector.broadcast %shift_right_logical3A_140 : i32 to vector<16xi32>
    %shift_right_logical3A_142 = arith.shrui %get3A_139, %shift_right_logical3A_141 : vector<16xi32>
    %swap3A_143 = arith.constant 16 : index
    %swap3A_144 = tpu.vector_load %arg9[%swap3A_143] {strides = array<i32>} : memref<128xi32, #tpu.memory_space<vmem>>, vector<16xi32>,
    %swap3A_145 = vector.shape_cast %swap3A_144 : vector<16xi32> to vector<16xi32>
    %swap3A_146 = vector.shape_cast %shift_right_logical3A_142 : vector<16xi32> to vector<16xi32>
    tpu.vector_store %arg9[%swap3A_143], %swap3A_146 {strides = array<i32>} : memref<128xi32, #tpu.memory_space<vmem>>, vector<16xi32>,
    %get3A_147 = arith.constant 1 : i32
    %get3A_148 = arith.index_cast %get3A_147 : i32 to index
    %get3A_149 = arith.constant 32 : index
    %get3A_150 = tpu.vector_load %arg6[%get3A_148, %get3A_149] {strides = array<i32>} : memref<80x128xi32, #tpu.memory_space<vmem>>, vector<1x16xi32>,
    %get3A_151 = vector.shape_cast %get3A_150 : vector<1x16xi32> to vector<16xi32>
    %shift_right_logical3A_152 = arith.constant 16 : i32
    %shift_right_logical3A_153 = vector.broadcast %shift_right_logical3A_152 : i32 to vector<16xi32>
    %shift_right_logical3A_154 = arith.shrui %get3A_151, %shift_right_logical3A_153 : vector<16xi32>
    %swap3A_155 = arith.constant 32 : index
    %swap3A_156 = tpu.vector_load %arg9[%swap3A_155] {strides = array<i32>} : memref<128xi32, #tpu.memory_space<vmem>>, vector<16xi32>,
    %swap3A_157 = vector.shape_cast %swap3A_156 : vector<16xi32> to vector<16xi32>
    %swap3A_158 = vector.shape_cast %shift_right_logical3A_154 : vector<16xi32> to vector<16xi32>
    tpu.vector_store %arg9[%swap3A_155], %swap3A_158 {strides = array<i32>} : memref<128xi32, #tpu.memory_space<vmem>>, vector<16xi32>,
    %get3A_159 = arith.constant 1 : i32
    %get3A_160 = arith.index_cast %get3A_159 : i32 to index
    %get3A_161 = arith.constant 48 : index
    %get3A_162 = tpu.vector_load %arg6[%get3A_160, %get3A_161] {strides = array<i32>} : memref<80x128xi32, #tpu.memory_space<vmem>>, vector<1x16xi32>,
    %get3A_163 = vector.shape_cast %get3A_162 : vector<1x16xi32> to vector<16xi32>
    %shift_right_logical3A_164 = arith.constant 16 : i32
    %shift_right_logical3A_165 = vector.broadcast %shift_right_logical3A_164 : i32 to vector<16xi32>
    %shift_right_logical3A_166 = arith.shrui %get3A_163, %shift_right_logical3A_165 : vector<16xi32>
    %swap3A_167 = arith.constant 48 : index
    %swap3A_168 = tpu.vector_load %arg9[%swap3A_167] {strides = array<i32>} : memref<128xi32, #tpu.memory_space<vmem>>, vector<16xi32>,
    %swap3A_169 = vector.shape_cast %swap3A_168 : vector<16xi32> to vector<16xi32>
    %swap3A_170 = vector.shape_cast %shift_right_logical3A_166 : vector<16xi32> to vector<16xi32>
    tpu.vector_store %arg9[%swap3A_167], %swap3A_170 {strides = array<i32>} : memref<128xi32, #tpu.memory_space<vmem>>, vector<16xi32>,
    %get3A_171 = arith.constant 1 : i32
    %get3A_172 = arith.index_cast %get3A_171 : i32 to index
    %get3A_173 = arith.constant 64 : index
    %get3A_174 = tpu.vector_load %arg6[%get3A_172, %get3A_173] {strides = array<i32>} : memref<80x128xi32, #tpu.memory_space<vmem>>, vector<1x16xi32>,
    %get3A_175 = vector.shape_cast %get3A_174 : vector<1x16xi32> to vector<16xi32>
    %shift_right_logical3A_176 = arith.constant 16 : i32
    %shift_right_logical3A_177 = vector.broadcast %shift_right_logical3A_176 : i32 to vector<16xi32>
    %shift_right_logical3A_178 = arith.shrui %get3A_175, %shift_right_logical3A_177 : vector<16xi32>
    %swap3A_179 = arith.constant 64 : index
    %swap3A_180 = tpu.vector_load %arg9[%swap3A_179] {strides = array<i32>} : memref<128xi32, #tpu.memory_space<vmem>>, vector<16xi32>,
    %swap3A_181 = vector.shape_cast %swap3A_180 : vector<16xi32> to vector<16xi32>
    %swap3A_182 = vector.shape_cast %shift_right_logical3A_178 : vector<16xi32> to vector<16xi32>
    tpu.vector_store %arg9[%swap3A_179], %swap3A_182 {strides = array<i32>} : memref<128xi32, #tpu.memory_space<vmem>>, vector<16xi32>,
    %get3A_183 = arith.constant 1 : i32
    %get3A_184 = arith.index_cast %get3A_183 : i32 to index
    %get3A_185 = arith.constant 80 : index
    %get3A_186 = tpu.vector_load %arg6[%get3A_184, %get3A_185] {strides = array<i32>} : memref<80x128xi32, #tpu.memory_space<vmem>>, vector<1x16xi32>,
    %get3A_187 = vector.shape_cast %get3A_186 : vector<1x16xi32> to vector<16xi32>
    %shift_right_logical3A_188 = arith.constant 16 : i32
    %shift_right_logical3A_189 = vector.broadcast %shift_right_logical3A_188 : i32 to vector<16xi32>
    %shift_right_logical3A_190 = arith.shrui %get3A_187, %shift_right_logical3A_189 : vector<16xi32>
    %swap3A_191 = arith.constant 80 : index
    %swap3A_192 = tpu.vector_load %arg9[%swap3A_191] {strides = array<i32>} : memref<128xi32, #tpu.memory_space<vmem>>, vector<16xi32>,
    %swap3A_193 = vector.shape_cast %swap3A_192 : vector<16xi32> to vector<16xi32>
    %swap3A_194 = vector.shape_cast %shift_right_logical3A_190 : vector<16xi32> to vector<16xi32>
    tpu.vector_store %arg9[%swap3A_191], %swap3A_194 {strides = array<i32>} : memref<128xi32, #tpu.memory_space<vmem>>, vector<16xi32>,
    %get3A_195 = arith.constant 1 : i32
    %get3A_196 = arith.index_cast %get3A_195 : i32 to index
    %get3A_197 = arith.constant 96 : index
    %get3A_198 = tpu.vector_load %arg6[%get3A_196, %get3A_197] {strides = array<i32>} : memref<80x128xi32, #tpu.memory_space<vmem>>, vector<1x16xi32>,
    %get3A_199 = vector.shape_cast %get3A_198 : vector<1x16xi32> to vector<16xi32>
    %shift_right_logical3A_200 = arith.constant 16 : i32
    %shift_right_logical3A_201 = vector.broadcast %shift_right_logical3A_200 : i32 to vector<16xi32>
    %shift_right_logical3A_202 = arith.shrui %get3A_199, %shift_right_logical3A_201 : vector<16xi32>
    %swap3A_203 = arith.constant 96 : index
    %swap3A_204 = tpu.vector_load %arg9[%swap3A_203] {strides = array<i32>} : memref<128xi32, #tpu.memory_space<vmem>>, vector<16xi32>,
    %swap3A_205 = vector.shape_cast %swap3A_204 : vector<16xi32> to vector<16xi32>
    %swap3A_206 = vector.shape_cast %shift_right_logical3A_202 : vector<16xi32> to vector<16xi32>
    tpu.vector_store %arg9[%swap3A_203], %swap3A_206 {strides = array<i32>} : memref<128xi32, #tpu.memory_space<vmem>>, vector<16xi32>,
    %get3A_207 = arith.constant 1 : i32
    %get3A_208 = arith.index_cast %get3A_207 : i32 to index
    %get3A_209 = arith.constant 112 : index
    %get3A_210 = tpu.vector_load %arg6[%get3A_208, %get3A_209] {strides = array<i32>} : memref<80x128xi32, #tpu.memory_space<vmem>>, vector<1x16xi32>,
    %get3A_211 = vector.shape_cast %get3A_210 : vector<1x16xi32> to vector<16xi32>
    %shift_right_logical3A_212 = arith.constant 16 : i32
    %shift_right_logical3A_213 = vector.broadcast %shift_right_logical3A_212 : i32 to vector<16xi32>
    %shift_right_logical3A_214 = arith.shrui %get3A_211, %shift_right_logical3A_213 : vector<16xi32>
    %swap3A_215 = arith.constant 112 : index
    %swap3A_216 = tpu.vector_load %arg9[%swap3A_215] {strides = array<i32>} : memref<128xi32, #tpu.memory_space<vmem>>, vector<16xi32>,
    %swap3A_217 = vector.shape_cast %swap3A_216 : vector<16xi32> to vector<16xi32>
    %swap3A_218 = vector.shape_cast %shift_right_logical3A_214 : vector<16xi32> to vector<16xi32>
    tpu.vector_store %arg9[%swap3A_215], %swap3A_218 {strides = array<i32>} : memref<128xi32, #tpu.memory_space<vmem>>, vector<16xi32>,
    %dma_start3A_219 = arith.constant 0 : i32
    %dma_start3A_220 = tpu.memref_slice %arg4[%dma_start3A_219] : memref<10240xf32, #tpu.memory_space<vmem_shared>> -> memref<10240xf32, #tpu.memory_space<vmem_shared>>
    tpu.enqueue_indirect_dma source(%arg5 : memref<128xf32, #tpu.memory_space<vmem>>) target(%dma_start3A_220 : memref<10240xf32, #tpu.memory_space<vmem_shared>>) offsets(%arg9 : memref<128xi32, #tpu.memory_space<vmem>>) semaphore(%arg15 : memref<!tpu.dma_semaphore, #tpu.memory_space<semaphore_mem>>) {add = true}
    %get3A_221 = arith.constant 2 : i32
    %get3A_222 = arith.index_cast %get3A_221 : i32 to index
    %get3A_223 = arith.constant 0 : index
    %get3A_224 = tpu.vector_load %arg6[%get3A_222, %get3A_223] {strides = array<i32>} : memref<80x128xi32, #tpu.memory_space<vmem>>, vector<1x16xi32>,
    %get3A_225 = vector.shape_cast %get3A_224 : vector<1x16xi32> to vector<16xi32>
    %shift_right_logical3A_226 = arith.constant 16 : i32
    %shift_right_logical3A_227 = vector.broadcast %shift_right_logical3A_226 : i32 to vector<16xi32>
    %shift_right_logical3A_228 = arith.shrui %get3A_225, %shift_right_logical3A_227 : vector<16xi32>
    %swap3A_229 = arith.constant 0 : index
    %swap3A_230 = tpu.vector_load %arg10[%swap3A_229] {strides = array<i32>} : memref<128xi32, #tpu.memory_space<vmem>>, vector<16xi32>,
    %swap3A_231 = vector.shape_cast %swap3A_230 : vector<16xi32> to vector<16xi32>
    %swap3A_232 = vector.shape_cast %shift_right_logical3A_228 : vector<16xi32> to vector<16xi32>
    tpu.vector_store %arg10[%swap3A_229], %swap3A_232 {strides = array<i32>} : memref<128xi32, #tpu.memory_space<vmem>>, vector<16xi32>,
    %get3A_233 = arith.constant 2 : i32
    %get3A_234 = arith.index_cast %get3A_233 : i32 to index
    %get3A_235 = arith.constant 16 : index
    %get3A_236 = tpu.vector_load %arg6[%get3A_234, %get3A_235] {strides = array<i32>} : memref<80x128xi32, #tpu.memory_space<vmem>>, vector<1x16xi32>,
    %get3A_237 = vector.shape_cast %get3A_236 : vector<1x16xi32> to vector<16xi32>
    %shift_right_logical3A_238 = arith.constant 16 : i32
    %shift_right_logical3A_239 = vector.broadcast %shift_right_logical3A_238 : i32 to vector<16xi32>
    %shift_right_logical3A_240 = arith.shrui %get3A_237, %shift_right_logical3A_239 : vector<16xi32>
    %swap3A_241 = arith.constant 16 : index
    %swap3A_242 = tpu.vector_load %arg10[%swap3A_241] {strides = array<i32>} : memref<128xi32, #tpu.memory_space<vmem>>, vector<16xi32>,
    %swap3A_243 = vector.shape_cast %swap3A_242 : vector<16xi32> to vector<16xi32>
    %swap3A_244 = vector.shape_cast %shift_right_logical3A_240 : vector<16xi32> to vector<16xi32>
    tpu.vector_store %arg10[%swap3A_241], %swap3A_244 {strides = array<i32>} : memref<128xi32, #tpu.memory_space<vmem>>, vector<16xi32>,
    %get3A_245 = arith.constant 2 : i32
    %get3A_246 = arith.index_cast %get3A_245 : i32 to index
    %get3A_247 = arith.constant 32 : index
    %get3A_248 = tpu.vector_load %arg6[%get3A_246, %get3A_247] {strides = array<i32>} : memref<80x128xi32, #tpu.memory_space<vmem>>, vector<1x16xi32>,
    %get3A_249 = vector.shape_cast %get3A_248 : vector<1x16xi32> to vector<16xi32>
    %shift_right_logical3A_250 = arith.constant 16 : i32
    %shift_right_logical3A_251 = vector.broadcast %shift_right_logical3A_250 : i32 to vector<16xi32>
    %shift_right_logical3A_252 = arith.shrui %get3A_249, %shift_right_logical3A_251 : vector<16xi32>
    %swap3A_253 = arith.constant 32 : index
    %swap3A_254 = tpu.vector_load %arg10[%swap3A_253] {strides = array<i32>} : memref<128xi32, #tpu.memory_space<vmem>>, vector<16xi32>,
    %swap3A_255 = vector.shape_cast %swap3A_254 : vector<16xi32> to vector<16xi32>
    %swap3A_256 = vector.shape_cast %shift_right_logical3A_252 : vector<16xi32> to vector<16xi32>
    tpu.vector_store %arg10[%swap3A_253], %swap3A_256 {strides = array<i32>} : memref<128xi32, #tpu.memory_space<vmem>>, vector<16xi32>,
    %get3A_257 = arith.constant 2 : i32
    %get3A_258 = arith.index_cast %get3A_257 : i32 to index
    %get3A_259 = arith.constant 48 : index
    %get3A_260 = tpu.vector_load %arg6[%get3A_258, %get3A_259] {strides = array<i32>} : memref<80x128xi32, #tpu.memory_space<vmem>>, vector<1x16xi32>,
    %get3A_261 = vector.shape_cast %get3A_260 : vector<1x16xi32> to vector<16xi32>
    %shift_right_logical3A_262 = arith.constant 16 : i32
    %shift_right_logical3A_263 = vector.broadcast %shift_right_logical3A_262 : i32 to vector<16xi32>
    %shift_right_logical3A_264 = arith.shrui %get3A_261, %shift_right_logical3A_263 : vector<16xi32>
    %swap3A_265 = arith.constant 48 : index
    %swap3A_266 = tpu.vector_load %arg10[%swap3A_265] {strides = array<i32>} : memref<128xi32, #tpu.memory_space<vmem>>, vector<16xi32>,
    %swap3A_267 = vector.shape_cast %swap3A_266 : vector<16xi32> to vector<16xi32>
    %swap3A_268 = vector.shape_cast %shift_right_logical3A_264 : vector<16xi32> to vector<16xi32>
    tpu.vector_store %arg10[%swap3A_265], %swap3A_268 {strides = array<i32>} : memref<128xi32, #tpu.memory_space<vmem>>, vector<16xi32>,
    %get3A_269 = arith.constant 2 : i32
    %get3A_270 = arith.index_cast %get3A_269 : i32 to index
    %get3A_271 = arith.constant 64 : index
    %get3A_272 = tpu.vector_load %arg6[%get3A_270, %get3A_271] {strides = array<i32>} : memref<80x128xi32, #tpu.memory_space<vmem>>, vector<1x16xi32>,
    %get3A_273 = vector.shape_cast %get3A_272 : vector<1x16xi32> to vector<16xi32>
    %shift_right_logical3A_274 = arith.constant 16 : i32
    %shift_right_logical3A_275 = vector.broadcast %shift_right_logical3A_274 : i32 to vector<16xi32>
    %shift_right_logical3A_276 = arith.shrui %get3A_273, %shift_right_logical3A_275 : vector<16xi32>
    %swap3A_277 = arith.constant 64 : index
    %swap3A_278 = tpu.vector_load %arg10[%swap3A_277] {strides = array<i32>} : memref<128xi32, #tpu.memory_space<vmem>>, vector<16xi32>,
    %swap3A_279 = vector.shape_cast %swap3A_278 : vector<16xi32> to vector<16xi32>
    %swap3A_280 = vector.shape_cast %shift_right_logical3A_276 : vector<16xi32> to vector<16xi32>
    tpu.vector_store %arg10[%swap3A_277], %swap3A_280 {strides = array<i32>} : memref<128xi32, #tpu.memory_space<vmem>>, vector<16xi32>,
    %get3A_281 = arith.constant 2 : i32
    %get3A_282 = arith.index_cast %get3A_281 : i32 to index
    %get3A_283 = arith.constant 80 : index
    %get3A_284 = tpu.vector_load %arg6[%get3A_282, %get3A_283] {strides = array<i32>} : memref<80x128xi32, #tpu.memory_space<vmem>>, vector<1x16xi32>,
    %get3A_285 = vector.shape_cast %get3A_284 : vector<1x16xi32> to vector<16xi32>
    %shift_right_logical3A_286 = arith.constant 16 : i32
    %shift_right_logical3A_287 = vector.broadcast %shift_right_logical3A_286 : i32 to vector<16xi32>
    %shift_right_logical3A_288 = arith.shrui %get3A_285, %shift_right_logical3A_287 : vector<16xi32>
    %swap3A_289 = arith.constant 80 : index
    %swap3A_290 = tpu.vector_load %arg10[%swap3A_289] {strides = array<i32>} : memref<128xi32, #tpu.memory_space<vmem>>, vector<16xi32>,
    %swap3A_291 = vector.shape_cast %swap3A_290 : vector<16xi32> to vector<16xi32>
    %swap3A_292 = vector.shape_cast %shift_right_logical3A_288 : vector<16xi32> to vector<16xi32>
    tpu.vector_store %arg10[%swap3A_289], %swap3A_292 {strides = array<i32>} : memref<128xi32, #tpu.memory_space<vmem>>, vector<16xi32>,
    %get3A_293 = arith.constant 2 : i32
    %get3A_294 = arith.index_cast %get3A_293 : i32 to index
    %get3A_295 = arith.constant 96 : index
    %get3A_296 = tpu.vector_load %arg6[%get3A_294, %get3A_295] {strides = array<i32>} : memref<80x128xi32, #tpu.memory_space<vmem>>, vector<1x16xi32>,
    %get3A_297 = vector.shape_cast %get3A_296 : vector<1x16xi32> to vector<16xi32>
    %shift_right_logical3A_298 = arith.constant 16 : i32
    %shift_right_logical3A_299 = vector.broadcast %shift_right_logical3A_298 : i32 to vector<16xi32>
    %shift_right_logical3A_300 = arith.shrui %get3A_297, %shift_right_logical3A_299 : vector<16xi32>
    %swap3A_301 = arith.constant 96 : index
    %swap3A_302 = tpu.vector_load %arg10[%swap3A_301] {strides = array<i32>} : memref<128xi32, #tpu.memory_space<vmem>>, vector<16xi32>,
    %swap3A_303 = vector.shape_cast %swap3A_302 : vector<16xi32> to vector<16xi32>
    %swap3A_304 = vector.shape_cast %shift_right_logical3A_300 : vector<16xi32> to vector<16xi32>
    tpu.vector_store %arg10[%swap3A_301], %swap3A_304 {strides = array<i32>} : memref<128xi32, #tpu.memory_space<vmem>>, vector<16xi32>,
    %get3A_305 = arith.constant 2 : i32
    %get3A_306 = arith.index_cast %get3A_305 : i32 to index
    %get3A_307 = arith.constant 112 : index
    %get3A_308 = tpu.vector_load %arg6[%get3A_306, %get3A_307] {strides = array<i32>} : memref<80x128xi32, #tpu.memory_space<vmem>>, vector<1x16xi32>,
    %get3A_309 = vector.shape_cast %get3A_308 : vector<1x16xi32> to vector<16xi32>
    %shift_right_logical3A_310 = arith.constant 16 : i32
    %shift_right_logical3A_311 = vector.broadcast %shift_right_logical3A_310 : i32 to vector<16xi32>
    %shift_right_logical3A_312 = arith.shrui %get3A_309, %shift_right_logical3A_311 : vector<16xi32>
    %swap3A_313 = arith.constant 112 : index
    %swap3A_314 = tpu.vector_load %arg10[%swap3A_313] {strides = array<i32>} : memref<128xi32, #tpu.memory_space<vmem>>, vector<16xi32>,
    %swap3A_315 = vector.shape_cast %swap3A_314 : vector<16xi32> to vector<16xi32>
    %swap3A_316 = vector.shape_cast %shift_right_logical3A_312 : vector<16xi32> to vector<16xi32>
    tpu.vector_store %arg10[%swap3A_313], %swap3A_316 {strides = array<i32>} : memref<128xi32, #tpu.memory_space<vmem>>, vector<16xi32>,
    %dma_start3A_317 = arith.constant 0 : i32
    %dma_start3A_318 = tpu.memref_slice %arg4[%dma_start3A_317] : memref<10240xf32, #tpu.memory_space<vmem_shared>> -> memref<10240xf32, #tpu.memory_space<vmem_shared>>
    tpu.enqueue_indirect_dma source(%arg5 : memref<128xf32, #tpu.memory_space<vmem>>) target(%dma_start3A_318 : memref<10240xf32, #tpu.memory_space<vmem_shared>>) offsets(%arg10 : memref<128xi32, #tpu.memory_space<vmem>>) semaphore(%arg16 : memref<!tpu.dma_semaphore, #tpu.memory_space<semaphore_mem>>) {add = true}
    %get3A_319 = arith.constant 3 : i32
    %get3A_320 = arith.index_cast %get3A_319 : i32 to index
    %get3A_321 = arith.constant 0 : index
    %get3A_322 = tpu.vector_load %arg6[%get3A_320, %get3A_321] {strides = array<i32>} : memref<80x128xi32, #tpu.memory_space<vmem>>, vector<1x16xi32>,
    %get3A_323 = vector.shape_cast %get3A_322 : vector<1x16xi32> to vector<16xi32>
    %shift_right_logical3A_324 = arith.constant 16 : i32
    %shift_right_logical3A_325 = vector.broadcast %shift_right_logical3A_324 : i32 to vector<16xi32>
    %shift_right_logical3A_326 = arith.shrui %get3A_323, %shift_right_logical3A_325 : vector<16xi32>
    %swap3A_327 = arith.constant 0 : index
    %swap3A_328 = tpu.vector_load %arg11[%swap3A_327] {strides = array<i32>} : memref<128xi32, #tpu.memory_space<vmem>>, vector<16xi32>,
    %swap3A_329 = vector.shape_cast %swap3A_328 : vector<16xi32> to vector<16xi32>
    %swap3A_330 = vector.shape_cast %shift_right_logical3A_326 : vector<16xi32> to vector<16xi32>
    tpu.vector_store %arg11[%swap3A_327], %swap3A_330 {strides = array<i32>} : memref<128xi32, #tpu.memory_space<vmem>>, vector<16xi32>,
    %get3A_331 = arith.constant 3 : i32
    %get3A_332 = arith.index_cast %get3A_331 : i32 to index
    %get3A_333 = arith.constant 16 : index
    %get3A_334 = tpu.vector_load %arg6[%get3A_332, %get3A_333] {strides = array<i32>} : memref<80x128xi32, #tpu.memory_space<vmem>>, vector<1x16xi32>,
    %get3A_335 = vector.shape_cast %get3A_334 : vector<1x16xi32> to vector<16xi32>
    %shift_right_logical3A_336 = arith.constant 16 : i32
    %shift_right_logical3A_337 = vector.broadcast %shift_right_logical3A_336 : i32 to vector<16xi32>
    %shift_right_logical3A_338 = arith.shrui %get3A_335, %shift_right_logical3A_337 : vector<16xi32>
    %swap3A_339 = arith.constant 16 : index
    %swap3A_340 = tpu.vector_load %arg11[%swap3A_339] {strides = array<i32>} : memref<128xi32, #tpu.memory_space<vmem>>, vector<16xi32>,
    %swap3A_341 = vector.shape_cast %swap3A_340 : vector<16xi32> to vector<16xi32>
    %swap3A_342 = vector.shape_cast %shift_right_logical3A_338 : vector<16xi32> to vector<16xi32>
    tpu.vector_store %arg11[%swap3A_339], %swap3A_342 {strides = array<i32>} : memref<128xi32, #tpu.memory_space<vmem>>, vector<16xi32>,
    %get3A_343 = arith.constant 3 : i32
    %get3A_344 = arith.index_cast %get3A_343 : i32 to index
    %get3A_345 = arith.constant 32 : index
    %get3A_346 = tpu.vector_load %arg6[%get3A_344, %get3A_345] {strides = array<i32>} : memref<80x128xi32, #tpu.memory_space<vmem>>, vector<1x16xi32>,
    %get3A_347 = vector.shape_cast %get3A_346 : vector<1x16xi32> to vector<16xi32>
    %shift_right_logical3A_348 = arith.constant 16 : i32
    %shift_right_logical3A_349 = vector.broadcast %shift_right_logical3A_348 : i32 to vector<16xi32>
    %shift_right_logical3A_350 = arith.shrui %get3A_347, %shift_right_logical3A_349 : vector<16xi32>
    %swap3A_351 = arith.constant 32 : index
    %swap3A_352 = tpu.vector_load %arg11[%swap3A_351] {strides = array<i32>} : memref<128xi32, #tpu.memory_space<vmem>>, vector<16xi32>,
    %swap3A_353 = vector.shape_cast %swap3A_352 : vector<16xi32> to vector<16xi32>
    %swap3A_354 = vector.shape_cast %shift_right_logical3A_350 : vector<16xi32> to vector<16xi32>
    tpu.vector_store %arg11[%swap3A_351], %swap3A_354 {strides = array<i32>} : memref<128xi32, #tpu.memory_space<vmem>>, vector<16xi32>,
    %get3A_355 = arith.constant 3 : i32
    %get3A_356 = arith.index_cast %get3A_355 : i32 to index
    %get3A_357 = arith.constant 48 : index
    %get3A_358 = tpu.vector_load %arg6[%get3A_356, %get3A_357] {strides = array<i32>} : memref<80x128xi32, #tpu.memory_space<vmem>>, vector<1x16xi32>,
    %get3A_359 = vector.shape_cast %get3A_358 : vector<1x16xi32> to vector<16xi32>
    %shift_right_logical3A_360 = arith.constant 16 : i32
    %shift_right_logical3A_361 = vector.broadcast %shift_right_logical3A_360 : i32 to vector<16xi32>
    %shift_right_logical3A_362 = arith.shrui %get3A_359, %shift_right_logical3A_361 : vector<16xi32>
    %swap3A_363 = arith.constant 48 : index
    %swap3A_364 = tpu.vector_load %arg11[%swap3A_363] {strides = array<i32>} : memref<128xi32, #tpu.memory_space<vmem>>, vector<16xi32>,
    %swap3A_365 = vector.shape_cast %swap3A_364 : vector<16xi32> to vector<16xi32>
    %swap3A_366 = vector.shape_cast %shift_right_logical3A_362 : vector<16xi32> to vector<16xi32>
    tpu.vector_store %arg11[%swap3A_363], %swap3A_366 {strides = array<i32>} : memref<128xi32, #tpu.memory_space<vmem>>, vector<16xi32>,
    %get3A_367 = arith.constant 3 : i32
    %get3A_368 = arith.index_cast %get3A_367 : i32 to index
    %get3A_369 = arith.constant 64 : index
    %get3A_370 = tpu.vector_load %arg6[%get3A_368, %get3A_369] {strides = array<i32>} : memref<80x128xi32, #tpu.memory_space<vmem>>, vector<1x16xi32>,
    %get3A_371 = vector.shape_cast %get3A_370 : vector<1x16xi32> to vector<16xi32>
    %shift_right_logical3A_372 = arith.constant 16 : i32
    %shift_right_logical3A_373 = vector.broadcast %shift_right_logical3A_372 : i32 to vector<16xi32>
    %shift_right_logical3A_374 = arith.shrui %get3A_371, %shift_right_logical3A_373 : vector<16xi32>
    %swap3A_375 = arith.constant 64 : index
    %swap3A_376 = tpu.vector_load %arg11[%swap3A_375] {strides = array<i32>} : memref<128xi32, #tpu.memory_space<vmem>>, vector<16xi32>,
    %swap3A_377 = vector.shape_cast %swap3A_376 : vector<16xi32> to vector<16xi32>
    %swap3A_378 = vector.shape_cast %shift_right_logical3A_374 : vector<16xi32> to vector<16xi32>
    tpu.vector_store %arg11[%swap3A_375], %swap3A_378 {strides = array<i32>} : memref<128xi32, #tpu.memory_space<vmem>>, vector<16xi32>,
    %get3A_379 = arith.constant 3 : i32
    %get3A_380 = arith.index_cast %get3A_379 : i32 to index
    %get3A_381 = arith.constant 80 : index
    %get3A_382 = tpu.vector_load %arg6[%get3A_380, %get3A_381] {strides = array<i32>} : memref<80x128xi32, #tpu.memory_space<vmem>>, vector<1x16xi32>,
    %get3A_383 = vector.shape_cast %get3A_382 : vector<1x16xi32> to vector<16xi32>
    %shift_right_logical3A_384 = arith.constant 16 : i32
    %shift_right_logical3A_385 = vector.broadcast %shift_right_logical3A_384 : i32 to vector<16xi32>
    %shift_right_logical3A_386 = arith.shrui %get3A_383, %shift_right_logical3A_385 : vector<16xi32>
    %swap3A_387 = arith.constant 80 : index
    %swap3A_388 = tpu.vector_load %arg11[%swap3A_387] {strides = array<i32>} : memref<128xi32, #tpu.memory_space<vmem>>, vector<16xi32>,
    %swap3A_389 = vector.shape_cast %swap3A_388 : vector<16xi32> to vector<16xi32>
    %swap3A_390 = vector.shape_cast %shift_right_logical3A_386 : vector<16xi32> to vector<16xi32>
    tpu.vector_store %arg11[%swap3A_387], %swap3A_390 {strides = array<i32>} : memref<128xi32, #tpu.memory_space<vmem>>, vector<16xi32>,
    %get3A_391 = arith.constant 3 : i32
    %get3A_392 = arith.index_cast %get3A_391 : i32 to index
    %get3A_393 = arith.constant 96 : index
    %get3A_394 = tpu.vector_load %arg6[%get3A_392, %get3A_393] {strides = array<i32>} : memref<80x128xi32, #tpu.memory_space<vmem>>, vector<1x16xi32>,
    %get3A_395 = vector.shape_cast %get3A_394 : vector<1x16xi32> to vector<16xi32>
    %shift_right_logical3A_396 = arith.constant 16 : i32
    %shift_right_logical3A_397 = vector.broadcast %shift_right_logical3A_396 : i32 to vector<16xi32>
    %shift_right_logical3A_398 = arith.shrui %get3A_395, %shift_right_logical3A_397 : vector<16xi32>
    %swap3A_399 = arith.constant 96 : index
    %swap3A_400 = tpu.vector_load %arg11[%swap3A_399] {strides = array<i32>} : memref<128xi32, #tpu.memory_space<vmem>>, vector<16xi32>,
    %swap3A_401 = vector.shape_cast %swap3A_400 : vector<16xi32> to vector<16xi32>
    %swap3A_402 = vector.shape_cast %shift_right_logical3A_398 : vector<16xi32> to vector<16xi32>
    tpu.vector_store %arg11[%swap3A_399], %swap3A_402 {strides = array<i32>} : memref<128xi32, #tpu.memory_space<vmem>>, vector<16xi32>,
    %get3A_403 = arith.constant 3 : i32
    %get3A_404 = arith.index_cast %get3A_403 : i32 to index
    %get3A_405 = arith.constant 112 : index
    %get3A_406 = tpu.vector_load %arg6[%get3A_404, %get3A_405] {strides = array<i32>} : memref<80x128xi32, #tpu.memory_space<vmem>>, vector<1x16xi32>,
    %get3A_407 = vector.shape_cast %get3A_406 : vector<1x16xi32> to vector<16xi32>
    %shift_right_logical3A_408 = arith.constant 16 : i32
    %shift_right_logical3A_409 = vector.broadcast %shift_right_logical3A_408 : i32 to vector<16xi32>
    %shift_right_logical3A_410 = arith.shrui %get3A_407, %shift_right_logical3A_409 : vector<16xi32>
    %swap3A_411 = arith.constant 112 : index
    %swap3A_412 = tpu.vector_load %arg11[%swap3A_411] {strides = array<i32>} : memref<128xi32, #tpu.memory_space<vmem>>, vector<16xi32>,
    %swap3A_413 = vector.shape_cast %swap3A_412 : vector<16xi32> to vector<16xi32>
    %swap3A_414 = vector.shape_cast %shift_right_logical3A_410 : vector<16xi32> to vector<16xi32>
    tpu.vector_store %arg11[%swap3A_411], %swap3A_414 {strides = array<i32>} : memref<128xi32, #tpu.memory_space<vmem>>, vector<16xi32>,
    %dma_start3A_415 = arith.constant 0 : i32
    %dma_start3A_416 = tpu.memref_slice %arg4[%dma_start3A_415] : memref<10240xf32, #tpu.memory_space<vmem_shared>> -> memref<10240xf32, #tpu.memory_space<vmem_shared>>
    tpu.enqueue_indirect_dma source(%arg5 : memref<128xf32, #tpu.memory_space<vmem>>) target(%dma_start3A_416 : memref<10240xf32, #tpu.memory_space<vmem_shared>>) offsets(%arg11 : memref<128xi32, #tpu.memory_space<vmem>>) semaphore(%arg17 : memref<!tpu.dma_semaphore, #tpu.memory_space<semaphore_mem>>) {add = true}
    %scan3A_417 = arith.constant 0 : i32
    %scan3A_418 = arith.constant 0 : i32
    %scan3A_419 = arith.constant 19 : i32
    %scan3A_420 = arith.addi %scan3A_418, %scan3A_419 : i32
    %scan3A_421 = arith.constant 1 : i32
    scf.for %scan3A_442 = %scan3A_418 to %scan3A_420 step %scan3A_421  : i32 {
      %mul3A_443 = arith.constant 4 : i32
      %mul3A_444 = arith.muli %scan3A_442, %mul3A_443 : i32
      %add3A_445 = arith.constant 0 : i32
      %add3A_446 = arith.addi %mul3A_444, %add3A_445 : i32
      %dma_wait3A_447 = arith.constant 0 : i32
      %dma_wait3A_448 = tpu.memref_slice %arg4[%dma_wait3A_447] : memref<10240xf32, #tpu.memory_space<vmem_shared>> -> memref<10240xf32, #tpu.memory_space<vmem_shared>>
      tpu.wait_indirect_dma semaphore(%arg14 : memref<!tpu.dma_semaphore, #tpu.memory_space<semaphore_mem>>) src(%arg5 : memref<128xf32, #tpu.memory_space<vmem>>) dst(%dma_wait3A_448 : memref<10240xf32, #tpu.memory_space<vmem_shared>>)
      %add3A_449 = arith.constant 4 : i32
      %add3A_450 = arith.addi %add3A_446, %add3A_449 : i32
      %lt3A_451 = arith.constant 78 : i32
      %lt3A_452 = arith.cmpi slt, %add3A_450, %lt3A_451 : i32
      %convert_element_type3A_453 = arith.extui %lt3A_452 : i1 to i32
      %cond3A_454 = arith.constant 0 : i32
      %cond3A_455 = arith.cmpi ne, %convert_element_type3A_453, %cond3A_454 : i32
      scf.if %cond3A_455 {
        %get3A_495 = arith.index_cast %add3A_450 : i32 to index
        %get3A_496 = arith.constant 0 : index
        %get3A_497 = tpu.vector_load %arg6[%get3A_495, %get3A_496] {strides = array<i32>} : memref<80x128xi32, #tpu.memory_space<vmem>>, vector<1x16xi32>,
        %get3A_498 = vector.shape_cast %get3A_497 : vector<1x16xi32> to vector<16xi32>
        %shift_right_logical3A_499 = arith.constant 16 : i32
        %shift_right_logical3A_500 = vector.broadcast %shift_right_logical3A_499 : i32 to vector<16xi32>
        %shift_right_logical3A_501 = arith.shrui %get3A_498, %shift_right_logical3A_500 : vector<16xi32>
        %swap3A_502 = arith.constant 0 : index
        %swap3A_503 = tpu.vector_load %arg8[%swap3A_502] {strides = array<i32>} : memref<128xi32, #tpu.memory_space<vmem>>, vector<16xi32>,
        %swap3A_504 = vector.shape_cast %swap3A_503 : vector<16xi32> to vector<16xi32>
        %swap3A_505 = vector.shape_cast %shift_right_logical3A_501 : vector<16xi32> to vector<16xi32>
        tpu.vector_store %arg8[%swap3A_502], %swap3A_505 {strides = array<i32>} : memref<128xi32, #tpu.memory_space<vmem>>, vector<16xi32>,
        %get3A_506 = arith.index_cast %add3A_450 : i32 to index
        %get3A_507 = arith.constant 16 : index
        %get3A_508 = tpu.vector_load %arg6[%get3A_506, %get3A_507] {strides = array<i32>} : memref<80x128xi32, #tpu.memory_space<vmem>>, vector<1x16xi32>,
        %get3A_509 = vector.shape_cast %get3A_508 : vector<1x16xi32> to vector<16xi32>
        %shift_right_logical3A_510 = arith.constant 16 : i32
        %shift_right_logical3A_511 = vector.broadcast %shift_right_logical3A_510 : i32 to vector<16xi32>
        %shift_right_logical3A_512 = arith.shrui %get3A_509, %shift_right_logical3A_511 : vector<16xi32>
        %swap3A_513 = arith.constant 16 : index
        %swap3A_514 = tpu.vector_load %arg8[%swap3A_513] {strides = array<i32>} : memref<128xi32, #tpu.memory_space<vmem>>, vector<16xi32>,
        %swap3A_515 = vector.shape_cast %swap3A_514 : vector<16xi32> to vector<16xi32>
        %swap3A_516 = vector.shape_cast %shift_right_logical3A_512 : vector<16xi32> to vector<16xi32>
        tpu.vector_store %arg8[%swap3A_513], %swap3A_516 {strides = array<i32>} : memref<128xi32, #tpu.memory_space<vmem>>, vector<16xi32>,
        %get3A_517 = arith.index_cast %add3A_450 : i32 to index
        %get3A_518 = arith.constant 32 : index
        %get3A_519 = tpu.vector_load %arg6[%get3A_517, %get3A_518] {strides = array<i32>} : memref<80x128xi32, #tpu.memory_space<vmem>>, vector<1x16xi32>,
        %get3A_520 = vector.shape_cast %get3A_519 : vector<1x16xi32> to vector<16xi32>
        %shift_right_logical3A_521 = arith.constant 16 : i32
        %shift_right_logical3A_522 = vector.broadcast %shift_right_logical3A_521 : i32 to vector<16xi32>
        %shift_right_logical3A_523 = arith.shrui %get3A_520, %shift_right_logical3A_522 : vector<16xi32>
        %swap3A_524 = arith.constant 32 : index
        %swap3A_525 = tpu.vector_load %arg8[%swap3A_524] {strides = array<i32>} : memref<128xi32, #tpu.memory_space<vmem>>, vector<16xi32>,
        %swap3A_526 = vector.shape_cast %swap3A_525 : vector<16xi32> to vector<16xi32>
        %swap3A_527 = vector.shape_cast %shift_right_logical3A_523 : vector<16xi32> to vector<16xi32>
        tpu.vector_store %arg8[%swap3A_524], %swap3A_527 {strides = array<i32>} : memref<128xi32, #tpu.memory_space<vmem>>, vector<16xi32>,
        %get3A_528 = arith.index_cast %add3A_450 : i32 to index
        %get3A_529 = arith.constant 48 : index
        %get3A_530 = tpu.vector_load %arg6[%get3A_528, %get3A_529] {strides = array<i32>} : memref<80x128xi32, #tpu.memory_space<vmem>>, vector<1x16xi32>,
        %get3A_531 = vector.shape_cast %get3A_530 : vector<1x16xi32> to vector<16xi32>
        %shift_right_logical3A_532 = arith.constant 16 : i32
        %shift_right_logical3A_533 = vector.broadcast %shift_right_logical3A_532 : i32 to vector<16xi32>
        %shift_right_logical3A_534 = arith.shrui %get3A_531, %shift_right_logical3A_533 : vector<16xi32>
        %swap3A_535 = arith.constant 48 : index
        %swap3A_536 = tpu.vector_load %arg8[%swap3A_535] {strides = array<i32>} : memref<128xi32, #tpu.memory_space<vmem>>, vector<16xi32>,
        %swap3A_537 = vector.shape_cast %swap3A_536 : vector<16xi32> to vector<16xi32>
        %swap3A_538 = vector.shape_cast %shift_right_logical3A_534 : vector<16xi32> to vector<16xi32>
        tpu.vector_store %arg8[%swap3A_535], %swap3A_538 {strides = array<i32>} : memref<128xi32, #tpu.memory_space<vmem>>, vector<16xi32>,
        %get3A_539 = arith.index_cast %add3A_450 : i32 to index
        %get3A_540 = arith.constant 64 : index
        %get3A_541 = tpu.vector_load %arg6[%get3A_539, %get3A_540] {strides = array<i32>} : memref<80x128xi32, #tpu.memory_space<vmem>>, vector<1x16xi32>,
        %get3A_542 = vector.shape_cast %get3A_541 : vector<1x16xi32> to vector<16xi32>
        %shift_right_logical3A_543 = arith.constant 16 : i32
        %shift_right_logical3A_544 = vector.broadcast %shift_right_logical3A_543 : i32 to vector<16xi32>
        %shift_right_logical3A_545 = arith.shrui %get3A_542, %shift_right_logical3A_544 : vector<16xi32>
        %swap3A_546 = arith.constant 64 : index
        %swap3A_547 = tpu.vector_load %arg8[%swap3A_546] {strides = array<i32>} : memref<128xi32, #tpu.memory_space<vmem>>, vector<16xi32>,
        %swap3A_548 = vector.shape_cast %swap3A_547 : vector<16xi32> to vector<16xi32>
        %swap3A_549 = vector.shape_cast %shift_right_logical3A_545 : vector<16xi32> to vector<16xi32>
        tpu.vector_store %arg8[%swap3A_546], %swap3A_549 {strides = array<i32>} : memref<128xi32, #tpu.memory_space<vmem>>, vector<16xi32>,
        %get3A_550 = arith.index_cast %add3A_450 : i32 to index
        %get3A_551 = arith.constant 80 : index
        %get3A_552 = tpu.vector_load %arg6[%get3A_550, %get3A_551] {strides = array<i32>} : memref<80x128xi32, #tpu.memory_space<vmem>>, vector<1x16xi32>,
        %get3A_553 = vector.shape_cast %get3A_552 : vector<1x16xi32> to vector<16xi32>
        %shift_right_logical3A_554 = arith.constant 16 : i32
        %shift_right_logical3A_555 = vector.broadcast %shift_right_logical3A_554 : i32 to vector<16xi32>
        %shift_right_logical3A_556 = arith.shrui %get3A_553, %shift_right_logical3A_555 : vector<16xi32>
        %swap3A_557 = arith.constant 80 : index
        %swap3A_558 = tpu.vector_load %arg8[%swap3A_557] {strides = array<i32>} : memref<128xi32, #tpu.memory_space<vmem>>, vector<16xi32>,
        %swap3A_559 = vector.shape_cast %swap3A_558 : vector<16xi32> to vector<16xi32>
        %swap3A_560 = vector.shape_cast %shift_right_logical3A_556 : vector<16xi32> to vector<16xi32>
        tpu.vector_store %arg8[%swap3A_557], %swap3A_560 {strides = array<i32>} : memref<128xi32, #tpu.memory_space<vmem>>, vector<16xi32>,
        %get3A_561 = arith.index_cast %add3A_450 : i32 to index
        %get3A_562 = arith.constant 96 : index
        %get3A_563 = tpu.vector_load %arg6[%get3A_561, %get3A_562] {strides = array<i32>} : memref<80x128xi32, #tpu.memory_space<vmem>>, vector<1x16xi32>,
        %get3A_564 = vector.shape_cast %get3A_563 : vector<1x16xi32> to vector<16xi32>
        %shift_right_logical3A_565 = arith.constant 16 : i32
        %shift_right_logical3A_566 = vector.broadcast %shift_right_logical3A_565 : i32 to vector<16xi32>
        %shift_right_logical3A_567 = arith.shrui %get3A_564, %shift_right_logical3A_566 : vector<16xi32>
        %swap3A_568 = arith.constant 96 : index
        %swap3A_569 = tpu.vector_load %arg8[%swap3A_568] {strides = array<i32>} : memref<128xi32, #tpu.memory_space<vmem>>, vector<16xi32>,
        %swap3A_570 = vector.shape_cast %swap3A_569 : vector<16xi32> to vector<16xi32>
        %swap3A_571 = vector.shape_cast %shift_right_logical3A_567 : vector<16xi32> to vector<16xi32>
        tpu.vector_store %arg8[%swap3A_568], %swap3A_571 {strides = array<i32>} : memref<128xi32, #tpu.memory_space<vmem>>, vector<16xi32>,
        %get3A_572 = arith.index_cast %add3A_450 : i32 to index
        %get3A_573 = arith.constant 112 : index
        %get3A_574 = tpu.vector_load %arg6[%get3A_572, %get3A_573] {strides = array<i32>} : memref<80x128xi32, #tpu.memory_space<vmem>>, vector<1x16xi32>,
        %get3A_575 = vector.shape_cast %get3A_574 : vector<1x16xi32> to vector<16xi32>
        %shift_right_logical3A_576 = arith.constant 16 : i32
        %shift_right_logical3A_577 = vector.broadcast %shift_right_logical3A_576 : i32 to vector<16xi32>
        %shift_right_logical3A_578 = arith.shrui %get3A_575, %shift_right_logical3A_577 : vector<16xi32>
        %swap3A_579 = arith.constant 112 : index
        %swap3A_580 = tpu.vector_load %arg8[%swap3A_579] {strides = array<i32>} : memref<128xi32, #tpu.memory_space<vmem>>, vector<16xi32>,
        %swap3A_581 = vector.shape_cast %swap3A_580 : vector<16xi32> to vector<16xi32>
        %swap3A_582 = vector.shape_cast %shift_right_logical3A_578 : vector<16xi32> to vector<16xi32>
        tpu.vector_store %arg8[%swap3A_579], %swap3A_582 {strides = array<i32>} : memref<128xi32, #tpu.memory_space<vmem>>, vector<16xi32>,
        %dma_start3A_583 = arith.constant 0 : i32
        %dma_start3A_584 = tpu.memref_slice %arg4[%dma_start3A_583] : memref<10240xf32, #tpu.memory_space<vmem_shared>> -> memref<10240xf32, #tpu.memory_space<vmem_shared>>
        tpu.enqueue_indirect_dma source(%arg5 : memref<128xf32, #tpu.memory_space<vmem>>) target(%dma_start3A_584 : memref<10240xf32, #tpu.memory_space<vmem_shared>>) offsets(%arg8 : memref<128xi32, #tpu.memory_space<vmem>>) semaphore(%arg14 : memref<!tpu.dma_semaphore, #tpu.memory_space<semaphore_mem>>) {add = true}
      } else {
      }
      %mul3A_456 = arith.constant 4 : i32
      %mul3A_457 = arith.muli %scan3A_442, %mul3A_456 : i32
      %add3A_458 = arith.constant 1 : i32
      %add3A_459 = arith.addi %mul3A_457, %add3A_458 : i32
      %dma_wait3A_460 = arith.constant 0 : i32
      %dma_wait3A_461 = tpu.memref_slice %arg4[%dma_wait3A_460] : memref<10240xf32, #tpu.memory_space<vmem_shared>> -> memref<10240xf32, #tpu.memory_space<vmem_shared>>
      tpu.wait_indirect_dma semaphore(%arg15 : memref<!tpu.dma_semaphore, #tpu.memory_space<semaphore_mem>>) src(%arg5 : memref<128xf32, #tpu.memory_space<vmem>>) dst(%dma_wait3A_461 : memref<10240xf32, #tpu.memory_space<vmem_shared>>)
      %add3A_462 = arith.constant 4 : i32
      %add3A_463 = arith.addi %add3A_459, %add3A_462 : i32
      %lt3A_464 = arith.constant 78 : i32
      %lt3A_465 = arith.cmpi slt, %add3A_463, %lt3A_464 : i32
      %convert_element_type3A_466 = arith.extui %lt3A_465 : i1 to i32
      %cond3A_467 = arith.constant 0 : i32
      %cond3A_468 = arith.cmpi ne, %convert_element_type3A_466, %cond3A_467 : i32
      scf.if %cond3A_468 {
        %get3A_495 = arith.index_cast %add3A_463 : i32 to index
        %get3A_496 = arith.constant 0 : index
        %get3A_497 = tpu.vector_load %arg6[%get3A_495, %get3A_496] {strides = array<i32>} : memref<80x128xi32, #tpu.memory_space<vmem>>, vector<1x16xi32>,
        %get3A_498 = vector.shape_cast %get3A_497 : vector<1x16xi32> to vector<16xi32>
        %shift_right_logical3A_499 = arith.constant 16 : i32
        %shift_right_logical3A_500 = vector.broadcast %shift_right_logical3A_499 : i32 to vector<16xi32>
        %shift_right_logical3A_501 = arith.shrui %get3A_498, %shift_right_logical3A_500 : vector<16xi32>
        %swap3A_502 = arith.constant 0 : index
        %swap3A_503 = tpu.vector_load %arg9[%swap3A_502] {strides = array<i32>} : memref<128xi32, #tpu.memory_space<vmem>>, vector<16xi32>,
        %swap3A_504 = vector.shape_cast %swap3A_503 : vector<16xi32> to vector<16xi32>
        %swap3A_505 = vector.shape_cast %shift_right_logical3A_501 : vector<16xi32> to vector<16xi32>
        tpu.vector_store %arg9[%swap3A_502], %swap3A_505 {strides = array<i32>} : memref<128xi32, #tpu.memory_space<vmem>>, vector<16xi32>,
        %get3A_506 = arith.index_cast %add3A_463 : i32 to index
        %get3A_507 = arith.constant 16 : index
        %get3A_508 = tpu.vector_load %arg6[%get3A_506, %get3A_507] {strides = array<i32>} : memref<80x128xi32, #tpu.memory_space<vmem>>, vector<1x16xi32>,
        %get3A_509 = vector.shape_cast %get3A_508 : vector<1x16xi32> to vector<16xi32>
        %shift_right_logical3A_510 = arith.constant 16 : i32
        %shift_right_logical3A_511 = vector.broadcast %shift_right_logical3A_510 : i32 to vector<16xi32>
        %shift_right_logical3A_512 = arith.shrui %get3A_509, %shift_right_logical3A_511 : vector<16xi32>
        %swap3A_513 = arith.constant 16 : index
        %swap3A_514 = tpu.vector_load %arg9[%swap3A_513] {strides = array<i32>} : memref<128xi32, #tpu.memory_space<vmem>>, vector<16xi32>,
        %swap3A_515 = vector.shape_cast %swap3A_514 : vector<16xi32> to vector<16xi32>
        %swap3A_516 = vector.shape_cast %shift_right_logical3A_512 : vector<16xi32> to vector<16xi32>
        tpu.vector_store %arg9[%swap3A_513], %swap3A_516 {strides = array<i32>} : memref<128xi32, #tpu.memory_space<vmem>>, vector<16xi32>,
        %get3A_517 = arith.index_cast %add3A_463 : i32 to index
        %get3A_518 = arith.constant 32 : index
        %get3A_519 = tpu.vector_load %arg6[%get3A_517, %get3A_518] {strides = array<i32>} : memref<80x128xi32, #tpu.memory_space<vmem>>, vector<1x16xi32>,
        %get3A_520 = vector.shape_cast %get3A_519 : vector<1x16xi32> to vector<16xi32>
        %shift_right_logical3A_521 = arith.constant 16 : i32
        %shift_right_logical3A_522 = vector.broadcast %shift_right_logical3A_521 : i32 to vector<16xi32>
        %shift_right_logical3A_523 = arith.shrui %get3A_520, %shift_right_logical3A_522 : vector<16xi32>
        %swap3A_524 = arith.constant 32 : index
        %swap3A_525 = tpu.vector_load %arg9[%swap3A_524] {strides = array<i32>} : memref<128xi32, #tpu.memory_space<vmem>>, vector<16xi32>,
        %swap3A_526 = vector.shape_cast %swap3A_525 : vector<16xi32> to vector<16xi32>
        %swap3A_527 = vector.shape_cast %shift_right_logical3A_523 : vector<16xi32> to vector<16xi32>
        tpu.vector_store %arg9[%swap3A_524], %swap3A_527 {strides = array<i32>} : memref<128xi32, #tpu.memory_space<vmem>>, vector<16xi32>,
        %get3A_528 = arith.index_cast %add3A_463 : i32 to index
        %get3A_529 = arith.constant 48 : index
        %get3A_530 = tpu.vector_load %arg6[%get3A_528, %get3A_529] {strides = array<i32>} : memref<80x128xi32, #tpu.memory_space<vmem>>, vector<1x16xi32>,
        %get3A_531 = vector.shape_cast %get3A_530 : vector<1x16xi32> to vector<16xi32>
        %shift_right_logical3A_532 = arith.constant 16 : i32
        %shift_right_logical3A_533 = vector.broadcast %shift_right_logical3A_532 : i32 to vector<16xi32>
        %shift_right_logical3A_534 = arith.shrui %get3A_531, %shift_right_logical3A_533 : vector<16xi32>
        %swap3A_535 = arith.constant 48 : index
        %swap3A_536 = tpu.vector_load %arg9[%swap3A_535] {strides = array<i32>} : memref<128xi32, #tpu.memory_space<vmem>>, vector<16xi32>,
        %swap3A_537 = vector.shape_cast %swap3A_536 : vector<16xi32> to vector<16xi32>
        %swap3A_538 = vector.shape_cast %shift_right_logical3A_534 : vector<16xi32> to vector<16xi32>
        tpu.vector_store %arg9[%swap3A_535], %swap3A_538 {strides = array<i32>} : memref<128xi32, #tpu.memory_space<vmem>>, vector<16xi32>,
        %get3A_539 = arith.index_cast %add3A_463 : i32 to index
        %get3A_540 = arith.constant 64 : index
        %get3A_541 = tpu.vector_load %arg6[%get3A_539, %get3A_540] {strides = array<i32>} : memref<80x128xi32, #tpu.memory_space<vmem>>, vector<1x16xi32>,
        %get3A_542 = vector.shape_cast %get3A_541 : vector<1x16xi32> to vector<16xi32>
        %shift_right_logical3A_543 = arith.constant 16 : i32
        %shift_right_logical3A_544 = vector.broadcast %shift_right_logical3A_543 : i32 to vector<16xi32>
        %shift_right_logical3A_545 = arith.shrui %get3A_542, %shift_right_logical3A_544 : vector<16xi32>
        %swap3A_546 = arith.constant 64 : index
        %swap3A_547 = tpu.vector_load %arg9[%swap3A_546] {strides = array<i32>} : memref<128xi32, #tpu.memory_space<vmem>>, vector<16xi32>,
        %swap3A_548 = vector.shape_cast %swap3A_547 : vector<16xi32> to vector<16xi32>
        %swap3A_549 = vector.shape_cast %shift_right_logical3A_545 : vector<16xi32> to vector<16xi32>
        tpu.vector_store %arg9[%swap3A_546], %swap3A_549 {strides = array<i32>} : memref<128xi32, #tpu.memory_space<vmem>>, vector<16xi32>,
        %get3A_550 = arith.index_cast %add3A_463 : i32 to index
        %get3A_551 = arith.constant 80 : index
        %get3A_552 = tpu.vector_load %arg6[%get3A_550, %get3A_551] {strides = array<i32>} : memref<80x128xi32, #tpu.memory_space<vmem>>, vector<1x16xi32>,
        %get3A_553 = vector.shape_cast %get3A_552 : vector<1x16xi32> to vector<16xi32>
        %shift_right_logical3A_554 = arith.constant 16 : i32
        %shift_right_logical3A_555 = vector.broadcast %shift_right_logical3A_554 : i32 to vector<16xi32>
        %shift_right_logical3A_556 = arith.shrui %get3A_553, %shift_right_logical3A_555 : vector<16xi32>
        %swap3A_557 = arith.constant 80 : index
        %swap3A_558 = tpu.vector_load %arg9[%swap3A_557] {strides = array<i32>} : memref<128xi32, #tpu.memory_space<vmem>>, vector<16xi32>,
        %swap3A_559 = vector.shape_cast %swap3A_558 : vector<16xi32> to vector<16xi32>
        %swap3A_560 = vector.shape_cast %shift_right_logical3A_556 : vector<16xi32> to vector<16xi32>
        tpu.vector_store %arg9[%swap3A_557], %swap3A_560 {strides = array<i32>} : memref<128xi32, #tpu.memory_space<vmem>>, vector<16xi32>,
        %get3A_561 = arith.index_cast %add3A_463 : i32 to index
        %get3A_562 = arith.constant 96 : index
        %get3A_563 = tpu.vector_load %arg6[%get3A_561, %get3A_562] {strides = array<i32>} : memref<80x128xi32, #tpu.memory_space<vmem>>, vector<1x16xi32>,
        %get3A_564 = vector.shape_cast %get3A_563 : vector<1x16xi32> to vector<16xi32>
        %shift_right_logical3A_565 = arith.constant 16 : i32
        %shift_right_logical3A_566 = vector.broadcast %shift_right_logical3A_565 : i32 to vector<16xi32>
        %shift_right_logical3A_567 = arith.shrui %get3A_564, %shift_right_logical3A_566 : vector<16xi32>
        %swap3A_568 = arith.constant 96 : index
        %swap3A_569 = tpu.vector_load %arg9[%swap3A_568] {strides = array<i32>} : memref<128xi32, #tpu.memory_space<vmem>>, vector<16xi32>,
        %swap3A_570 = vector.shape_cast %swap3A_569 : vector<16xi32> to vector<16xi32>
        %swap3A_571 = vector.shape_cast %shift_right_logical3A_567 : vector<16xi32> to vector<16xi32>
        tpu.vector_store %arg9[%swap3A_568], %swap3A_571 {strides = array<i32>} : memref<128xi32, #tpu.memory_space<vmem>>, vector<16xi32>,
        %get3A_572 = arith.index_cast %add3A_463 : i32 to index
        %get3A_573 = arith.constant 112 : index
        %get3A_574 = tpu.vector_load %arg6[%get3A_572, %get3A_573] {strides = array<i32>} : memref<80x128xi32, #tpu.memory_space<vmem>>, vector<1x16xi32>,
        %get3A_575 = vector.shape_cast %get3A_574 : vector<1x16xi32> to vector<16xi32>
        %shift_right_logical3A_576 = arith.constant 16 : i32
        %shift_right_logical3A_577 = vector.broadcast %shift_right_logical3A_576 : i32 to vector<16xi32>
        %shift_right_logical3A_578 = arith.shrui %get3A_575, %shift_right_logical3A_577 : vector<16xi32>
        %swap3A_579 = arith.constant 112 : index
        %swap3A_580 = tpu.vector_load %arg9[%swap3A_579] {strides = array<i32>} : memref<128xi32, #tpu.memory_space<vmem>>, vector<16xi32>,
        %swap3A_581 = vector.shape_cast %swap3A_580 : vector<16xi32> to vector<16xi32>
        %swap3A_582 = vector.shape_cast %shift_right_logical3A_578 : vector<16xi32> to vector<16xi32>
        tpu.vector_store %arg9[%swap3A_579], %swap3A_582 {strides = array<i32>} : memref<128xi32, #tpu.memory_space<vmem>>, vector<16xi32>,
        %dma_start3A_583 = arith.constant 0 : i32
        %dma_start3A_584 = tpu.memref_slice %arg4[%dma_start3A_583] : memref<10240xf32, #tpu.memory_space<vmem_shared>> -> memref<10240xf32, #tpu.memory_space<vmem_shared>>
        tpu.enqueue_indirect_dma source(%arg5 : memref<128xf32, #tpu.memory_space<vmem>>) target(%dma_start3A_584 : memref<10240xf32, #tpu.memory_space<vmem_shared>>) offsets(%arg9 : memref<128xi32, #tpu.memory_space<vmem>>) semaphore(%arg15 : memref<!tpu.dma_semaphore, #tpu.memory_space<semaphore_mem>>) {add = true}
      } else {
      }
      %mul3A_469 = arith.constant 4 : i32
      %mul3A_470 = arith.muli %scan3A_442, %mul3A_469 : i32
      %add3A_471 = arith.constant 2 : i32
      %add3A_472 = arith.addi %mul3A_470, %add3A_471 : i32
      %dma_wait3A_473 = arith.constant 0 : i32
      %dma_wait3A_474 = tpu.memref_slice %arg4[%dma_wait3A_473] : memref<10240xf32, #tpu.memory_space<vmem_shared>> -> memref<10240xf32, #tpu.memory_space<vmem_shared>>
      tpu.wait_indirect_dma semaphore(%arg16 : memref<!tpu.dma_semaphore, #tpu.memory_space<semaphore_mem>>) src(%arg5 : memref<128xf32, #tpu.memory_space<vmem>>) dst(%dma_wait3A_474 : memref<10240xf32, #tpu.memory_space<vmem_shared>>)
      %add3A_475 = arith.constant 4 : i32
      %add3A_476 = arith.addi %add3A_472, %add3A_475 : i32
      %lt3A_477 = arith.constant 78 : i32
      %lt3A_478 = arith.cmpi slt, %add3A_476, %lt3A_477 : i32
      %convert_element_type3A_479 = arith.extui %lt3A_478 : i1 to i32
      %cond3A_480 = arith.constant 0 : i32
      %cond3A_481 = arith.cmpi ne, %convert_element_type3A_479, %cond3A_480 : i32
      scf.if %cond3A_481 {
        %get3A_495 = arith.index_cast %add3A_476 : i32 to index
        %get3A_496 = arith.constant 0 : index
        %get3A_497 = tpu.vector_load %arg6[%get3A_495, %get3A_496] {strides = array<i32>} : memref<80x128xi32, #tpu.memory_space<vmem>>, vector<1x16xi32>,
        %get3A_498 = vector.shape_cast %get3A_497 : vector<1x16xi32> to vector<16xi32>
        %shift_right_logical3A_499 = arith.constant 16 : i32
        %shift_right_logical3A_500 = vector.broadcast %shift_right_logical3A_499 : i32 to vector<16xi32>
        %shift_right_logical3A_501 = arith.shrui %get3A_498, %shift_right_logical3A_500 : vector<16xi32>
        %swap3A_502 = arith.constant 0 : index
        %swap3A_503 = tpu.vector_load %arg10[%swap3A_502] {strides = array<i32>} : memref<128xi32, #tpu.memory_space<vmem>>, vector<16xi32>,
        %swap3A_504 = vector.shape_cast %swap3A_503 : vector<16xi32> to vector<16xi32>
        %swap3A_505 = vector.shape_cast %shift_right_logical3A_501 : vector<16xi32> to vector<16xi32>
        tpu.vector_store %arg10[%swap3A_502], %swap3A_505 {strides = array<i32>} : memref<128xi32, #tpu.memory_space<vmem>>, vector<16xi32>,
        %get3A_506 = arith.index_cast %add3A_476 : i32 to index
        %get3A_507 = arith.constant 16 : index
        %get3A_508 = tpu.vector_load %arg6[%get3A_506, %get3A_507] {strides = array<i32>} : memref<80x128xi32, #tpu.memory_space<vmem>>, vector<1x16xi32>,
        %get3A_509 = vector.shape_cast %get3A_508 : vector<1x16xi32> to vector<16xi32>
        %shift_right_logical3A_510 = arith.constant 16 : i32
        %shift_right_logical3A_511 = vector.broadcast %shift_right_logical3A_510 : i32 to vector<16xi32>
        %shift_right_logical3A_512 = arith.shrui %get3A_509, %shift_right_logical3A_511 : vector<16xi32>
        %swap3A_513 = arith.constant 16 : index
        %swap3A_514 = tpu.vector_load %arg10[%swap3A_513] {strides = array<i32>} : memref<128xi32, #tpu.memory_space<vmem>>, vector<16xi32>,
        %swap3A_515 = vector.shape_cast %swap3A_514 : vector<16xi32> to vector<16xi32>
        %swap3A_516 = vector.shape_cast %shift_right_logical3A_512 : vector<16xi32> to vector<16xi32>
        tpu.vector_store %arg10[%swap3A_513], %swap3A_516 {strides = array<i32>} : memref<128xi32, #tpu.memory_space<vmem>>, vector<16xi32>,
        %get3A_517 = arith.index_cast %add3A_476 : i32 to index
        %get3A_518 = arith.constant 32 : index
        %get3A_519 = tpu.vector_load %arg6[%get3A_517, %get3A_518] {strides = array<i32>} : memref<80x128xi32, #tpu.memory_space<vmem>>, vector<1x16xi32>,
        %get3A_520 = vector.shape_cast %get3A_519 : vector<1x16xi32> to vector<16xi32>
        %shift_right_logical3A_521 = arith.constant 16 : i32
        %shift_right_logical3A_522 = vector.broadcast %shift_right_logical3A_521 : i32 to vector<16xi32>
        %shift_right_logical3A_523 = arith.shrui %get3A_520, %shift_right_logical3A_522 : vector<16xi32>
        %swap3A_524 = arith.constant 32 : index
        %swap3A_525 = tpu.vector_load %arg10[%swap3A_524] {strides = array<i32>} : memref<128xi32, #tpu.memory_space<vmem>>, vector<16xi32>,
        %swap3A_526 = vector.shape_cast %swap3A_525 : vector<16xi32> to vector<16xi32>
        %swap3A_527 = vector.shape_cast %shift_right_logical3A_523 : vector<16xi32> to vector<16xi32>
        tpu.vector_store %arg10[%swap3A_524], %swap3A_527 {strides = array<i32>} : memref<128xi32, #tpu.memory_space<vmem>>, vector<16xi32>,
        %get3A_528 = arith.index_cast %add3A_476 : i32 to index
        %get3A_529 = arith.constant 48 : index
        %get3A_530 = tpu.vector_load %arg6[%get3A_528, %get3A_529] {strides = array<i32>} : memref<80x128xi32, #tpu.memory_space<vmem>>, vector<1x16xi32>,
        %get3A_531 = vector.shape_cast %get3A_530 : vector<1x16xi32> to vector<16xi32>
        %shift_right_logical3A_532 = arith.constant 16 : i32
        %shift_right_logical3A_533 = vector.broadcast %shift_right_logical3A_532 : i32 to vector<16xi32>
        %shift_right_logical3A_534 = arith.shrui %get3A_531, %shift_right_logical3A_533 : vector<16xi32>
        %swap3A_535 = arith.constant 48 : index
        %swap3A_536 = tpu.vector_load %arg10[%swap3A_535] {strides = array<i32>} : memref<128xi32, #tpu.memory_space<vmem>>, vector<16xi32>,
        %swap3A_537 = vector.shape_cast %swap3A_536 : vector<16xi32> to vector<16xi32>
        %swap3A_538 = vector.shape_cast %shift_right_logical3A_534 : vector<16xi32> to vector<16xi32>
        tpu.vector_store %arg10[%swap3A_535], %swap3A_538 {strides = array<i32>} : memref<128xi32, #tpu.memory_space<vmem>>, vector<16xi32>,
        %get3A_539 = arith.index_cast %add3A_476 : i32 to index
        %get3A_540 = arith.constant 64 : index
        %get3A_541 = tpu.vector_load %arg6[%get3A_539, %get3A_540] {strides = array<i32>} : memref<80x128xi32, #tpu.memory_space<vmem>>, vector<1x16xi32>,
        %get3A_542 = vector.shape_cast %get3A_541 : vector<1x16xi32> to vector<16xi32>
        %shift_right_logical3A_543 = arith.constant 16 : i32
        %shift_right_logical3A_544 = vector.broadcast %shift_right_logical3A_543 : i32 to vector<16xi32>
        %shift_right_logical3A_545 = arith.shrui %get3A_542, %shift_right_logical3A_544 : vector<16xi32>
        %swap3A_546 = arith.constant 64 : index
        %swap3A_547 = tpu.vector_load %arg10[%swap3A_546] {strides = array<i32>} : memref<128xi32, #tpu.memory_space<vmem>>, vector<16xi32>,
        %swap3A_548 = vector.shape_cast %swap3A_547 : vector<16xi32> to vector<16xi32>
        %swap3A_549 = vector.shape_cast %shift_right_logical3A_545 : vector<16xi32> to vector<16xi32>
        tpu.vector_store %arg10[%swap3A_546], %swap3A_549 {strides = array<i32>} : memref<128xi32, #tpu.memory_space<vmem>>, vector<16xi32>,
        %get3A_550 = arith.index_cast %add3A_476 : i32 to index
        %get3A_551 = arith.constant 80 : index
        %get3A_552 = tpu.vector_load %arg6[%get3A_550, %get3A_551] {strides = array<i32>} : memref<80x128xi32, #tpu.memory_space<vmem>>, vector<1x16xi32>,
        %get3A_553 = vector.shape_cast %get3A_552 : vector<1x16xi32> to vector<16xi32>
        %shift_right_logical3A_554 = arith.constant 16 : i32
        %shift_right_logical3A_555 = vector.broadcast %shift_right_logical3A_554 : i32 to vector<16xi32>
        %shift_right_logical3A_556 = arith.shrui %get3A_553, %shift_right_logical3A_555 : vector<16xi32>
        %swap3A_557 = arith.constant 80 : index
        %swap3A_558 = tpu.vector_load %arg10[%swap3A_557] {strides = array<i32>} : memref<128xi32, #tpu.memory_space<vmem>>, vector<16xi32>,
        %swap3A_559 = vector.shape_cast %swap3A_558 : vector<16xi32> to vector<16xi32>
        %swap3A_560 = vector.shape_cast %shift_right_logical3A_556 : vector<16xi32> to vector<16xi32>
        tpu.vector_store %arg10[%swap3A_557], %swap3A_560 {strides = array<i32>} : memref<128xi32, #tpu.memory_space<vmem>>, vector<16xi32>,
        %get3A_561 = arith.index_cast %add3A_476 : i32 to index
        %get3A_562 = arith.constant 96 : index
        %get3A_563 = tpu.vector_load %arg6[%get3A_561, %get3A_562] {strides = array<i32>} : memref<80x128xi32, #tpu.memory_space<vmem>>, vector<1x16xi32>,
        %get3A_564 = vector.shape_cast %get3A_563 : vector<1x16xi32> to vector<16xi32>
        %shift_right_logical3A_565 = arith.constant 16 : i32
        %shift_right_logical3A_566 = vector.broadcast %shift_right_logical3A_565 : i32 to vector<16xi32>
        %shift_right_logical3A_567 = arith.shrui %get3A_564, %shift_right_logical3A_566 : vector<16xi32>
        %swap3A_568 = arith.constant 96 : index
        %swap3A_569 = tpu.vector_load %arg10[%swap3A_568] {strides = array<i32>} : memref<128xi32, #tpu.memory_space<vmem>>, vector<16xi32>,
        %swap3A_570 = vector.shape_cast %swap3A_569 : vector<16xi32> to vector<16xi32>
        %swap3A_571 = vector.shape_cast %shift_right_logical3A_567 : vector<16xi32> to vector<16xi32>
        tpu.vector_store %arg10[%swap3A_568], %swap3A_571 {strides = array<i32>} : memref<128xi32, #tpu.memory_space<vmem>>, vector<16xi32>,
        %get3A_572 = arith.index_cast %add3A_476 : i32 to index
        %get3A_573 = arith.constant 112 : index
        %get3A_574 = tpu.vector_load %arg6[%get3A_572, %get3A_573] {strides = array<i32>} : memref<80x128xi32, #tpu.memory_space<vmem>>, vector<1x16xi32>,
        %get3A_575 = vector.shape_cast %get3A_574 : vector<1x16xi32> to vector<16xi32>
        %shift_right_logical3A_576 = arith.constant 16 : i32
        %shift_right_logical3A_577 = vector.broadcast %shift_right_logical3A_576 : i32 to vector<16xi32>
        %shift_right_logical3A_578 = arith.shrui %get3A_575, %shift_right_logical3A_577 : vector<16xi32>
        %swap3A_579 = arith.constant 112 : index
        %swap3A_580 = tpu.vector_load %arg10[%swap3A_579] {strides = array<i32>} : memref<128xi32, #tpu.memory_space<vmem>>, vector<16xi32>,
        %swap3A_581 = vector.shape_cast %swap3A_580 : vector<16xi32> to vector<16xi32>
        %swap3A_582 = vector.shape_cast %shift_right_logical3A_578 : vector<16xi32> to vector<16xi32>
        tpu.vector_store %arg10[%swap3A_579], %swap3A_582 {strides = array<i32>} : memref<128xi32, #tpu.memory_space<vmem>>, vector<16xi32>,
        %dma_start3A_583 = arith.constant 0 : i32
        %dma_start3A_584 = tpu.memref_slice %arg4[%dma_start3A_583] : memref<10240xf32, #tpu.memory_space<vmem_shared>> -> memref<10240xf32, #tpu.memory_space<vmem_shared>>
        tpu.enqueue_indirect_dma source(%arg5 : memref<128xf32, #tpu.memory_space<vmem>>) target(%dma_start3A_584 : memref<10240xf32, #tpu.memory_space<vmem_shared>>) offsets(%arg10 : memref<128xi32, #tpu.memory_space<vmem>>) semaphore(%arg16 : memref<!tpu.dma_semaphore, #tpu.memory_space<semaphore_mem>>) {add = true}
      } else {
      }
      %mul3A_482 = arith.constant 4 : i32
      %mul3A_483 = arith.muli %scan3A_442, %mul3A_482 : i32
      %add3A_484 = arith.constant 3 : i32
      %add3A_485 = arith.addi %mul3A_483, %add3A_484 : i32
      %dma_wait3A_486 = arith.constant 0 : i32
      %dma_wait3A_487 = tpu.memref_slice %arg4[%dma_wait3A_486] : memref<10240xf32, #tpu.memory_space<vmem_shared>> -> memref<10240xf32, #tpu.memory_space<vmem_shared>>
      tpu.wait_indirect_dma semaphore(%arg17 : memref<!tpu.dma_semaphore, #tpu.memory_space<semaphore_mem>>) src(%arg5 : memref<128xf32, #tpu.memory_space<vmem>>) dst(%dma_wait3A_487 : memref<10240xf32, #tpu.memory_space<vmem_shared>>)
      %add3A_488 = arith.constant 4 : i32
      %add3A_489 = arith.addi %add3A_485, %add3A_488 : i32
      %lt3A_490 = arith.constant 78 : i32
      %lt3A_491 = arith.cmpi slt, %add3A_489, %lt3A_490 : i32
      %convert_element_type3A_492 = arith.extui %lt3A_491 : i1 to i32
      %cond3A_493 = arith.constant 0 : i32
      %cond3A_494 = arith.cmpi ne, %convert_element_type3A_492, %cond3A_493 : i32
      scf.if %cond3A_494 {
        %get3A_495 = arith.index_cast %add3A_489 : i32 to index
        %get3A_496 = arith.constant 0 : index
        %get3A_497 = tpu.vector_load %arg6[%get3A_495, %get3A_496] {strides = array<i32>} : memref<80x128xi32, #tpu.memory_space<vmem>>, vector<1x16xi32>,
        %get3A_498 = vector.shape_cast %get3A_497 : vector<1x16xi32> to vector<16xi32>
        %shift_right_logical3A_499 = arith.constant 16 : i32
        %shift_right_logical3A_500 = vector.broadcast %shift_right_logical3A_499 : i32 to vector<16xi32>
        %shift_right_logical3A_501 = arith.shrui %get3A_498, %shift_right_logical3A_500 : vector<16xi32>
        %swap3A_502 = arith.constant 0 : index
        %swap3A_503 = tpu.vector_load %arg11[%swap3A_502] {strides = array<i32>} : memref<128xi32, #tpu.memory_space<vmem>>, vector<16xi32>,
        %swap3A_504 = vector.shape_cast %swap3A_503 : vector<16xi32> to vector<16xi32>
        %swap3A_505 = vector.shape_cast %shift_right_logical3A_501 : vector<16xi32> to vector<16xi32>
        tpu.vector_store %arg11[%swap3A_502], %swap3A_505 {strides = array<i32>} : memref<128xi32, #tpu.memory_space<vmem>>, vector<16xi32>,
        %get3A_506 = arith.index_cast %add3A_489 : i32 to index
        %get3A_507 = arith.constant 16 : index
        %get3A_508 = tpu.vector_load %arg6[%get3A_506, %get3A_507] {strides = array<i32>} : memref<80x128xi32, #tpu.memory_space<vmem>>, vector<1x16xi32>,
        %get3A_509 = vector.shape_cast %get3A_508 : vector<1x16xi32> to vector<16xi32>
        %shift_right_logical3A_510 = arith.constant 16 : i32
        %shift_right_logical3A_511 = vector.broadcast %shift_right_logical3A_510 : i32 to vector<16xi32>
        %shift_right_logical3A_512 = arith.shrui %get3A_509, %shift_right_logical3A_511 : vector<16xi32>
        %swap3A_513 = arith.constant 16 : index
        %swap3A_514 = tpu.vector_load %arg11[%swap3A_513] {strides = array<i32>} : memref<128xi32, #tpu.memory_space<vmem>>, vector<16xi32>,
        %swap3A_515 = vector.shape_cast %swap3A_514 : vector<16xi32> to vector<16xi32>
        %swap3A_516 = vector.shape_cast %shift_right_logical3A_512 : vector<16xi32> to vector<16xi32>
        tpu.vector_store %arg11[%swap3A_513], %swap3A_516 {strides = array<i32>} : memref<128xi32, #tpu.memory_space<vmem>>, vector<16xi32>,
        %get3A_517 = arith.index_cast %add3A_489 : i32 to index
        %get3A_518 = arith.constant 32 : index
        %get3A_519 = tpu.vector_load %arg6[%get3A_517, %get3A_518] {strides = array<i32>} : memref<80x128xi32, #tpu.memory_space<vmem>>, vector<1x16xi32>,
        %get3A_520 = vector.shape_cast %get3A_519 : vector<1x16xi32> to vector<16xi32>
        %shift_right_logical3A_521 = arith.constant 16 : i32
        %shift_right_logical3A_522 = vector.broadcast %shift_right_logical3A_521 : i32 to vector<16xi32>
        %shift_right_logical3A_523 = arith.shrui %get3A_520, %shift_right_logical3A_522 : vector<16xi32>
        %swap3A_524 = arith.constant 32 : index
        %swap3A_525 = tpu.vector_load %arg11[%swap3A_524] {strides = array<i32>} : memref<128xi32, #tpu.memory_space<vmem>>, vector<16xi32>,
        %swap3A_526 = vector.shape_cast %swap3A_525 : vector<16xi32> to vector<16xi32>
        %swap3A_527 = vector.shape_cast %shift_right_logical3A_523 : vector<16xi32> to vector<16xi32>
        tpu.vector_store %arg11[%swap3A_524], %swap3A_527 {strides = array<i32>} : memref<128xi32, #tpu.memory_space<vmem>>, vector<16xi32>,
        %get3A_528 = arith.index_cast %add3A_489 : i32 to index
        %get3A_529 = arith.constant 48 : index
        %get3A_530 = tpu.vector_load %arg6[%get3A_528, %get3A_529] {strides = array<i32>} : memref<80x128xi32, #tpu.memory_space<vmem>>, vector<1x16xi32>,
        %get3A_531 = vector.shape_cast %get3A_530 : vector<1x16xi32> to vector<16xi32>
        %shift_right_logical3A_532 = arith.constant 16 : i32
        %shift_right_logical3A_533 = vector.broadcast %shift_right_logical3A_532 : i32 to vector<16xi32>
        %shift_right_logical3A_534 = arith.shrui %get3A_531, %shift_right_logical3A_533 : vector<16xi32>
        %swap3A_535 = arith.constant 48 : index
        %swap3A_536 = tpu.vector_load %arg11[%swap3A_535] {strides = array<i32>} : memref<128xi32, #tpu.memory_space<vmem>>, vector<16xi32>,
        %swap3A_537 = vector.shape_cast %swap3A_536 : vector<16xi32> to vector<16xi32>
        %swap3A_538 = vector.shape_cast %shift_right_logical3A_534 : vector<16xi32> to vector<16xi32>
        tpu.vector_store %arg11[%swap3A_535], %swap3A_538 {strides = array<i32>} : memref<128xi32, #tpu.memory_space<vmem>>, vector<16xi32>,
        %get3A_539 = arith.index_cast %add3A_489 : i32 to index
        %get3A_540 = arith.constant 64 : index
        %get3A_541 = tpu.vector_load %arg6[%get3A_539, %get3A_540] {strides = array<i32>} : memref<80x128xi32, #tpu.memory_space<vmem>>, vector<1x16xi32>,
        %get3A_542 = vector.shape_cast %get3A_541 : vector<1x16xi32> to vector<16xi32>
        %shift_right_logical3A_543 = arith.constant 16 : i32
        %shift_right_logical3A_544 = vector.broadcast %shift_right_logical3A_543 : i32 to vector<16xi32>
        %shift_right_logical3A_545 = arith.shrui %get3A_542, %shift_right_logical3A_544 : vector<16xi32>
        %swap3A_546 = arith.constant 64 : index
        %swap3A_547 = tpu.vector_load %arg11[%swap3A_546] {strides = array<i32>} : memref<128xi32, #tpu.memory_space<vmem>>, vector<16xi32>,
        %swap3A_548 = vector.shape_cast %swap3A_547 : vector<16xi32> to vector<16xi32>
        %swap3A_549 = vector.shape_cast %shift_right_logical3A_545 : vector<16xi32> to vector<16xi32>
        tpu.vector_store %arg11[%swap3A_546], %swap3A_549 {strides = array<i32>} : memref<128xi32, #tpu.memory_space<vmem>>, vector<16xi32>,
        %get3A_550 = arith.index_cast %add3A_489 : i32 to index
        %get3A_551 = arith.constant 80 : index
        %get3A_552 = tpu.vector_load %arg6[%get3A_550, %get3A_551] {strides = array<i32>} : memref<80x128xi32, #tpu.memory_space<vmem>>, vector<1x16xi32>,
        %get3A_553 = vector.shape_cast %get3A_552 : vector<1x16xi32> to vector<16xi32>
        %shift_right_logical3A_554 = arith.constant 16 : i32
        %shift_right_logical3A_555 = vector.broadcast %shift_right_logical3A_554 : i32 to vector<16xi32>
        %shift_right_logical3A_556 = arith.shrui %get3A_553, %shift_right_logical3A_555 : vector<16xi32>
        %swap3A_557 = arith.constant 80 : index
        %swap3A_558 = tpu.vector_load %arg11[%swap3A_557] {strides = array<i32>} : memref<128xi32, #tpu.memory_space<vmem>>, vector<16xi32>,
        %swap3A_559 = vector.shape_cast %swap3A_558 : vector<16xi32> to vector<16xi32>
        %swap3A_560 = vector.shape_cast %shift_right_logical3A_556 : vector<16xi32> to vector<16xi32>
        tpu.vector_store %arg11[%swap3A_557], %swap3A_560 {strides = array<i32>} : memref<128xi32, #tpu.memory_space<vmem>>, vector<16xi32>,
        %get3A_561 = arith.index_cast %add3A_489 : i32 to index
        %get3A_562 = arith.constant 96 : index
        %get3A_563 = tpu.vector_load %arg6[%get3A_561, %get3A_562] {strides = array<i32>} : memref<80x128xi32, #tpu.memory_space<vmem>>, vector<1x16xi32>,
        %get3A_564 = vector.shape_cast %get3A_563 : vector<1x16xi32> to vector<16xi32>
        %shift_right_logical3A_565 = arith.constant 16 : i32
        %shift_right_logical3A_566 = vector.broadcast %shift_right_logical3A_565 : i32 to vector<16xi32>
        %shift_right_logical3A_567 = arith.shrui %get3A_564, %shift_right_logical3A_566 : vector<16xi32>
        %swap3A_568 = arith.constant 96 : index
        %swap3A_569 = tpu.vector_load %arg11[%swap3A_568] {strides = array<i32>} : memref<128xi32, #tpu.memory_space<vmem>>, vector<16xi32>,
        %swap3A_570 = vector.shape_cast %swap3A_569 : vector<16xi32> to vector<16xi32>
        %swap3A_571 = vector.shape_cast %shift_right_logical3A_567 : vector<16xi32> to vector<16xi32>
        tpu.vector_store %arg11[%swap3A_568], %swap3A_571 {strides = array<i32>} : memref<128xi32, #tpu.memory_space<vmem>>, vector<16xi32>,
        %get3A_572 = arith.index_cast %add3A_489 : i32 to index
        %get3A_573 = arith.constant 112 : index
        %get3A_574 = tpu.vector_load %arg6[%get3A_572, %get3A_573] {strides = array<i32>} : memref<80x128xi32, #tpu.memory_space<vmem>>, vector<1x16xi32>,
        %get3A_575 = vector.shape_cast %get3A_574 : vector<1x16xi32> to vector<16xi32>
        %shift_right_logical3A_576 = arith.constant 16 : i32
        %shift_right_logical3A_577 = vector.broadcast %shift_right_logical3A_576 : i32 to vector<16xi32>
        %shift_right_logical3A_578 = arith.shrui %get3A_575, %shift_right_logical3A_577 : vector<16xi32>
        %swap3A_579 = arith.constant 112 : index
        %swap3A_580 = tpu.vector_load %arg11[%swap3A_579] {strides = array<i32>} : memref<128xi32, #tpu.memory_space<vmem>>, vector<16xi32>,
        %swap3A_581 = vector.shape_cast %swap3A_580 : vector<16xi32> to vector<16xi32>
        %swap3A_582 = vector.shape_cast %shift_right_logical3A_578 : vector<16xi32> to vector<16xi32>
        tpu.vector_store %arg11[%swap3A_579], %swap3A_582 {strides = array<i32>} : memref<128xi32, #tpu.memory_space<vmem>>, vector<16xi32>,
        %dma_start3A_583 = arith.constant 0 : i32
        %dma_start3A_584 = tpu.memref_slice %arg4[%dma_start3A_583] : memref<10240xf32, #tpu.memory_space<vmem_shared>> -> memref<10240xf32, #tpu.memory_space<vmem_shared>>
        tpu.enqueue_indirect_dma source(%arg5 : memref<128xf32, #tpu.memory_space<vmem>>) target(%dma_start3A_584 : memref<10240xf32, #tpu.memory_space<vmem_shared>>) offsets(%arg11 : memref<128xi32, #tpu.memory_space<vmem>>) semaphore(%arg17 : memref<!tpu.dma_semaphore, #tpu.memory_space<semaphore_mem>>) {add = true}
      } else {
      }
    }
    %scan3A_422 = arith.constant 19 : i32
    %dma_wait3A_423 = arith.constant 0 : i32
    %dma_wait3A_424 = tpu.memref_slice %arg4[%dma_wait3A_423] : memref<10240xf32, #tpu.memory_space<vmem_shared>> -> memref<10240xf32, #tpu.memory_space<vmem_shared>>
    tpu.wait_indirect_dma semaphore(%arg14 : memref<!tpu.dma_semaphore, #tpu.memory_space<semaphore_mem>>) src(%arg5 : memref<128xf32, #tpu.memory_space<vmem>>) dst(%dma_wait3A_424 : memref<10240xf32, #tpu.memory_space<vmem_shared>>)
    %dma_wait3A_425 = arith.constant 0 : i32
    %dma_wait3A_426 = tpu.memref_slice %arg4[%dma_wait3A_425] : memref<10240xf32, #tpu.memory_space<vmem_shared>> -> memref<10240xf32, #tpu.memory_space<vmem_shared>>
    tpu.wait_indirect_dma semaphore(%arg15 : memref<!tpu.dma_semaphore, #tpu.memory_space<semaphore_mem>>) src(%arg5 : memref<128xf32, #tpu.memory_space<vmem>>) dst(%dma_wait3A_426 : memref<10240xf32, #tpu.memory_space<vmem_shared>>)
    %get3A_427 = arith.constant 78 : i32
    %get3A_428 = arith.index_cast %get3A_427 : i32 to index
    %get3A_429 = arith.constant 0 : index
    %get3A_430 = tpu.vector_load %arg6[%get3A_428, %get3A_429] {strides = array<i32>} : memref<80x128xi32, #tpu.memory_space<vmem>>, vector<1x16xi32>,
    %get3A_431 = vector.shape_cast %get3A_430 : vector<1x16xi32> to vector<16xi32>
    %shift_right_logical3A_432 = arith.constant 16 : i32
    %shift_right_logical3A_433 = vector.broadcast %shift_right_logical3A_432 : i32 to vector<16xi32>
    %shift_right_logical3A_434 = arith.shrui %get3A_431, %shift_right_logical3A_433 : vector<16xi32>
    %swap3A_435 = arith.constant 0 : index
    %swap3A_436 = tpu.vector_load %arg12[%swap3A_435] {strides = array<i32>} : memref<16xi32, #tpu.memory_space<vmem>>, vector<16xi32>,
    %swap3A_437 = vector.shape_cast %swap3A_436 : vector<16xi32> to vector<16xi32>
    %swap3A_438 = vector.shape_cast %shift_right_logical3A_434 : vector<16xi32> to vector<16xi32>
    tpu.vector_store %arg12[%swap3A_435], %swap3A_438 {strides = array<i32>} : memref<16xi32, #tpu.memory_space<vmem>>, vector<16xi32>,
    "tpu.region"() ({
      %run_scoped3A = tpu.sem_alloc : memref<!tpu.dma_semaphore, #tpu.memory_space<semaphore_mem>>
      %dma_start3A_442 = arith.constant 0 : i32
      %dma_start3A_443 = tpu.memref_slice %arg5[%dma_start3A_442] : memref<128xf32, #tpu.memory_space<vmem>> -> memref<16xf32, #tpu.memory_space<vmem>>
      %dma_start3A_444 = arith.constant 0 : i32
      %dma_start3A_445 = tpu.memref_slice %arg4[%dma_start3A_444] : memref<10240xf32, #tpu.memory_space<vmem_shared>> -> memref<10240xf32, #tpu.memory_space<vmem_shared>>
      tpu.enqueue_indirect_dma source(%dma_start3A_443 : memref<16xf32, #tpu.memory_space<vmem>>) target(%dma_start3A_445 : memref<10240xf32, #tpu.memory_space<vmem_shared>>) offsets(%arg12 : memref<16xi32, #tpu.memory_space<vmem>>) semaphore(%run_scoped3A : memref<!tpu.dma_semaphore, #tpu.memory_space<semaphore_mem>>) {add = true}
      %dma_wait3A_446 = arith.constant 0 : i32
      %dma_wait3A_447 = tpu.memref_slice %arg5[%dma_wait3A_446] : memref<128xf32, #tpu.memory_space<vmem>> -> memref<16xf32, #tpu.memory_space<vmem>>
      %dma_wait3A_448 = arith.constant 0 : i32
      %dma_wait3A_449 = tpu.memref_slice %arg4[%dma_wait3A_448] : memref<10240xf32, #tpu.memory_space<vmem_shared>> -> memref<10240xf32, #tpu.memory_space<vmem_shared>>
      tpu.wait_indirect_dma semaphore(%run_scoped3A : memref<!tpu.dma_semaphore, #tpu.memory_space<semaphore_mem>>) src(%dma_wait3A_447 : memref<16xf32, #tpu.memory_space<vmem>>) dst(%dma_wait3A_449 : memref<10240xf32, #tpu.memory_space<vmem_shared>>)
      tpu.yield
    }) : () -> ()
    %barrier3A_439 = arith.constant 0 : index
    tpu.barrier barrier_id(%barrier3A_439)
    %lt3A = arith.constant 10 : i32
    %lt3A_440 = arith.cmpi slt, %arg1, %lt3A : i32
    %convert_element_type3A = arith.extui %lt3A_440 : i1 to i32
    %cond3A = arith.constant 0 : i32
    %cond3A_441 = arith.cmpi ne, %convert_element_type3A, %cond3A : i32
    scf.if %cond3A_441 {
      %mul3A_442 = arith.constant 1024 : i32
      %mul3A_443 = arith.muli %arg1, %mul3A_442 : i32
      %add3A_444 = arith.constant 0 : i32
      %add3A_445 = arith.addi %mul3A_443, %add3A_444 : i32
      %run_scoped3A = arith.constant 0 : i32
      "tpu.region"() ({
        %run_scoped3A_486 = tpu.sem_alloc : memref<!tpu.dma_semaphore, #tpu.memory_space<semaphore_mem>>
        %dma_start3A_487 = arith.constant 0 : i32
        %dma_start3A_488 = tpu.memref_slice %arg7[%run_scoped3A, %dma_start3A_487] : memref<8x128xf32, #tpu.memory_space<vmem>> -> memref<1x128xf32, #tpu.memory_space<vmem>>
        %dma_start3A_489 = tpu.memref_squeeze %dma_start3A_488 : memref<1x128xf32, #tpu.memory_space<vmem>> -> memref<128xf32, #tpu.memory_space<vmem>>
        %dma_start3A_490 = tpu.memref_slice %arg4[%add3A_445] : memref<10240xf32, #tpu.memory_space<vmem_shared>> -> memref<128xf32, #tpu.memory_space<vmem_shared>>
        %dma_start3A_491 = arith.constant 0 : i32
        %dma_start3A_492 = tpu.memref_slice %arg7[%run_scoped3A, %dma_start3A_491] : memref<8x128xf32, #tpu.memory_space<vmem>> -> memref<1x128xf32, #tpu.memory_space<vmem>>
        %dma_start3A_493 = tpu.memref_squeeze %dma_start3A_492 : memref<1x128xf32, #tpu.memory_space<vmem>> -> memref<128xf32, #tpu.memory_space<vmem>>
        %dma_start3A_494 = tpu.memref_slice %arg4[%add3A_445] : memref<10240xf32, #tpu.memory_space<vmem_shared>> -> memref<128xf32, #tpu.memory_space<vmem_shared>>
        tpu.enqueue_dma source(%dma_start3A_494 : memref<128xf32, #tpu.memory_space<vmem_shared>>) target(%dma_start3A_493 : memref<128xf32, #tpu.memory_space<vmem>>) target_semaphore(%run_scoped3A_486 : memref<!tpu.dma_semaphore, #tpu.memory_space<semaphore_mem>>)
        %dma_wait3A_495 = arith.constant 0 : i32
        %dma_wait3A_496 = tpu.memref_slice %arg7[%run_scoped3A, %dma_wait3A_495] : memref<8x128xf32, #tpu.memory_space<vmem>> -> memref<1x128xf32, #tpu.memory_space<vmem>>
        %dma_wait3A_497 = tpu.memref_squeeze %dma_wait3A_496 : memref<1x128xf32, #tpu.memory_space<vmem>> -> memref<128xf32, #tpu.memory_space<vmem>>
        %dma_wait3A_498 = tpu.memref_slice %arg4[%add3A_445] : memref<10240xf32, #tpu.memory_space<vmem_shared>> -> memref<128xf32, #tpu.memory_space<vmem_shared>>
        %dma_wait3A_499 = arith.constant 0 : i32
        %dma_wait3A_500 = tpu.memref_slice %arg7[%run_scoped3A, %dma_wait3A_499] : memref<8x128xf32, #tpu.memory_space<vmem>> -> memref<1x128xf32, #tpu.memory_space<vmem>>
        %dma_wait3A_501 = tpu.memref_squeeze %dma_wait3A_500 : memref<1x128xf32, #tpu.memory_space<vmem>> -> memref<128xf32, #tpu.memory_space<vmem>>
        %dma_wait3A_502 = tpu.memref_slice %arg4[%add3A_445] : memref<10240xf32, #tpu.memory_space<vmem_shared>> -> memref<128xf32, #tpu.memory_space<vmem_shared>>
        tpu.wait_dma2 semaphore(%run_scoped3A_486 : memref<!tpu.dma_semaphore, #tpu.memory_space<semaphore_mem>>) src(%dma_wait3A_502 : memref<128xf32, #tpu.memory_space<vmem_shared>>) dst(%dma_wait3A_501 : memref<128xf32, #tpu.memory_space<vmem>>)
        tpu.yield
      }) : () -> ()
      %mul3A_446 = arith.constant 1024 : i32
      %mul3A_447 = arith.muli %arg1, %mul3A_446 : i32
      %add3A_448 = arith.constant 128 : i32
      %add3A_449 = arith.addi %mul3A_447, %add3A_448 : i32
      %run_scoped3A_450 = arith.constant 1 : i32
      "tpu.region"() ({
        %run_scoped3A_486 = tpu.sem_alloc : memref<!tpu.dma_semaphore, #tpu.memory_space<semaphore_mem>>
        %dma_start3A_487 = arith.constant 0 : i32
        %dma_start3A_488 = tpu.memref_slice %arg7[%run_scoped3A_450, %dma_start3A_487] : memref<8x128xf32, #tpu.memory_space<vmem>> -> memref<1x128xf32, #tpu.memory_space<vmem>>
        %dma_start3A_489 = tpu.memref_squeeze %dma_start3A_488 : memref<1x128xf32, #tpu.memory_space<vmem>> -> memref<128xf32, #tpu.memory_space<vmem>>
        %dma_start3A_490 = tpu.memref_slice %arg4[%add3A_449] : memref<10240xf32, #tpu.memory_space<vmem_shared>> -> memref<128xf32, #tpu.memory_space<vmem_shared>>
        %dma_start3A_491 = arith.constant 0 : i32
        %dma_start3A_492 = tpu.memref_slice %arg7[%run_scoped3A_450, %dma_start3A_491] : memref<8x128xf32, #tpu.memory_space<vmem>> -> memref<1x128xf32, #tpu.memory_space<vmem>>
        %dma_start3A_493 = tpu.memref_squeeze %dma_start3A_492 : memref<1x128xf32, #tpu.memory_space<vmem>> -> memref<128xf32, #tpu.memory_space<vmem>>
        %dma_start3A_494 = tpu.memref_slice %arg4[%add3A_449] : memref<10240xf32, #tpu.memory_space<vmem_shared>> -> memref<128xf32, #tpu.memory_space<vmem_shared>>
        tpu.enqueue_dma source(%dma_start3A_494 : memref<128xf32, #tpu.memory_space<vmem_shared>>) target(%dma_start3A_493 : memref<128xf32, #tpu.memory_space<vmem>>) target_semaphore(%run_scoped3A_486 : memref<!tpu.dma_semaphore, #tpu.memory_space<semaphore_mem>>)
        %dma_wait3A_495 = arith.constant 0 : i32
        %dma_wait3A_496 = tpu.memref_slice %arg7[%run_scoped3A_450, %dma_wait3A_495] : memref<8x128xf32, #tpu.memory_space<vmem>> -> memref<1x128xf32, #tpu.memory_space<vmem>>
        %dma_wait3A_497 = tpu.memref_squeeze %dma_wait3A_496 : memref<1x128xf32, #tpu.memory_space<vmem>> -> memref<128xf32, #tpu.memory_space<vmem>>
        %dma_wait3A_498 = tpu.memref_slice %arg4[%add3A_449] : memref<10240xf32, #tpu.memory_space<vmem_shared>> -> memref<128xf32, #tpu.memory_space<vmem_shared>>
        %dma_wait3A_499 = arith.constant 0 : i32
        %dma_wait3A_500 = tpu.memref_slice %arg7[%run_scoped3A_450, %dma_wait3A_499] : memref<8x128xf32, #tpu.memory_space<vmem>> -> memref<1x128xf32, #tpu.memory_space<vmem>>
        %dma_wait3A_501 = tpu.memref_squeeze %dma_wait3A_500 : memref<1x128xf32, #tpu.memory_space<vmem>> -> memref<128xf32, #tpu.memory_space<vmem>>
        %dma_wait3A_502 = tpu.memref_slice %arg4[%add3A_449] : memref<10240xf32, #tpu.memory_space<vmem_shared>> -> memref<128xf32, #tpu.memory_space<vmem_shared>>
        tpu.wait_dma2 semaphore(%run_scoped3A_486 : memref<!tpu.dma_semaphore, #tpu.memory_space<semaphore_mem>>) src(%dma_wait3A_502 : memref<128xf32, #tpu.memory_space<vmem_shared>>) dst(%dma_wait3A_501 : memref<128xf32, #tpu.memory_space<vmem>>)
        tpu.yield
      }) : () -> ()
      %mul3A_451 = arith.constant 1024 : i32
      %mul3A_452 = arith.muli %arg1, %mul3A_451 : i32
      %add3A_453 = arith.constant 256 : i32
      %add3A_454 = arith.addi %mul3A_452, %add3A_453 : i32
      %run_scoped3A_455 = arith.constant 2 : i32
      "tpu.region"() ({
        %run_scoped3A_486 = tpu.sem_alloc : memref<!tpu.dma_semaphore, #tpu.memory_space<semaphore_mem>>
        %dma_start3A_487 = arith.constant 0 : i32
        %dma_start3A_488 = tpu.memref_slice %arg7[%run_scoped3A_455, %dma_start3A_487] : memref<8x128xf32, #tpu.memory_space<vmem>> -> memref<1x128xf32, #tpu.memory_space<vmem>>
        %dma_start3A_489 = tpu.memref_squeeze %dma_start3A_488 : memref<1x128xf32, #tpu.memory_space<vmem>> -> memref<128xf32, #tpu.memory_space<vmem>>
        %dma_start3A_490 = tpu.memref_slice %arg4[%add3A_454] : memref<10240xf32, #tpu.memory_space<vmem_shared>> -> memref<128xf32, #tpu.memory_space<vmem_shared>>
        %dma_start3A_491 = arith.constant 0 : i32
        %dma_start3A_492 = tpu.memref_slice %arg7[%run_scoped3A_455, %dma_start3A_491] : memref<8x128xf32, #tpu.memory_space<vmem>> -> memref<1x128xf32, #tpu.memory_space<vmem>>
        %dma_start3A_493 = tpu.memref_squeeze %dma_start3A_492 : memref<1x128xf32, #tpu.memory_space<vmem>> -> memref<128xf32, #tpu.memory_space<vmem>>
        %dma_start3A_494 = tpu.memref_slice %arg4[%add3A_454] : memref<10240xf32, #tpu.memory_space<vmem_shared>> -> memref<128xf32, #tpu.memory_space<vmem_shared>>
        tpu.enqueue_dma source(%dma_start3A_494 : memref<128xf32, #tpu.memory_space<vmem_shared>>) target(%dma_start3A_493 : memref<128xf32, #tpu.memory_space<vmem>>) target_semaphore(%run_scoped3A_486 : memref<!tpu.dma_semaphore, #tpu.memory_space<semaphore_mem>>)
        %dma_wait3A_495 = arith.constant 0 : i32
        %dma_wait3A_496 = tpu.memref_slice %arg7[%run_scoped3A_455, %dma_wait3A_495] : memref<8x128xf32, #tpu.memory_space<vmem>> -> memref<1x128xf32, #tpu.memory_space<vmem>>
        %dma_wait3A_497 = tpu.memref_squeeze %dma_wait3A_496 : memref<1x128xf32, #tpu.memory_space<vmem>> -> memref<128xf32, #tpu.memory_space<vmem>>
        %dma_wait3A_498 = tpu.memref_slice %arg4[%add3A_454] : memref<10240xf32, #tpu.memory_space<vmem_shared>> -> memref<128xf32, #tpu.memory_space<vmem_shared>>
        %dma_wait3A_499 = arith.constant 0 : i32
        %dma_wait3A_500 = tpu.memref_slice %arg7[%run_scoped3A_455, %dma_wait3A_499] : memref<8x128xf32, #tpu.memory_space<vmem>> -> memref<1x128xf32, #tpu.memory_space<vmem>>
        %dma_wait3A_501 = tpu.memref_squeeze %dma_wait3A_500 : memref<1x128xf32, #tpu.memory_space<vmem>> -> memref<128xf32, #tpu.memory_space<vmem>>
        %dma_wait3A_502 = tpu.memref_slice %arg4[%add3A_454] : memref<10240xf32, #tpu.memory_space<vmem_shared>> -> memref<128xf32, #tpu.memory_space<vmem_shared>>
        tpu.wait_dma2 semaphore(%run_scoped3A_486 : memref<!tpu.dma_semaphore, #tpu.memory_space<semaphore_mem>>) src(%dma_wait3A_502 : memref<128xf32, #tpu.memory_space<vmem_shared>>) dst(%dma_wait3A_501 : memref<128xf32, #tpu.memory_space<vmem>>)
        tpu.yield
      }) : () -> ()
      %mul3A_456 = arith.constant 1024 : i32
      %mul3A_457 = arith.muli %arg1, %mul3A_456 : i32
      %add3A_458 = arith.constant 384 : i32
      %add3A_459 = arith.addi %mul3A_457, %add3A_458 : i32
      %run_scoped3A_460 = arith.constant 3 : i32
      "tpu.region"() ({
        %run_scoped3A_486 = tpu.sem_alloc : memref<!tpu.dma_semaphore, #tpu.memory_space<semaphore_mem>>
        %dma_start3A_487 = arith.constant 0 : i32
        %dma_start3A_488 = tpu.memref_slice %arg7[%run_scoped3A_460, %dma_start3A_487] : memref<8x128xf32, #tpu.memory_space<vmem>> -> memref<1x128xf32, #tpu.memory_space<vmem>>
        %dma_start3A_489 = tpu.memref_squeeze %dma_start3A_488 : memref<1x128xf32, #tpu.memory_space<vmem>> -> memref<128xf32, #tpu.memory_space<vmem>>
        %dma_start3A_490 = tpu.memref_slice %arg4[%add3A_459] : memref<10240xf32, #tpu.memory_space<vmem_shared>> -> memref<128xf32, #tpu.memory_space<vmem_shared>>
        %dma_start3A_491 = arith.constant 0 : i32
        %dma_start3A_492 = tpu.memref_slice %arg7[%run_scoped3A_460, %dma_start3A_491] : memref<8x128xf32, #tpu.memory_space<vmem>> -> memref<1x128xf32, #tpu.memory_space<vmem>>
        %dma_start3A_493 = tpu.memref_squeeze %dma_start3A_492 : memref<1x128xf32, #tpu.memory_space<vmem>> -> memref<128xf32, #tpu.memory_space<vmem>>
        %dma_start3A_494 = tpu.memref_slice %arg4[%add3A_459] : memref<10240xf32, #tpu.memory_space<vmem_shared>> -> memref<128xf32, #tpu.memory_space<vmem_shared>>
        tpu.enqueue_dma source(%dma_start3A_494 : memref<128xf32, #tpu.memory_space<vmem_shared>>) target(%dma_start3A_493 : memref<128xf32, #tpu.memory_space<vmem>>) target_semaphore(%run_scoped3A_486 : memref<!tpu.dma_semaphore, #tpu.memory_space<semaphore_mem>>)
        %dma_wait3A_495 = arith.constant 0 : i32
        %dma_wait3A_496 = tpu.memref_slice %arg7[%run_scoped3A_460, %dma_wait3A_495] : memref<8x128xf32, #tpu.memory_space<vmem>> -> memref<1x128xf32, #tpu.memory_space<vmem>>
        %dma_wait3A_497 = tpu.memref_squeeze %dma_wait3A_496 : memref<1x128xf32, #tpu.memory_space<vmem>> -> memref<128xf32, #tpu.memory_space<vmem>>
        %dma_wait3A_498 = tpu.memref_slice %arg4[%add3A_459] : memref<10240xf32, #tpu.memory_space<vmem_shared>> -> memref<128xf32, #tpu.memory_space<vmem_shared>>
        %dma_wait3A_499 = arith.constant 0 : i32
        %dma_wait3A_500 = tpu.memref_slice %arg7[%run_scoped3A_460, %dma_wait3A_499] : memref<8x128xf32, #tpu.memory_space<vmem>> -> memref<1x128xf32, #tpu.memory_space<vmem>>
        %dma_wait3A_501 = tpu.memref_squeeze %dma_wait3A_500 : memref<1x128xf32, #tpu.memory_space<vmem>> -> memref<128xf32, #tpu.memory_space<vmem>>
        %dma_wait3A_502 = tpu.memref_slice %arg4[%add3A_459] : memref<10240xf32, #tpu.memory_space<vmem_shared>> -> memref<128xf32, #tpu.memory_space<vmem_shared>>
        tpu.wait_dma2 semaphore(%run_scoped3A_486 : memref<!tpu.dma_semaphore, #tpu.memory_space<semaphore_mem>>) src(%dma_wait3A_502 : memref<128xf32, #tpu.memory_space<vmem_shared>>) dst(%dma_wait3A_501 : memref<128xf32, #tpu.memory_space<vmem>>)
        tpu.yield
      }) : () -> ()
      %mul3A_461 = arith.constant 1024 : i32
      %mul3A_462 = arith.muli %arg1, %mul3A_461 : i32
      %add3A_463 = arith.constant 512 : i32
      %add3A_464 = arith.addi %mul3A_462, %add3A_463 : i32
      %run_scoped3A_465 = arith.constant 4 : i32
      "tpu.region"() ({
        %run_scoped3A_486 = tpu.sem_alloc : memref<!tpu.dma_semaphore, #tpu.memory_space<semaphore_mem>>
        %dma_start3A_487 = arith.constant 0 : i32
        %dma_start3A_488 = tpu.memref_slice %arg7[%run_scoped3A_465, %dma_start3A_487] : memref<8x128xf32, #tpu.memory_space<vmem>> -> memref<1x128xf32, #tpu.memory_space<vmem>>
        %dma_start3A_489 = tpu.memref_squeeze %dma_start3A_488 : memref<1x128xf32, #tpu.memory_space<vmem>> -> memref<128xf32, #tpu.memory_space<vmem>>
        %dma_start3A_490 = tpu.memref_slice %arg4[%add3A_464] : memref<10240xf32, #tpu.memory_space<vmem_shared>> -> memref<128xf32, #tpu.memory_space<vmem_shared>>
        %dma_start3A_491 = arith.constant 0 : i32
        %dma_start3A_492 = tpu.memref_slice %arg7[%run_scoped3A_465, %dma_start3A_491] : memref<8x128xf32, #tpu.memory_space<vmem>> -> memref<1x128xf32, #tpu.memory_space<vmem>>
        %dma_start3A_493 = tpu.memref_squeeze %dma_start3A_492 : memref<1x128xf32, #tpu.memory_space<vmem>> -> memref<128xf32, #tpu.memory_space<vmem>>
        %dma_start3A_494 = tpu.memref_slice %arg4[%add3A_464] : memref<10240xf32, #tpu.memory_space<vmem_shared>> -> memref<128xf32, #tpu.memory_space<vmem_shared>>
        tpu.enqueue_dma source(%dma_start3A_494 : memref<128xf32, #tpu.memory_space<vmem_shared>>) target(%dma_start3A_493 : memref<128xf32, #tpu.memory_space<vmem>>) target_semaphore(%run_scoped3A_486 : memref<!tpu.dma_semaphore, #tpu.memory_space<semaphore_mem>>)
        %dma_wait3A_495 = arith.constant 0 : i32
        %dma_wait3A_496 = tpu.memref_slice %arg7[%run_scoped3A_465, %dma_wait3A_495] : memref<8x128xf32, #tpu.memory_space<vmem>> -> memref<1x128xf32, #tpu.memory_space<vmem>>
        %dma_wait3A_497 = tpu.memref_squeeze %dma_wait3A_496 : memref<1x128xf32, #tpu.memory_space<vmem>> -> memref<128xf32, #tpu.memory_space<vmem>>
        %dma_wait3A_498 = tpu.memref_slice %arg4[%add3A_464] : memref<10240xf32, #tpu.memory_space<vmem_shared>> -> memref<128xf32, #tpu.memory_space<vmem_shared>>
        %dma_wait3A_499 = arith.constant 0 : i32
        %dma_wait3A_500 = tpu.memref_slice %arg7[%run_scoped3A_465, %dma_wait3A_499] : memref<8x128xf32, #tpu.memory_space<vmem>> -> memref<1x128xf32, #tpu.memory_space<vmem>>
        %dma_wait3A_501 = tpu.memref_squeeze %dma_wait3A_500 : memref<1x128xf32, #tpu.memory_space<vmem>> -> memref<128xf32, #tpu.memory_space<vmem>>
        %dma_wait3A_502 = tpu.memref_slice %arg4[%add3A_464] : memref<10240xf32, #tpu.memory_space<vmem_shared>> -> memref<128xf32, #tpu.memory_space<vmem_shared>>
        tpu.wait_dma2 semaphore(%run_scoped3A_486 : memref<!tpu.dma_semaphore, #tpu.memory_space<semaphore_mem>>) src(%dma_wait3A_502 : memref<128xf32, #tpu.memory_space<vmem_shared>>) dst(%dma_wait3A_501 : memref<128xf32, #tpu.memory_space<vmem>>)
        tpu.yield
      }) : () -> ()
      %mul3A_466 = arith.constant 1024 : i32
      %mul3A_467 = arith.muli %arg1, %mul3A_466 : i32
      %add3A_468 = arith.constant 640 : i32
      %add3A_469 = arith.addi %mul3A_467, %add3A_468 : i32
      %run_scoped3A_470 = arith.constant 5 : i32
      "tpu.region"() ({
        %run_scoped3A_486 = tpu.sem_alloc : memref<!tpu.dma_semaphore, #tpu.memory_space<semaphore_mem>>
        %dma_start3A_487 = arith.constant 0 : i32
        %dma_start3A_488 = tpu.memref_slice %arg7[%run_scoped3A_470, %dma_start3A_487] : memref<8x128xf32, #tpu.memory_space<vmem>> -> memref<1x128xf32, #tpu.memory_space<vmem>>
        %dma_start3A_489 = tpu.memref_squeeze %dma_start3A_488 : memref<1x128xf32, #tpu.memory_space<vmem>> -> memref<128xf32, #tpu.memory_space<vmem>>
        %dma_start3A_490 = tpu.memref_slice %arg4[%add3A_469] : memref<10240xf32, #tpu.memory_space<vmem_shared>> -> memref<128xf32, #tpu.memory_space<vmem_shared>>
        %dma_start3A_491 = arith.constant 0 : i32
        %dma_start3A_492 = tpu.memref_slice %arg7[%run_scoped3A_470, %dma_start3A_491] : memref<8x128xf32, #tpu.memory_space<vmem>> -> memref<1x128xf32, #tpu.memory_space<vmem>>
        %dma_start3A_493 = tpu.memref_squeeze %dma_start3A_492 : memref<1x128xf32, #tpu.memory_space<vmem>> -> memref<128xf32, #tpu.memory_space<vmem>>
        %dma_start3A_494 = tpu.memref_slice %arg4[%add3A_469] : memref<10240xf32, #tpu.memory_space<vmem_shared>> -> memref<128xf32, #tpu.memory_space<vmem_shared>>
        tpu.enqueue_dma source(%dma_start3A_494 : memref<128xf32, #tpu.memory_space<vmem_shared>>) target(%dma_start3A_493 : memref<128xf32, #tpu.memory_space<vmem>>) target_semaphore(%run_scoped3A_486 : memref<!tpu.dma_semaphore, #tpu.memory_space<semaphore_mem>>)
        %dma_wait3A_495 = arith.constant 0 : i32
        %dma_wait3A_496 = tpu.memref_slice %arg7[%run_scoped3A_470, %dma_wait3A_495] : memref<8x128xf32, #tpu.memory_space<vmem>> -> memref<1x128xf32, #tpu.memory_space<vmem>>
        %dma_wait3A_497 = tpu.memref_squeeze %dma_wait3A_496 : memref<1x128xf32, #tpu.memory_space<vmem>> -> memref<128xf32, #tpu.memory_space<vmem>>
        %dma_wait3A_498 = tpu.memref_slice %arg4[%add3A_469] : memref<10240xf32, #tpu.memory_space<vmem_shared>> -> memref<128xf32, #tpu.memory_space<vmem_shared>>
        %dma_wait3A_499 = arith.constant 0 : i32
        %dma_wait3A_500 = tpu.memref_slice %arg7[%run_scoped3A_470, %dma_wait3A_499] : memref<8x128xf32, #tpu.memory_space<vmem>> -> memref<1x128xf32, #tpu.memory_space<vmem>>
        %dma_wait3A_501 = tpu.memref_squeeze %dma_wait3A_500 : memref<1x128xf32, #tpu.memory_space<vmem>> -> memref<128xf32, #tpu.memory_space<vmem>>
        %dma_wait3A_502 = tpu.memref_slice %arg4[%add3A_469] : memref<10240xf32, #tpu.memory_space<vmem_shared>> -> memref<128xf32, #tpu.memory_space<vmem_shared>>
        tpu.wait_dma2 semaphore(%run_scoped3A_486 : memref<!tpu.dma_semaphore, #tpu.memory_space<semaphore_mem>>) src(%dma_wait3A_502 : memref<128xf32, #tpu.memory_space<vmem_shared>>) dst(%dma_wait3A_501 : memref<128xf32, #tpu.memory_space<vmem>>)
        tpu.yield
      }) : () -> ()
      %mul3A_471 = arith.constant 1024 : i32
      %mul3A_472 = arith.muli %arg1, %mul3A_471 : i32
      %add3A_473 = arith.constant 768 : i32
      %add3A_474 = arith.addi %mul3A_472, %add3A_473 : i32
      %run_scoped3A_475 = arith.constant 6 : i32
      "tpu.region"() ({
        %run_scoped3A_486 = tpu.sem_alloc : memref<!tpu.dma_semaphore, #tpu.memory_space<semaphore_mem>>
        %dma_start3A_487 = arith.constant 0 : i32
        %dma_start3A_488 = tpu.memref_slice %arg7[%run_scoped3A_475, %dma_start3A_487] : memref<8x128xf32, #tpu.memory_space<vmem>> -> memref<1x128xf32, #tpu.memory_space<vmem>>
        %dma_start3A_489 = tpu.memref_squeeze %dma_start3A_488 : memref<1x128xf32, #tpu.memory_space<vmem>> -> memref<128xf32, #tpu.memory_space<vmem>>
        %dma_start3A_490 = tpu.memref_slice %arg4[%add3A_474] : memref<10240xf32, #tpu.memory_space<vmem_shared>> -> memref<128xf32, #tpu.memory_space<vmem_shared>>
        %dma_start3A_491 = arith.constant 0 : i32
        %dma_start3A_492 = tpu.memref_slice %arg7[%run_scoped3A_475, %dma_start3A_491] : memref<8x128xf32, #tpu.memory_space<vmem>> -> memref<1x128xf32, #tpu.memory_space<vmem>>
        %dma_start3A_493 = tpu.memref_squeeze %dma_start3A_492 : memref<1x128xf32, #tpu.memory_space<vmem>> -> memref<128xf32, #tpu.memory_space<vmem>>
        %dma_start3A_494 = tpu.memref_slice %arg4[%add3A_474] : memref<10240xf32, #tpu.memory_space<vmem_shared>> -> memref<128xf32, #tpu.memory_space<vmem_shared>>
        tpu.enqueue_dma source(%dma_start3A_494 : memref<128xf32, #tpu.memory_space<vmem_shared>>) target(%dma_start3A_493 : memref<128xf32, #tpu.memory_space<vmem>>) target_semaphore(%run_scoped3A_486 : memref<!tpu.dma_semaphore, #tpu.memory_space<semaphore_mem>>)
        %dma_wait3A_495 = arith.constant 0 : i32
        %dma_wait3A_496 = tpu.memref_slice %arg7[%run_scoped3A_475, %dma_wait3A_495] : memref<8x128xf32, #tpu.memory_space<vmem>> -> memref<1x128xf32, #tpu.memory_space<vmem>>
        %dma_wait3A_497 = tpu.memref_squeeze %dma_wait3A_496 : memref<1x128xf32, #tpu.memory_space<vmem>> -> memref<128xf32, #tpu.memory_space<vmem>>
        %dma_wait3A_498 = tpu.memref_slice %arg4[%add3A_474] : memref<10240xf32, #tpu.memory_space<vmem_shared>> -> memref<128xf32, #tpu.memory_space<vmem_shared>>
        %dma_wait3A_499 = arith.constant 0 : i32
        %dma_wait3A_500 = tpu.memref_slice %arg7[%run_scoped3A_475, %dma_wait3A_499] : memref<8x128xf32, #tpu.memory_space<vmem>> -> memref<1x128xf32, #tpu.memory_space<vmem>>
        %dma_wait3A_501 = tpu.memref_squeeze %dma_wait3A_500 : memref<1x128xf32, #tpu.memory_space<vmem>> -> memref<128xf32, #tpu.memory_space<vmem>>
        %dma_wait3A_502 = tpu.memref_slice %arg4[%add3A_474] : memref<10240xf32, #tpu.memory_space<vmem_shared>> -> memref<128xf32, #tpu.memory_space<vmem_shared>>
        tpu.wait_dma2 semaphore(%run_scoped3A_486 : memref<!tpu.dma_semaphore, #tpu.memory_space<semaphore_mem>>) src(%dma_wait3A_502 : memref<128xf32, #tpu.memory_space<vmem_shared>>) dst(%dma_wait3A_501 : memref<128xf32, #tpu.memory_space<vmem>>)
        tpu.yield
      }) : () -> ()
      %mul3A_476 = arith.constant 1024 : i32
      %mul3A_477 = arith.muli %arg1, %mul3A_476 : i32
      %add3A_478 = arith.constant 896 : i32
      %add3A_479 = arith.addi %mul3A_477, %add3A_478 : i32
      %run_scoped3A_480 = arith.constant 7 : i32
      "tpu.region"() ({
        %run_scoped3A_486 = tpu.sem_alloc : memref<!tpu.dma_semaphore, #tpu.memory_space<semaphore_mem>>
        %dma_start3A_487 = arith.constant 0 : i32
        %dma_start3A_488 = tpu.memref_slice %arg7[%run_scoped3A_480, %dma_start3A_487] : memref<8x128xf32, #tpu.memory_space<vmem>> -> memref<1x128xf32, #tpu.memory_space<vmem>>
        %dma_start3A_489 = tpu.memref_squeeze %dma_start3A_488 : memref<1x128xf32, #tpu.memory_space<vmem>> -> memref<128xf32, #tpu.memory_space<vmem>>
        %dma_start3A_490 = tpu.memref_slice %arg4[%add3A_479] : memref<10240xf32, #tpu.memory_space<vmem_shared>> -> memref<128xf32, #tpu.memory_space<vmem_shared>>
        %dma_start3A_491 = arith.constant 0 : i32
        %dma_start3A_492 = tpu.memref_slice %arg7[%run_scoped3A_480, %dma_start3A_491] : memref<8x128xf32, #tpu.memory_space<vmem>> -> memref<1x128xf32, #tpu.memory_space<vmem>>
        %dma_start3A_493 = tpu.memref_squeeze %dma_start3A_492 : memref<1x128xf32, #tpu.memory_space<vmem>> -> memref<128xf32, #tpu.memory_space<vmem>>
        %dma_start3A_494 = tpu.memref_slice %arg4[%add3A_479] : memref<10240xf32, #tpu.memory_space<vmem_shared>> -> memref<128xf32, #tpu.memory_space<vmem_shared>>
        tpu.enqueue_dma source(%dma_start3A_494 : memref<128xf32, #tpu.memory_space<vmem_shared>>) target(%dma_start3A_493 : memref<128xf32, #tpu.memory_space<vmem>>) target_semaphore(%run_scoped3A_486 : memref<!tpu.dma_semaphore, #tpu.memory_space<semaphore_mem>>)
        %dma_wait3A_495 = arith.constant 0 : i32
        %dma_wait3A_496 = tpu.memref_slice %arg7[%run_scoped3A_480, %dma_wait3A_495] : memref<8x128xf32, #tpu.memory_space<vmem>> -> memref<1x128xf32, #tpu.memory_space<vmem>>
        %dma_wait3A_497 = tpu.memref_squeeze %dma_wait3A_496 : memref<1x128xf32, #tpu.memory_space<vmem>> -> memref<128xf32, #tpu.memory_space<vmem>>
        %dma_wait3A_498 = tpu.memref_slice %arg4[%add3A_479] : memref<10240xf32, #tpu.memory_space<vmem_shared>> -> memref<128xf32, #tpu.memory_space<vmem_shared>>
        %dma_wait3A_499 = arith.constant 0 : i32
        %dma_wait3A_500 = tpu.memref_slice %arg7[%run_scoped3A_480, %dma_wait3A_499] : memref<8x128xf32, #tpu.memory_space<vmem>> -> memref<1x128xf32, #tpu.memory_space<vmem>>
        %dma_wait3A_501 = tpu.memref_squeeze %dma_wait3A_500 : memref<1x128xf32, #tpu.memory_space<vmem>> -> memref<128xf32, #tpu.memory_space<vmem>>
        %dma_wait3A_502 = tpu.memref_slice %arg4[%add3A_479] : memref<10240xf32, #tpu.memory_space<vmem_shared>> -> memref<128xf32, #tpu.memory_space<vmem_shared>>
        tpu.wait_dma2 semaphore(%run_scoped3A_486 : memref<!tpu.dma_semaphore, #tpu.memory_space<semaphore_mem>>) src(%dma_wait3A_502 : memref<128xf32, #tpu.memory_space<vmem_shared>>) dst(%dma_wait3A_501 : memref<128xf32, #tpu.memory_space<vmem>>)
        tpu.yield
      }) : () -> ()
      %mul3A_481 = arith.constant 80 : i32
      %mul3A_482 = arith.muli %arg0, %mul3A_481 : i32
      %mul3A_483 = arith.constant 8 : i32
      %mul3A_484 = arith.muli %arg1, %mul3A_483 : i32
      %add3A_485 = arith.addi %mul3A_482, %mul3A_484 : i32
      "tpu.region"() ({
        %run_scoped3A_486 = tpu.sem_alloc : memref<!tpu.dma_semaphore, #tpu.memory_space<semaphore_mem>>
        %dma_start3A_487 = arith.constant 0 : i32
        %dma_start3A_488 = tpu.memref_slice %arg3[%add3A_485, %dma_start3A_487] : memref<160x128xf32, #tpu.memory_space<hbm>> -> memref<8x128xf32, #tpu.memory_space<hbm>>
        %dma_start3A_489 = arith.constant 0 : i32
        %dma_start3A_490 = tpu.memref_slice %arg3[%add3A_485, %dma_start3A_489] : memref<160x128xf32, #tpu.memory_space<hbm>> -> memref<8x128xf32, #tpu.memory_space<hbm>>
        tpu.enqueue_dma source(%arg7 : memref<8x128xf32, #tpu.memory_space<vmem>>) target(%dma_start3A_490 : memref<8x128xf32, #tpu.memory_space<hbm>>) target_semaphore(%run_scoped3A_486 : memref<!tpu.dma_semaphore, #tpu.memory_space<semaphore_mem>>)
        %dma_wait3A_491 = arith.constant 0 : i32
        %dma_wait3A_492 = tpu.memref_slice %arg3[%add3A_485, %dma_wait3A_491] : memref<160x128xf32, #tpu.memory_space<hbm>> -> memref<8x128xf32, #tpu.memory_space<hbm>>
        %dma_wait3A_493 = arith.constant 0 : i32
        %dma_wait3A_494 = tpu.memref_slice %arg3[%add3A_485, %dma_wait3A_493] : memref<160x128xf32, #tpu.memory_space<hbm>> -> memref<8x128xf32, #tpu.memory_space<hbm>>
        tpu.wait_dma2 semaphore(%run_scoped3A_486 : memref<!tpu.dma_semaphore, #tpu.memory_space<semaphore_mem>>) src(%arg7 : memref<8x128xf32, #tpu.memory_space<vmem>>) dst(%dma_wait3A_494 : memref<8x128xf32, #tpu.memory_space<hbm>>)
        tpu.yield
      }) : () -> ()
    } else {
    }
    return
  }
}

#map = affine_map<(d0, d1) -> (0, 0)>
#map1 = affine_map<(d0, d1) -> (0, 0, 0)>
module attributes {stable_mosaic.version = 14 : i64} {
  func.func @_agg_body(%arg0: i32, %arg1: i32, %arg2: memref<10240x128xf32, #tpu.memory_space<hbm>>, %arg3: memref<2560x128xi32, #tpu.memory_space<hbm>>, %arg4: memref<2x10240x128xf32, #tpu.memory_space<hbm>>, %arg5: memref<10240x128xf32, #tpu.memory_space<vmem_shared>>, %arg6: memref<128x128xf32, #tpu.memory_space<vmem>>, %arg7: memref<128x128xf32, #tpu.memory_space<vmem>>, %arg8: memref<80x128xi32, #tpu.memory_space<vmem>>, %arg9: memref<128xi32, #tpu.memory_space<vmem>>, %arg10: memref<128xi32, #tpu.memory_space<vmem>>, %arg11: memref<128xi32, #tpu.memory_space<vmem>>, %arg12: memref<128xi32, #tpu.memory_space<vmem>>, %arg13: memref<16xi32, #tpu.memory_space<vmem>>, %arg14: memref<16xi32, #tpu.memory_space<vmem>>, %arg15: memref<16x128xf32, #tpu.memory_space<vmem>>, %arg16: memref<!tpu.dma_semaphore, #tpu.memory_space<semaphore_mem>>, %arg17: memref<!tpu.dma_semaphore, #tpu.memory_space<semaphore_mem>>, %arg18: memref<!tpu.dma_semaphore, #tpu.memory_space<semaphore_mem>>, %arg19: memref<!tpu.dma_semaphore, #tpu.memory_space<semaphore_mem>>, %arg20: memref<!tpu.dma_semaphore, #tpu.memory_space<semaphore_mem>>) attributes {dimension_semantics = [#tpu.dimension_semantics<core_parallel>, #tpu.dimension_semantics<subcore_parallel>], iteration_bounds = array<i64: 2, 16>, scalar_prefetch = 0 : i64, scratch_operands = 16 : i64, tpu.core_type = #tpu.core_type<sc_vector_subcore>, window_params = [{transform_indices = #map}, {transform_indices = #map}, {transform_indices = #map1}]} {
    %mul3A = arith.constant 2 : i32
    %mul3A_0 = arith.muli %arg1, %mul3A : i32
    %add3A = arith.addi %mul3A_0, %arg0 : i32
    %mul3A_1 = arith.constant 640 : i32
    %mul3A_2 = arith.muli %arg1, %mul3A_1 : i32
    %mul3A_3 = arith.constant 80 : i32
    %mul3A_4 = arith.muli %add3A, %mul3A_3 : i32
    %dma_start3A = arith.constant 0 : i32
    %dma_start3A_5 = tpu.memref_slice %arg3[%mul3A_4, %dma_start3A] : memref<2560x128xi32, #tpu.memory_space<hbm>> -> memref<80x128xi32, #tpu.memory_space<hbm>>
    %dma_start3A_6 = arith.constant 0 : i32
    %dma_start3A_7 = tpu.memref_slice %arg3[%mul3A_4, %dma_start3A_6] : memref<2560x128xi32, #tpu.memory_space<hbm>> -> memref<80x128xi32, #tpu.memory_space<hbm>>
    tpu.enqueue_dma source(%dma_start3A_7 : memref<80x128xi32, #tpu.memory_space<hbm>>) target(%arg8 : memref<80x128xi32, #tpu.memory_space<vmem>>) target_semaphore(%arg16 : memref<!tpu.dma_semaphore, #tpu.memory_space<semaphore_mem>>)
    %scan3A = arith.constant 0 : i32
    %scan3A_8 = arith.constant 0 : i32
    %scan3A_9 = arith.constant 128 : i32
    %scan3A_10 = arith.addi %scan3A_8, %scan3A_9 : i32
    %scan3A_11 = arith.constant 1 : i32
    scf.for %scan3A_451 = %scan3A_8 to %scan3A_10 step %scan3A_11  : i32 {
      %broadcast_in_dim3A = arith.constant 0.000000e+00 : f32
      %broadcast_in_dim3A_452 = vector.broadcast %broadcast_in_dim3A : f32 to vector<16xf32>
      %swap3A_453 = arith.index_cast %scan3A_451 : i32 to index
      %swap3A_454 = arith.constant 0 : index
      %swap3A_455 = tpu.vector_load %arg6[%swap3A_453, %swap3A_454] {strides = array<i32>} : memref<128x128xf32, #tpu.memory_space<vmem>>, vector<1x16xf32>,
      %swap3A_456 = vector.shape_cast %swap3A_455 : vector<1x16xf32> to vector<16xf32>
      %swap3A_457 = vector.shape_cast %broadcast_in_dim3A_452 : vector<16xf32> to vector<1x16xf32>
      tpu.vector_store %arg6[%swap3A_453, %swap3A_454], %swap3A_457 {strides = array<i32>} : memref<128x128xf32, #tpu.memory_space<vmem>>, vector<1x16xf32>,
      %broadcast_in_dim3A_458 = arith.constant 0.000000e+00 : f32
      %broadcast_in_dim3A_459 = vector.broadcast %broadcast_in_dim3A_458 : f32 to vector<16xf32>
      %swap3A_460 = arith.index_cast %scan3A_451 : i32 to index
      %swap3A_461 = arith.constant 16 : index
      %swap3A_462 = tpu.vector_load %arg6[%swap3A_460, %swap3A_461] {strides = array<i32>} : memref<128x128xf32, #tpu.memory_space<vmem>>, vector<1x16xf32>,
      %swap3A_463 = vector.shape_cast %swap3A_462 : vector<1x16xf32> to vector<16xf32>
      %swap3A_464 = vector.shape_cast %broadcast_in_dim3A_459 : vector<16xf32> to vector<1x16xf32>
      tpu.vector_store %arg6[%swap3A_460, %swap3A_461], %swap3A_464 {strides = array<i32>} : memref<128x128xf32, #tpu.memory_space<vmem>>, vector<1x16xf32>,
      %broadcast_in_dim3A_465 = arith.constant 0.000000e+00 : f32
      %broadcast_in_dim3A_466 = vector.broadcast %broadcast_in_dim3A_465 : f32 to vector<16xf32>
      %swap3A_467 = arith.index_cast %scan3A_451 : i32 to index
      %swap3A_468 = arith.constant 32 : index
      %swap3A_469 = tpu.vector_load %arg6[%swap3A_467, %swap3A_468] {strides = array<i32>} : memref<128x128xf32, #tpu.memory_space<vmem>>, vector<1x16xf32>,
      %swap3A_470 = vector.shape_cast %swap3A_469 : vector<1x16xf32> to vector<16xf32>
      %swap3A_471 = vector.shape_cast %broadcast_in_dim3A_466 : vector<16xf32> to vector<1x16xf32>
      tpu.vector_store %arg6[%swap3A_467, %swap3A_468], %swap3A_471 {strides = array<i32>} : memref<128x128xf32, #tpu.memory_space<vmem>>, vector<1x16xf32>,
      %broadcast_in_dim3A_472 = arith.constant 0.000000e+00 : f32
      %broadcast_in_dim3A_473 = vector.broadcast %broadcast_in_dim3A_472 : f32 to vector<16xf32>
      %swap3A_474 = arith.index_cast %scan3A_451 : i32 to index
      %swap3A_475 = arith.constant 48 : index
      %swap3A_476 = tpu.vector_load %arg6[%swap3A_474, %swap3A_475] {strides = array<i32>} : memref<128x128xf32, #tpu.memory_space<vmem>>, vector<1x16xf32>,
      %swap3A_477 = vector.shape_cast %swap3A_476 : vector<1x16xf32> to vector<16xf32>
      %swap3A_478 = vector.shape_cast %broadcast_in_dim3A_473 : vector<16xf32> to vector<1x16xf32>
      tpu.vector_store %arg6[%swap3A_474, %swap3A_475], %swap3A_478 {strides = array<i32>} : memref<128x128xf32, #tpu.memory_space<vmem>>, vector<1x16xf32>,
      %broadcast_in_dim3A_479 = arith.constant 0.000000e+00 : f32
      %broadcast_in_dim3A_480 = vector.broadcast %broadcast_in_dim3A_479 : f32 to vector<16xf32>
      %swap3A_481 = arith.index_cast %scan3A_451 : i32 to index
      %swap3A_482 = arith.constant 64 : index
      %swap3A_483 = tpu.vector_load %arg6[%swap3A_481, %swap3A_482] {strides = array<i32>} : memref<128x128xf32, #tpu.memory_space<vmem>>, vector<1x16xf32>,
      %swap3A_484 = vector.shape_cast %swap3A_483 : vector<1x16xf32> to vector<16xf32>
      %swap3A_485 = vector.shape_cast %broadcast_in_dim3A_480 : vector<16xf32> to vector<1x16xf32>
      tpu.vector_store %arg6[%swap3A_481, %swap3A_482], %swap3A_485 {strides = array<i32>} : memref<128x128xf32, #tpu.memory_space<vmem>>, vector<1x16xf32>,
      %broadcast_in_dim3A_486 = arith.constant 0.000000e+00 : f32
      %broadcast_in_dim3A_487 = vector.broadcast %broadcast_in_dim3A_486 : f32 to vector<16xf32>
      %swap3A_488 = arith.index_cast %scan3A_451 : i32 to index
      %swap3A_489 = arith.constant 80 : index
      %swap3A_490 = tpu.vector_load %arg6[%swap3A_488, %swap3A_489] {strides = array<i32>} : memref<128x128xf32, #tpu.memory_space<vmem>>, vector<1x16xf32>,
      %swap3A_491 = vector.shape_cast %swap3A_490 : vector<1x16xf32> to vector<16xf32>
      %swap3A_492 = vector.shape_cast %broadcast_in_dim3A_487 : vector<16xf32> to vector<1x16xf32>
      tpu.vector_store %arg6[%swap3A_488, %swap3A_489], %swap3A_492 {strides = array<i32>} : memref<128x128xf32, #tpu.memory_space<vmem>>, vector<1x16xf32>,
      %broadcast_in_dim3A_493 = arith.constant 0.000000e+00 : f32
      %broadcast_in_dim3A_494 = vector.broadcast %broadcast_in_dim3A_493 : f32 to vector<16xf32>
      %swap3A_495 = arith.index_cast %scan3A_451 : i32 to index
      %swap3A_496 = arith.constant 96 : index
      %swap3A_497 = tpu.vector_load %arg6[%swap3A_495, %swap3A_496] {strides = array<i32>} : memref<128x128xf32, #tpu.memory_space<vmem>>, vector<1x16xf32>,
      %swap3A_498 = vector.shape_cast %swap3A_497 : vector<1x16xf32> to vector<16xf32>
      %swap3A_499 = vector.shape_cast %broadcast_in_dim3A_494 : vector<16xf32> to vector<1x16xf32>
      tpu.vector_store %arg6[%swap3A_495, %swap3A_496], %swap3A_499 {strides = array<i32>} : memref<128x128xf32, #tpu.memory_space<vmem>>, vector<1x16xf32>,
      %broadcast_in_dim3A_500 = arith.constant 0.000000e+00 : f32
      %broadcast_in_dim3A_501 = vector.broadcast %broadcast_in_dim3A_500 : f32 to vector<16xf32>
      %swap3A_502 = arith.index_cast %scan3A_451 : i32 to index
      %swap3A_503 = arith.constant 112 : index
      %swap3A_504 = tpu.vector_load %arg6[%swap3A_502, %swap3A_503] {strides = array<i32>} : memref<128x128xf32, #tpu.memory_space<vmem>>, vector<1x16xf32>,
      %swap3A_505 = vector.shape_cast %swap3A_504 : vector<1x16xf32> to vector<16xf32>
      %swap3A_506 = vector.shape_cast %broadcast_in_dim3A_501 : vector<16xf32> to vector<1x16xf32>
      tpu.vector_store %arg6[%swap3A_502, %swap3A_503], %swap3A_506 {strides = array<i32>} : memref<128x128xf32, #tpu.memory_space<vmem>>, vector<1x16xf32>,
    }
    %scan3A_12 = arith.constant 128 : i32
    %scan3A_13 = arith.constant 0 : i32
    %scan3A_14 = arith.constant 0 : i32
    %scan3A_15 = arith.constant 5 : i32
    %scan3A_16 = arith.addi %scan3A_14, %scan3A_15 : i32
    %scan3A_17 = arith.constant 1 : i32
    scf.for %scan3A_451 = %scan3A_14 to %scan3A_16 step %scan3A_17  : i32 {
      %mul3A_452 = arith.constant 128 : i32
      %mul3A_453 = arith.muli %scan3A_451, %mul3A_452 : i32
      %add3A_454 = arith.addi %mul3A_2, %mul3A_453 : i32
      "tpu.region"() ({
        %run_scoped3A = tpu.sem_alloc : memref<!tpu.dma_semaphore, #tpu.memory_space<semaphore_mem>>
        %dma_start3A_455 = arith.constant 0 : i32
        %dma_start3A_456 = tpu.memref_slice %arg5[%add3A_454, %dma_start3A_455] : memref<10240x128xf32, #tpu.memory_space<vmem_shared>> -> memref<128x128xf32, #tpu.memory_space<vmem_shared>>
        %dma_start3A_457 = arith.constant 0 : i32
        %dma_start3A_458 = tpu.memref_slice %arg5[%add3A_454, %dma_start3A_457] : memref<10240x128xf32, #tpu.memory_space<vmem_shared>> -> memref<128x128xf32, #tpu.memory_space<vmem_shared>>
        tpu.enqueue_dma source(%arg6 : memref<128x128xf32, #tpu.memory_space<vmem>>) target(%dma_start3A_458 : memref<128x128xf32, #tpu.memory_space<vmem_shared>>) target_semaphore(%run_scoped3A : memref<!tpu.dma_semaphore, #tpu.memory_space<semaphore_mem>>)
        %dma_wait3A_459 = arith.constant 0 : i32
        %dma_wait3A_460 = tpu.memref_slice %arg5[%add3A_454, %dma_wait3A_459] : memref<10240x128xf32, #tpu.memory_space<vmem_shared>> -> memref<128x128xf32, #tpu.memory_space<vmem_shared>>
        %dma_wait3A_461 = arith.constant 0 : i32
        %dma_wait3A_462 = tpu.memref_slice %arg5[%add3A_454, %dma_wait3A_461] : memref<10240x128xf32, #tpu.memory_space<vmem_shared>> -> memref<128x128xf32, #tpu.memory_space<vmem_shared>>
        tpu.wait_dma2 semaphore(%run_scoped3A : memref<!tpu.dma_semaphore, #tpu.memory_space<semaphore_mem>>) src(%arg6 : memref<128x128xf32, #tpu.memory_space<vmem>>) dst(%dma_wait3A_462 : memref<128x128xf32, #tpu.memory_space<vmem_shared>>)
        tpu.yield
      }) : () -> ()
    }
    %scan3A_18 = arith.constant 5 : i32
    %barrier3A = arith.constant 0 : index
    tpu.barrier barrier_id(%barrier3A)
    %dma_wait3A = arith.constant 0 : i32
    %dma_wait3A_19 = tpu.memref_slice %arg3[%mul3A_4, %dma_wait3A] : memref<2560x128xi32, #tpu.memory_space<hbm>> -> memref<80x128xi32, #tpu.memory_space<hbm>>
    %dma_wait3A_20 = arith.constant 0 : i32
    %dma_wait3A_21 = tpu.memref_slice %arg3[%mul3A_4, %dma_wait3A_20] : memref<2560x128xi32, #tpu.memory_space<hbm>> -> memref<80x128xi32, #tpu.memory_space<hbm>>
    tpu.wait_dma2 semaphore(%arg16 : memref<!tpu.dma_semaphore, #tpu.memory_space<semaphore_mem>>) src(%dma_wait3A_21 : memref<80x128xi32, #tpu.memory_space<hbm>>) dst(%arg8 : memref<80x128xi32, #tpu.memory_space<vmem>>)
    %get3A = arith.constant 0 : i32
    %get3A_22 = arith.index_cast %get3A : i32 to index
    %get3A_23 = arith.constant 0 : index
    %get3A_24 = tpu.vector_load %arg8[%get3A_22, %get3A_23] {strides = array<i32>} : memref<80x128xi32, #tpu.memory_space<vmem>>, vector<1x16xi32>,
    %get3A_25 = vector.shape_cast %get3A_24 : vector<1x16xi32> to vector<16xi32>
    %and3A = arith.constant 65535 : i32
    %and3A_26 = vector.broadcast %and3A : i32 to vector<16xi32>
    %and3A_27 = arith.andi %get3A_25, %and3A_26 : vector<16xi32>
    %swap3A = arith.constant 0 : index
    %swap3A_28 = tpu.vector_load %arg9[%swap3A] {strides = array<i32>} : memref<128xi32, #tpu.memory_space<vmem>>, vector<16xi32>,
    %swap3A_29 = vector.shape_cast %swap3A_28 : vector<16xi32> to vector<16xi32>
    %swap3A_30 = vector.shape_cast %and3A_27 : vector<16xi32> to vector<16xi32>
    tpu.vector_store %arg9[%swap3A], %swap3A_30 {strides = array<i32>} : memref<128xi32, #tpu.memory_space<vmem>>, vector<16xi32>,
    %get3A_31 = arith.constant 0 : i32
    %get3A_32 = arith.index_cast %get3A_31 : i32 to index
    %get3A_33 = arith.constant 16 : index
    %get3A_34 = tpu.vector_load %arg8[%get3A_32, %get3A_33] {strides = array<i32>} : memref<80x128xi32, #tpu.memory_space<vmem>>, vector<1x16xi32>,
    %get3A_35 = vector.shape_cast %get3A_34 : vector<1x16xi32> to vector<16xi32>
    %and3A_36 = arith.constant 65535 : i32
    %and3A_37 = vector.broadcast %and3A_36 : i32 to vector<16xi32>
    %and3A_38 = arith.andi %get3A_35, %and3A_37 : vector<16xi32>
    %swap3A_39 = arith.constant 16 : index
    %swap3A_40 = tpu.vector_load %arg9[%swap3A_39] {strides = array<i32>} : memref<128xi32, #tpu.memory_space<vmem>>, vector<16xi32>,
    %swap3A_41 = vector.shape_cast %swap3A_40 : vector<16xi32> to vector<16xi32>
    %swap3A_42 = vector.shape_cast %and3A_38 : vector<16xi32> to vector<16xi32>
    tpu.vector_store %arg9[%swap3A_39], %swap3A_42 {strides = array<i32>} : memref<128xi32, #tpu.memory_space<vmem>>, vector<16xi32>,
    %get3A_43 = arith.constant 0 : i32
    %get3A_44 = arith.index_cast %get3A_43 : i32 to index
    %get3A_45 = arith.constant 32 : index
    %get3A_46 = tpu.vector_load %arg8[%get3A_44, %get3A_45] {strides = array<i32>} : memref<80x128xi32, #tpu.memory_space<vmem>>, vector<1x16xi32>,
    %get3A_47 = vector.shape_cast %get3A_46 : vector<1x16xi32> to vector<16xi32>
    %and3A_48 = arith.constant 65535 : i32
    %and3A_49 = vector.broadcast %and3A_48 : i32 to vector<16xi32>
    %and3A_50 = arith.andi %get3A_47, %and3A_49 : vector<16xi32>
    %swap3A_51 = arith.constant 32 : index
    %swap3A_52 = tpu.vector_load %arg9[%swap3A_51] {strides = array<i32>} : memref<128xi32, #tpu.memory_space<vmem>>, vector<16xi32>,
    %swap3A_53 = vector.shape_cast %swap3A_52 : vector<16xi32> to vector<16xi32>
    %swap3A_54 = vector.shape_cast %and3A_50 : vector<16xi32> to vector<16xi32>
    tpu.vector_store %arg9[%swap3A_51], %swap3A_54 {strides = array<i32>} : memref<128xi32, #tpu.memory_space<vmem>>, vector<16xi32>,
    %get3A_55 = arith.constant 0 : i32
    %get3A_56 = arith.index_cast %get3A_55 : i32 to index
    %get3A_57 = arith.constant 48 : index
    %get3A_58 = tpu.vector_load %arg8[%get3A_56, %get3A_57] {strides = array<i32>} : memref<80x128xi32, #tpu.memory_space<vmem>>, vector<1x16xi32>,
    %get3A_59 = vector.shape_cast %get3A_58 : vector<1x16xi32> to vector<16xi32>
    %and3A_60 = arith.constant 65535 : i32
    %and3A_61 = vector.broadcast %and3A_60 : i32 to vector<16xi32>
    %and3A_62 = arith.andi %get3A_59, %and3A_61 : vector<16xi32>
    %swap3A_63 = arith.constant 48 : index
    %swap3A_64 = tpu.vector_load %arg9[%swap3A_63] {strides = array<i32>} : memref<128xi32, #tpu.memory_space<vmem>>, vector<16xi32>,
    %swap3A_65 = vector.shape_cast %swap3A_64 : vector<16xi32> to vector<16xi32>
    %swap3A_66 = vector.shape_cast %and3A_62 : vector<16xi32> to vector<16xi32>
    tpu.vector_store %arg9[%swap3A_63], %swap3A_66 {strides = array<i32>} : memref<128xi32, #tpu.memory_space<vmem>>, vector<16xi32>,
    %get3A_67 = arith.constant 0 : i32
    %get3A_68 = arith.index_cast %get3A_67 : i32 to index
    %get3A_69 = arith.constant 64 : index
    %get3A_70 = tpu.vector_load %arg8[%get3A_68, %get3A_69] {strides = array<i32>} : memref<80x128xi32, #tpu.memory_space<vmem>>, vector<1x16xi32>,
    %get3A_71 = vector.shape_cast %get3A_70 : vector<1x16xi32> to vector<16xi32>
    %and3A_72 = arith.constant 65535 : i32
    %and3A_73 = vector.broadcast %and3A_72 : i32 to vector<16xi32>
    %and3A_74 = arith.andi %get3A_71, %and3A_73 : vector<16xi32>
    %swap3A_75 = arith.constant 64 : index
    %swap3A_76 = tpu.vector_load %arg9[%swap3A_75] {strides = array<i32>} : memref<128xi32, #tpu.memory_space<vmem>>, vector<16xi32>,
    %swap3A_77 = vector.shape_cast %swap3A_76 : vector<16xi32> to vector<16xi32>
    %swap3A_78 = vector.shape_cast %and3A_74 : vector<16xi32> to vector<16xi32>
    tpu.vector_store %arg9[%swap3A_75], %swap3A_78 {strides = array<i32>} : memref<128xi32, #tpu.memory_space<vmem>>, vector<16xi32>,
    %get3A_79 = arith.constant 0 : i32
    %get3A_80 = arith.index_cast %get3A_79 : i32 to index
    %get3A_81 = arith.constant 80 : index
    %get3A_82 = tpu.vector_load %arg8[%get3A_80, %get3A_81] {strides = array<i32>} : memref<80x128xi32, #tpu.memory_space<vmem>>, vector<1x16xi32>,
    %get3A_83 = vector.shape_cast %get3A_82 : vector<1x16xi32> to vector<16xi32>
    %and3A_84 = arith.constant 65535 : i32
    %and3A_85 = vector.broadcast %and3A_84 : i32 to vector<16xi32>
    %and3A_86 = arith.andi %get3A_83, %and3A_85 : vector<16xi32>
    %swap3A_87 = arith.constant 80 : index
    %swap3A_88 = tpu.vector_load %arg9[%swap3A_87] {strides = array<i32>} : memref<128xi32, #tpu.memory_space<vmem>>, vector<16xi32>,
    %swap3A_89 = vector.shape_cast %swap3A_88 : vector<16xi32> to vector<16xi32>
    %swap3A_90 = vector.shape_cast %and3A_86 : vector<16xi32> to vector<16xi32>
    tpu.vector_store %arg9[%swap3A_87], %swap3A_90 {strides = array<i32>} : memref<128xi32, #tpu.memory_space<vmem>>, vector<16xi32>,
    %get3A_91 = arith.constant 0 : i32
    %get3A_92 = arith.index_cast %get3A_91 : i32 to index
    %get3A_93 = arith.constant 96 : index
    %get3A_94 = tpu.vector_load %arg8[%get3A_92, %get3A_93] {strides = array<i32>} : memref<80x128xi32, #tpu.memory_space<vmem>>, vector<1x16xi32>,
    %get3A_95 = vector.shape_cast %get3A_94 : vector<1x16xi32> to vector<16xi32>
    %and3A_96 = arith.constant 65535 : i32
    %and3A_97 = vector.broadcast %and3A_96 : i32 to vector<16xi32>
    %and3A_98 = arith.andi %get3A_95, %and3A_97 : vector<16xi32>
    %swap3A_99 = arith.constant 96 : index
    %swap3A_100 = tpu.vector_load %arg9[%swap3A_99] {strides = array<i32>} : memref<128xi32, #tpu.memory_space<vmem>>, vector<16xi32>,
    %swap3A_101 = vector.shape_cast %swap3A_100 : vector<16xi32> to vector<16xi32>
    %swap3A_102 = vector.shape_cast %and3A_98 : vector<16xi32> to vector<16xi32>
    tpu.vector_store %arg9[%swap3A_99], %swap3A_102 {strides = array<i32>} : memref<128xi32, #tpu.memory_space<vmem>>, vector<16xi32>,
    %get3A_103 = arith.constant 0 : i32
    %get3A_104 = arith.index_cast %get3A_103 : i32 to index
    %get3A_105 = arith.constant 112 : index
    %get3A_106 = tpu.vector_load %arg8[%get3A_104, %get3A_105] {strides = array<i32>} : memref<80x128xi32, #tpu.memory_space<vmem>>, vector<1x16xi32>,
    %get3A_107 = vector.shape_cast %get3A_106 : vector<1x16xi32> to vector<16xi32>
    %and3A_108 = arith.constant 65535 : i32
    %and3A_109 = vector.broadcast %and3A_108 : i32 to vector<16xi32>
    %and3A_110 = arith.andi %get3A_107, %and3A_109 : vector<16xi32>
    %swap3A_111 = arith.constant 112 : index
    %swap3A_112 = tpu.vector_load %arg9[%swap3A_111] {strides = array<i32>} : memref<128xi32, #tpu.memory_space<vmem>>, vector<16xi32>,
    %swap3A_113 = vector.shape_cast %swap3A_112 : vector<16xi32> to vector<16xi32>
    %swap3A_114 = vector.shape_cast %and3A_110 : vector<16xi32> to vector<16xi32>
    tpu.vector_store %arg9[%swap3A_111], %swap3A_114 {strides = array<i32>} : memref<128xi32, #tpu.memory_space<vmem>>, vector<16xi32>,
    %get3A_115 = arith.constant 0 : i32
    %get3A_116 = arith.index_cast %get3A_115 : i32 to index
    %get3A_117 = arith.constant 0 : index
    %get3A_118 = tpu.vector_load %arg8[%get3A_116, %get3A_117] {strides = array<i32>} : memref<80x128xi32, #tpu.memory_space<vmem>>, vector<1x16xi32>,
    %get3A_119 = vector.shape_cast %get3A_118 : vector<1x16xi32> to vector<16xi32>
    %shift_right_logical3A = arith.constant 16 : i32
    %shift_right_logical3A_120 = vector.broadcast %shift_right_logical3A : i32 to vector<16xi32>
    %shift_right_logical3A_121 = arith.shrui %get3A_119, %shift_right_logical3A_120 : vector<16xi32>
    %swap3A_122 = arith.constant 0 : index
    %swap3A_123 = tpu.vector_load %arg11[%swap3A_122] {strides = array<i32>} : memref<128xi32, #tpu.memory_space<vmem>>, vector<16xi32>,
    %swap3A_124 = vector.shape_cast %swap3A_123 : vector<16xi32> to vector<16xi32>
    %swap3A_125 = vector.shape_cast %shift_right_logical3A_121 : vector<16xi32> to vector<16xi32>
    tpu.vector_store %arg11[%swap3A_122], %swap3A_125 {strides = array<i32>} : memref<128xi32, #tpu.memory_space<vmem>>, vector<16xi32>,
    %get3A_126 = arith.constant 0 : i32
    %get3A_127 = arith.index_cast %get3A_126 : i32 to index
    %get3A_128 = arith.constant 16 : index
    %get3A_129 = tpu.vector_load %arg8[%get3A_127, %get3A_128] {strides = array<i32>} : memref<80x128xi32, #tpu.memory_space<vmem>>, vector<1x16xi32>,
    %get3A_130 = vector.shape_cast %get3A_129 : vector<1x16xi32> to vector<16xi32>
    %shift_right_logical3A_131 = arith.constant 16 : i32
    %shift_right_logical3A_132 = vector.broadcast %shift_right_logical3A_131 : i32 to vector<16xi32>
    %shift_right_logical3A_133 = arith.shrui %get3A_130, %shift_right_logical3A_132 : vector<16xi32>
    %swap3A_134 = arith.constant 16 : index
    %swap3A_135 = tpu.vector_load %arg11[%swap3A_134] {strides = array<i32>} : memref<128xi32, #tpu.memory_space<vmem>>, vector<16xi32>,
    %swap3A_136 = vector.shape_cast %swap3A_135 : vector<16xi32> to vector<16xi32>
    %swap3A_137 = vector.shape_cast %shift_right_logical3A_133 : vector<16xi32> to vector<16xi32>
    tpu.vector_store %arg11[%swap3A_134], %swap3A_137 {strides = array<i32>} : memref<128xi32, #tpu.memory_space<vmem>>, vector<16xi32>,
    %get3A_138 = arith.constant 0 : i32
    %get3A_139 = arith.index_cast %get3A_138 : i32 to index
    %get3A_140 = arith.constant 32 : index
    %get3A_141 = tpu.vector_load %arg8[%get3A_139, %get3A_140] {strides = array<i32>} : memref<80x128xi32, #tpu.memory_space<vmem>>, vector<1x16xi32>,
    %get3A_142 = vector.shape_cast %get3A_141 : vector<1x16xi32> to vector<16xi32>
    %shift_right_logical3A_143 = arith.constant 16 : i32
    %shift_right_logical3A_144 = vector.broadcast %shift_right_logical3A_143 : i32 to vector<16xi32>
    %shift_right_logical3A_145 = arith.shrui %get3A_142, %shift_right_logical3A_144 : vector<16xi32>
    %swap3A_146 = arith.constant 32 : index
    %swap3A_147 = tpu.vector_load %arg11[%swap3A_146] {strides = array<i32>} : memref<128xi32, #tpu.memory_space<vmem>>, vector<16xi32>,
    %swap3A_148 = vector.shape_cast %swap3A_147 : vector<16xi32> to vector<16xi32>
    %swap3A_149 = vector.shape_cast %shift_right_logical3A_145 : vector<16xi32> to vector<16xi32>
    tpu.vector_store %arg11[%swap3A_146], %swap3A_149 {strides = array<i32>} : memref<128xi32, #tpu.memory_space<vmem>>, vector<16xi32>,
    %get3A_150 = arith.constant 0 : i32
    %get3A_151 = arith.index_cast %get3A_150 : i32 to index
    %get3A_152 = arith.constant 48 : index
    %get3A_153 = tpu.vector_load %arg8[%get3A_151, %get3A_152] {strides = array<i32>} : memref<80x128xi32, #tpu.memory_space<vmem>>, vector<1x16xi32>,
    %get3A_154 = vector.shape_cast %get3A_153 : vector<1x16xi32> to vector<16xi32>
    %shift_right_logical3A_155 = arith.constant 16 : i32
    %shift_right_logical3A_156 = vector.broadcast %shift_right_logical3A_155 : i32 to vector<16xi32>
    %shift_right_logical3A_157 = arith.shrui %get3A_154, %shift_right_logical3A_156 : vector<16xi32>
    %swap3A_158 = arith.constant 48 : index
    %swap3A_159 = tpu.vector_load %arg11[%swap3A_158] {strides = array<i32>} : memref<128xi32, #tpu.memory_space<vmem>>, vector<16xi32>,
    %swap3A_160 = vector.shape_cast %swap3A_159 : vector<16xi32> to vector<16xi32>
    %swap3A_161 = vector.shape_cast %shift_right_logical3A_157 : vector<16xi32> to vector<16xi32>
    tpu.vector_store %arg11[%swap3A_158], %swap3A_161 {strides = array<i32>} : memref<128xi32, #tpu.memory_space<vmem>>, vector<16xi32>,
    %get3A_162 = arith.constant 0 : i32
    %get3A_163 = arith.index_cast %get3A_162 : i32 to index
    %get3A_164 = arith.constant 64 : index
    %get3A_165 = tpu.vector_load %arg8[%get3A_163, %get3A_164] {strides = array<i32>} : memref<80x128xi32, #tpu.memory_space<vmem>>, vector<1x16xi32>,
    %get3A_166 = vector.shape_cast %get3A_165 : vector<1x16xi32> to vector<16xi32>
    %shift_right_logical3A_167 = arith.constant 16 : i32
    %shift_right_logical3A_168 = vector.broadcast %shift_right_logical3A_167 : i32 to vector<16xi32>
    %shift_right_logical3A_169 = arith.shrui %get3A_166, %shift_right_logical3A_168 : vector<16xi32>
    %swap3A_170 = arith.constant 64 : index
    %swap3A_171 = tpu.vector_load %arg11[%swap3A_170] {strides = array<i32>} : memref<128xi32, #tpu.memory_space<vmem>>, vector<16xi32>,
    %swap3A_172 = vector.shape_cast %swap3A_171 : vector<16xi32> to vector<16xi32>
    %swap3A_173 = vector.shape_cast %shift_right_logical3A_169 : vector<16xi32> to vector<16xi32>
    tpu.vector_store %arg11[%swap3A_170], %swap3A_173 {strides = array<i32>} : memref<128xi32, #tpu.memory_space<vmem>>, vector<16xi32>,
    %get3A_174 = arith.constant 0 : i32
    %get3A_175 = arith.index_cast %get3A_174 : i32 to index
    %get3A_176 = arith.constant 80 : index
    %get3A_177 = tpu.vector_load %arg8[%get3A_175, %get3A_176] {strides = array<i32>} : memref<80x128xi32, #tpu.memory_space<vmem>>, vector<1x16xi32>,
    %get3A_178 = vector.shape_cast %get3A_177 : vector<1x16xi32> to vector<16xi32>
    %shift_right_logical3A_179 = arith.constant 16 : i32
    %shift_right_logical3A_180 = vector.broadcast %shift_right_logical3A_179 : i32 to vector<16xi32>
    %shift_right_logical3A_181 = arith.shrui %get3A_178, %shift_right_logical3A_180 : vector<16xi32>
    %swap3A_182 = arith.constant 80 : index
    %swap3A_183 = tpu.vector_load %arg11[%swap3A_182] {strides = array<i32>} : memref<128xi32, #tpu.memory_space<vmem>>, vector<16xi32>,
    %swap3A_184 = vector.shape_cast %swap3A_183 : vector<16xi32> to vector<16xi32>
    %swap3A_185 = vector.shape_cast %shift_right_logical3A_181 : vector<16xi32> to vector<16xi32>
    tpu.vector_store %arg11[%swap3A_182], %swap3A_185 {strides = array<i32>} : memref<128xi32, #tpu.memory_space<vmem>>, vector<16xi32>,
    %get3A_186 = arith.constant 0 : i32
    %get3A_187 = arith.index_cast %get3A_186 : i32 to index
    %get3A_188 = arith.constant 96 : index
    %get3A_189 = tpu.vector_load %arg8[%get3A_187, %get3A_188] {strides = array<i32>} : memref<80x128xi32, #tpu.memory_space<vmem>>, vector<1x16xi32>,
    %get3A_190 = vector.shape_cast %get3A_189 : vector<1x16xi32> to vector<16xi32>
    %shift_right_logical3A_191 = arith.constant 16 : i32
    %shift_right_logical3A_192 = vector.broadcast %shift_right_logical3A_191 : i32 to vector<16xi32>
    %shift_right_logical3A_193 = arith.shrui %get3A_190, %shift_right_logical3A_192 : vector<16xi32>
    %swap3A_194 = arith.constant 96 : index
    %swap3A_195 = tpu.vector_load %arg11[%swap3A_194] {strides = array<i32>} : memref<128xi32, #tpu.memory_space<vmem>>, vector<16xi32>,
    %swap3A_196 = vector.shape_cast %swap3A_195 : vector<16xi32> to vector<16xi32>
    %swap3A_197 = vector.shape_cast %shift_right_logical3A_193 : vector<16xi32> to vector<16xi32>
    tpu.vector_store %arg11[%swap3A_194], %swap3A_197 {strides = array<i32>} : memref<128xi32, #tpu.memory_space<vmem>>, vector<16xi32>,
    %get3A_198 = arith.constant 0 : i32
    %get3A_199 = arith.index_cast %get3A_198 : i32 to index
    %get3A_200 = arith.constant 112 : index
    %get3A_201 = tpu.vector_load %arg8[%get3A_199, %get3A_200] {strides = array<i32>} : memref<80x128xi32, #tpu.memory_space<vmem>>, vector<1x16xi32>,
    %get3A_202 = vector.shape_cast %get3A_201 : vector<1x16xi32> to vector<16xi32>
    %shift_right_logical3A_203 = arith.constant 16 : i32
    %shift_right_logical3A_204 = vector.broadcast %shift_right_logical3A_203 : i32 to vector<16xi32>
    %shift_right_logical3A_205 = arith.shrui %get3A_202, %shift_right_logical3A_204 : vector<16xi32>
    %swap3A_206 = arith.constant 112 : index
    %swap3A_207 = tpu.vector_load %arg11[%swap3A_206] {strides = array<i32>} : memref<128xi32, #tpu.memory_space<vmem>>, vector<16xi32>,
    %swap3A_208 = vector.shape_cast %swap3A_207 : vector<16xi32> to vector<16xi32>
    %swap3A_209 = vector.shape_cast %shift_right_logical3A_205 : vector<16xi32> to vector<16xi32>
    tpu.vector_store %arg11[%swap3A_206], %swap3A_209 {strides = array<i32>} : memref<128xi32, #tpu.memory_space<vmem>>, vector<16xi32>,
    %dma_start3A_210 = arith.constant 0 : i32
    %dma_start3A_211 = arith.constant 0 : i32
    %dma_start3A_212 = tpu.memref_slice %arg2[%dma_start3A_210, %dma_start3A_211] : memref<10240x128xf32, #tpu.memory_space<hbm>> -> memref<10240x128xf32, #tpu.memory_space<hbm>>
    tpu.enqueue_indirect_dma source(%dma_start3A_212 : memref<10240x128xf32, #tpu.memory_space<hbm>>) target(%arg6 : memref<128x128xf32, #tpu.memory_space<vmem>>) offsets(%arg9 : memref<128xi32, #tpu.memory_space<vmem>>) semaphore(%arg17 : memref<!tpu.dma_semaphore, #tpu.memory_space<semaphore_mem>>)
    %get3A_213 = arith.constant 1 : i32
    %get3A_214 = arith.index_cast %get3A_213 : i32 to index
    %get3A_215 = arith.constant 0 : index
    %get3A_216 = tpu.vector_load %arg8[%get3A_214, %get3A_215] {strides = array<i32>} : memref<80x128xi32, #tpu.memory_space<vmem>>, vector<1x16xi32>,
    %get3A_217 = vector.shape_cast %get3A_216 : vector<1x16xi32> to vector<16xi32>
    %and3A_218 = arith.constant 65535 : i32
    %and3A_219 = vector.broadcast %and3A_218 : i32 to vector<16xi32>
    %and3A_220 = arith.andi %get3A_217, %and3A_219 : vector<16xi32>
    %swap3A_221 = arith.constant 0 : index
    %swap3A_222 = tpu.vector_load %arg10[%swap3A_221] {strides = array<i32>} : memref<128xi32, #tpu.memory_space<vmem>>, vector<16xi32>,
    %swap3A_223 = vector.shape_cast %swap3A_222 : vector<16xi32> to vector<16xi32>
    %swap3A_224 = vector.shape_cast %and3A_220 : vector<16xi32> to vector<16xi32>
    tpu.vector_store %arg10[%swap3A_221], %swap3A_224 {strides = array<i32>} : memref<128xi32, #tpu.memory_space<vmem>>, vector<16xi32>,
    %get3A_225 = arith.constant 1 : i32
    %get3A_226 = arith.index_cast %get3A_225 : i32 to index
    %get3A_227 = arith.constant 16 : index
    %get3A_228 = tpu.vector_load %arg8[%get3A_226, %get3A_227] {strides = array<i32>} : memref<80x128xi32, #tpu.memory_space<vmem>>, vector<1x16xi32>,
    %get3A_229 = vector.shape_cast %get3A_228 : vector<1x16xi32> to vector<16xi32>
    %and3A_230 = arith.constant 65535 : i32
    %and3A_231 = vector.broadcast %and3A_230 : i32 to vector<16xi32>
    %and3A_232 = arith.andi %get3A_229, %and3A_231 : vector<16xi32>
    %swap3A_233 = arith.constant 16 : index
    %swap3A_234 = tpu.vector_load %arg10[%swap3A_233] {strides = array<i32>} : memref<128xi32, #tpu.memory_space<vmem>>, vector<16xi32>,
    %swap3A_235 = vector.shape_cast %swap3A_234 : vector<16xi32> to vector<16xi32>
    %swap3A_236 = vector.shape_cast %and3A_232 : vector<16xi32> to vector<16xi32>
    tpu.vector_store %arg10[%swap3A_233], %swap3A_236 {strides = array<i32>} : memref<128xi32, #tpu.memory_space<vmem>>, vector<16xi32>,
    %get3A_237 = arith.constant 1 : i32
    %get3A_238 = arith.index_cast %get3A_237 : i32 to index
    %get3A_239 = arith.constant 32 : index
    %get3A_240 = tpu.vector_load %arg8[%get3A_238, %get3A_239] {strides = array<i32>} : memref<80x128xi32, #tpu.memory_space<vmem>>, vector<1x16xi32>,
    %get3A_241 = vector.shape_cast %get3A_240 : vector<1x16xi32> to vector<16xi32>
    %and3A_242 = arith.constant 65535 : i32
    %and3A_243 = vector.broadcast %and3A_242 : i32 to vector<16xi32>
    %and3A_244 = arith.andi %get3A_241, %and3A_243 : vector<16xi32>
    %swap3A_245 = arith.constant 32 : index
    %swap3A_246 = tpu.vector_load %arg10[%swap3A_245] {strides = array<i32>} : memref<128xi32, #tpu.memory_space<vmem>>, vector<16xi32>,
    %swap3A_247 = vector.shape_cast %swap3A_246 : vector<16xi32> to vector<16xi32>
    %swap3A_248 = vector.shape_cast %and3A_244 : vector<16xi32> to vector<16xi32>
    tpu.vector_store %arg10[%swap3A_245], %swap3A_248 {strides = array<i32>} : memref<128xi32, #tpu.memory_space<vmem>>, vector<16xi32>,
    %get3A_249 = arith.constant 1 : i32
    %get3A_250 = arith.index_cast %get3A_249 : i32 to index
    %get3A_251 = arith.constant 48 : index
    %get3A_252 = tpu.vector_load %arg8[%get3A_250, %get3A_251] {strides = array<i32>} : memref<80x128xi32, #tpu.memory_space<vmem>>, vector<1x16xi32>,
    %get3A_253 = vector.shape_cast %get3A_252 : vector<1x16xi32> to vector<16xi32>
    %and3A_254 = arith.constant 65535 : i32
    %and3A_255 = vector.broadcast %and3A_254 : i32 to vector<16xi32>
    %and3A_256 = arith.andi %get3A_253, %and3A_255 : vector<16xi32>
    %swap3A_257 = arith.constant 48 : index
    %swap3A_258 = tpu.vector_load %arg10[%swap3A_257] {strides = array<i32>} : memref<128xi32, #tpu.memory_space<vmem>>, vector<16xi32>,
    %swap3A_259 = vector.shape_cast %swap3A_258 : vector<16xi32> to vector<16xi32>
    %swap3A_260 = vector.shape_cast %and3A_256 : vector<16xi32> to vector<16xi32>
    tpu.vector_store %arg10[%swap3A_257], %swap3A_260 {strides = array<i32>} : memref<128xi32, #tpu.memory_space<vmem>>, vector<16xi32>,
    %get3A_261 = arith.constant 1 : i32
    %get3A_262 = arith.index_cast %get3A_261 : i32 to index
    %get3A_263 = arith.constant 64 : index
    %get3A_264 = tpu.vector_load %arg8[%get3A_262, %get3A_263] {strides = array<i32>} : memref<80x128xi32, #tpu.memory_space<vmem>>, vector<1x16xi32>,
    %get3A_265 = vector.shape_cast %get3A_264 : vector<1x16xi32> to vector<16xi32>
    %and3A_266 = arith.constant 65535 : i32
    %and3A_267 = vector.broadcast %and3A_266 : i32 to vector<16xi32>
    %and3A_268 = arith.andi %get3A_265, %and3A_267 : vector<16xi32>
    %swap3A_269 = arith.constant 64 : index
    %swap3A_270 = tpu.vector_load %arg10[%swap3A_269] {strides = array<i32>} : memref<128xi32, #tpu.memory_space<vmem>>, vector<16xi32>,
    %swap3A_271 = vector.shape_cast %swap3A_270 : vector<16xi32> to vector<16xi32>
    %swap3A_272 = vector.shape_cast %and3A_268 : vector<16xi32> to vector<16xi32>
    tpu.vector_store %arg10[%swap3A_269], %swap3A_272 {strides = array<i32>} : memref<128xi32, #tpu.memory_space<vmem>>, vector<16xi32>,
    %get3A_273 = arith.constant 1 : i32
    %get3A_274 = arith.index_cast %get3A_273 : i32 to index
    %get3A_275 = arith.constant 80 : index
    %get3A_276 = tpu.vector_load %arg8[%get3A_274, %get3A_275] {strides = array<i32>} : memref<80x128xi32, #tpu.memory_space<vmem>>, vector<1x16xi32>,
    %get3A_277 = vector.shape_cast %get3A_276 : vector<1x16xi32> to vector<16xi32>
    %and3A_278 = arith.constant 65535 : i32
    %and3A_279 = vector.broadcast %and3A_278 : i32 to vector<16xi32>
    %and3A_280 = arith.andi %get3A_277, %and3A_279 : vector<16xi32>
    %swap3A_281 = arith.constant 80 : index
    %swap3A_282 = tpu.vector_load %arg10[%swap3A_281] {strides = array<i32>} : memref<128xi32, #tpu.memory_space<vmem>>, vector<16xi32>,
    %swap3A_283 = vector.shape_cast %swap3A_282 : vector<16xi32> to vector<16xi32>
    %swap3A_284 = vector.shape_cast %and3A_280 : vector<16xi32> to vector<16xi32>
    tpu.vector_store %arg10[%swap3A_281], %swap3A_284 {strides = array<i32>} : memref<128xi32, #tpu.memory_space<vmem>>, vector<16xi32>,
    %get3A_285 = arith.constant 1 : i32
    %get3A_286 = arith.index_cast %get3A_285 : i32 to index
    %get3A_287 = arith.constant 96 : index
    %get3A_288 = tpu.vector_load %arg8[%get3A_286, %get3A_287] {strides = array<i32>} : memref<80x128xi32, #tpu.memory_space<vmem>>, vector<1x16xi32>,
    %get3A_289 = vector.shape_cast %get3A_288 : vector<1x16xi32> to vector<16xi32>
    %and3A_290 = arith.constant 65535 : i32
    %and3A_291 = vector.broadcast %and3A_290 : i32 to vector<16xi32>
    %and3A_292 = arith.andi %get3A_289, %and3A_291 : vector<16xi32>
    %swap3A_293 = arith.constant 96 : index
    %swap3A_294 = tpu.vector_load %arg10[%swap3A_293] {strides = array<i32>} : memref<128xi32, #tpu.memory_space<vmem>>, vector<16xi32>,
    %swap3A_295 = vector.shape_cast %swap3A_294 : vector<16xi32> to vector<16xi32>
    %swap3A_296 = vector.shape_cast %and3A_292 : vector<16xi32> to vector<16xi32>
    tpu.vector_store %arg10[%swap3A_293], %swap3A_296 {strides = array<i32>} : memref<128xi32, #tpu.memory_space<vmem>>, vector<16xi32>,
    %get3A_297 = arith.constant 1 : i32
    %get3A_298 = arith.index_cast %get3A_297 : i32 to index
    %get3A_299 = arith.constant 112 : index
    %get3A_300 = tpu.vector_load %arg8[%get3A_298, %get3A_299] {strides = array<i32>} : memref<80x128xi32, #tpu.memory_space<vmem>>, vector<1x16xi32>,
    %get3A_301 = vector.shape_cast %get3A_300 : vector<1x16xi32> to vector<16xi32>
    %and3A_302 = arith.constant 65535 : i32
    %and3A_303 = vector.broadcast %and3A_302 : i32 to vector<16xi32>
    %and3A_304 = arith.andi %get3A_301, %and3A_303 : vector<16xi32>
    %swap3A_305 = arith.constant 112 : index
    %swap3A_306 = tpu.vector_load %arg10[%swap3A_305] {strides = array<i32>} : memref<128xi32, #tpu.memory_space<vmem>>, vector<16xi32>,
    %swap3A_307 = vector.shape_cast %swap3A_306 : vector<16xi32> to vector<16xi32>
    %swap3A_308 = vector.shape_cast %and3A_304 : vector<16xi32> to vector<16xi32>
    tpu.vector_store %arg10[%swap3A_305], %swap3A_308 {strides = array<i32>} : memref<128xi32, #tpu.memory_space<vmem>>, vector<16xi32>,
    %get3A_309 = arith.constant 1 : i32
    %get3A_310 = arith.index_cast %get3A_309 : i32 to index
    %get3A_311 = arith.constant 0 : index
    %get3A_312 = tpu.vector_load %arg8[%get3A_310, %get3A_311] {strides = array<i32>} : memref<80x128xi32, #tpu.memory_space<vmem>>, vector<1x16xi32>,
    %get3A_313 = vector.shape_cast %get3A_312 : vector<1x16xi32> to vector<16xi32>
    %shift_right_logical3A_314 = arith.constant 16 : i32
    %shift_right_logical3A_315 = vector.broadcast %shift_right_logical3A_314 : i32 to vector<16xi32>
    %shift_right_logical3A_316 = arith.shrui %get3A_313, %shift_right_logical3A_315 : vector<16xi32>
    %swap3A_317 = arith.constant 0 : index
    %swap3A_318 = tpu.vector_load %arg12[%swap3A_317] {strides = array<i32>} : memref<128xi32, #tpu.memory_space<vmem>>, vector<16xi32>,
    %swap3A_319 = vector.shape_cast %swap3A_318 : vector<16xi32> to vector<16xi32>
    %swap3A_320 = vector.shape_cast %shift_right_logical3A_316 : vector<16xi32> to vector<16xi32>
    tpu.vector_store %arg12[%swap3A_317], %swap3A_320 {strides = array<i32>} : memref<128xi32, #tpu.memory_space<vmem>>, vector<16xi32>,
    %get3A_321 = arith.constant 1 : i32
    %get3A_322 = arith.index_cast %get3A_321 : i32 to index
    %get3A_323 = arith.constant 16 : index
    %get3A_324 = tpu.vector_load %arg8[%get3A_322, %get3A_323] {strides = array<i32>} : memref<80x128xi32, #tpu.memory_space<vmem>>, vector<1x16xi32>,
    %get3A_325 = vector.shape_cast %get3A_324 : vector<1x16xi32> to vector<16xi32>
    %shift_right_logical3A_326 = arith.constant 16 : i32
    %shift_right_logical3A_327 = vector.broadcast %shift_right_logical3A_326 : i32 to vector<16xi32>
    %shift_right_logical3A_328 = arith.shrui %get3A_325, %shift_right_logical3A_327 : vector<16xi32>
    %swap3A_329 = arith.constant 16 : index
    %swap3A_330 = tpu.vector_load %arg12[%swap3A_329] {strides = array<i32>} : memref<128xi32, #tpu.memory_space<vmem>>, vector<16xi32>,
    %swap3A_331 = vector.shape_cast %swap3A_330 : vector<16xi32> to vector<16xi32>
    %swap3A_332 = vector.shape_cast %shift_right_logical3A_328 : vector<16xi32> to vector<16xi32>
    tpu.vector_store %arg12[%swap3A_329], %swap3A_332 {strides = array<i32>} : memref<128xi32, #tpu.memory_space<vmem>>, vector<16xi32>,
    %get3A_333 = arith.constant 1 : i32
    %get3A_334 = arith.index_cast %get3A_333 : i32 to index
    %get3A_335 = arith.constant 32 : index
    %get3A_336 = tpu.vector_load %arg8[%get3A_334, %get3A_335] {strides = array<i32>} : memref<80x128xi32, #tpu.memory_space<vmem>>, vector<1x16xi32>,
    %get3A_337 = vector.shape_cast %get3A_336 : vector<1x16xi32> to vector<16xi32>
    %shift_right_logical3A_338 = arith.constant 16 : i32
    %shift_right_logical3A_339 = vector.broadcast %shift_right_logical3A_338 : i32 to vector<16xi32>
    %shift_right_logical3A_340 = arith.shrui %get3A_337, %shift_right_logical3A_339 : vector<16xi32>
    %swap3A_341 = arith.constant 32 : index
    %swap3A_342 = tpu.vector_load %arg12[%swap3A_341] {strides = array<i32>} : memref<128xi32, #tpu.memory_space<vmem>>, vector<16xi32>,
    %swap3A_343 = vector.shape_cast %swap3A_342 : vector<16xi32> to vector<16xi32>
    %swap3A_344 = vector.shape_cast %shift_right_logical3A_340 : vector<16xi32> to vector<16xi32>
    tpu.vector_store %arg12[%swap3A_341], %swap3A_344 {strides = array<i32>} : memref<128xi32, #tpu.memory_space<vmem>>, vector<16xi32>,
    %get3A_345 = arith.constant 1 : i32
    %get3A_346 = arith.index_cast %get3A_345 : i32 to index
    %get3A_347 = arith.constant 48 : index
    %get3A_348 = tpu.vector_load %arg8[%get3A_346, %get3A_347] {strides = array<i32>} : memref<80x128xi32, #tpu.memory_space<vmem>>, vector<1x16xi32>,
    %get3A_349 = vector.shape_cast %get3A_348 : vector<1x16xi32> to vector<16xi32>
    %shift_right_logical3A_350 = arith.constant 16 : i32
    %shift_right_logical3A_351 = vector.broadcast %shift_right_logical3A_350 : i32 to vector<16xi32>
    %shift_right_logical3A_352 = arith.shrui %get3A_349, %shift_right_logical3A_351 : vector<16xi32>
    %swap3A_353 = arith.constant 48 : index
    %swap3A_354 = tpu.vector_load %arg12[%swap3A_353] {strides = array<i32>} : memref<128xi32, #tpu.memory_space<vmem>>, vector<16xi32>,
    %swap3A_355 = vector.shape_cast %swap3A_354 : vector<16xi32> to vector<16xi32>
    %swap3A_356 = vector.shape_cast %shift_right_logical3A_352 : vector<16xi32> to vector<16xi32>
    tpu.vector_store %arg12[%swap3A_353], %swap3A_356 {strides = array<i32>} : memref<128xi32, #tpu.memory_space<vmem>>, vector<16xi32>,
    %get3A_357 = arith.constant 1 : i32
    %get3A_358 = arith.index_cast %get3A_357 : i32 to index
    %get3A_359 = arith.constant 64 : index
    %get3A_360 = tpu.vector_load %arg8[%get3A_358, %get3A_359] {strides = array<i32>} : memref<80x128xi32, #tpu.memory_space<vmem>>, vector<1x16xi32>,
    %get3A_361 = vector.shape_cast %get3A_360 : vector<1x16xi32> to vector<16xi32>
    %shift_right_logical3A_362 = arith.constant 16 : i32
    %shift_right_logical3A_363 = vector.broadcast %shift_right_logical3A_362 : i32 to vector<16xi32>
    %shift_right_logical3A_364 = arith.shrui %get3A_361, %shift_right_logical3A_363 : vector<16xi32>
    %swap3A_365 = arith.constant 64 : index
    %swap3A_366 = tpu.vector_load %arg12[%swap3A_365] {strides = array<i32>} : memref<128xi32, #tpu.memory_space<vmem>>, vector<16xi32>,
    %swap3A_367 = vector.shape_cast %swap3A_366 : vector<16xi32> to vector<16xi32>
    %swap3A_368 = vector.shape_cast %shift_right_logical3A_364 : vector<16xi32> to vector<16xi32>
    tpu.vector_store %arg12[%swap3A_365], %swap3A_368 {strides = array<i32>} : memref<128xi32, #tpu.memory_space<vmem>>, vector<16xi32>,
    %get3A_369 = arith.constant 1 : i32
    %get3A_370 = arith.index_cast %get3A_369 : i32 to index
    %get3A_371 = arith.constant 80 : index
    %get3A_372 = tpu.vector_load %arg8[%get3A_370, %get3A_371] {strides = array<i32>} : memref<80x128xi32, #tpu.memory_space<vmem>>, vector<1x16xi32>,
    %get3A_373 = vector.shape_cast %get3A_372 : vector<1x16xi32> to vector<16xi32>
    %shift_right_logical3A_374 = arith.constant 16 : i32
    %shift_right_logical3A_375 = vector.broadcast %shift_right_logical3A_374 : i32 to vector<16xi32>
    %shift_right_logical3A_376 = arith.shrui %get3A_373, %shift_right_logical3A_375 : vector<16xi32>
    %swap3A_377 = arith.constant 80 : index
    %swap3A_378 = tpu.vector_load %arg12[%swap3A_377] {strides = array<i32>} : memref<128xi32, #tpu.memory_space<vmem>>, vector<16xi32>,
    %swap3A_379 = vector.shape_cast %swap3A_378 : vector<16xi32> to vector<16xi32>
    %swap3A_380 = vector.shape_cast %shift_right_logical3A_376 : vector<16xi32> to vector<16xi32>
    tpu.vector_store %arg12[%swap3A_377], %swap3A_380 {strides = array<i32>} : memref<128xi32, #tpu.memory_space<vmem>>, vector<16xi32>,
    %get3A_381 = arith.constant 1 : i32
    %get3A_382 = arith.index_cast %get3A_381 : i32 to index
    %get3A_383 = arith.constant 96 : index
    %get3A_384 = tpu.vector_load %arg8[%get3A_382, %get3A_383] {strides = array<i32>} : memref<80x128xi32, #tpu.memory_space<vmem>>, vector<1x16xi32>,
    %get3A_385 = vector.shape_cast %get3A_384 : vector<1x16xi32> to vector<16xi32>
    %shift_right_logical3A_386 = arith.constant 16 : i32
    %shift_right_logical3A_387 = vector.broadcast %shift_right_logical3A_386 : i32 to vector<16xi32>
    %shift_right_logical3A_388 = arith.shrui %get3A_385, %shift_right_logical3A_387 : vector<16xi32>
    %swap3A_389 = arith.constant 96 : index
    %swap3A_390 = tpu.vector_load %arg12[%swap3A_389] {strides = array<i32>} : memref<128xi32, #tpu.memory_space<vmem>>, vector<16xi32>,
    %swap3A_391 = vector.shape_cast %swap3A_390 : vector<16xi32> to vector<16xi32>
    %swap3A_392 = vector.shape_cast %shift_right_logical3A_388 : vector<16xi32> to vector<16xi32>
    tpu.vector_store %arg12[%swap3A_389], %swap3A_392 {strides = array<i32>} : memref<128xi32, #tpu.memory_space<vmem>>, vector<16xi32>,
    %get3A_393 = arith.constant 1 : i32
    %get3A_394 = arith.index_cast %get3A_393 : i32 to index
    %get3A_395 = arith.constant 112 : index
    %get3A_396 = tpu.vector_load %arg8[%get3A_394, %get3A_395] {strides = array<i32>} : memref<80x128xi32, #tpu.memory_space<vmem>>, vector<1x16xi32>,
    %get3A_397 = vector.shape_cast %get3A_396 : vector<1x16xi32> to vector<16xi32>
    %shift_right_logical3A_398 = arith.constant 16 : i32
    %shift_right_logical3A_399 = vector.broadcast %shift_right_logical3A_398 : i32 to vector<16xi32>
    %shift_right_logical3A_400 = arith.shrui %get3A_397, %shift_right_logical3A_399 : vector<16xi32>
    %swap3A_401 = arith.constant 112 : index
    %swap3A_402 = tpu.vector_load %arg12[%swap3A_401] {strides = array<i32>} : memref<128xi32, #tpu.memory_space<vmem>>, vector<16xi32>,
    %swap3A_403 = vector.shape_cast %swap3A_402 : vector<16xi32> to vector<16xi32>
    %swap3A_404 = vector.shape_cast %shift_right_logical3A_400 : vector<16xi32> to vector<16xi32>
    tpu.vector_store %arg12[%swap3A_401], %swap3A_404 {strides = array<i32>} : memref<128xi32, #tpu.memory_space<vmem>>, vector<16xi32>,
    %dma_start3A_405 = arith.constant 0 : i32
    %dma_start3A_406 = arith.constant 0 : i32
    %dma_start3A_407 = tpu.memref_slice %arg2[%dma_start3A_405, %dma_start3A_406] : memref<10240x128xf32, #tpu.memory_space<hbm>> -> memref<10240x128xf32, #tpu.memory_space<hbm>>
    tpu.enqueue_indirect_dma source(%dma_start3A_407 : memref<10240x128xf32, #tpu.memory_space<hbm>>) target(%arg7 : memref<128x128xf32, #tpu.memory_space<vmem>>) offsets(%arg10 : memref<128xi32, #tpu.memory_space<vmem>>) semaphore(%arg18 : memref<!tpu.dma_semaphore, #tpu.memory_space<semaphore_mem>>)
    %scan3A_408 = arith.constant 0 : i32
    %scan3A_409 = arith.constant 0 : i32
    %scan3A_410 = arith.constant 39 : i32
    %scan3A_411 = arith.addi %scan3A_409, %scan3A_410 : i32
    %scan3A_412 = arith.constant 1 : i32
    scf.for %scan3A_451 = %scan3A_409 to %scan3A_411 step %scan3A_412  : i32 {
      %mul3A_452 = arith.constant 2 : i32
      %mul3A_453 = arith.muli %scan3A_451, %mul3A_452 : i32
      %add3A_454 = arith.constant 0 : i32
      %add3A_455 = arith.addi %mul3A_453, %add3A_454 : i32
      %dma_wait3A_456 = arith.constant 0 : i32
      %dma_wait3A_457 = arith.constant 0 : i32
      %dma_wait3A_458 = tpu.memref_slice %arg2[%dma_wait3A_456, %dma_wait3A_457] : memref<10240x128xf32, #tpu.memory_space<hbm>> -> memref<10240x128xf32, #tpu.memory_space<hbm>>
      tpu.wait_indirect_dma semaphore(%arg17 : memref<!tpu.dma_semaphore, #tpu.memory_space<semaphore_mem>>) src(%dma_wait3A_458 : memref<10240x128xf32, #tpu.memory_space<hbm>>) dst(%arg6 : memref<128x128xf32, #tpu.memory_space<vmem>>)
      %dma_start3A_459 = arith.constant 0 : i32
      %dma_start3A_460 = arith.constant 0 : i32
      %dma_start3A_461 = tpu.memref_slice %arg5[%dma_start3A_459, %dma_start3A_460] : memref<10240x128xf32, #tpu.memory_space<vmem_shared>> -> memref<10240x128xf32, #tpu.memory_space<vmem_shared>>
      tpu.enqueue_indirect_dma source(%arg6 : memref<128x128xf32, #tpu.memory_space<vmem>>) target(%dma_start3A_461 : memref<10240x128xf32, #tpu.memory_space<vmem_shared>>) offsets(%arg11 : memref<128xi32, #tpu.memory_space<vmem>>) semaphore(%arg19 : memref<!tpu.dma_semaphore, #tpu.memory_space<semaphore_mem>>) {add = true}
      %add3A_462 = arith.constant 2 : i32
      %add3A_463 = arith.addi %add3A_455, %add3A_462 : i32
      %lt3A = arith.constant 78 : i32
      %lt3A_464 = arith.cmpi slt, %add3A_463, %lt3A : i32
      %convert_element_type3A = arith.extui %lt3A_464 : i1 to i32
      %cond3A = arith.constant 0 : i32
      %cond3A_465 = arith.cmpi ne, %convert_element_type3A, %cond3A : i32
      scf.if %cond3A_465 {
        %dma_wait3A_483 = arith.constant 0 : i32
        %dma_wait3A_484 = arith.constant 0 : i32
        %dma_wait3A_485 = tpu.memref_slice %arg5[%dma_wait3A_483, %dma_wait3A_484] : memref<10240x128xf32, #tpu.memory_space<vmem_shared>> -> memref<10240x128xf32, #tpu.memory_space<vmem_shared>>
        tpu.wait_indirect_dma semaphore(%arg19 : memref<!tpu.dma_semaphore, #tpu.memory_space<semaphore_mem>>) src(%arg6 : memref<128x128xf32, #tpu.memory_space<vmem>>) dst(%dma_wait3A_485 : memref<10240x128xf32, #tpu.memory_space<vmem_shared>>)
        %get3A_486 = arith.index_cast %add3A_463 : i32 to index
        %get3A_487 = arith.constant 0 : index
        %get3A_488 = tpu.vector_load %arg8[%get3A_486, %get3A_487] {strides = array<i32>} : memref<80x128xi32, #tpu.memory_space<vmem>>, vector<1x16xi32>,
        %get3A_489 = vector.shape_cast %get3A_488 : vector<1x16xi32> to vector<16xi32>
        %and3A_490 = arith.constant 65535 : i32
        %and3A_491 = vector.broadcast %and3A_490 : i32 to vector<16xi32>
        %and3A_492 = arith.andi %get3A_489, %and3A_491 : vector<16xi32>
        %swap3A_493 = arith.constant 0 : index
        %swap3A_494 = tpu.vector_load %arg9[%swap3A_493] {strides = array<i32>} : memref<128xi32, #tpu.memory_space<vmem>>, vector<16xi32>,
        %swap3A_495 = vector.shape_cast %swap3A_494 : vector<16xi32> to vector<16xi32>
        %swap3A_496 = vector.shape_cast %and3A_492 : vector<16xi32> to vector<16xi32>
        tpu.vector_store %arg9[%swap3A_493], %swap3A_496 {strides = array<i32>} : memref<128xi32, #tpu.memory_space<vmem>>, vector<16xi32>,
        %get3A_497 = arith.index_cast %add3A_463 : i32 to index
        %get3A_498 = arith.constant 16 : index
        %get3A_499 = tpu.vector_load %arg8[%get3A_497, %get3A_498] {strides = array<i32>} : memref<80x128xi32, #tpu.memory_space<vmem>>, vector<1x16xi32>,
        %get3A_500 = vector.shape_cast %get3A_499 : vector<1x16xi32> to vector<16xi32>
        %and3A_501 = arith.constant 65535 : i32
        %and3A_502 = vector.broadcast %and3A_501 : i32 to vector<16xi32>
        %and3A_503 = arith.andi %get3A_500, %and3A_502 : vector<16xi32>
        %swap3A_504 = arith.constant 16 : index
        %swap3A_505 = tpu.vector_load %arg9[%swap3A_504] {strides = array<i32>} : memref<128xi32, #tpu.memory_space<vmem>>, vector<16xi32>,
        %swap3A_506 = vector.shape_cast %swap3A_505 : vector<16xi32> to vector<16xi32>
        %swap3A_507 = vector.shape_cast %and3A_503 : vector<16xi32> to vector<16xi32>
        tpu.vector_store %arg9[%swap3A_504], %swap3A_507 {strides = array<i32>} : memref<128xi32, #tpu.memory_space<vmem>>, vector<16xi32>,
        %get3A_508 = arith.index_cast %add3A_463 : i32 to index
        %get3A_509 = arith.constant 32 : index
        %get3A_510 = tpu.vector_load %arg8[%get3A_508, %get3A_509] {strides = array<i32>} : memref<80x128xi32, #tpu.memory_space<vmem>>, vector<1x16xi32>,
        %get3A_511 = vector.shape_cast %get3A_510 : vector<1x16xi32> to vector<16xi32>
        %and3A_512 = arith.constant 65535 : i32
        %and3A_513 = vector.broadcast %and3A_512 : i32 to vector<16xi32>
        %and3A_514 = arith.andi %get3A_511, %and3A_513 : vector<16xi32>
        %swap3A_515 = arith.constant 32 : index
        %swap3A_516 = tpu.vector_load %arg9[%swap3A_515] {strides = array<i32>} : memref<128xi32, #tpu.memory_space<vmem>>, vector<16xi32>,
        %swap3A_517 = vector.shape_cast %swap3A_516 : vector<16xi32> to vector<16xi32>
        %swap3A_518 = vector.shape_cast %and3A_514 : vector<16xi32> to vector<16xi32>
        tpu.vector_store %arg9[%swap3A_515], %swap3A_518 {strides = array<i32>} : memref<128xi32, #tpu.memory_space<vmem>>, vector<16xi32>,
        %get3A_519 = arith.index_cast %add3A_463 : i32 to index
        %get3A_520 = arith.constant 48 : index
        %get3A_521 = tpu.vector_load %arg8[%get3A_519, %get3A_520] {strides = array<i32>} : memref<80x128xi32, #tpu.memory_space<vmem>>, vector<1x16xi32>,
        %get3A_522 = vector.shape_cast %get3A_521 : vector<1x16xi32> to vector<16xi32>
        %and3A_523 = arith.constant 65535 : i32
        %and3A_524 = vector.broadcast %and3A_523 : i32 to vector<16xi32>
        %and3A_525 = arith.andi %get3A_522, %and3A_524 : vector<16xi32>
        %swap3A_526 = arith.constant 48 : index
        %swap3A_527 = tpu.vector_load %arg9[%swap3A_526] {strides = array<i32>} : memref<128xi32, #tpu.memory_space<vmem>>, vector<16xi32>,
        %swap3A_528 = vector.shape_cast %swap3A_527 : vector<16xi32> to vector<16xi32>
        %swap3A_529 = vector.shape_cast %and3A_525 : vector<16xi32> to vector<16xi32>
        tpu.vector_store %arg9[%swap3A_526], %swap3A_529 {strides = array<i32>} : memref<128xi32, #tpu.memory_space<vmem>>, vector<16xi32>,
        %get3A_530 = arith.index_cast %add3A_463 : i32 to index
        %get3A_531 = arith.constant 64 : index
        %get3A_532 = tpu.vector_load %arg8[%get3A_530, %get3A_531] {strides = array<i32>} : memref<80x128xi32, #tpu.memory_space<vmem>>, vector<1x16xi32>,
        %get3A_533 = vector.shape_cast %get3A_532 : vector<1x16xi32> to vector<16xi32>
        %and3A_534 = arith.constant 65535 : i32
        %and3A_535 = vector.broadcast %and3A_534 : i32 to vector<16xi32>
        %and3A_536 = arith.andi %get3A_533, %and3A_535 : vector<16xi32>
        %swap3A_537 = arith.constant 64 : index
        %swap3A_538 = tpu.vector_load %arg9[%swap3A_537] {strides = array<i32>} : memref<128xi32, #tpu.memory_space<vmem>>, vector<16xi32>,
        %swap3A_539 = vector.shape_cast %swap3A_538 : vector<16xi32> to vector<16xi32>
        %swap3A_540 = vector.shape_cast %and3A_536 : vector<16xi32> to vector<16xi32>
        tpu.vector_store %arg9[%swap3A_537], %swap3A_540 {strides = array<i32>} : memref<128xi32, #tpu.memory_space<vmem>>, vector<16xi32>,
        %get3A_541 = arith.index_cast %add3A_463 : i32 to index
        %get3A_542 = arith.constant 80 : index
        %get3A_543 = tpu.vector_load %arg8[%get3A_541, %get3A_542] {strides = array<i32>} : memref<80x128xi32, #tpu.memory_space<vmem>>, vector<1x16xi32>,
        %get3A_544 = vector.shape_cast %get3A_543 : vector<1x16xi32> to vector<16xi32>
        %and3A_545 = arith.constant 65535 : i32
        %and3A_546 = vector.broadcast %and3A_545 : i32 to vector<16xi32>
        %and3A_547 = arith.andi %get3A_544, %and3A_546 : vector<16xi32>
        %swap3A_548 = arith.constant 80 : index
        %swap3A_549 = tpu.vector_load %arg9[%swap3A_548] {strides = array<i32>} : memref<128xi32, #tpu.memory_space<vmem>>, vector<16xi32>,
        %swap3A_550 = vector.shape_cast %swap3A_549 : vector<16xi32> to vector<16xi32>
        %swap3A_551 = vector.shape_cast %and3A_547 : vector<16xi32> to vector<16xi32>
        tpu.vector_store %arg9[%swap3A_548], %swap3A_551 {strides = array<i32>} : memref<128xi32, #tpu.memory_space<vmem>>, vector<16xi32>,
        %get3A_552 = arith.index_cast %add3A_463 : i32 to index
        %get3A_553 = arith.constant 96 : index
        %get3A_554 = tpu.vector_load %arg8[%get3A_552, %get3A_553] {strides = array<i32>} : memref<80x128xi32, #tpu.memory_space<vmem>>, vector<1x16xi32>,
        %get3A_555 = vector.shape_cast %get3A_554 : vector<1x16xi32> to vector<16xi32>
        %and3A_556 = arith.constant 65535 : i32
        %and3A_557 = vector.broadcast %and3A_556 : i32 to vector<16xi32>
        %and3A_558 = arith.andi %get3A_555, %and3A_557 : vector<16xi32>
        %swap3A_559 = arith.constant 96 : index
        %swap3A_560 = tpu.vector_load %arg9[%swap3A_559] {strides = array<i32>} : memref<128xi32, #tpu.memory_space<vmem>>, vector<16xi32>,
        %swap3A_561 = vector.shape_cast %swap3A_560 : vector<16xi32> to vector<16xi32>
        %swap3A_562 = vector.shape_cast %and3A_558 : vector<16xi32> to vector<16xi32>
        tpu.vector_store %arg9[%swap3A_559], %swap3A_562 {strides = array<i32>} : memref<128xi32, #tpu.memory_space<vmem>>, vector<16xi32>,
        %get3A_563 = arith.index_cast %add3A_463 : i32 to index
        %get3A_564 = arith.constant 112 : index
        %get3A_565 = tpu.vector_load %arg8[%get3A_563, %get3A_564] {strides = array<i32>} : memref<80x128xi32, #tpu.memory_space<vmem>>, vector<1x16xi32>,
        %get3A_566 = vector.shape_cast %get3A_565 : vector<1x16xi32> to vector<16xi32>
        %and3A_567 = arith.constant 65535 : i32
        %and3A_568 = vector.broadcast %and3A_567 : i32 to vector<16xi32>
        %and3A_569 = arith.andi %get3A_566, %and3A_568 : vector<16xi32>
        %swap3A_570 = arith.constant 112 : index
        %swap3A_571 = tpu.vector_load %arg9[%swap3A_570] {strides = array<i32>} : memref<128xi32, #tpu.memory_space<vmem>>, vector<16xi32>,
        %swap3A_572 = vector.shape_cast %swap3A_571 : vector<16xi32> to vector<16xi32>
        %swap3A_573 = vector.shape_cast %and3A_569 : vector<16xi32> to vector<16xi32>
        tpu.vector_store %arg9[%swap3A_570], %swap3A_573 {strides = array<i32>} : memref<128xi32, #tpu.memory_space<vmem>>, vector<16xi32>,
        %get3A_574 = arith.index_cast %add3A_463 : i32 to index
        %get3A_575 = arith.constant 0 : index
        %get3A_576 = tpu.vector_load %arg8[%get3A_574, %get3A_575] {strides = array<i32>} : memref<80x128xi32, #tpu.memory_space<vmem>>, vector<1x16xi32>,
        %get3A_577 = vector.shape_cast %get3A_576 : vector<1x16xi32> to vector<16xi32>
        %shift_right_logical3A_578 = arith.constant 16 : i32
        %shift_right_logical3A_579 = vector.broadcast %shift_right_logical3A_578 : i32 to vector<16xi32>
        %shift_right_logical3A_580 = arith.shrui %get3A_577, %shift_right_logical3A_579 : vector<16xi32>
        %swap3A_581 = arith.constant 0 : index
        %swap3A_582 = tpu.vector_load %arg11[%swap3A_581] {strides = array<i32>} : memref<128xi32, #tpu.memory_space<vmem>>, vector<16xi32>,
        %swap3A_583 = vector.shape_cast %swap3A_582 : vector<16xi32> to vector<16xi32>
        %swap3A_584 = vector.shape_cast %shift_right_logical3A_580 : vector<16xi32> to vector<16xi32>
        tpu.vector_store %arg11[%swap3A_581], %swap3A_584 {strides = array<i32>} : memref<128xi32, #tpu.memory_space<vmem>>, vector<16xi32>,
        %get3A_585 = arith.index_cast %add3A_463 : i32 to index
        %get3A_586 = arith.constant 16 : index
        %get3A_587 = tpu.vector_load %arg8[%get3A_585, %get3A_586] {strides = array<i32>} : memref<80x128xi32, #tpu.memory_space<vmem>>, vector<1x16xi32>,
        %get3A_588 = vector.shape_cast %get3A_587 : vector<1x16xi32> to vector<16xi32>
        %shift_right_logical3A_589 = arith.constant 16 : i32
        %shift_right_logical3A_590 = vector.broadcast %shift_right_logical3A_589 : i32 to vector<16xi32>
        %shift_right_logical3A_591 = arith.shrui %get3A_588, %shift_right_logical3A_590 : vector<16xi32>
        %swap3A_592 = arith.constant 16 : index
        %swap3A_593 = tpu.vector_load %arg11[%swap3A_592] {strides = array<i32>} : memref<128xi32, #tpu.memory_space<vmem>>, vector<16xi32>,
        %swap3A_594 = vector.shape_cast %swap3A_593 : vector<16xi32> to vector<16xi32>
        %swap3A_595 = vector.shape_cast %shift_right_logical3A_591 : vector<16xi32> to vector<16xi32>
        tpu.vector_store %arg11[%swap3A_592], %swap3A_595 {strides = array<i32>} : memref<128xi32, #tpu.memory_space<vmem>>, vector<16xi32>,
        %get3A_596 = arith.index_cast %add3A_463 : i32 to index
        %get3A_597 = arith.constant 32 : index
        %get3A_598 = tpu.vector_load %arg8[%get3A_596, %get3A_597] {strides = array<i32>} : memref<80x128xi32, #tpu.memory_space<vmem>>, vector<1x16xi32>,
        %get3A_599 = vector.shape_cast %get3A_598 : vector<1x16xi32> to vector<16xi32>
        %shift_right_logical3A_600 = arith.constant 16 : i32
        %shift_right_logical3A_601 = vector.broadcast %shift_right_logical3A_600 : i32 to vector<16xi32>
        %shift_right_logical3A_602 = arith.shrui %get3A_599, %shift_right_logical3A_601 : vector<16xi32>
        %swap3A_603 = arith.constant 32 : index
        %swap3A_604 = tpu.vector_load %arg11[%swap3A_603] {strides = array<i32>} : memref<128xi32, #tpu.memory_space<vmem>>, vector<16xi32>,
        %swap3A_605 = vector.shape_cast %swap3A_604 : vector<16xi32> to vector<16xi32>
        %swap3A_606 = vector.shape_cast %shift_right_logical3A_602 : vector<16xi32> to vector<16xi32>
        tpu.vector_store %arg11[%swap3A_603], %swap3A_606 {strides = array<i32>} : memref<128xi32, #tpu.memory_space<vmem>>, vector<16xi32>,
        %get3A_607 = arith.index_cast %add3A_463 : i32 to index
        %get3A_608 = arith.constant 48 : index
        %get3A_609 = tpu.vector_load %arg8[%get3A_607, %get3A_608] {strides = array<i32>} : memref<80x128xi32, #tpu.memory_space<vmem>>, vector<1x16xi32>,
        %get3A_610 = vector.shape_cast %get3A_609 : vector<1x16xi32> to vector<16xi32>
        %shift_right_logical3A_611 = arith.constant 16 : i32
        %shift_right_logical3A_612 = vector.broadcast %shift_right_logical3A_611 : i32 to vector<16xi32>
        %shift_right_logical3A_613 = arith.shrui %get3A_610, %shift_right_logical3A_612 : vector<16xi32>
        %swap3A_614 = arith.constant 48 : index
        %swap3A_615 = tpu.vector_load %arg11[%swap3A_614] {strides = array<i32>} : memref<128xi32, #tpu.memory_space<vmem>>, vector<16xi32>,
        %swap3A_616 = vector.shape_cast %swap3A_615 : vector<16xi32> to vector<16xi32>
        %swap3A_617 = vector.shape_cast %shift_right_logical3A_613 : vector<16xi32> to vector<16xi32>
        tpu.vector_store %arg11[%swap3A_614], %swap3A_617 {strides = array<i32>} : memref<128xi32, #tpu.memory_space<vmem>>, vector<16xi32>,
        %get3A_618 = arith.index_cast %add3A_463 : i32 to index
        %get3A_619 = arith.constant 64 : index
        %get3A_620 = tpu.vector_load %arg8[%get3A_618, %get3A_619] {strides = array<i32>} : memref<80x128xi32, #tpu.memory_space<vmem>>, vector<1x16xi32>,
        %get3A_621 = vector.shape_cast %get3A_620 : vector<1x16xi32> to vector<16xi32>
        %shift_right_logical3A_622 = arith.constant 16 : i32
        %shift_right_logical3A_623 = vector.broadcast %shift_right_logical3A_622 : i32 to vector<16xi32>
        %shift_right_logical3A_624 = arith.shrui %get3A_621, %shift_right_logical3A_623 : vector<16xi32>
        %swap3A_625 = arith.constant 64 : index
        %swap3A_626 = tpu.vector_load %arg11[%swap3A_625] {strides = array<i32>} : memref<128xi32, #tpu.memory_space<vmem>>, vector<16xi32>,
        %swap3A_627 = vector.shape_cast %swap3A_626 : vector<16xi32> to vector<16xi32>
        %swap3A_628 = vector.shape_cast %shift_right_logical3A_624 : vector<16xi32> to vector<16xi32>
        tpu.vector_store %arg11[%swap3A_625], %swap3A_628 {strides = array<i32>} : memref<128xi32, #tpu.memory_space<vmem>>, vector<16xi32>,
        %get3A_629 = arith.index_cast %add3A_463 : i32 to index
        %get3A_630 = arith.constant 80 : index
        %get3A_631 = tpu.vector_load %arg8[%get3A_629, %get3A_630] {strides = array<i32>} : memref<80x128xi32, #tpu.memory_space<vmem>>, vector<1x16xi32>,
        %get3A_632 = vector.shape_cast %get3A_631 : vector<1x16xi32> to vector<16xi32>
        %shift_right_logical3A_633 = arith.constant 16 : i32
        %shift_right_logical3A_634 = vector.broadcast %shift_right_logical3A_633 : i32 to vector<16xi32>
        %shift_right_logical3A_635 = arith.shrui %get3A_632, %shift_right_logical3A_634 : vector<16xi32>
        %swap3A_636 = arith.constant 80 : index
        %swap3A_637 = tpu.vector_load %arg11[%swap3A_636] {strides = array<i32>} : memref<128xi32, #tpu.memory_space<vmem>>, vector<16xi32>,
        %swap3A_638 = vector.shape_cast %swap3A_637 : vector<16xi32> to vector<16xi32>
        %swap3A_639 = vector.shape_cast %shift_right_logical3A_635 : vector<16xi32> to vector<16xi32>
        tpu.vector_store %arg11[%swap3A_636], %swap3A_639 {strides = array<i32>} : memref<128xi32, #tpu.memory_space<vmem>>, vector<16xi32>,
        %get3A_640 = arith.index_cast %add3A_463 : i32 to index
        %get3A_641 = arith.constant 96 : index
        %get3A_642 = tpu.vector_load %arg8[%get3A_640, %get3A_641] {strides = array<i32>} : memref<80x128xi32, #tpu.memory_space<vmem>>, vector<1x16xi32>,
        %get3A_643 = vector.shape_cast %get3A_642 : vector<1x16xi32> to vector<16xi32>
        %shift_right_logical3A_644 = arith.constant 16 : i32
        %shift_right_logical3A_645 = vector.broadcast %shift_right_logical3A_644 : i32 to vector<16xi32>
        %shift_right_logical3A_646 = arith.shrui %get3A_643, %shift_right_logical3A_645 : vector<16xi32>
        %swap3A_647 = arith.constant 96 : index
        %swap3A_648 = tpu.vector_load %arg11[%swap3A_647] {strides = array<i32>} : memref<128xi32, #tpu.memory_space<vmem>>, vector<16xi32>,
        %swap3A_649 = vector.shape_cast %swap3A_648 : vector<16xi32> to vector<16xi32>
        %swap3A_650 = vector.shape_cast %shift_right_logical3A_646 : vector<16xi32> to vector<16xi32>
        tpu.vector_store %arg11[%swap3A_647], %swap3A_650 {strides = array<i32>} : memref<128xi32, #tpu.memory_space<vmem>>, vector<16xi32>,
        %get3A_651 = arith.index_cast %add3A_463 : i32 to index
        %get3A_652 = arith.constant 112 : index
        %get3A_653 = tpu.vector_load %arg8[%get3A_651, %get3A_652] {strides = array<i32>} : memref<80x128xi32, #tpu.memory_space<vmem>>, vector<1x16xi32>,
        %get3A_654 = vector.shape_cast %get3A_653 : vector<1x16xi32> to vector<16xi32>
        %shift_right_logical3A_655 = arith.constant 16 : i32
        %shift_right_logical3A_656 = vector.broadcast %shift_right_logical3A_655 : i32 to vector<16xi32>
        %shift_right_logical3A_657 = arith.shrui %get3A_654, %shift_right_logical3A_656 : vector<16xi32>
        %swap3A_658 = arith.constant 112 : index
        %swap3A_659 = tpu.vector_load %arg11[%swap3A_658] {strides = array<i32>} : memref<128xi32, #tpu.memory_space<vmem>>, vector<16xi32>,
        %swap3A_660 = vector.shape_cast %swap3A_659 : vector<16xi32> to vector<16xi32>
        %swap3A_661 = vector.shape_cast %shift_right_logical3A_657 : vector<16xi32> to vector<16xi32>
        tpu.vector_store %arg11[%swap3A_658], %swap3A_661 {strides = array<i32>} : memref<128xi32, #tpu.memory_space<vmem>>, vector<16xi32>,
        %dma_start3A_662 = arith.constant 0 : i32
        %dma_start3A_663 = arith.constant 0 : i32
        %dma_start3A_664 = tpu.memref_slice %arg2[%dma_start3A_662, %dma_start3A_663] : memref<10240x128xf32, #tpu.memory_space<hbm>> -> memref<10240x128xf32, #tpu.memory_space<hbm>>
        tpu.enqueue_indirect_dma source(%dma_start3A_664 : memref<10240x128xf32, #tpu.memory_space<hbm>>) target(%arg6 : memref<128x128xf32, #tpu.memory_space<vmem>>) offsets(%arg9 : memref<128xi32, #tpu.memory_space<vmem>>) semaphore(%arg17 : memref<!tpu.dma_semaphore, #tpu.memory_space<semaphore_mem>>)
      } else {
      }
      %mul3A_466 = arith.constant 2 : i32
      %mul3A_467 = arith.muli %scan3A_451, %mul3A_466 : i32
      %add3A_468 = arith.constant 1 : i32
      %add3A_469 = arith.addi %mul3A_467, %add3A_468 : i32
      %dma_wait3A_470 = arith.constant 0 : i32
      %dma_wait3A_471 = arith.constant 0 : i32
      %dma_wait3A_472 = tpu.memref_slice %arg2[%dma_wait3A_470, %dma_wait3A_471] : memref<10240x128xf32, #tpu.memory_space<hbm>> -> memref<10240x128xf32, #tpu.memory_space<hbm>>
      tpu.wait_indirect_dma semaphore(%arg18 : memref<!tpu.dma_semaphore, #tpu.memory_space<semaphore_mem>>) src(%dma_wait3A_472 : memref<10240x128xf32, #tpu.memory_space<hbm>>) dst(%arg7 : memref<128x128xf32, #tpu.memory_space<vmem>>)
      %dma_start3A_473 = arith.constant 0 : i32
      %dma_start3A_474 = arith.constant 0 : i32
      %dma_start3A_475 = tpu.memref_slice %arg5[%dma_start3A_473, %dma_start3A_474] : memref<10240x128xf32, #tpu.memory_space<vmem_shared>> -> memref<10240x128xf32, #tpu.memory_space<vmem_shared>>
      tpu.enqueue_indirect_dma source(%arg7 : memref<128x128xf32, #tpu.memory_space<vmem>>) target(%dma_start3A_475 : memref<10240x128xf32, #tpu.memory_space<vmem_shared>>) offsets(%arg12 : memref<128xi32, #tpu.memory_space<vmem>>) semaphore(%arg20 : memref<!tpu.dma_semaphore, #tpu.memory_space<semaphore_mem>>) {add = true}
      %add3A_476 = arith.constant 2 : i32
      %add3A_477 = arith.addi %add3A_469, %add3A_476 : i32
      %lt3A_478 = arith.constant 78 : i32
      %lt3A_479 = arith.cmpi slt, %add3A_477, %lt3A_478 : i32
      %convert_element_type3A_480 = arith.extui %lt3A_479 : i1 to i32
      %cond3A_481 = arith.constant 0 : i32
      %cond3A_482 = arith.cmpi ne, %convert_element_type3A_480, %cond3A_481 : i32
      scf.if %cond3A_482 {
        %dma_wait3A_483 = arith.constant 0 : i32
        %dma_wait3A_484 = arith.constant 0 : i32
        %dma_wait3A_485 = tpu.memref_slice %arg5[%dma_wait3A_483, %dma_wait3A_484] : memref<10240x128xf32, #tpu.memory_space<vmem_shared>> -> memref<10240x128xf32, #tpu.memory_space<vmem_shared>>
        tpu.wait_indirect_dma semaphore(%arg20 : memref<!tpu.dma_semaphore, #tpu.memory_space<semaphore_mem>>) src(%arg7 : memref<128x128xf32, #tpu.memory_space<vmem>>) dst(%dma_wait3A_485 : memref<10240x128xf32, #tpu.memory_space<vmem_shared>>)
        %get3A_486 = arith.index_cast %add3A_477 : i32 to index
        %get3A_487 = arith.constant 0 : index
        %get3A_488 = tpu.vector_load %arg8[%get3A_486, %get3A_487] {strides = array<i32>} : memref<80x128xi32, #tpu.memory_space<vmem>>, vector<1x16xi32>,
        %get3A_489 = vector.shape_cast %get3A_488 : vector<1x16xi32> to vector<16xi32>
        %and3A_490 = arith.constant 65535 : i32
        %and3A_491 = vector.broadcast %and3A_490 : i32 to vector<16xi32>
        %and3A_492 = arith.andi %get3A_489, %and3A_491 : vector<16xi32>
        %swap3A_493 = arith.constant 0 : index
        %swap3A_494 = tpu.vector_load %arg10[%swap3A_493] {strides = array<i32>} : memref<128xi32, #tpu.memory_space<vmem>>, vector<16xi32>,
        %swap3A_495 = vector.shape_cast %swap3A_494 : vector<16xi32> to vector<16xi32>
        %swap3A_496 = vector.shape_cast %and3A_492 : vector<16xi32> to vector<16xi32>
        tpu.vector_store %arg10[%swap3A_493], %swap3A_496 {strides = array<i32>} : memref<128xi32, #tpu.memory_space<vmem>>, vector<16xi32>,
        %get3A_497 = arith.index_cast %add3A_477 : i32 to index
        %get3A_498 = arith.constant 16 : index
        %get3A_499 = tpu.vector_load %arg8[%get3A_497, %get3A_498] {strides = array<i32>} : memref<80x128xi32, #tpu.memory_space<vmem>>, vector<1x16xi32>,
        %get3A_500 = vector.shape_cast %get3A_499 : vector<1x16xi32> to vector<16xi32>
        %and3A_501 = arith.constant 65535 : i32
        %and3A_502 = vector.broadcast %and3A_501 : i32 to vector<16xi32>
        %and3A_503 = arith.andi %get3A_500, %and3A_502 : vector<16xi32>
        %swap3A_504 = arith.constant 16 : index
        %swap3A_505 = tpu.vector_load %arg10[%swap3A_504] {strides = array<i32>} : memref<128xi32, #tpu.memory_space<vmem>>, vector<16xi32>,
        %swap3A_506 = vector.shape_cast %swap3A_505 : vector<16xi32> to vector<16xi32>
        %swap3A_507 = vector.shape_cast %and3A_503 : vector<16xi32> to vector<16xi32>
        tpu.vector_store %arg10[%swap3A_504], %swap3A_507 {strides = array<i32>} : memref<128xi32, #tpu.memory_space<vmem>>, vector<16xi32>,
        %get3A_508 = arith.index_cast %add3A_477 : i32 to index
        %get3A_509 = arith.constant 32 : index
        %get3A_510 = tpu.vector_load %arg8[%get3A_508, %get3A_509] {strides = array<i32>} : memref<80x128xi32, #tpu.memory_space<vmem>>, vector<1x16xi32>,
        %get3A_511 = vector.shape_cast %get3A_510 : vector<1x16xi32> to vector<16xi32>
        %and3A_512 = arith.constant 65535 : i32
        %and3A_513 = vector.broadcast %and3A_512 : i32 to vector<16xi32>
        %and3A_514 = arith.andi %get3A_511, %and3A_513 : vector<16xi32>
        %swap3A_515 = arith.constant 32 : index
        %swap3A_516 = tpu.vector_load %arg10[%swap3A_515] {strides = array<i32>} : memref<128xi32, #tpu.memory_space<vmem>>, vector<16xi32>,
        %swap3A_517 = vector.shape_cast %swap3A_516 : vector<16xi32> to vector<16xi32>
        %swap3A_518 = vector.shape_cast %and3A_514 : vector<16xi32> to vector<16xi32>
        tpu.vector_store %arg10[%swap3A_515], %swap3A_518 {strides = array<i32>} : memref<128xi32, #tpu.memory_space<vmem>>, vector<16xi32>,
        %get3A_519 = arith.index_cast %add3A_477 : i32 to index
        %get3A_520 = arith.constant 48 : index
        %get3A_521 = tpu.vector_load %arg8[%get3A_519, %get3A_520] {strides = array<i32>} : memref<80x128xi32, #tpu.memory_space<vmem>>, vector<1x16xi32>,
        %get3A_522 = vector.shape_cast %get3A_521 : vector<1x16xi32> to vector<16xi32>
        %and3A_523 = arith.constant 65535 : i32
        %and3A_524 = vector.broadcast %and3A_523 : i32 to vector<16xi32>
        %and3A_525 = arith.andi %get3A_522, %and3A_524 : vector<16xi32>
        %swap3A_526 = arith.constant 48 : index
        %swap3A_527 = tpu.vector_load %arg10[%swap3A_526] {strides = array<i32>} : memref<128xi32, #tpu.memory_space<vmem>>, vector<16xi32>,
        %swap3A_528 = vector.shape_cast %swap3A_527 : vector<16xi32> to vector<16xi32>
        %swap3A_529 = vector.shape_cast %and3A_525 : vector<16xi32> to vector<16xi32>
        tpu.vector_store %arg10[%swap3A_526], %swap3A_529 {strides = array<i32>} : memref<128xi32, #tpu.memory_space<vmem>>, vector<16xi32>,
        %get3A_530 = arith.index_cast %add3A_477 : i32 to index
        %get3A_531 = arith.constant 64 : index
        %get3A_532 = tpu.vector_load %arg8[%get3A_530, %get3A_531] {strides = array<i32>} : memref<80x128xi32, #tpu.memory_space<vmem>>, vector<1x16xi32>,
        %get3A_533 = vector.shape_cast %get3A_532 : vector<1x16xi32> to vector<16xi32>
        %and3A_534 = arith.constant 65535 : i32
        %and3A_535 = vector.broadcast %and3A_534 : i32 to vector<16xi32>
        %and3A_536 = arith.andi %get3A_533, %and3A_535 : vector<16xi32>
        %swap3A_537 = arith.constant 64 : index
        %swap3A_538 = tpu.vector_load %arg10[%swap3A_537] {strides = array<i32>} : memref<128xi32, #tpu.memory_space<vmem>>, vector<16xi32>,
        %swap3A_539 = vector.shape_cast %swap3A_538 : vector<16xi32> to vector<16xi32>
        %swap3A_540 = vector.shape_cast %and3A_536 : vector<16xi32> to vector<16xi32>
        tpu.vector_store %arg10[%swap3A_537], %swap3A_540 {strides = array<i32>} : memref<128xi32, #tpu.memory_space<vmem>>, vector<16xi32>,
        %get3A_541 = arith.index_cast %add3A_477 : i32 to index
        %get3A_542 = arith.constant 80 : index
        %get3A_543 = tpu.vector_load %arg8[%get3A_541, %get3A_542] {strides = array<i32>} : memref<80x128xi32, #tpu.memory_space<vmem>>, vector<1x16xi32>,
        %get3A_544 = vector.shape_cast %get3A_543 : vector<1x16xi32> to vector<16xi32>
        %and3A_545 = arith.constant 65535 : i32
        %and3A_546 = vector.broadcast %and3A_545 : i32 to vector<16xi32>
        %and3A_547 = arith.andi %get3A_544, %and3A_546 : vector<16xi32>
        %swap3A_548 = arith.constant 80 : index
        %swap3A_549 = tpu.vector_load %arg10[%swap3A_548] {strides = array<i32>} : memref<128xi32, #tpu.memory_space<vmem>>, vector<16xi32>,
        %swap3A_550 = vector.shape_cast %swap3A_549 : vector<16xi32> to vector<16xi32>
        %swap3A_551 = vector.shape_cast %and3A_547 : vector<16xi32> to vector<16xi32>
        tpu.vector_store %arg10[%swap3A_548], %swap3A_551 {strides = array<i32>} : memref<128xi32, #tpu.memory_space<vmem>>, vector<16xi32>,
        %get3A_552 = arith.index_cast %add3A_477 : i32 to index
        %get3A_553 = arith.constant 96 : index
        %get3A_554 = tpu.vector_load %arg8[%get3A_552, %get3A_553] {strides = array<i32>} : memref<80x128xi32, #tpu.memory_space<vmem>>, vector<1x16xi32>,
        %get3A_555 = vector.shape_cast %get3A_554 : vector<1x16xi32> to vector<16xi32>
        %and3A_556 = arith.constant 65535 : i32
        %and3A_557 = vector.broadcast %and3A_556 : i32 to vector<16xi32>
        %and3A_558 = arith.andi %get3A_555, %and3A_557 : vector<16xi32>
        %swap3A_559 = arith.constant 96 : index
        %swap3A_560 = tpu.vector_load %arg10[%swap3A_559] {strides = array<i32>} : memref<128xi32, #tpu.memory_space<vmem>>, vector<16xi32>,
        %swap3A_561 = vector.shape_cast %swap3A_560 : vector<16xi32> to vector<16xi32>
        %swap3A_562 = vector.shape_cast %and3A_558 : vector<16xi32> to vector<16xi32>
        tpu.vector_store %arg10[%swap3A_559], %swap3A_562 {strides = array<i32>} : memref<128xi32, #tpu.memory_space<vmem>>, vector<16xi32>,
        %get3A_563 = arith.index_cast %add3A_477 : i32 to index
        %get3A_564 = arith.constant 112 : index
        %get3A_565 = tpu.vector_load %arg8[%get3A_563, %get3A_564] {strides = array<i32>} : memref<80x128xi32, #tpu.memory_space<vmem>>, vector<1x16xi32>,
        %get3A_566 = vector.shape_cast %get3A_565 : vector<1x16xi32> to vector<16xi32>
        %and3A_567 = arith.constant 65535 : i32
        %and3A_568 = vector.broadcast %and3A_567 : i32 to vector<16xi32>
        %and3A_569 = arith.andi %get3A_566, %and3A_568 : vector<16xi32>
        %swap3A_570 = arith.constant 112 : index
        %swap3A_571 = tpu.vector_load %arg10[%swap3A_570] {strides = array<i32>} : memref<128xi32, #tpu.memory_space<vmem>>, vector<16xi32>,
        %swap3A_572 = vector.shape_cast %swap3A_571 : vector<16xi32> to vector<16xi32>
        %swap3A_573 = vector.shape_cast %and3A_569 : vector<16xi32> to vector<16xi32>
        tpu.vector_store %arg10[%swap3A_570], %swap3A_573 {strides = array<i32>} : memref<128xi32, #tpu.memory_space<vmem>>, vector<16xi32>,
        %get3A_574 = arith.index_cast %add3A_477 : i32 to index
        %get3A_575 = arith.constant 0 : index
        %get3A_576 = tpu.vector_load %arg8[%get3A_574, %get3A_575] {strides = array<i32>} : memref<80x128xi32, #tpu.memory_space<vmem>>, vector<1x16xi32>,
        %get3A_577 = vector.shape_cast %get3A_576 : vector<1x16xi32> to vector<16xi32>
        %shift_right_logical3A_578 = arith.constant 16 : i32
        %shift_right_logical3A_579 = vector.broadcast %shift_right_logical3A_578 : i32 to vector<16xi32>
        %shift_right_logical3A_580 = arith.shrui %get3A_577, %shift_right_logical3A_579 : vector<16xi32>
        %swap3A_581 = arith.constant 0 : index
        %swap3A_582 = tpu.vector_load %arg12[%swap3A_581] {strides = array<i32>} : memref<128xi32, #tpu.memory_space<vmem>>, vector<16xi32>,
        %swap3A_583 = vector.shape_cast %swap3A_582 : vector<16xi32> to vector<16xi32>
        %swap3A_584 = vector.shape_cast %shift_right_logical3A_580 : vector<16xi32> to vector<16xi32>
        tpu.vector_store %arg12[%swap3A_581], %swap3A_584 {strides = array<i32>} : memref<128xi32, #tpu.memory_space<vmem>>, vector<16xi32>,
        %get3A_585 = arith.index_cast %add3A_477 : i32 to index
        %get3A_586 = arith.constant 16 : index
        %get3A_587 = tpu.vector_load %arg8[%get3A_585, %get3A_586] {strides = array<i32>} : memref<80x128xi32, #tpu.memory_space<vmem>>, vector<1x16xi32>,
        %get3A_588 = vector.shape_cast %get3A_587 : vector<1x16xi32> to vector<16xi32>
        %shift_right_logical3A_589 = arith.constant 16 : i32
        %shift_right_logical3A_590 = vector.broadcast %shift_right_logical3A_589 : i32 to vector<16xi32>
        %shift_right_logical3A_591 = arith.shrui %get3A_588, %shift_right_logical3A_590 : vector<16xi32>
        %swap3A_592 = arith.constant 16 : index
        %swap3A_593 = tpu.vector_load %arg12[%swap3A_592] {strides = array<i32>} : memref<128xi32, #tpu.memory_space<vmem>>, vector<16xi32>,
        %swap3A_594 = vector.shape_cast %swap3A_593 : vector<16xi32> to vector<16xi32>
        %swap3A_595 = vector.shape_cast %shift_right_logical3A_591 : vector<16xi32> to vector<16xi32>
        tpu.vector_store %arg12[%swap3A_592], %swap3A_595 {strides = array<i32>} : memref<128xi32, #tpu.memory_space<vmem>>, vector<16xi32>,
        %get3A_596 = arith.index_cast %add3A_477 : i32 to index
        %get3A_597 = arith.constant 32 : index
        %get3A_598 = tpu.vector_load %arg8[%get3A_596, %get3A_597] {strides = array<i32>} : memref<80x128xi32, #tpu.memory_space<vmem>>, vector<1x16xi32>,
        %get3A_599 = vector.shape_cast %get3A_598 : vector<1x16xi32> to vector<16xi32>
        %shift_right_logical3A_600 = arith.constant 16 : i32
        %shift_right_logical3A_601 = vector.broadcast %shift_right_logical3A_600 : i32 to vector<16xi32>
        %shift_right_logical3A_602 = arith.shrui %get3A_599, %shift_right_logical3A_601 : vector<16xi32>
        %swap3A_603 = arith.constant 32 : index
        %swap3A_604 = tpu.vector_load %arg12[%swap3A_603] {strides = array<i32>} : memref<128xi32, #tpu.memory_space<vmem>>, vector<16xi32>,
        %swap3A_605 = vector.shape_cast %swap3A_604 : vector<16xi32> to vector<16xi32>
        %swap3A_606 = vector.shape_cast %shift_right_logical3A_602 : vector<16xi32> to vector<16xi32>
        tpu.vector_store %arg12[%swap3A_603], %swap3A_606 {strides = array<i32>} : memref<128xi32, #tpu.memory_space<vmem>>, vector<16xi32>,
        %get3A_607 = arith.index_cast %add3A_477 : i32 to index
        %get3A_608 = arith.constant 48 : index
        %get3A_609 = tpu.vector_load %arg8[%get3A_607, %get3A_608] {strides = array<i32>} : memref<80x128xi32, #tpu.memory_space<vmem>>, vector<1x16xi32>,
        %get3A_610 = vector.shape_cast %get3A_609 : vector<1x16xi32> to vector<16xi32>
        %shift_right_logical3A_611 = arith.constant 16 : i32
        %shift_right_logical3A_612 = vector.broadcast %shift_right_logical3A_611 : i32 to vector<16xi32>
        %shift_right_logical3A_613 = arith.shrui %get3A_610, %shift_right_logical3A_612 : vector<16xi32>
        %swap3A_614 = arith.constant 48 : index
        %swap3A_615 = tpu.vector_load %arg12[%swap3A_614] {strides = array<i32>} : memref<128xi32, #tpu.memory_space<vmem>>, vector<16xi32>,
        %swap3A_616 = vector.shape_cast %swap3A_615 : vector<16xi32> to vector<16xi32>
        %swap3A_617 = vector.shape_cast %shift_right_logical3A_613 : vector<16xi32> to vector<16xi32>
        tpu.vector_store %arg12[%swap3A_614], %swap3A_617 {strides = array<i32>} : memref<128xi32, #tpu.memory_space<vmem>>, vector<16xi32>,
        %get3A_618 = arith.index_cast %add3A_477 : i32 to index
        %get3A_619 = arith.constant 64 : index
        %get3A_620 = tpu.vector_load %arg8[%get3A_618, %get3A_619] {strides = array<i32>} : memref<80x128xi32, #tpu.memory_space<vmem>>, vector<1x16xi32>,
        %get3A_621 = vector.shape_cast %get3A_620 : vector<1x16xi32> to vector<16xi32>
        %shift_right_logical3A_622 = arith.constant 16 : i32
        %shift_right_logical3A_623 = vector.broadcast %shift_right_logical3A_622 : i32 to vector<16xi32>
        %shift_right_logical3A_624 = arith.shrui %get3A_621, %shift_right_logical3A_623 : vector<16xi32>
        %swap3A_625 = arith.constant 64 : index
        %swap3A_626 = tpu.vector_load %arg12[%swap3A_625] {strides = array<i32>} : memref<128xi32, #tpu.memory_space<vmem>>, vector<16xi32>,
        %swap3A_627 = vector.shape_cast %swap3A_626 : vector<16xi32> to vector<16xi32>
        %swap3A_628 = vector.shape_cast %shift_right_logical3A_624 : vector<16xi32> to vector<16xi32>
        tpu.vector_store %arg12[%swap3A_625], %swap3A_628 {strides = array<i32>} : memref<128xi32, #tpu.memory_space<vmem>>, vector<16xi32>,
        %get3A_629 = arith.index_cast %add3A_477 : i32 to index
        %get3A_630 = arith.constant 80 : index
        %get3A_631 = tpu.vector_load %arg8[%get3A_629, %get3A_630] {strides = array<i32>} : memref<80x128xi32, #tpu.memory_space<vmem>>, vector<1x16xi32>,
        %get3A_632 = vector.shape_cast %get3A_631 : vector<1x16xi32> to vector<16xi32>
        %shift_right_logical3A_633 = arith.constant 16 : i32
        %shift_right_logical3A_634 = vector.broadcast %shift_right_logical3A_633 : i32 to vector<16xi32>
        %shift_right_logical3A_635 = arith.shrui %get3A_632, %shift_right_logical3A_634 : vector<16xi32>
        %swap3A_636 = arith.constant 80 : index
        %swap3A_637 = tpu.vector_load %arg12[%swap3A_636] {strides = array<i32>} : memref<128xi32, #tpu.memory_space<vmem>>, vector<16xi32>,
        %swap3A_638 = vector.shape_cast %swap3A_637 : vector<16xi32> to vector<16xi32>
        %swap3A_639 = vector.shape_cast %shift_right_logical3A_635 : vector<16xi32> to vector<16xi32>
        tpu.vector_store %arg12[%swap3A_636], %swap3A_639 {strides = array<i32>} : memref<128xi32, #tpu.memory_space<vmem>>, vector<16xi32>,
        %get3A_640 = arith.index_cast %add3A_477 : i32 to index
        %get3A_641 = arith.constant 96 : index
        %get3A_642 = tpu.vector_load %arg8[%get3A_640, %get3A_641] {strides = array<i32>} : memref<80x128xi32, #tpu.memory_space<vmem>>, vector<1x16xi32>,
        %get3A_643 = vector.shape_cast %get3A_642 : vector<1x16xi32> to vector<16xi32>
        %shift_right_logical3A_644 = arith.constant 16 : i32
        %shift_right_logical3A_645 = vector.broadcast %shift_right_logical3A_644 : i32 to vector<16xi32>
        %shift_right_logical3A_646 = arith.shrui %get3A_643, %shift_right_logical3A_645 : vector<16xi32>
        %swap3A_647 = arith.constant 96 : index
        %swap3A_648 = tpu.vector_load %arg12[%swap3A_647] {strides = array<i32>} : memref<128xi32, #tpu.memory_space<vmem>>, vector<16xi32>,
        %swap3A_649 = vector.shape_cast %swap3A_648 : vector<16xi32> to vector<16xi32>
        %swap3A_650 = vector.shape_cast %shift_right_logical3A_646 : vector<16xi32> to vector<16xi32>
        tpu.vector_store %arg12[%swap3A_647], %swap3A_650 {strides = array<i32>} : memref<128xi32, #tpu.memory_space<vmem>>, vector<16xi32>,
        %get3A_651 = arith.index_cast %add3A_477 : i32 to index
        %get3A_652 = arith.constant 112 : index
        %get3A_653 = tpu.vector_load %arg8[%get3A_651, %get3A_652] {strides = array<i32>} : memref<80x128xi32, #tpu.memory_space<vmem>>, vector<1x16xi32>,
        %get3A_654 = vector.shape_cast %get3A_653 : vector<1x16xi32> to vector<16xi32>
        %shift_right_logical3A_655 = arith.constant 16 : i32
        %shift_right_logical3A_656 = vector.broadcast %shift_right_logical3A_655 : i32 to vector<16xi32>
        %shift_right_logical3A_657 = arith.shrui %get3A_654, %shift_right_logical3A_656 : vector<16xi32>
        %swap3A_658 = arith.constant 112 : index
        %swap3A_659 = tpu.vector_load %arg12[%swap3A_658] {strides = array<i32>} : memref<128xi32, #tpu.memory_space<vmem>>, vector<16xi32>,
        %swap3A_660 = vector.shape_cast %swap3A_659 : vector<16xi32> to vector<16xi32>
        %swap3A_661 = vector.shape_cast %shift_right_logical3A_657 : vector<16xi32> to vector<16xi32>
        tpu.vector_store %arg12[%swap3A_658], %swap3A_661 {strides = array<i32>} : memref<128xi32, #tpu.memory_space<vmem>>, vector<16xi32>,
        %dma_start3A_662 = arith.constant 0 : i32
        %dma_start3A_663 = arith.constant 0 : i32
        %dma_start3A_664 = tpu.memref_slice %arg2[%dma_start3A_662, %dma_start3A_663] : memref<10240x128xf32, #tpu.memory_space<hbm>> -> memref<10240x128xf32, #tpu.memory_space<hbm>>
        tpu.enqueue_indirect_dma source(%dma_start3A_664 : memref<10240x128xf32, #tpu.memory_space<hbm>>) target(%arg7 : memref<128x128xf32, #tpu.memory_space<vmem>>) offsets(%arg10 : memref<128xi32, #tpu.memory_space<vmem>>) semaphore(%arg18 : memref<!tpu.dma_semaphore, #tpu.memory_space<semaphore_mem>>)
      } else {
      }
    }
    %scan3A_413 = arith.constant 39 : i32
    %dma_wait3A_414 = arith.constant 0 : i32
    %dma_wait3A_415 = arith.constant 0 : i32
    %dma_wait3A_416 = tpu.memref_slice %arg5[%dma_wait3A_414, %dma_wait3A_415] : memref<10240x128xf32, #tpu.memory_space<vmem_shared>> -> memref<10240x128xf32, #tpu.memory_space<vmem_shared>>
    tpu.wait_indirect_dma semaphore(%arg19 : memref<!tpu.dma_semaphore, #tpu.memory_space<semaphore_mem>>) src(%arg6 : memref<128x128xf32, #tpu.memory_space<vmem>>) dst(%dma_wait3A_416 : memref<10240x128xf32, #tpu.memory_space<vmem_shared>>)
    %dma_wait3A_417 = arith.constant 0 : i32
    %dma_wait3A_418 = arith.constant 0 : i32
    %dma_wait3A_419 = tpu.memref_slice %arg5[%dma_wait3A_417, %dma_wait3A_418] : memref<10240x128xf32, #tpu.memory_space<vmem_shared>> -> memref<10240x128xf32, #tpu.memory_space<vmem_shared>>
    tpu.wait_indirect_dma semaphore(%arg20 : memref<!tpu.dma_semaphore, #tpu.memory_space<semaphore_mem>>) src(%arg7 : memref<128x128xf32, #tpu.memory_space<vmem>>) dst(%dma_wait3A_419 : memref<10240x128xf32, #tpu.memory_space<vmem_shared>>)
    %get3A_420 = arith.constant 78 : i32
    %get3A_421 = arith.index_cast %get3A_420 : i32 to index
    %get3A_422 = arith.constant 0 : index
    %get3A_423 = tpu.vector_load %arg8[%get3A_421, %get3A_422] {strides = array<i32>} : memref<80x128xi32, #tpu.memory_space<vmem>>, vector<1x16xi32>,
    %get3A_424 = vector.shape_cast %get3A_423 : vector<1x16xi32> to vector<16xi32>
    %and3A_425 = arith.constant 65535 : i32
    %and3A_426 = vector.broadcast %and3A_425 : i32 to vector<16xi32>
    %and3A_427 = arith.andi %get3A_424, %and3A_426 : vector<16xi32>
    %swap3A_428 = arith.constant 0 : index
    %swap3A_429 = tpu.vector_load %arg13[%swap3A_428] {strides = array<i32>} : memref<16xi32, #tpu.memory_space<vmem>>, vector<16xi32>,
    %swap3A_430 = vector.shape_cast %swap3A_429 : vector<16xi32> to vector<16xi32>
    %swap3A_431 = vector.shape_cast %and3A_427 : vector<16xi32> to vector<16xi32>
    tpu.vector_store %arg13[%swap3A_428], %swap3A_431 {strides = array<i32>} : memref<16xi32, #tpu.memory_space<vmem>>, vector<16xi32>,
    %get3A_432 = arith.constant 78 : i32
    %get3A_433 = arith.index_cast %get3A_432 : i32 to index
    %get3A_434 = arith.constant 0 : index
    %get3A_435 = tpu.vector_load %arg8[%get3A_433, %get3A_434] {strides = array<i32>} : memref<80x128xi32, #tpu.memory_space<vmem>>, vector<1x16xi32>,
    %get3A_436 = vector.shape_cast %get3A_435 : vector<1x16xi32> to vector<16xi32>
    %shift_right_logical3A_437 = arith.constant 16 : i32
    %shift_right_logical3A_438 = vector.broadcast %shift_right_logical3A_437 : i32 to vector<16xi32>
    %shift_right_logical3A_439 = arith.shrui %get3A_436, %shift_right_logical3A_438 : vector<16xi32>
    %swap3A_440 = arith.constant 0 : index
    %swap3A_441 = tpu.vector_load %arg14[%swap3A_440] {strides = array<i32>} : memref<16xi32, #tpu.memory_space<vmem>>, vector<16xi32>,
    %swap3A_442 = vector.shape_cast %swap3A_441 : vector<16xi32> to vector<16xi32>
    %swap3A_443 = vector.shape_cast %shift_right_logical3A_439 : vector<16xi32> to vector<16xi32>
    tpu.vector_store %arg14[%swap3A_440], %swap3A_443 {strides = array<i32>} : memref<16xi32, #tpu.memory_space<vmem>>, vector<16xi32>,
    %dma_start3A_444 = arith.constant 0 : i32
    %dma_start3A_445 = arith.constant 0 : i32
    %dma_start3A_446 = tpu.memref_slice %arg2[%dma_start3A_444, %dma_start3A_445] : memref<10240x128xf32, #tpu.memory_space<hbm>> -> memref<10240x128xf32, #tpu.memory_space<hbm>>
    tpu.enqueue_indirect_dma source(%dma_start3A_446 : memref<10240x128xf32, #tpu.memory_space<hbm>>) target(%arg15 : memref<16x128xf32, #tpu.memory_space<vmem>>) offsets(%arg13 : memref<16xi32, #tpu.memory_space<vmem>>) semaphore(%arg17 : memref<!tpu.dma_semaphore, #tpu.memory_space<semaphore_mem>>)
    %dma_wait3A_447 = arith.constant 0 : i32
    %dma_wait3A_448 = arith.constant 0 : i32
    %dma_wait3A_449 = tpu.memref_slice %arg2[%dma_wait3A_447, %dma_wait3A_448] : memref<10240x128xf32, #tpu.memory_space<hbm>> -> memref<10240x128xf32, #tpu.memory_space<hbm>>
    tpu.wait_indirect_dma semaphore(%arg17 : memref<!tpu.dma_semaphore, #tpu.memory_space<semaphore_mem>>) src(%dma_wait3A_449 : memref<10240x128xf32, #tpu.memory_space<hbm>>) dst(%arg15 : memref<16x128xf32, #tpu.memory_space<vmem>>)
    "tpu.region"() ({
      %run_scoped3A = tpu.sem_alloc : memref<!tpu.dma_semaphore, #tpu.memory_space<semaphore_mem>>
      %dma_start3A_451 = arith.constant 0 : i32
      %dma_start3A_452 = arith.constant 0 : i32
      %dma_start3A_453 = tpu.memref_slice %arg5[%dma_start3A_451, %dma_start3A_452] : memref<10240x128xf32, #tpu.memory_space<vmem_shared>> -> memref<10240x128xf32, #tpu.memory_space<vmem_shared>>
      tpu.enqueue_indirect_dma source(%arg15 : memref<16x128xf32, #tpu.memory_space<vmem>>) target(%dma_start3A_453 : memref<10240x128xf32, #tpu.memory_space<vmem_shared>>) offsets(%arg14 : memref<16xi32, #tpu.memory_space<vmem>>) semaphore(%run_scoped3A : memref<!tpu.dma_semaphore, #tpu.memory_space<semaphore_mem>>) {add = true}
      %dma_wait3A_454 = arith.constant 0 : i32
      %dma_wait3A_455 = arith.constant 0 : i32
      %dma_wait3A_456 = tpu.memref_slice %arg5[%dma_wait3A_454, %dma_wait3A_455] : memref<10240x128xf32, #tpu.memory_space<vmem_shared>> -> memref<10240x128xf32, #tpu.memory_space<vmem_shared>>
      tpu.wait_indirect_dma semaphore(%run_scoped3A : memref<!tpu.dma_semaphore, #tpu.memory_space<semaphore_mem>>) src(%arg15 : memref<16x128xf32, #tpu.memory_space<vmem>>) dst(%dma_wait3A_456 : memref<10240x128xf32, #tpu.memory_space<vmem_shared>>)
      tpu.yield
    }) : () -> ()
    %barrier3A_450 = arith.constant 0 : index
    tpu.barrier barrier_id(%barrier3A_450)
    "tpu.region"() ({
      %run_scoped3A = tpu.sem_alloc : memref<!tpu.dma_semaphore, #tpu.memory_space<semaphore_mem>>
      %dma_start3A_451 = arith.constant 0 : i32
      %dma_start3A_452 = tpu.memref_slice %arg4[%arg0, %mul3A_2, %dma_start3A_451] : memref<2x10240x128xf32, #tpu.memory_space<hbm>> -> memref<1x640x128xf32, #tpu.memory_space<hbm>>
      %dma_start3A_453 = tpu.memref_squeeze %dma_start3A_452 : memref<1x640x128xf32, #tpu.memory_space<hbm>> -> memref<640x128xf32, #tpu.memory_space<hbm>>
      %dma_start3A_454 = arith.constant 0 : i32
      %dma_start3A_455 = tpu.memref_slice %arg5[%mul3A_2, %dma_start3A_454] : memref<10240x128xf32, #tpu.memory_space<vmem_shared>> -> memref<640x128xf32, #tpu.memory_space<vmem_shared>>
      tpu.enqueue_dma source(%dma_start3A_455 : memref<640x128xf32, #tpu.memory_space<vmem_shared>>) target(%dma_start3A_453 : memref<640x128xf32, #tpu.memory_space<hbm>>) target_semaphore(%run_scoped3A : memref<!tpu.dma_semaphore, #tpu.memory_space<semaphore_mem>>)
      %dma_wait3A_456 = arith.constant 0 : i32
      %dma_wait3A_457 = tpu.memref_slice %arg4[%arg0, %mul3A_2, %dma_wait3A_456] : memref<2x10240x128xf32, #tpu.memory_space<hbm>> -> memref<1x640x128xf32, #tpu.memory_space<hbm>>
      %dma_wait3A_458 = tpu.memref_squeeze %dma_wait3A_457 : memref<1x640x128xf32, #tpu.memory_space<hbm>> -> memref<640x128xf32, #tpu.memory_space<hbm>>
      %dma_wait3A_459 = arith.constant 0 : i32
      %dma_wait3A_460 = tpu.memref_slice %arg5[%mul3A_2, %dma_wait3A_459] : memref<10240x128xf32, #tpu.memory_space<vmem_shared>> -> memref<640x128xf32, #tpu.memory_space<vmem_shared>>
      tpu.wait_dma2 semaphore(%run_scoped3A : memref<!tpu.dma_semaphore, #tpu.memory_space<semaphore_mem>>) src(%dma_wait3A_460 : memref<640x128xf32, #tpu.memory_space<vmem_shared>>) dst(%dma_wait3A_458 : memref<640x128xf32, #tpu.memory_space<hbm>>)
      tpu.yield
    }) : () -> ()
    return
  }
}

module attributes {stable_mosaic.version = 14 : i64} {
  func.func @_k2_body(%arg0: i32, %arg1: memref<2048x128xf32, #tpu.memory_space<vmem>>, %arg2: memref<128x128xf32, #tpu.memory_space<vmem>>, %arg3: memref<16x128xf32, #tpu.memory_space<vmem>>, %arg4: memref<16x128xf32, #tpu.memory_space<vmem>>, %arg5: memref<2048x128xf32, #tpu.memory_space<vmem>>, %arg6: memref<2048x16xf32, #tpu.memory_space<vmem>>) attributes {dimension_semantics = [#tpu.dimension_semantics<arbitrary>], iteration_bounds = array<i64: 5>, scalar_prefetch = 0 : i64, scratch_operands = 0 : i64, tpu.core_type = #tpu.core_type<tc>, window_params = [{transform_indices = @transform_0, window_bounds = array<i64: 2048, 128>}, {pipeline_mode = #tpu.pipeline_mode<synchronous>, transform_indices = @transform_1, window_bounds = array<i64: 128, 128>}, {transform_indices = @transform_2, window_bounds = array<i64: 16, 128>}, {transform_indices = @transform_3, window_bounds = array<i64: 16, 128>}, {transform_indices = @transform_4, window_bounds = array<i64: 2048, 128>}, {transform_indices = @transform_5, window_bounds = array<i64: 2048, 16>}]} {
    %get3A = arith.constant 0 : index
    %get3A_0 = arith.constant 0 : index
    %get3A_1 = vector.load %arg3[%get3A, %get3A_0] : memref<16x128xf32, #tpu.memory_space<vmem>>, vector<16x128xf32>
    %get3A_2 = arith.constant 0 : index
    %get3A_3 = arith.constant 0 : index
    %get3A_4 = vector.load %arg4[%get3A_2, %get3A_3] : memref<16x128xf32, #tpu.memory_space<vmem>>, vector<16x128xf32>
    %add3A = arith.addf %get3A_1, %get3A_4 : vector<16x128xf32>
    %iota3A = tpu.iota {dimensions = array<i32: 0>} : vector<2048x128xi32>
    %iota3A_5 = tpu.iota {dimensions = array<i32: 1>} : vector<2048x128xi32>
    %slice3A = vector.extract_strided_slice %iota3A_5 {offsets = [0, 0], sizes = [2048, 16], strides = [1, 1]} : vector<2048x128xi32> to vector<2048x16xi32>
    %slice3A_6 = vector.extract_strided_slice %iota3A {offsets = [0, 0], sizes = [2048, 16], strides = [1, 1]} : vector<2048x128xi32> to vector<2048x16xi32>
    %jit3A = arith.constant 128 : i32
    %div3A = vector.broadcast %jit3A : i32 to vector<2048x16xi32>
    %div3A_7 = arith.divsi %slice3A_6, %div3A : vector<2048x16xi32>
    %sign3A = arith.constant 0 : i32
    %sign3A_8 = vector.broadcast %sign3A : i32 to vector<2048x16xi32>
    %sign3A_9 = arith.cmpi sgt, %slice3A_6, %sign3A_8 : vector<2048x16xi32>
    %sign3A_10 = arith.extui %sign3A_9 : vector<2048x16xi1> to vector<2048x16xi32>
    %sign3A_11 = arith.constant 0 : i32
    %sign3A_12 = vector.broadcast %sign3A_11 : i32 to vector<2048x16xi32>
    %sign3A_13 = arith.cmpi slt, %slice3A_6, %sign3A_12 : vector<2048x16xi32>
    %sign3A_14 = arith.extui %sign3A_13 : vector<2048x16xi1> to vector<2048x16xi32>
    %sign3A_15 = arith.subi %sign3A_10, %sign3A_14 : vector<2048x16xi32>
    %sign3A_16 = arith.constant 0 : i32
    %sign3A_17 = arith.cmpi sgt, %jit3A, %sign3A_16 : i32
    %sign3A_18 = arith.extui %sign3A_17 : i1 to i32
    %sign3A_19 = arith.constant 0 : i32
    %sign3A_20 = arith.cmpi slt, %jit3A, %sign3A_19 : i32
    %sign3A_21 = arith.extui %sign3A_20 : i1 to i32
    %sign3A_22 = arith.subi %sign3A_18, %sign3A_21 : i32
    %ne3A = vector.broadcast %sign3A_22 : i32 to vector<2048x16xi32>
    %ne3A_23 = arith.cmpi ne, %sign3A_15, %ne3A : vector<2048x16xi32>
    %rem3A = vector.broadcast %jit3A : i32 to vector<2048x16xi32>
    %rem3A_24 = arith.remsi %slice3A_6, %rem3A : vector<2048x16xi32>
    %ne3A_25 = arith.constant 0 : i32
    %ne3A_26 = vector.broadcast %ne3A_25 : i32 to vector<2048x16xi32>
    %ne3A_27 = arith.cmpi ne, %rem3A_24, %ne3A_26 : vector<2048x16xi32>
    %and3A = arith.andi %ne3A_23, %ne3A_27 : vector<2048x16xi1>
    %sub3A = arith.constant 1 : i32
    %sub3A_28 = vector.broadcast %sub3A : i32 to vector<2048x16xi32>
    %sub3A_29 = arith.subi %div3A_7, %sub3A_28 : vector<2048x16xi32>
    %select_n3A = arith.select %and3A, %sub3A_29, %div3A_7 : vector<2048x16xi1>, vector<2048x16xi32>
    %eq3A = arith.cmpi eq, %slice3A, %select_n3A : vector<2048x16xi32>
    %convert_element_type3A = arith.extui %eq3A : vector<2048x16xi1> to vector<2048x16xi32>
    %convert_element_type3A_30 = arith.sitofp %convert_element_type3A : vector<2048x16xi32> to vector<2048x16xf32>
    %dot_general3A = arith.constant dense<0.000000e+00> : vector<2048x128xf32>
    %dot_general3A_31 = tpu.matmul %convert_element_type3A_30, %add3A, %dot_general3A {dimension_numbers = #tpu.dot_dimension_numbers<[1], [0], [0], [1], [0, 0, 1, 1], [], []>, transpose_lhs_hint = false} : vector<2048x16xf32>, vector<16x128xf32>, vector<2048x128xf32> -> vector<2048x128xf32>
    %jit3A_32 = arith.constant 128 : i32
    %eq3A_33 = arith.constant 0 : i32
    %eq3A_34 = arith.cmpi eq, %jit3A_32, %eq3A_33 : i32
    %jit3A_35 = arith.constant 1 : i32
    %select_n3A_36 = arith.select %eq3A_34, %jit3A_35, %jit3A_32 : i32
    %rem3A_37 = vector.broadcast %select_n3A_36 : i32 to vector<2048x128xi32>
    %rem3A_38 = arith.remsi %iota3A, %rem3A_37 : vector<2048x128xi32>
    %ne3A_39 = arith.constant 0 : i32
    %ne3A_40 = vector.broadcast %ne3A_39 : i32 to vector<2048x128xi32>
    %ne3A_41 = arith.cmpi ne, %rem3A_38, %ne3A_40 : vector<2048x128xi32>
    %lt3A = arith.constant 0 : i32
    %lt3A_42 = vector.broadcast %lt3A : i32 to vector<2048x128xi32>
    %lt3A_43 = arith.cmpi slt, %rem3A_38, %lt3A_42 : vector<2048x128xi32>
    %lt3A_44 = arith.constant 0 : i32
    %lt3A_45 = arith.cmpi slt, %select_n3A_36, %lt3A_44 : i32
    %ne3A_46 = vector.broadcast %lt3A_45 : i1 to vector<2048x128xi1>
    %ne3A_47 = vector.broadcast %ne3A_46 : vector<2048x128xi1> to vector<2048x128xi1>
    %ne3A_48 = arith.xori %lt3A_43, %ne3A_47 : vector<2048x128xi1>
    %and3A_49 = arith.andi %ne3A_48, %ne3A_41 : vector<2048x128xi1>
    %add3A_50 = vector.broadcast %select_n3A_36 : i32 to vector<2048x128xi32>
    %add3A_51 = arith.addi %rem3A_38, %add3A_50 : vector<2048x128xi32>
    %select_n3A_52 = arith.select %and3A_49, %add3A_51, %rem3A_38 : vector<2048x128xi1>, vector<2048x128xi32>
    %eq3A_53 = arith.cmpi eq, %iota3A_5, %select_n3A_52 : vector<2048x128xi32>
    %convert_element_type3A_54 = arith.extui %eq3A_53 : vector<2048x128xi1> to vector<2048x128xi32>
    %convert_element_type3A_55 = arith.sitofp %convert_element_type3A_54 : vector<2048x128xi32> to vector<2048x128xf32>
    %mul3A = arith.mulf %dot_general3A_31, %convert_element_type3A_55 : vector<2048x128xf32>
    %reduce_sum3A = arith.constant dense<0.000000e+00> : vector<2048xf32>
    %reduce_sum3A_56 = vector.multi_reduction <add>, %mul3A, %reduce_sum3A [1] : vector<2048x128xf32> to vector<2048xf32>
    %broadcast_in_dim3A = vector.shape_cast %reduce_sum3A_56 : vector<2048xf32> to vector<2048x1xf32>
    %add3A_57 = arith.constant 1.000000e+00 : f32
    %add3A_58 = vector.broadcast %add3A_57 : f32 to vector<2048x1xf32>
    %add3A_59 = arith.addf %broadcast_in_dim3A, %add3A_58 : vector<2048x1xf32>
    %rsqrt3A = math.rsqrt %add3A_59 : vector<2048x1xf32>
    %get3A_60 = arith.constant 0 : index
    %get3A_61 = arith.constant 0 : index
    %get3A_62 = vector.load %arg1[%get3A_60, %get3A_61] : memref<2048x128xf32, #tpu.memory_space<vmem>>, vector<2048x128xf32>
    %get3A_63 = arith.constant 0 : index
    %get3A_64 = arith.constant 0 : index
    %get3A_65 = vector.load %arg2[%get3A_63, %get3A_64] : memref<128x128xf32, #tpu.memory_space<vmem>>, vector<128x128xf32>
    %dot_general3A_66 = arith.constant dense<0.000000e+00> : vector<2048x128xf32>
    %dot_general3A_67 = tpu.matmul %get3A_62, %get3A_65, %dot_general3A_66 {dimension_numbers = #tpu.dot_dimension_numbers<[1], [0], [0], [1], [0, 0, 1, 1], [], []>, transpose_lhs_hint = false} : vector<2048x128xf32>, vector<128x128xf32>, vector<2048x128xf32> -> vector<2048x128xf32>
    %mul3A_68 = vector.broadcast %rsqrt3A : vector<2048x1xf32> to vector<2048x128xf32>
    %mul3A_69 = arith.mulf %mul3A_68, %dot_general3A_67 : vector<2048x128xf32>
    %swap3A = arith.constant 0 : index
    %swap3A_70 = arith.constant 0 : index
    %swap3A_71 = vector.load %arg5[%swap3A, %swap3A_70] : memref<2048x128xf32, #tpu.memory_space<vmem>>, vector<2048x128xf32>
    tpu.vector_store %arg5[%swap3A, %swap3A_70], %mul3A_69 {strides = array<i32>} : memref<2048x128xf32, #tpu.memory_space<vmem>>, vector<2048x128xf32>,
    %broadcast_in_dim3A_72 = vector.shape_cast %rsqrt3A : vector<2048x1xf32> to vector<2048x1xf32>
    %broadcast_in_dim3A_73 = vector.broadcast %broadcast_in_dim3A_72 : vector<2048x1xf32> to vector<2048x16xf32>
    %swap3A_74 = arith.constant 0 : index
    %swap3A_75 = arith.constant 0 : index
    %swap3A_76 = vector.load %arg6[%swap3A_74, %swap3A_75] : memref<2048x16xf32, #tpu.memory_space<vmem>>, vector<2048x16xf32>
    tpu.vector_store %arg6[%swap3A_74, %swap3A_75], %broadcast_in_dim3A_73 {strides = array<i32>} : memref<2048x16xf32, #tpu.memory_space<vmem>>, vector<2048x16xf32>,
    return
  }
  func.func @transform_0(%arg0: i32) -> (i32, i32) {
    %c0_i32 = arith.constant 0 : i32
    %c0_i32_0 = arith.constant 0 : i32
    return %arg0, %c0_i32 : i32, i32
  }
  func.func @transform_1(%arg0: i32) -> (i32, i32) {
    %c0_i32 = arith.constant 0 : i32
    %c0_i32_0 = arith.constant 0 : i32
    %c0_i32_1 = arith.constant 0 : i32
    return %c0_i32, %c0_i32_0 : i32, i32
  }
  func.func @transform_2(%arg0: i32) -> (i32, i32) {
    %c0_i32 = arith.constant 0 : i32
    %c0_i32_0 = arith.constant 0 : i32
    return %arg0, %c0_i32 : i32, i32
  }
  func.func @transform_3(%arg0: i32) -> (i32, i32) {
    %add3A = arith.constant 5 : i32
    %add3A_0 = arith.addi %arg0, %add3A : i32
    %c0_i32 = arith.constant 0 : i32
    %c0_i32_1 = arith.constant 0 : i32
    return %add3A_0, %c0_i32 : i32, i32
  }
  func.func @transform_4(%arg0: i32) -> (i32, i32) {
    %c0_i32 = arith.constant 0 : i32
    %c0_i32_0 = arith.constant 0 : i32
    return %arg0, %c0_i32 : i32, i32
  }
  func.func @transform_5(%arg0: i32) -> (i32, i32) {
    %c0_i32 = arith.constant 0 : i32
    %c0_i32_0 = arith.constant 0 : i32
    return %arg0, %c0_i32 : i32, i32
  }
}

module attributes {stable_mosaic.version = 14 : i64} {
  func.func @_k4_body(%arg0: i32, %arg1: memref<2x2048x128xf32, #tpu.memory_space<vmem>>, %arg2: memref<2048x128xf32, #tpu.memory_space<vmem>>, %arg3: memref<2048x16xf32, #tpu.memory_space<vmem>>, %arg4: memref<1x128xf32, #tpu.memory_space<vmem>>, %arg5: memref<128x128xf32, #tpu.memory_space<vmem>>, %arg6: memref<2048x128xf32, #tpu.memory_space<vmem>>) attributes {dimension_semantics = [#tpu.dimension_semantics<arbitrary>], iteration_bounds = array<i64: 5>, scalar_prefetch = 0 : i64, scratch_operands = 0 : i64, tpu.core_type = #tpu.core_type<tc>, window_params = [{transform_indices = @transform_0, window_bounds = array<i64: 2, 2048, 128>}, {transform_indices = @transform_1, window_bounds = array<i64: 2048, 128>}, {transform_indices = @transform_2, window_bounds = array<i64: 2048, 16>}, {pipeline_mode = #tpu.pipeline_mode<synchronous>, transform_indices = @transform_3, window_bounds = array<i64: 1, 128>}, {pipeline_mode = #tpu.pipeline_mode<synchronous>, transform_indices = @transform_4, window_bounds = array<i64: 128, 128>}, {transform_indices = @transform_5, window_bounds = array<i64: 2048, 128>}]} {
    %get3A = arith.constant 0 : index
    %get3A_0 = arith.constant 0 : index
    %get3A_1 = vector.load %arg3[%get3A, %get3A_0] : memref<2048x16xf32, #tpu.memory_space<vmem>>, vector<2048x1xf32>
    %get3A_2 = arith.constant 0 : index
    %get3A_3 = arith.constant 0 : index
    %get3A_4 = arith.constant 0 : index
    %get3A_5 = vector.load %arg1[%get3A_2, %get3A_3, %get3A_4] : memref<2x2048x128xf32, #tpu.memory_space<vmem>>, vector<1x2048x128xf32>
    %get3A_6 = vector.shape_cast %get3A_5 : vector<1x2048x128xf32> to vector<2048x128xf32>
    %get3A_7 = arith.constant 1 : index
    %get3A_8 = arith.constant 0 : index
    %get3A_9 = arith.constant 0 : index
    %get3A_10 = vector.load %arg1[%get3A_7, %get3A_8, %get3A_9] : memref<2x2048x128xf32, #tpu.memory_space<vmem>>, vector<1x2048x128xf32>
    %get3A_11 = vector.shape_cast %get3A_10 : vector<1x2048x128xf32> to vector<2048x128xf32>
    %add3A = arith.addf %get3A_6, %get3A_11 : vector<2048x128xf32>
    %get3A_12 = arith.constant 0 : index
    %get3A_13 = arith.constant 0 : index
    %get3A_14 = vector.load %arg2[%get3A_12, %get3A_13] : memref<2048x128xf32, #tpu.memory_space<vmem>>, vector<2048x128xf32>
    %add3A_15 = arith.addf %add3A, %get3A_14 : vector<2048x128xf32>
    %mul3A = vector.broadcast %get3A_1 : vector<2048x1xf32> to vector<2048x128xf32>
    %mul3A_16 = arith.mulf %mul3A, %add3A_15 : vector<2048x128xf32>
    %get3A_17 = arith.constant 0 : index
    %get3A_18 = arith.constant 0 : index
    %get3A_19 = vector.load %arg4[%get3A_17, %get3A_18] : memref<1x128xf32, #tpu.memory_space<vmem>>, vector<1x128xf32>
    %add3A_20 = vector.broadcast %get3A_19 : vector<1x128xf32> to vector<2048x128xf32>
    %add3A_21 = arith.addf %mul3A_16, %add3A_20 : vector<2048x128xf32>
    %max3A = arith.constant 0.000000e+00 : f32
    %max3A_22 = vector.broadcast %max3A : f32 to vector<2048x128xf32>
    %max3A_23 = arith.maximumf %add3A_21, %max3A_22 : vector<2048x128xf32>
    %get3A_24 = arith.constant 0 : index
    %get3A_25 = arith.constant 0 : index
    %get3A_26 = vector.load %arg5[%get3A_24, %get3A_25] : memref<128x128xf32, #tpu.memory_space<vmem>>, vector<128x128xf32>
    %dot_general3A = arith.constant dense<0.000000e+00> : vector<2048x128xf32>
    %dot_general3A_27 = tpu.matmul %max3A_23, %get3A_26, %dot_general3A {dimension_numbers = #tpu.dot_dimension_numbers<[1], [0], [0], [1], [0, 0, 1, 1], [], []>, transpose_lhs_hint = false} : vector<2048x128xf32>, vector<128x128xf32>, vector<2048x128xf32> -> vector<2048x128xf32>
    %mul3A_28 = vector.broadcast %get3A_1 : vector<2048x1xf32> to vector<2048x128xf32>
    %mul3A_29 = arith.mulf %mul3A_28, %dot_general3A_27 : vector<2048x128xf32>
    %swap3A = arith.constant 0 : index
    %swap3A_30 = arith.constant 0 : index
    %swap3A_31 = vector.load %arg6[%swap3A, %swap3A_30] : memref<2048x128xf32, #tpu.memory_space<vmem>>, vector<2048x128xf32>
    tpu.vector_store %arg6[%swap3A, %swap3A_30], %mul3A_29 {strides = array<i32>} : memref<2048x128xf32, #tpu.memory_space<vmem>>, vector<2048x128xf32>,
    return
  }
  func.func @transform_0(%arg0: i32) -> (i32, i32, i32) {
    %c0_i32 = arith.constant 0 : i32
    %c0_i32_0 = arith.constant 0 : i32
    %c0_i32_1 = arith.constant 0 : i32
    return %c0_i32, %arg0, %c0_i32_0 : i32, i32, i32
  }
  func.func @transform_1(%arg0: i32) -> (i32, i32) {
    %c0_i32 = arith.constant 0 : i32
    %c0_i32_0 = arith.constant 0 : i32
    return %arg0, %c0_i32 : i32, i32
  }
  func.func @transform_2(%arg0: i32) -> (i32, i32) {
    %c0_i32 = arith.constant 0 : i32
    %c0_i32_0 = arith.constant 0 : i32
    return %arg0, %c0_i32 : i32, i32
  }
  func.func @transform_3(%arg0: i32) -> (i32, i32) {
    %c0_i32 = arith.constant 0 : i32
    %c0_i32_0 = arith.constant 0 : i32
    %c0_i32_1 = arith.constant 0 : i32
    return %c0_i32, %c0_i32_0 : i32, i32
  }
  func.func @transform_4(%arg0: i32) -> (i32, i32) {
    %c0_i32 = arith.constant 0 : i32
    %c0_i32_0 = arith.constant 0 : i32
    %c0_i32_1 = arith.constant 0 : i32
    return %c0_i32, %c0_i32_0 : i32, i32
  }
  func.func @transform_5(%arg0: i32) -> (i32, i32) {
    %c0_i32 = arith.constant 0 : i32
    %c0_i32_0 = arith.constant 0 : i32
    return %arg0, %c0_i32 : i32, i32
  }
}

module attributes {stable_mosaic.version = 14 : i64} {
  func.func @_k6_body(%arg0: i32, %arg1: memref<2x2048x128xf32, #tpu.memory_space<vmem>>, %arg2: memref<2048x128xf32, #tpu.memory_space<vmem>>, %arg3: memref<2048x16xf32, #tpu.memory_space<vmem>>, %arg4: memref<1x128xf32, #tpu.memory_space<vmem>>, %arg5: memref<1x2048xi32, #tpu.memory_space<vmem>>, %arg6: memref<128x128xf32, #tpu.memory_space<vmem>>, %arg7: memref<1x128xf32, #tpu.memory_space<vmem>>, %arg8: memref<128x10xf32, #tpu.memory_space<vmem>>, %arg9: memref<1x10xf32, #tpu.memory_space<vmem>>, %arg10: memref<64x10xf32, #tpu.memory_space<vmem>>, %arg11: memref<64x128xf32, #tpu.memory_space<vmem>>, %arg12: memref<64x128xf32, #tpu.memory_space<vmem>>) attributes {dimension_semantics = [#tpu.dimension_semantics<arbitrary>], iteration_bounds = array<i64: 5>, scalar_prefetch = 0 : i64, scratch_operands = 2 : i64, tpu.core_type = #tpu.core_type<tc>, window_params = [{transform_indices = @transform_0, window_bounds = array<i64: 2, 2048, 128>}, {transform_indices = @transform_1, window_bounds = array<i64: 2048, 128>}, {transform_indices = @transform_2, window_bounds = array<i64: 2048, 16>}, {pipeline_mode = #tpu.pipeline_mode<synchronous>, transform_indices = @transform_3, window_bounds = array<i64: 1, 128>}, {transform_indices = @transform_4, window_bounds = array<i64: 1, 2048>}, {pipeline_mode = #tpu.pipeline_mode<synchronous>, transform_indices = @transform_5, window_bounds = array<i64: 128, 128>}, {pipeline_mode = #tpu.pipeline_mode<synchronous>, transform_indices = @transform_6, window_bounds = array<i64: 1, 128>}, {pipeline_mode = #tpu.pipeline_mode<synchronous>, transform_indices = @transform_7, window_bounds = array<i64: 128, 10>}, {pipeline_mode = #tpu.pipeline_mode<synchronous>, transform_indices = @transform_8, window_bounds = array<i64: 1, 10>}, {pipeline_mode = #tpu.pipeline_mode<synchronous>, transform_indices = @transform_9, window_bounds = array<i64: 64, 10>}]} {
    %eq3A = arith.constant 0 : i32
    %eq3A_0 = arith.cmpi eq, %arg0, %eq3A : i32
    %convert_element_type3A = arith.extui %eq3A_0 : i1 to i32
    %cond3A = arith.constant 0 : i32
    %cond3A_1 = arith.cmpi ne, %convert_element_type3A, %cond3A : i32
    scf.if %cond3A_1 {
      %broadcast_in_dim3A_55 = arith.constant 0.000000e+00 : f32
      %broadcast_in_dim3A_56 = vector.broadcast %broadcast_in_dim3A_55 : f32 to vector<64x128xf32>
      %swap3A_57 = arith.constant 0 : index
      %swap3A_58 = arith.constant 0 : index
      %swap3A_59 = vector.load %arg11[%swap3A_57, %swap3A_58] : memref<64x128xf32, #tpu.memory_space<vmem>>, vector<64x128xf32>
      tpu.vector_store %arg11[%swap3A_57, %swap3A_58], %broadcast_in_dim3A_56 {strides = array<i32>} : memref<64x128xf32, #tpu.memory_space<vmem>>, vector<64x128xf32>,
      %broadcast_in_dim3A_60 = arith.constant 0.000000e+00 : f32
      %broadcast_in_dim3A_61 = vector.broadcast %broadcast_in_dim3A_60 : f32 to vector<64x128xf32>
      %swap3A_62 = arith.constant 0 : index
      %swap3A_63 = arith.constant 0 : index
      %swap3A_64 = vector.load %arg12[%swap3A_62, %swap3A_63] : memref<64x128xf32, #tpu.memory_space<vmem>>, vector<64x128xf32>
      tpu.vector_store %arg12[%swap3A_62, %swap3A_63], %broadcast_in_dim3A_61 {strides = array<i32>} : memref<64x128xf32, #tpu.memory_space<vmem>>, vector<64x128xf32>,
    } else {
    }
    %get3A = arith.constant 0 : index
    %get3A_2 = arith.constant 0 : index
    %get3A_3 = vector.load %arg3[%get3A, %get3A_2] : memref<2048x16xf32, #tpu.memory_space<vmem>>, vector<2048x1xf32>
    %get3A_4 = arith.constant 0 : index
    %get3A_5 = arith.constant 0 : index
    %get3A_6 = arith.constant 0 : index
    %get3A_7 = vector.load %arg1[%get3A_4, %get3A_5, %get3A_6] : memref<2x2048x128xf32, #tpu.memory_space<vmem>>, vector<1x2048x128xf32>
    %get3A_8 = vector.shape_cast %get3A_7 : vector<1x2048x128xf32> to vector<2048x128xf32>
    %get3A_9 = arith.constant 1 : index
    %get3A_10 = arith.constant 0 : index
    %get3A_11 = arith.constant 0 : index
    %get3A_12 = vector.load %arg1[%get3A_9, %get3A_10, %get3A_11] : memref<2x2048x128xf32, #tpu.memory_space<vmem>>, vector<1x2048x128xf32>
    %get3A_13 = vector.shape_cast %get3A_12 : vector<1x2048x128xf32> to vector<2048x128xf32>
    %add3A = arith.addf %get3A_8, %get3A_13 : vector<2048x128xf32>
    %get3A_14 = arith.constant 0 : index
    %get3A_15 = arith.constant 0 : index
    %get3A_16 = vector.load %arg2[%get3A_14, %get3A_15] : memref<2048x128xf32, #tpu.memory_space<vmem>>, vector<2048x128xf32>
    %add3A_17 = arith.addf %add3A, %get3A_16 : vector<2048x128xf32>
    %mul3A = vector.broadcast %get3A_3 : vector<2048x1xf32> to vector<2048x128xf32>
    %mul3A_18 = arith.mulf %mul3A, %add3A_17 : vector<2048x128xf32>
    %get3A_19 = arith.constant 0 : index
    %get3A_20 = arith.constant 0 : index
    %get3A_21 = vector.load %arg4[%get3A_19, %get3A_20] : memref<1x128xf32, #tpu.memory_space<vmem>>, vector<1x128xf32>
    %add3A_22 = vector.broadcast %get3A_21 : vector<1x128xf32> to vector<2048x128xf32>
    %add3A_23 = arith.addf %mul3A_18, %add3A_22 : vector<2048x128xf32>
    %max3A = arith.constant 0.000000e+00 : f32
    %max3A_24 = vector.broadcast %max3A : f32 to vector<2048x128xf32>
    %max3A_25 = arith.maximumf %add3A_23, %max3A_24 : vector<2048x128xf32>
    %iota3A = tpu.iota {dimensions = array<i32: 0>} : vector<64x2048xi32>
    %get3A_26 = arith.constant 0 : index
    %get3A_27 = arith.constant 0 : index
    %get3A_28 = vector.load %arg5[%get3A_26, %get3A_27] : memref<1x2048xi32, #tpu.memory_space<vmem>>, vector<1x2048xi32>
    %eq3A_29 = vector.broadcast %get3A_28 : vector<1x2048xi32> to vector<64x2048xi32>
    %eq3A_30 = arith.cmpi eq, %iota3A, %eq3A_29 : vector<64x2048xi32>
    %convert_element_type3A_31 = arith.extui %eq3A_30 : vector<64x2048xi1> to vector<64x2048xi32>
    %convert_element_type3A_32 = arith.sitofp %convert_element_type3A_31 : vector<64x2048xi32> to vector<64x2048xf32>
    %get3A_33 = arith.constant 0 : index
    %get3A_34 = arith.constant 0 : index
    %get3A_35 = vector.load %arg11[%get3A_33, %get3A_34] : memref<64x128xf32, #tpu.memory_space<vmem>>, vector<64x128xf32>
    %dot_general3A = arith.constant dense<0.000000e+00> : vector<64x128xf32>
    %dot_general3A_36 = tpu.matmul %convert_element_type3A_32, %max3A_25, %dot_general3A {dimension_numbers = #tpu.dot_dimension_numbers<[1], [0], [0], [1], [0, 0, 1, 1], [], []>, transpose_lhs_hint = false} : vector<64x2048xf32>, vector<2048x128xf32>, vector<64x128xf32> -> vector<64x128xf32>
    %add3A_37 = arith.addf %get3A_35, %dot_general3A_36 : vector<64x128xf32>
    %swap3A = arith.constant 0 : index
    %swap3A_38 = arith.constant 0 : index
    %swap3A_39 = vector.load %arg11[%swap3A, %swap3A_38] : memref<64x128xf32, #tpu.memory_space<vmem>>, vector<64x128xf32>
    tpu.vector_store %arg11[%swap3A, %swap3A_38], %add3A_37 {strides = array<i32>} : memref<64x128xf32, #tpu.memory_space<vmem>>, vector<64x128xf32>,
    %get3A_40 = arith.constant 0 : index
    %get3A_41 = arith.constant 0 : index
    %get3A_42 = vector.load %arg12[%get3A_40, %get3A_41] : memref<64x128xf32, #tpu.memory_space<vmem>>, vector<64x128xf32>
    %reduce_sum3A = arith.constant dense<0.000000e+00> : vector<64xf32>
    %reduce_sum3A_43 = vector.multi_reduction <add>, %convert_element_type3A_32, %reduce_sum3A [1] : vector<64x2048xf32> to vector<64xf32>
    %broadcast_in_dim3A = vector.shape_cast %reduce_sum3A_43 : vector<64xf32> to vector<64x1xf32>
    %broadcast_in_dim3A_44 = vector.shape_cast %broadcast_in_dim3A : vector<64x1xf32> to vector<64x1xf32>
    %broadcast_in_dim3A_45 = vector.broadcast %broadcast_in_dim3A_44 : vector<64x1xf32> to vector<64x128xf32>
    %add3A_46 = arith.addf %get3A_42, %broadcast_in_dim3A_45 : vector<64x128xf32>
    %swap3A_47 = arith.constant 0 : index
    %swap3A_48 = arith.constant 0 : index
    %swap3A_49 = vector.load %arg12[%swap3A_47, %swap3A_48] : memref<64x128xf32, #tpu.memory_space<vmem>>, vector<64x128xf32>
    tpu.vector_store %arg12[%swap3A_47, %swap3A_48], %add3A_46 {strides = array<i32>} : memref<64x128xf32, #tpu.memory_space<vmem>>, vector<64x128xf32>,
    %eq3A_50 = arith.constant 4 : i32
    %eq3A_51 = arith.cmpi eq, %arg0, %eq3A_50 : i32
    %convert_element_type3A_52 = arith.extui %eq3A_51 : i1 to i32
    %cond3A_53 = arith.constant 0 : i32
    %cond3A_54 = arith.cmpi ne, %convert_element_type3A_52, %cond3A_53 : i32
    scf.if %cond3A_54 {
      %get3A_55 = arith.constant 0 : index
      %get3A_56 = arith.constant 0 : index
      %get3A_57 = vector.load %arg11[%get3A_55, %get3A_56] : memref<64x128xf32, #tpu.memory_space<vmem>>, vector<64x128xf32>
      %get3A_58 = arith.constant 0 : index
      %get3A_59 = arith.constant 0 : index
      %get3A_60 = vector.load %arg12[%get3A_58, %get3A_59] : memref<64x128xf32, #tpu.memory_space<vmem>>, vector<64x128xf32>
      %max3A_61 = arith.constant 1.000000e+00 : f32
      %max3A_62 = vector.broadcast %max3A_61 : f32 to vector<64x128xf32>
      %max3A_63 = arith.maximumf %get3A_60, %max3A_62 : vector<64x128xf32>
      %div3A = arith.divf %get3A_57, %max3A_63 : vector<64x128xf32>
      %get3A_64 = arith.constant 0 : index
      %get3A_65 = arith.constant 0 : index
      %get3A_66 = vector.load %arg6[%get3A_64, %get3A_65] : memref<128x128xf32, #tpu.memory_space<vmem>>, vector<128x128xf32>
      %dot_general3A_67 = arith.constant dense<0.000000e+00> : vector<64x128xf32>
      %dot_general3A_68 = tpu.matmul %div3A, %get3A_66, %dot_general3A_67 {dimension_numbers = #tpu.dot_dimension_numbers<[1], [0], [0], [1], [0, 0, 1, 1], [], []>, transpose_lhs_hint = false} : vector<64x128xf32>, vector<128x128xf32>, vector<64x128xf32> -> vector<64x128xf32>
      %get3A_69 = arith.constant 0 : index
      %get3A_70 = arith.constant 0 : index
      %get3A_71 = vector.load %arg7[%get3A_69, %get3A_70] : memref<1x128xf32, #tpu.memory_space<vmem>>, vector<1x128xf32>
      %add3A_72 = vector.broadcast %get3A_71 : vector<1x128xf32> to vector<64x128xf32>
      %add3A_73 = arith.addf %dot_general3A_68, %add3A_72 : vector<64x128xf32>
      %max3A_74 = arith.constant 0.000000e+00 : f32
      %max3A_75 = vector.broadcast %max3A_74 : f32 to vector<64x128xf32>
      %max3A_76 = arith.maximumf %add3A_73, %max3A_75 : vector<64x128xf32>
      %get3A_77 = arith.constant 0 : index
      %get3A_78 = arith.constant 0 : index
      %get3A_79 = vector.load %arg8[%get3A_77, %get3A_78] : memref<128x10xf32, #tpu.memory_space<vmem>>, vector<128x10xf32>
      %dot_general3A_80 = arith.constant dense<0.000000e+00> : vector<64x10xf32>
      %dot_general3A_81 = tpu.matmul %max3A_76, %get3A_79, %dot_general3A_80 {dimension_numbers = #tpu.dot_dimension_numbers<[1], [0], [0], [1], [0, 0, 1, 1], [], []>, transpose_lhs_hint = false} : vector<64x128xf32>, vector<128x10xf32>, vector<64x10xf32> -> vector<64x10xf32>
      %get3A_82 = arith.constant 0 : index
      %get3A_83 = arith.constant 0 : index
      %get3A_84 = vector.load %arg9[%get3A_82, %get3A_83] : memref<1x10xf32, #tpu.memory_space<vmem>>, vector<1x10xf32>
      %add3A_85 = vector.broadcast %get3A_84 : vector<1x10xf32> to vector<64x10xf32>
      %add3A_86 = arith.addf %dot_general3A_81, %add3A_85 : vector<64x10xf32>
      %reduce_max3A = arith.constant dense<0xFF800000> : vector<64xf32>
      %reduce_max3A_87 = vector.multi_reduction <maximumf>, %add3A_86, %reduce_max3A [1] : vector<64x10xf32> to vector<64xf32>
      %broadcast_in_dim3A_88 = vector.shape_cast %reduce_max3A_87 : vector<64xf32> to vector<64x1xf32>
      %sub3A = vector.broadcast %broadcast_in_dim3A_88 : vector<64x1xf32> to vector<64x10xf32>
      %sub3A_89 = arith.subf %add3A_86, %sub3A : vector<64x10xf32>
      %exp3A = math.exp %sub3A_89 : vector<64x10xf32>
      %reduce_sum3A_90 = arith.constant dense<0.000000e+00> : vector<64xf32>
      %reduce_sum3A_91 = vector.multi_reduction <add>, %exp3A, %reduce_sum3A_90 [1] : vector<64x10xf32> to vector<64xf32>
      %broadcast_in_dim3A_92 = vector.shape_cast %reduce_sum3A_91 : vector<64xf32> to vector<64x1xf32>
      %div3A_93 = vector.broadcast %broadcast_in_dim3A_92 : vector<64x1xf32> to vector<64x10xf32>
      %div3A_94 = arith.divf %exp3A, %div3A_93 : vector<64x10xf32>
      %swap3A_95 = arith.constant 0 : index
      %swap3A_96 = arith.constant 0 : index
      %swap3A_97 = vector.load %arg10[%swap3A_95, %swap3A_96] : memref<64x10xf32, #tpu.memory_space<vmem>>, vector<64x10xf32>
      tpu.vector_store %arg10[%swap3A_95, %swap3A_96], %div3A_94 {strides = array<i32>} : memref<64x10xf32, #tpu.memory_space<vmem>>, vector<64x10xf32>,
    } else {
    }
    return
  }
  func.func @transform_0(%arg0: i32) -> (i32, i32, i32) {
    %c0_i32 = arith.constant 0 : i32
    %c0_i32_0 = arith.constant 0 : i32
    %c0_i32_1 = arith.constant 0 : i32
    return %c0_i32, %arg0, %c0_i32_0 : i32, i32, i32
  }
  func.func @transform_1(%arg0: i32) -> (i32, i32) {
    %c0_i32 = arith.constant 0 : i32
    %c0_i32_0 = arith.constant 0 : i32
    return %arg0, %c0_i32 : i32, i32
  }
  func.func @transform_2(%arg0: i32) -> (i32, i32) {
    %c0_i32 = arith.constant 0 : i32
    %c0_i32_0 = arith.constant 0 : i32
    return %arg0, %c0_i32 : i32, i32
  }
  func.func @transform_3(%arg0: i32) -> (i32, i32) {
    %c0_i32 = arith.constant 0 : i32
    %c0_i32_0 = arith.constant 0 : i32
    %c0_i32_1 = arith.constant 0 : i32
    return %c0_i32, %c0_i32_0 : i32, i32
  }
  func.func @transform_4(%arg0: i32) -> (i32, i32) {
    %c0_i32 = arith.constant 0 : i32
    %c0_i32_0 = arith.constant 0 : i32
    return %c0_i32, %arg0 : i32, i32
  }
  func.func @transform_5(%arg0: i32) -> (i32, i32) {
    %c0_i32 = arith.constant 0 : i32
    %c0_i32_0 = arith.constant 0 : i32
    %c0_i32_1 = arith.constant 0 : i32
    return %c0_i32, %c0_i32_0 : i32, i32
  }
  func.func @transform_6(%arg0: i32) -> (i32, i32) {
    %c0_i32 = arith.constant 0 : i32
    %c0_i32_0 = arith.constant 0 : i32
    %c0_i32_1 = arith.constant 0 : i32
    return %c0_i32, %c0_i32_0 : i32, i32
  }
  func.func @transform_7(%arg0: i32) -> (i32, i32) {
    %c0_i32 = arith.constant 0 : i32
    %c0_i32_0 = arith.constant 0 : i32
    %c0_i32_1 = arith.constant 0 : i32
    return %c0_i32, %c0_i32_0 : i32, i32
  }
  func.func @transform_8(%arg0: i32) -> (i32, i32) {
    %c0_i32 = arith.constant 0 : i32
    %c0_i32_0 = arith.constant 0 : i32
    %c0_i32_1 = arith.constant 0 : i32
    return %c0_i32, %c0_i32_0 : i32, i32
  }
  func.func @transform_9(%arg0: i32) -> (i32, i32) {
    %c0_i32 = arith.constant 0 : i32
    %c0_i32_0 = arith.constant 0 : i32
    %c0_i32_1 = arith.constant 0 : i32
    return %c0_i32, %c0_i32_0 : i32, i32
  }
}

</mosaic_0001>

<sc_bundles>
// kernel: kernel.11.cloned.1.call-start
scs
__scs_entry_jumppad:
0x0: {  	(pc) =	sbr.rel $0x88, $3  }
0x1: {  	(tag) =	ssettag $0x0;
	lr =	simm.s32 $0x1  }
0x2: {  	[smem:$0x3F96] =	sst lr;
	_ =	strace $0xD0000000  }
0x3: {  	_ = 	snop  }
0x4: {  	_ = 	snop  }
0x5: {  	_ = 	snop  }
0x6: {  	_ = 	snop  }
0x7: {  	_ = 	snop  }
__scs_overlays_trampoline_lowered:
0x8: {  	[smem:$0x3FA5] =	sst s0  }
0x9: {  	[smem:$0x3FA6] =	sst s1  }
0xa: {  	[smem:$0x3FA7] =	sst s2  }
0xb: {  	[smem:$0x3FA8] =	sst s3  }
0xc: {  	[smem:$0x3FA9] =	sst s4  }
0xd: {  	[smem:$0x3FAA] =	sst s5  }
0xe: {  	[smem:$0x3FAB] =	sst s6  }
0xf: {  	[smem:$0x3FAC] =	sst s7  }
0x10: {  	[smem:$0x3FAD] =	sst s8  }
0x11: {  	[smem:$0x3FAE] =	sst s9;
	s0 =	simm.s32 @!p0 $0x0  }
0x12: {  	s1 =	sld [smem:$0x3F94];
	s0 =	simm.s32 @p0 $0x1  }
0x13: {  	[smem:$0x3FAF] =	sst s0;
	s0 =	simm.s32 @!p1 $0x0  }
0x14: {  	s2 =	sld [smem:$0x3F93];
	s0 =	simm.s32 @p1 $0x1  }
0x15: {  	[smem:$0x3FB0] =	sst s0;
	s0 =	simm.s32 @!p2 $0x0  }
0x16: {  	s3 =	sld [smem:$0x3FDB];
	s0 =	simm.s32 @p2 $0x1  }
0x17: {  	s4 =	simm.s32 $0x1BF5;
	[smem:$0x3FB2] =	sst s0  }
0x18: {  	s0 =	sld [smem:$0x3F95];
	_ =	swait.ge [sflag:s4], $0x0  }
0x19: {  	s7 =	sld [smem:$0x3F96]  }
0x1a: {  	s8 =	sadd.s32 $0xFFFFE003, lr  }
0x1b: {  	s9 =	sadd.s32 $0xFFFFFEF7, lr;
	s5 =	simm.s32 $0xFFFFFFFF;
	p2 =	slt.u32 s8, $0xFFFFF086  }
0x1c: {  	p1 =	slt.u32 s9, $0xF7A;
	s5 =	simm.s32 @!p2 $0x0  }
0x1d: {  	s5 =	simm.s32 @p1 $0x1;
	p0 =	seq.s32 s7, s2  }
0x1e: {  	s7 =	smul.u32 @!p0 $0xF7A, s2;
	p2 =	seq.s32 @!p0 s5, $0x0  }
0x1f: {  	s9 =	smul.u32 $0xF7A, s1;
	s8 =	simm.s32 @!p0 $0x1BF5;
	p2 =	por !p2, p0  }
0x20: {  	[sflag:s8] =	ssyncset.s32 @!p0 $0xFFFFF086;
	s6 =	sadd.s32 @!p0 s3, s7;
	s7 =	simm.s32 @!p0 $0x108  }
0x21: {  	s3 =	sadd.s32 s3, s9;
	s6 =	sadd.s32 @!p0 $0x88, s6;
	s7 =	simm.s32 @p2 $0x1082  }
0x22: {  	[simem:s7], [sflag:s8] =	dma.local @!p0 [hbm:s6], $0xF7A  }
0x23: {  	s9 =	sor.u32 $0xD0000000, s2;
	s6 =	simm.s32 $0x108;
	_ =	swait.ge @!p0 [sflag:s8], $0x0  }
0x24: {  	s3 =	sadd.s32 $0x88, s3;
	s6 =	simm.s32 @!p1 $0x1082;
	[sflag:s4] =	ssyncset.s32 $0xFFFFF086  }
0x25: {  	[simem:s6], [sflag:s4] =	dma.local [hbm:s3], $0xF7A  }
0x26: {  	[smem:$0x3F96] =	sst s1;
	(tag) =	ssettag s2;
	_ =	strace s9  }
0x27: {  	s1 =	sld [smem:$0x3FA6]  }
0x28: {  	s2 =	sld [smem:$0x3FA7]  }
0x29: {  	s4 =	sld [smem:$0x3FA9]  }
0x2a: {  	p0 =	seq.s32 s5, $0x0;
	s5 =	sld [smem:$0x3FAA]  }
0x2b: {  	s6 =	sld [smem:$0x3FAB]  }
0x2c: {  	s7 =	sld [smem:$0x3FAC]  }
0x2d: {  	s3 =	simm.s32 $0x108;
	s8 =	sld [smem:$0x3FAD]  }
0x2e: {  	s3 =	simm.s32 @!p0 $0x1082;
	s9 =	sld [smem:$0x3FAE]  }
0x2f: {  	lr =	sadd.s32 s0, s3;
	s0 =	sld [smem:$0x3FA5]  }
0x30: {  	s3 =	sld [smem:$0x3FA8]  }
0x31: {  	[smem:$0x3FB1] =	sst s10  }
0x32: {  	s10 =	sld [smem:$0x3FAF];
	_ =	sdelay $0x3  }
0x33: {  	p0 =	seq.s32 s10, $0x1;
	s10 =	sld [smem:$0x3FB1];
	_ =	sdelay $0x3  }
0x34: {  	[smem:$0x3FB1] =	sst s10  }
0x35: {  	s10 =	sld [smem:$0x3FB0];
	_ =	sdelay $0x3  }
0x36: {  	p1 =	seq.s32 s10, $0x1;
	s10 =	sld [smem:$0x3FB1];
	_ =	sdelay $0x3  }
0x37: {  	[smem:$0x3FB1] =	sst s10  }
0x38: {  	s10 =	sld [smem:$0x3FB2]  }
0x39: {  	_ = 	snop;
	(pc) =	sbr.ind lr, $3  }
0x3a: {  	_ = 	snop  }
0x3b: {  	_ = 	snop  }
0x3c: {  	p2 =	seq.s32 s10, $0x1;
	s10 =	sld [smem:$0x3FB1]  }
0x3d: {  	_ =	shalt  }
0x3e: {  	_ =	shalt  }
0x3f: {  	_ =	shalt  }
0x40: {  	_ =	shalt  }
0x41: {  	_ =	shalt  }
0x42: {  	_ =	shalt  }
0x43: {  	_ =	shalt  }
0x44: {  	_ =	shalt  }
0x45: {  	_ =	shalt  }
0x46: {  	_ =	shalt  }
0x47: {  	_ =	shalt  }
0x48: {  	_ =	shalt  }
0x49: {  	_ =	shalt  }
0x4a: {  	_ =	shalt  }
0x4b: {  	_ =	shalt  }
0x4c: {  	_ =	shalt  }
0x4d: {  	_ =	shalt  }
0x4e: {  	_ =	shalt  }
0x4f: {  	_ =	shalt  }
0x50: {  	_ =	shalt  }
0x51: {  	_ =	shalt  }
0x52: {  	_ =	shalt  }
0x53: {  	_ =	shalt  }
0x54: {  	_ =	shalt  }
0x55: {  	_ =	shalt  }
0x56: {  	_ =	shalt  }
0x57: {  	_ =	shalt  }
0x58: {  	_ =	shalt  }
0x59: {  	_ =	shalt  }
0x5a: {  	_ =	shalt  }
0x5b: {  	_ =	shalt  }
0x5c: {  	_ =	shalt  }
0x5d: {  	_ =	shalt  }
0x5e: {  	_ =	shalt  }
0x5f: {  	_ =	shalt  }
0x60: {  	_ =	shalt  }
0x61: {  	_ =	shalt  }
0x62: {  	_ =	shalt  }
0x63: {  	_ =	shalt  }
0x64: {  	_ =	shalt  }
0x65: {  	_ =	shalt  }
0x66: {  	_ =	shalt  }
0x67: {  	_ =	shalt  }
0x68: {  	_ =	shalt  }
0x69: {  	_ =	shalt  }
0x6a: {  	_ =	shalt  }
0x6b: {  	_ =	shalt  }
0x6c: {  	_ =	shalt  }
0x6d: {  	_ =	shalt  }
0x6e: {  	_ =	shalt  }
0x6f: {  	_ =	shalt  }
0x70: {  	_ =	shalt  }
0x71: {  	_ =	shalt  }
0x72: {  	_ =	shalt  }
0x73: {  	_ =	shalt  }
0x74: {  	_ =	shalt  }
0x75: {  	_ =	shalt  }
0x76: {  	_ =	shalt  }
0x77: {  	_ =	shalt  }
0x78: {  	_ =	shalt  }
0x79: {  	_ =	shalt  }
0x7a: {  	_ =	shalt  }
0x7b: {  	_ =	shalt  }
0x7c: {  	_ =	shalt  }
0x7d: {  	_ =	shalt  }
0x7e: {  	_ =	shalt  }
0x7f: {  	_ =	shalt  }
0x80: {  	_ =	shalt  }
0x81: {  	_ =	shalt  }
0x82: {  	_ =	shalt  }
0x83: {  	_ =	shalt  }
0x84: {  	_ =	shalt  }
0x85: {  	_ =	shalt  }
0x86: {  	_ =	shalt  }
0x87: {  	_ =	shalt  }
.Lfunc_end0:
.L_simem_size_0:
called_computation.1_lowered:
.L_overlay_start_0:
0x88: {  	s2 =	sld [smem:$0x3FD9]  }
0x89: {  	s3 =	sld [smem:$0x3FFE];
	_ =	sdelay $0x1  }
0x8a: {  	s1 =	srdreg.scid  }
0x8b: {  	s0 =	sand.u32 $0x1, s1  }
0x8c: {  	s16 =	sshll.u32 s0, $0xA;
	s2 =	sadd.s32 s3, s2  }
0x8d: {  	s2 =	sadd.s32 s2, s16  }
0x8e: {  	[smem:$0x3FBD] =	sst s2  }
0x8f: {  	_ = 	snop  }
0x90: {  	(tm) =	ssettm $0x1  }
0x91: {  	s17 =	sld [smem:$0x3FFB];
	_ =	sdelay $0x3  }
0x92: {  	_ =	strace s17  }
0x93: {  	s2 =	sld [smem:$0x3FFC];
	_ =	sdelay $0x3  }
0x94: {  	_ =	strace s2  }
0x95: {  	s2 =	sld [smem:$0x3FFD];
	_ =	sdelay $0x3  }
0x96: {  	_ =	strace s2  }
0x97: {  	_ =	strace $0x8FFFFFFF  }
0x98: {  	s18 =	sld [smem:$0x3FDB];
	_ =	sdelay $0x1  }
0x99: {  	s19 =	simm.s32 $_scs_section_size  }
0x9a: {  	s4 =	simm.s32 $_size__tile_overlayer_lowered;
	s5 =	simm.s32 $_tile_overlayer_lowered  }
0x9b: {  	s22 =	simm.s32 $0x1BFF;
	s21 =	sshll.u32 s5, $0x1;
	s2 =	sadd.s32 s19, s18  }
0x9c: {  	s6 =	simm.s32 $0x0;
	s20 =	sshll.u32 s4, $0x1;
	s4 =	sadd.s32 s21, s2  }
0x9d: {  	[timem:s6], [sflag:s22] =	dma.local [hbm:s4], s20  }
0x9e: {  	_ =	swait.ge [sflag:s22], s20  }
0x9f: {  	s3 =	ssub.s32 $0x0, s20;
	[sflag:s22] =	ssyncset.done $0x0  }
0xa0: {  	[sflag:s22] =	ssyncadd.s32 s3;
	_ =	sdelay $0x1  }
0xa1: {  	s23 =	simm.s32 $0x1B8B  }
0xa2: {  	_ =	swait.ge [sflag:s23], $0x1  }
0xa3: {  	[sflag:s23] =	ssyncset.done $0x0  }
0xa4: {  	s25 =	simm.s32 $0x1B8E;
	s24 =	sld [smem:$0x3FFE];
	[sflag:s23] =	ssyncadd.s32 $0xFFFFFFFF  }
0xa5: {  	s26 =	simm.s32 $execute0_lowered;
	[smem:$0x3FD2] =	sst s25  }
0xa6: {  	s4 =	sshll.u32 s26, $0x1;
	_ =	strace $0x80000049;
	[dreg:$0x1] =	wrdreg $0xFFFFFFFF  }
0xa7: {  	s28 =	simm.s32 $_size_execute0_lowered;
	s2 =	sadd.s32 s2, s4;
	[dreg:$0x0] =	wrdreg $0x0  }
0xa8: {  	s4 =	sshll.u32 s28, $0x1;
	[dreg:$0x2] =	wrdreg s2  }
0xa9: {  	[dreg:$0x3] =	wrdreg s4  }
0xaa: {  	[dreg:$0x4] =	wrdreg $0xC0  }
0xab: {  	_ =	task [dreg:s6], $0x5FFFF  }
0xac: {  	[dreg:$0x1] =	wrdreg $0xFFFFFFFF  }
0xad: {  	[dreg:$0x0] =	wrdreg $0x60  }
0xae: {  	[dreg:$0x2] =	wrdreg s24  }
0xaf: {  	[dreg:$0x3] =	wrdreg $0x0  }
0xb0: {  	[dreg:$0x4] =	wrdreg $0x9  }
0xb1: {  	_ =	task.clear_ibuf [dreg:s6], $0x5FFFF;
	_ =	strace $0x90000049  }
0xb2: {  	s29 =	simm.s32 $0x9;
	_ =	strace $0x8000004B  }
0xb3: {  	_ =	swait.ge [sflag:s29], $0x1  }
0xb4: {  	[sflag:s29] =	ssyncadd.s32 $0xFFFFFFFF  }
0xb5: {  	_ =	strace $0x9000004B  }
0xb6: {  	_ =	sfence  }
0xb7: {  	s30 =	sld [smem:$0x0];
	_ =	sdelay $0x2  }
0xb8: {  	s31 =	sshll.u32 s1, $0xD;
	s1 =	sshrl.u32 s1, $0x2  }
0xb9: {  	s3 =	sand.u32 $0x4000, s31;
	s1 =	sadd.s32 s1, s30  }
0xba: {  	s0 =	sor.u32 s3, s0;
	s1 =	sshll.u32 s1, $0x11  }
0xbb: {  	s0 =	sor.u32 s1, s0  }
0xbc: {  	s0 =	sadd.s32 $0x8F2B, s0  }
0xbd: {  	[sflag:s0] =	ssyncadd.remote.s32 $0x1  }
0xbe: {  	_ =	sfence.sel $0xFFFF  }
0xbf: {  	[dreg:$0x0] =	wrdreg $0xFFFFFFFF;
	(pc) =	sbr.abs _section_cstart, $3  }
0xc0: {  	[dreg:$0x1] =	wrdreg $0xFFFFFFFF  }
0xc1: {  	_ =	task.clear_ibuf [dreg:s6], $0x2FFFF;
	_ =	strace $0x9FFFFFFF  }
0xc2: {  	(tm) =	ssettm $0x7FFFFFFF  }
0xc3: {  	_ =	shalt  }
tec
execute0_lowered:
.L_overlay_start_1:
0x0: {  	(tag) =	ssettag $0x1  }
0x1: {  	s0 =	rddreg [dreg:$0x0]  }
0x2: {  	s2 =	rddreg [dreg:$0x1]  }
0x3: {  	s3 =	srdreg.scid;
	s1 =	stileid.u32  }
0x4: {  	s6 =	simm.s32 $0x0;
	s14 =	simm.s32 $0x14000;
	s15 =	simm.s32 $0x6  }
0x5: {  	s16 =	simm.s32 $0x1;
	s17 =	simm.s32 $0x80;
	s18 =	simm.s32 $0x1E800  }
0x6: {  	s19 =	simm.s32 $0x1E880;
	s20 =	simm.s32 $0x18000;
	s21 =	simm.s32 $0x2  }
0x7: {  	s22 =	simm.s32 $0x1E900;
	s23 =	simm.s32 $0x4;
	s24 =	simm.s32 $0x3  }
0x8: {  	s28 =	simm.s32 $0x10;
	s29 =	simm.s32 $0x1EA00;
	s30 =	simm.s32 $0x1EB00  }
0x9: {  	s31 =	simm.s32 $0x1EA80;
	s3 =	sand.u32 $0x1, s3;
	s7 =	smul.u32 $0x14000, s1  }
0xa: {  	s4 =	sshll.u32 s1, $0x1;
	[smem:$0x7FF] =	sst s6;
	s26 =	smul.u32 $0x50000, s1  }
0xb: {  	s5 =	smul.u32 $0x140000, s3;
	s25 =	sor.u32 s3, s4;
	_ =	strace $0x8000004A  }
0xc: {  	s4 =	sadd.s32 $0xD000, s0;
	s3 =	ssub.s32 $0x2, s3;
	s6 =	smul.u32 $0x500, s25  }
0xd: {  	s8 =	sshrl.u32 s3, $0x1;
	s25 =	simm.s32 $0x1E980;
	s5 =	sadd.s32 s7, s5  }
0xe: {  	s3 =	ssub.s32 s3, s8;
	s7 =	sshrl.u32 s26, $0x2;
	s26 =	simm.s32 $0x5  }
0xf: {  	s6 =	sadd.s32 s6, s0;
	s5 =	sshrl.u32 s5, $0x3;
	s8 =	smax.u32 s3, $0x1  }
0x10: {  	s0 =	sadd.s32 s5, s0;
	s5 =	sadd.s32 $0x3000, s6;
	s6 =	sadd.s32 s7, s2  }
0x11: {  	s7 =	sadd.s32 $0x35000, s0;
	s9 =	sadd.s32 $0x4000, s6;
	s10 =	sadd.s32 $0x8000, s6  }
0x12: {  	v0 =	vimm.f32 $0.0e+00;
	s11 =	sadd.s32 $0xC000, s6;
	s12 =	sadd.s32 $0x10000, s6;
	s0 =	simm.s32 $0x0  }
.LBB2_1:
0x13: {  	s3 =	simm.s32 $0x0;
	s13 =	simm.s32 $0x1C000  }
0x14: {  	[tilespmem:s13], [sflag:$0x1] =	stream.linear.gather [hbm4b:s5+s3], $0x2800, $0x38;
	[tilespmem:$0x1F300] =	vst v63  }
0x15: {  	s3 =	simm.s32 $0x0;
	s13 =	simm.s32 $0x200  }
.LBB2_2:
0x16: {  	p0 =	sne.s32 s13, $0xFE00;
	[tilespmem:s3+$0x14070] =	vst v0  }
0x17: {  	[tilespmem:s3+$0x14000] =	vst v0  }
0x18: {  	[tilespmem:s3+$0x14010] =	vst v0  }
.Ltmp0:
0x19: {  	[tilespmem:s3+$0x14020] =	vst v0;
	(pc) =	sbr.rel @p0 .LBB2_2-.Ltmp0, $4  }
0x1a: {  	[tilespmem:s3+$0x14030] =	vst v0  }
0x1b: {  	[tilespmem:s3+$0x14040] =	vst v0  }
0x1c: {  	[tilespmem:s3+$0x14050] =	vst v0  }
0x1d: {  	[tilespmem:s3+$0x14060] =	vst v0;
	s3 =	sshra.s32 s13, $0x2;
	s13 =	sadd.s32 $0x200, s13  }
0x1e: {  	[tilespmem:s3+$0x14070] =	vst v0  }
0x1f: {  	[tilespmem:s3+$0x14000] =	vst v0  }
0x20: {  	[tilespmem:s3+$0x14010] =	vst v0  }
0x21: {  	[tilespmem:s3+$0x14020] =	vst v0  }
0x22: {  	[tilespmem:s3+$0x14030] =	vst v0  }
0x23: {  	[tilespmem:s3+$0x14040] =	vst v0  }
0x24: {  	[tilespmem:s3+$0x14050] =	vst v0  }
0x25: {  	[tilespmem:s3+$0x14060] =	vst v0  }
0x26: {  	[spmem:s6] =	stream.linear.scatter [tilespmem:s14], [sflag:$0x6], $0x4000, $0x38;
	[tilespmem:$0x1F300] =	vst v63  }
0x27: {  	_ =	swait.ge [sflag:s15], $0x4000  }
0x28: {  	[sflag:s15] =	ssyncset.done $0x0  }
0x29: {  	[sflag:s15] =	ssyncadd.s32 $0xFFFFC000  }
0x2a: {  	[spmem:s9] =	stream.linear.scatter [tilespmem:s14], [sflag:$0x6], $0x4000, $0x38;
	[tilespmem:$0x1F300] =	vst v63  }
0x2b: {  	_ =	swait.ge [sflag:s15], $0x4000  }
0x2c: {  	[sflag:s15] =	ssyncset.done $0x0  }
0x2d: {  	[sflag:s15] =	ssyncadd.s32 $0xFFFFC000  }
0x2e: {  	[spmem:s10] =	stream.linear.scatter [tilespmem:s14], [sflag:$0x6], $0x4000, $0x38;
	[tilespmem:$0x1F300] =	vst v63  }
0x2f: {  	_ =	swait.ge [sflag:s15], $0x4000  }
0x30: {  	[sflag:s15] =	ssyncset.done $0x0  }
0x31: {  	[sflag:s15] =	ssyncadd.s32 $0xFFFFC000  }
0x32: {  	[spmem:s11] =	stream.linear.scatter [tilespmem:s14], [sflag:$0x6], $0x4000, $0x38;
	[tilespmem:$0x1F300] =	vst v63  }
0x33: {  	_ =	swait.ge [sflag:s15], $0x4000  }
0x34: {  	[sflag:s15] =	ssyncset.done $0x0  }
0x35: {  	[sflag:s15] =	ssyncadd.s32 $0xFFFFC000  }
0x36: {  	[spmem:s12] =	stream.linear.scatter [tilespmem:s14], [sflag:$0x6], $0x4000, $0x38;
	[tilespmem:$0x1F300] =	vst v63  }
0x37: {  	_ =	swait.ge [sflag:s15], $0x4000  }
0x38: {  	[sflag:s15] =	ssyncset.done $0x0  }
0x39: {  	[sflag:s15] =	ssyncadd.s32 $0xFFFFC000  }
0x3a: {  	[bflag:$0x0] =	sbarrier.arrive $0xFFFF  }
0x3b: {  	_ =	swait.ge [sflag:s16], $0x2800  }
0x3c: {  	[sflag:s16] =	ssyncset.done $0x0  }
0x3d: {  	[sflag:s16] =	ssyncadd.s32 $0xFFFFD800  }
0x3e: {  	v1 =	vld [tilespmem:$0x1C000]  }
0x3f: {  	v2 =	vld [tilespmem:$0x1C010]  }
0x40: {  	v3 =	vld [tilespmem:$0x1C020]  }
0x41: {  	v4 =	vld [tilespmem:$0x1C030]  }
0x42: {  	v5 =	vld [tilespmem:$0x1C040]  }
0x43: {  	v6 =	vld [tilespmem:$0x1C050];
	v1 =	vand.u32 $0xFFFF, v1  }
0x44: {  	[tilespmem:$0x1E800] =	vst v1;
	v1 =	vand.u32 $0xFFFF, v2;
	v2 =	vld [tilespmem:$0x1C060]  }
0x45: {  	[tilespmem:$0x1E810] =	vst v1;
	v1 =	vand.u32 $0xFFFF, v3;
	v3 =	vld [tilespmem:$0x1C070]  }
0x46: {  	v49 =	vld [tilespmem:$0x1C000];
	[tilespmem:$0x1E820] =	vst v1;
	v1 =	vand.u32 $0xFFFF, v4  }
0x47: {  	v50 =	vld [tilespmem:$0x1C010];
	[tilespmem:$0x1E830] =	vst v1;
	v1 =	vand.u32 $0xFFFF, v5  }
0x48: {  	v51 =	vld [tilespmem:$0x1C020];
	[tilespmem:$0x1E840] =	vst v1;
	v1 =	vand.u32 $0xFFFF, v6  }
0x49: {  	[tilespmem:$0x1E850] =	vst v1;
	v1 =	vand.u32 $0xFFFF, v2;
	v2 =	vld [tilespmem:$0x1C030]  }
0x4a: {  	[tilespmem:$0x1E860] =	vst v1;
	v1 =	vand.u32 $0xFFFF, v3;
	v3 =	vld [tilespmem:$0x1C040]  }
0x4b: {  	v52 =	vld [tilespmem:$0x1C050];
	[tilespmem:$0x1E870] =	vst v1;
	v1 =	vshrl.u32 v49, $0x10  }
0x4c: {  	v53 =	vld [tilespmem:$0x1C060];
	[tilespmem:$0x1E900] =	vst v1;
	v1 =	vshrl.u32 v50, $0x10  }
0x4d: {  	v54 =	vld [tilespmem:$0x1C070];
	[tilespmem:$0x1E910] =	vst v1;
	v1 =	vshrl.u32 v51, $0x10  }
0x4e: {  	[tilespmem:$0x1E920] =	vst v1;
	v1 =	vshrl.u32 v2, $0x10  }
0x4f: {  	[tilespmem:$0x1E930] =	vst v1;
	v1 =	vshrl.u32 v3, $0x10  }
0x50: {  	[tilespmem:$0x1E940] =	vst v1;
	v1 =	vshrl.u32 v52, $0x10  }
0x51: {  	[tilespmem:$0x1E950] =	vst v1;
	v1 =	vshrl.u32 v53, $0x10  }
0x52: {  	[tilespmem:$0x1E960] =	vst v1;
	v1 =	vshrl.u32 v54, $0x10  }
0x53: {  	[tilespmem:$0x1E970] =	vst v1  }
0x54: {  	[tilespmem:s14], [sflag:$0x2] =	stream.indirect.gather [hbm4b:s4+s17], $0x80, s18, s17, $0xb8;
	[tilespmem:$0x1F300] =	vst v63  }
0x55: {  	v1 =	vld [tilespmem:$0x1C080]  }
0x56: {  	v2 =	vld [tilespmem:$0x1C090]  }
0x57: {  	v3 =	vld [tilespmem:$0x1C0A0]  }
0x58: {  	v55 =	vld [tilespmem:$0x1C0B0]  }
0x59: {  	v56 =	vld [tilespmem:$0x1C0C0]  }
0x5a: {  	v57 =	vld [tilespmem:$0x1C0D0];
	v1 =	vand.u32 $0xFFFF, v1  }
0x5b: {  	[tilespmem:$0x1E880] =	vst v1;
	v1 =	vand.u32 $0xFFFF, v2;
	v2 =	vld [tilespmem:$0x1C0E0]  }
0x5c: {  	[tilespmem:$0x1E890] =	vst v1;
	v1 =	vand.u32 $0xFFFF, v3;
	v3 =	vld [tilespmem:$0x1C0F0]  }
0x5d: {  	v58 =	vld [tilespmem:$0x1C080];
	[tilespmem:$0x1E8A0] =	vst v1;
	v1 =	vand.u32 $0xFFFF, v55  }
0x5e: {  	v59 =	vld [tilespmem:$0x1C090];
	[tilespmem:$0x1E8B0] =	vst v1;
	v1 =	vand.u32 $0xFFFF, v56  }
0x5f: {  	v60 =	vld [tilespmem:$0x1C0A0];
	[tilespmem:$0x1E8C0] =	vst v1;
	v1 =	vand.u32 $0xFFFF, v57  }
0x60: {  	[tilespmem:$0x1E8D0] =	vst v1;
	v1 =	vand.u32 $0xFFFF, v2;
	v2 =	vld [tilespmem:$0x1C0B0]  }
0x61: {  	[tilespmem:$0x1E8E0] =	vst v1;
	v1 =	vand.u32 $0xFFFF, v3;
	v3 =	vld [tilespmem:$0x1C0C0]  }
0x62: {  	v61 =	vld [tilespmem:$0x1C0D0];
	[tilespmem:$0x1E8F0] =	vst v1;
	v1 =	vshrl.u32 v58, $0x10  }
0x63: {  	v62 =	vld [tilespmem:$0x1C0E0];
	[tilespmem:$0x1E980] =	vst v1;
	v1 =	vshrl.u32 v59, $0x10  }
0x64: {  	v63 =	vld [tilespmem:$0x1C0F0];
	[tilespmem:$0x1E990] =	vst v1;
	v1 =	vshrl.u32 v60, $0x10  }
0x65: {  	[tilespmem:$0x1E9A0] =	vst v1;
	v1 =	vshrl.u32 v2, $0x10  }
0x66: {  	[tilespmem:$0x1E9B0] =	vst v1;
	v1 =	vshrl.u32 v3, $0x10  }
0x67: {  	[tilespmem:$0x1E9C0] =	vst v1;
	v1 =	vshrl.u32 v61, $0x10  }
0x68: {  	[tilespmem:$0x1E9D0] =	vst v1;
	v1 =	vshrl.u32 v62, $0x10  }
0x69: {  	[tilespmem:$0x1E9E0] =	vst v1;
	v1 =	vshrl.u32 v63, $0x10  }
0x6a: {  	[tilespmem:$0x1E9F0] =	vst v1  }
0x6b: {  	[tilespmem:s20], [sflag:$0x3] =	stream.indirect.gather [hbm4b:s4+s17], $0x80, s19, s17, $0xb8;
	[tilespmem:$0x1F300] =	vst v63  }
0x6c: {  	_ =	swait.ge [sflag:s21], $0x4000  }
0x6d: {  	[sflag:s21] =	ssyncset.done $0x0  }
0x6e: {  	[sflag:s21] =	ssyncadd.s32 $0xFFFFC000  }
0x6f: {  	[spmem:s2] =	stream.indirect.scatter.add.f32 [tilespmem:s14], [sflag:$0x4], $0x80, s22, s17, $0xb8;
	[tilespmem:$0x1F300] =	vst v63  }
0x70: {  	_ =	swait.ge [sflag:s23], $0x4000  }
0x71: {  	[sflag:s23] =	ssyncset.done $0x0  }
0x72: {  	s13 =	simm.s32 $0x1F0;
	[sflag:s23] =	ssyncadd.s32 $0xFFFFC000  }
0x73: {  	v1 =	vld [tilespmem:s13+$0x1BF10];
	_ =	sdelay $0x4  }
0x74: {  	v1 =	vand.u32 $0xFFFF, v1  }
0x75: {  	[tilespmem:$0x1E800] =	vst v1  }
0x76: {  	v1 =	vld [tilespmem:s13+$0x1BF20];
	_ =	sdelay $0x4  }
0x77: {  	v1 =	vand.u32 $0xFFFF, v1  }
0x78: {  	[tilespmem:$0x1E810] =	vst v1  }
0x79: {  	v1 =	vld [tilespmem:s13+$0x1BF30];
	_ =	sdelay $0x4  }
0x7a: {  	v1 =	vand.u32 $0xFFFF, v1  }
0x7b: {  	[tilespmem:$0x1E820] =	vst v1  }
0x7c: {  	v1 =	vld [tilespmem:s13+$0x1BF40];
	_ =	sdelay $0x4  }
0x7d: {  	v1 =	vand.u32 $0xFFFF, v1  }
0x7e: {  	[tilespmem:$0x1E830] =	vst v1  }
0x7f: {  	v1 =	vld [tilespmem:s13+$0x1BF50];
	_ =	sdelay $0x4  }
0x80: {  	v1 =	vand.u32 $0xFFFF, v1  }
0x81: {  	[tilespmem:$0x1E840] =	vst v1  }
0x82: {  	v1 =	vld [tilespmem:s13+$0x1BF60];
	_ =	sdelay $0x4  }
0x83: {  	v1 =	vand.u32 $0xFFFF, v1  }
0x84: {  	[tilespmem:$0x1E850] =	vst v1  }
0x85: {  	v1 =	vld [tilespmem:s13+$0x1BF70];
	_ =	sdelay $0x4  }
0x86: {  	v1 =	vand.u32 $0xFFFF, v1  }
0x87: {  	[tilespmem:$0x1E860] =	vst v1  }
0x88: {  	v1 =	vld [tilespmem:s13+$0x1BF80];
	_ =	sdelay $0x4  }
0x89: {  	v1 =	vand.u32 $0xFFFF, v1  }
0x8a: {  	[tilespmem:$0x1E870] =	vst v1  }
0x8b: {  	v1 =	vld [tilespmem:s13+$0x1BF10];
	_ =	sdelay $0x4  }
0x8c: {  	v1 =	vshrl.u32 v1, $0x10  }
0x8d: {  	[tilespmem:$0x1E900] =	vst v1  }
0x8e: {  	v1 =	vld [tilespmem:s13+$0x1BF20];
	_ =	sdelay $0x4  }
0x8f: {  	v1 =	vshrl.u32 v1, $0x10  }
0x90: {  	[tilespmem:$0x1E910] =	vst v1  }
0x91: {  	v1 =	vld [tilespmem:s13+$0x1BF30];
	_ =	sdelay $0x4  }
0x92: {  	v1 =	vshrl.u32 v1, $0x10  }
0x93: {  	[tilespmem:$0x1E920] =	vst v1  }
0x94: {  	v1 =	vld [tilespmem:s13+$0x1BF40];
	_ =	sdelay $0x4  }
0x95: {  	v1 =	vshrl.u32 v1, $0x10  }
0x96: {  	[tilespmem:$0x1E930] =	vst v1  }
0x97: {  	v1 =	vld [tilespmem:s13+$0x1BF50];
	_ =	sdelay $0x4  }
0x98: {  	v1 =	vshrl.u32 v1, $0x10  }
0x99: {  	[tilespmem:$0x1E940] =	vst v1  }
0x9a: {  	v1 =	vld [tilespmem:s13+$0x1BF60];
	_ =	sdelay $0x4  }
0x9b: {  	v1 =	vshrl.u32 v1, $0x10  }
0x9c: {  	[tilespmem:$0x1E950] =	vst v1  }
0x9d: {  	v1 =	vld [tilespmem:s13+$0x1BF70];
	_ =	sdelay $0x4  }
0x9e: {  	v1 =	vshrl.u32 v1, $0x10  }
0x9f: {  	[tilespmem:$0x1E960] =	vst v1  }
0xa0: {  	v1 =	vld [tilespmem:s13+$0x1BF80];
	_ =	sdelay $0x4  }
0xa1: {  	v1 =	vshrl.u32 v1, $0x10  }
0xa2: {  	[tilespmem:$0x1E970] =	vst v1  }
0xa3: {  	[tilespmem:s14], [sflag:$0x2] =	stream.indirect.gather [hbm4b:s4+s17], $0x80, s18, s17, $0xb8;
	[tilespmem:$0x1F300] =	vst v63  }
0xa4: {  	_ =	swait.ge [sflag:s24], $0x4000  }
0xa5: {  	[sflag:s24] =	ssyncset.done $0x0  }
0xa6: {  	[sflag:s24] =	ssyncadd.s32 $0xFFFFC000  }
0xa7: {  	[spmem:s2] =	stream.indirect.scatter.add.f32 [tilespmem:s20], [sflag:$0x5], $0x80, s25, s17, $0xb8;
	[tilespmem:$0x1F300] =	vst v63  }
0xa8: {  	_ =	swait.ge [sflag:s26], $0x4000  }
0xa9: {  	[sflag:s26] =	ssyncset.done $0x0  }
0xaa: {  	[sflag:s26] =	ssyncadd.s32 $0xFFFFC000  }
0xab: {  	v1 =	vld [tilespmem:s13+$0x1BF90];
	_ =	sdelay $0x4  }
0xac: {  	v1 =	vand.u32 $0xFFFF, v1  }
0xad: {  	[tilespmem:$0x1E880] =	vst v1  }
0xae: {  	v1 =	vld [tilespmem:s13+$0x1BFA0];
	_ =	sdelay $0x4  }
0xaf: {  	v1 =	vand.u32 $0xFFFF, v1  }
0xb0: {  	[tilespmem:$0x1E890] =	vst v1  }
0xb1: {  	v1 =	vld [tilespmem:s13+$0x1BFB0];
	_ =	sdelay $0x4  }
0xb2: {  	v1 =	vand.u32 $0xFFFF, v1  }
0xb3: {  	[tilespmem:$0x1E8A0] =	vst v1  }
0xb4: {  	v1 =	vld [tilespmem:s13+$0x1BFC0];
	_ =	sdelay $0x4  }
0xb5: {  	v1 =	vand.u32 $0xFFFF, v1  }
0xb6: {  	[tilespmem:$0x1E8B0] =	vst v1  }
0xb7: {  	v1 =	vld [tilespmem:s13+$0x1BFD0];
	_ =	sdelay $0x4  }
0xb8: {  	v1 =	vand.u32 $0xFFFF, v1  }
0xb9: {  	[tilespmem:$0x1E8C0] =	vst v1  }
0xba: {  	v1 =	vld [tilespmem:s13+$0x1BFE0];
	_ =	sdelay $0x4  }
0xbb: {  	v1 =	vand.u32 $0xFFFF, v1  }
0xbc: {  	[tilespmem:$0x1E8D0] =	vst v1  }
0xbd: {  	v1 =	vld [tilespmem:s13+$0x1BFF0];
	_ =	sdelay $0x4  }
0xbe: {  	v1 =	vand.u32 $0xFFFF, v1  }
0xbf: {  	[tilespmem:$0x1E8E0] =	vst v1  }
0xc0: {  	v1 =	vld [tilespmem:s13+$0x1C000];
	_ =	sdelay $0x4  }
0xc1: {  	v1 =	vand.u32 $0xFFFF, v1  }
0xc2: {  	[tilespmem:$0x1E8F0] =	vst v1  }
0xc3: {  	v1 =	vld [tilespmem:s13+$0x1BF90];
	_ =	sdelay $0x4  }
0xc4: {  	v1 =	vshrl.u32 v1, $0x10  }
0xc5: {  	[tilespmem:$0x1E980] =	vst v1  }
0xc6: {  	v1 =	vld [tilespmem:s13+$0x1BFA0];
	_ =	sdelay $0x4  }
0xc7: {  	v1 =	vshrl.u32 v1, $0x10  }
0xc8: {  	[tilespmem:$0x1E990] =	vst v1  }
0xc9: {  	v1 =	vld [tilespmem:s13+$0x1BFB0];
	_ =	sdelay $0x4  }
0xca: {  	v1 =	vshrl.u32 v1, $0x10  }
0xcb: {  	[tilespmem:$0x1E9A0] =	vst v1  }
0xcc: {  	v1 =	vld [tilespmem:s13+$0x1BFC0];
	_ =	sdelay $0x4  }
0xcd: {  	v1 =	vshrl.u32 v1, $0x10  }
0xce: {  	[tilespmem:$0x1E9B0] =	vst v1  }
0xcf: {  	v1 =	vld [tilespmem:s13+$0x1BFD0];
	_ =	sdelay $0x4  }
0xd0: {  	v1 =	vshrl.u32 v1, $0x10  }
0xd1: {  	[tilespmem:$0x1E9C0] =	vst v1  }
0xd2: {  	v1 =	vld [tilespmem:s13+$0x1BFE0];
	_ =	sdelay $0x4  }
0xd3: {  	v1 =	vshrl.u32 v1, $0x10  }
0xd4: {  	[tilespmem:$0x1E9D0] =	vst v1  }
0xd5: {  	v1 =	vld [tilespmem:s13+$0x1BFF0];
	_ =	sdelay $0x4  }
0xd6: {  	v1 =	vshrl.u32 v1, $0x10  }
0xd7: {  	[tilespmem:$0x1E9E0] =	vst v1  }
0xd8: {  	v1 =	vld [tilespmem:s13+$0x1C000];
	_ =	sdelay $0x4  }
0xd9: {  	v1 =	vshrl.u32 v1, $0x10  }
0xda: {  	[tilespmem:$0x1E9F0] =	vst v1  }
0xdb: {  	[tilespmem:s20], [sflag:$0x3] =	stream.indirect.gather [hbm4b:s4+s17], $0x80, s19, s17, $0xb8;
	[tilespmem:$0x1F300] =	vst v63  }
0xdc: {  	_ =	swait.ge [sflag:s21], $0x4000  }
0xdd: {  	[sflag:s21] =	ssyncset.done $0x0  }
0xde: {  	s3 =	simm.s32 $0xBC0;
	[sflag:s21] =	ssyncadd.s32 $0xFFFFC000  }
.LBB2_4:
0xdf: {  	[spmem:s2] =	stream.indirect.scatter.add.f32 [tilespmem:s14], [sflag:$0x4], $0x80, s22, s17, $0xb8;
	[tilespmem:$0x1F300] =	vst v63  }
0xe0: {  	s13 =	smov.u32 s3  }
0xe1: {  	p0 =	sne.s32 s3, $0x9BC0;
	s3 =	sadd.s32 $0x400, s3;
	_ =	swait.ge [sflag:s23], $0x4000  }
0xe2: {  	[sflag:s23] =	ssyncset.done $0x0  }
0xe3: {  	s13 =	sshra.s32 s13, $0x2;
	[sflag:s23] =	ssyncadd.s32 $0xFFFFC000  }
0xe4: {  	v1 =	vld [tilespmem:s13+$0x1BF10];
	_ =	sdelay $0x4  }
0xe5: {  	v1 =	vand.u32 $0xFFFF, v1  }
0xe6: {  	[tilespmem:$0x1E800] =	vst v1  }
0xe7: {  	v1 =	vld [tilespmem:s13+$0x1BF20];
	_ =	sdelay $0x4  }
0xe8: {  	v1 =	vand.u32 $0xFFFF, v1  }
0xe9: {  	[tilespmem:$0x1E810] =	vst v1  }
0xea: {  	v1 =	vld [tilespmem:s13+$0x1BF30];
	_ =	sdelay $0x4  }
0xeb: {  	v1 =	vand.u32 $0xFFFF, v1  }
0xec: {  	[tilespmem:$0x1E820] =	vst v1  }
0xed: {  	v1 =	vld [tilespmem:s13+$0x1BF40];
	_ =	sdelay $0x4  }
0xee: {  	v1 =	vand.u32 $0xFFFF, v1  }
0xef: {  	[tilespmem:$0x1E830] =	vst v1  }
0xf0: {  	v1 =	vld [tilespmem:s13+$0x1BF50];
	_ =	sdelay $0x4  }
0xf1: {  	v1 =	vand.u32 $0xFFFF, v1  }
0xf2: {  	[tilespmem:$0x1E840] =	vst v1  }
0xf3: {  	v1 =	vld [tilespmem:s13+$0x1BF60];
	_ =	sdelay $0x4  }
0xf4: {  	v1 =	vand.u32 $0xFFFF, v1  }
0xf5: {  	[tilespmem:$0x1E850] =	vst v1  }
0xf6: {  	v1 =	vld [tilespmem:s13+$0x1BF70];
	_ =	sdelay $0x4  }
0xf7: {  	v1 =	vand.u32 $0xFFFF, v1  }
0xf8: {  	[tilespmem:$0x1E860] =	vst v1  }
0xf9: {  	v1 =	vld [tilespmem:s13+$0x1BF80];
	_ =	sdelay $0x4  }
0xfa: {  	v1 =	vand.u32 $0xFFFF, v1  }
0xfb: {  	[tilespmem:$0x1E870] =	vst v1  }
0xfc: {  	v1 =	vld [tilespmem:s13+$0x1BF10];
	_ =	sdelay $0x4  }
0xfd: {  	v1 =	vshrl.u32 v1, $0x10  }
0xfe: {  	[tilespmem:$0x1E900] =	vst v1  }
0xff: {  	v1 =	vld [tilespmem:s13+$0x1BF20];
	_ =	sdelay $0x4  }
0x100: {  	v1 =	vshrl.u32 v1, $0x10  }
0x101: {  	[tilespmem:$0x1E910] =	vst v1  }
0x102: {  	v1 =	vld [tilespmem:s13+$0x1BF30];
	_ =	sdelay $0x4  }
0x103: {  	v1 =	vshrl.u32 v1, $0x10  }
0x104: {  	[tilespmem:$0x1E920] =	vst v1  }
0x105: {  	v1 =	vld [tilespmem:s13+$0x1BF40];
	_ =	sdelay $0x4  }
0x106: {  	v1 =	vshrl.u32 v1, $0x10  }
0x107: {  	[tilespmem:$0x1E930] =	vst v1  }
0x108: {  	v1 =	vld [tilespmem:s13+$0x1BF50];
	_ =	sdelay $0x4  }
0x109: {  	v1 =	vshrl.u32 v1, $0x10  }
0x10a: {  	[tilespmem:$0x1E940] =	vst v1  }
0x10b: {  	v1 =	vld [tilespmem:s13+$0x1BF60];
	_ =	sdelay $0x4  }
0x10c: {  	v1 =	vshrl.u32 v1, $0x10  }
0x10d: {  	[tilespmem:$0x1E950] =	vst v1  }
0x10e: {  	v1 =	vld [tilespmem:s13+$0x1BF70];
	_ =	sdelay $0x4  }
0x10f: {  	v1 =	vshrl.u32 v1, $0x10  }
0x110: {  	[tilespmem:$0x1E960] =	vst v1  }
0x111: {  	v1 =	vld [tilespmem:s13+$0x1BF80];
	_ =	sdelay $0x4  }
0x112: {  	v1 =	vshrl.u32 v1, $0x10  }
0x113: {  	[tilespmem:$0x1E970] =	vst v1  }
0x114: {  	[tilespmem:s14], [sflag:$0x2] =	stream.indirect.gather [hbm4b:s4+s17], $0x80, s18, s17, $0xb8;
	[tilespmem:$0x1F300] =	vst v63  }
0x115: {  	_ =	swait.ge [sflag:s24], $0x4000  }
0x116: {  	[sflag:s24] =	ssyncset.done $0x0  }
0x117: {  	[sflag:s24] =	ssyncadd.s32 $0xFFFFC000  }
0x118: {  	[spmem:s2] =	stream.indirect.scatter.add.f32 [tilespmem:s20], [sflag:$0x5], $0x80, s25, s17, $0xb8;
	[tilespmem:$0x1F300] =	vst v63  }
0x119: {  	_ =	swait.ge [sflag:s26], $0x4000  }
0x11a: {  	[sflag:s26] =	ssyncset.done $0x0  }
0x11b: {  	[sflag:s26] =	ssyncadd.s32 $0xFFFFC000  }
0x11c: {  	v1 =	vld [tilespmem:s13+$0x1BF90];
	_ =	sdelay $0x4  }
0x11d: {  	v1 =	vand.u32 $0xFFFF, v1  }
0x11e: {  	[tilespmem:$0x1E880] =	vst v1  }
0x11f: {  	v1 =	vld [tilespmem:s13+$0x1BFA0];
	_ =	sdelay $0x4  }
0x120: {  	v1 =	vand.u32 $0xFFFF, v1  }
0x121: {  	[tilespmem:$0x1E890] =	vst v1  }
0x122: {  	v1 =	vld [tilespmem:s13+$0x1BFB0];
	_ =	sdelay $0x4  }
0x123: {  	v1 =	vand.u32 $0xFFFF, v1  }
0x124: {  	[tilespmem:$0x1E8A0] =	vst v1  }
0x125: {  	v1 =	vld [tilespmem:s13+$0x1BFC0];
	_ =	sdelay $0x4  }
0x126: {  	v1 =	vand.u32 $0xFFFF, v1  }
0x127: {  	[tilespmem:$0x1E8B0] =	vst v1  }
0x128: {  	v1 =	vld [tilespmem:s13+$0x1BFD0];
	_ =	sdelay $0x4  }
0x129: {  	v1 =	vand.u32 $0xFFFF, v1  }
0x12a: {  	[tilespmem:$0x1E8C0] =	vst v1  }
0x12b: {  	v1 =	vld [tilespmem:s13+$0x1BFE0];
	_ =	sdelay $0x4  }
0x12c: {  	v1 =	vand.u32 $0xFFFF, v1  }
0x12d: {  	[tilespmem:$0x1E8D0] =	vst v1  }
0x12e: {  	v1 =	vld [tilespmem:s13+$0x1BFF0];
	_ =	sdelay $0x4  }
0x12f: {  	v1 =	vand.u32 $0xFFFF, v1  }
0x130: {  	[tilespmem:$0x1E8E0] =	vst v1  }
0x131: {  	v1 =	vld [tilespmem:s13+$0x1C000];
	_ =	sdelay $0x4  }
0x132: {  	v1 =	vand.u32 $0xFFFF, v1  }
0x133: {  	[tilespmem:$0x1E8F0] =	vst v1  }
0x134: {  	v1 =	vld [tilespmem:s13+$0x1BF90];
	_ =	sdelay $0x4  }
0x135: {  	v1 =	vshrl.u32 v1, $0x10  }
0x136: {  	[tilespmem:$0x1E980] =	vst v1  }
0x137: {  	v1 =	vld [tilespmem:s13+$0x1BFA0];
	_ =	sdelay $0x4  }
0x138: {  	v1 =	vshrl.u32 v1, $0x10  }
0x139: {  	[tilespmem:$0x1E990] =	vst v1  }
0x13a: {  	v1 =	vld [tilespmem:s13+$0x1BFB0];
	_ =	sdelay $0x4  }
0x13b: {  	v1 =	vshrl.u32 v1, $0x10  }
0x13c: {  	[tilespmem:$0x1E9A0] =	vst v1  }
0x13d: {  	v1 =	vld [tilespmem:s13+$0x1BFC0];
	_ =	sdelay $0x4  }
0x13e: {  	v1 =	vshrl.u32 v1, $0x10  }
0x13f: {  	[tilespmem:$0x1E9B0] =	vst v1  }
0x140: {  	v1 =	vld [tilespmem:s13+$0x1BFD0];
	_ =	sdelay $0x4  }
0x141: {  	v1 =	vshrl.u32 v1, $0x10  }
0x142: {  	[tilespmem:$0x1E9C0] =	vst v1  }
0x143: {  	v1 =	vld [tilespmem:s13+$0x1BFE0];
	_ =	sdelay $0x4  }
0x144: {  	v1 =	vshrl.u32 v1, $0x10  }
0x145: {  	[tilespmem:$0x1E9D0] =	vst v1  }
0x146: {  	v1 =	vld [tilespmem:s13+$0x1BFF0];
	_ =	sdelay $0x4  }
0x147: {  	v1 =	vshrl.u32 v1, $0x10  }
0x148: {  	[tilespmem:$0x1E9E0] =	vst v1  }
0x149: {  	v1 =	vld [tilespmem:s13+$0x1C000];
	_ =	sdelay $0x4  }
0x14a: {  	v1 =	vshrl.u32 v1, $0x10  }
.Ltmp1:
0x14b: {  	[tilespmem:$0x1E9F0] =	vst v1;
	(pc) =	sbr.rel @p0 .LBB2_4-.Ltmp1, $4  }
0x14c: {  	[tilespmem:s20], [sflag:$0x3] =	stream.indirect.gather [hbm4b:s4+s17], $0x80, s19, s17, $0xb8;
	[tilespmem:$0x1F300] =	vst v63  }
0x14d: {  	_ =	swait.ge [sflag:s21], $0x4000  }
0x14e: {  	[sflag:s21] =	ssyncset.done $0x0  }
0x14f: {  	[sflag:s21] =	ssyncadd.s32 $0xFFFFC000  }
0x150: {  	[spmem:s2] =	stream.indirect.scatter.add.f32 [tilespmem:s14], [sflag:$0x4], $0x80, s22, s17, $0xb8;
	[tilespmem:$0x1F300] =	vst v63  }
0x151: {  	_ =	swait.ge [sflag:s24], $0x4000  }
0x152: {  	[sflag:s24] =	ssyncset.done $0x0  }
0x153: {  	[sflag:s24] =	ssyncadd.s32 $0xFFFFC000  }
0x154: {  	[spmem:s2] =	stream.indirect.scatter.add.f32 [tilespmem:s20], [sflag:$0x5], $0x80, s25, s17, $0xb8;
	[tilespmem:$0x1F300] =	vst v63  }
0x155: {  	_ =	swait.ge [sflag:s23], $0x4000  }
0x156: {  	[sflag:s23] =	ssyncset.done $0x0  }
0x157: {  	[sflag:s23] =	ssyncadd.s32 $0xFFFFC000  }
0x158: {  	_ =	swait.ge [sflag:s26], $0x4000  }
0x159: {  	[sflag:s26] =	ssyncset.done $0x0  }
0x15a: {  	[sflag:s26] =	ssyncadd.s32 $0xFFFFC000  }
0x15b: {  	v1 =	vld [tilespmem:$0x1E700]  }
0x15c: {  	v2 =	vld [tilespmem:$0x1E700];
	_ =	sdelay $0x3  }
0x15d: {  	v1 =	vand.u32 $0xFFFF, v1  }
0x15e: {  	[tilespmem:$0x1EA00] =	vst v1;
	v1 =	vshrl.u32 v2, $0x10  }
0x15f: {  	[tilespmem:$0x1EA80] =	vst v1  }
0x160: {  	[tilespmem:s30], [sflag:$0x2] =	stream.indirect.gather [hbm4b:s4+s28], $0x80, s29, s28, $0xb8;
	[tilespmem:$0x1F300] =	vst v63  }
0x161: {  	_ =	swait.ge [sflag:s21], $0x800  }
0x162: {  	[sflag:s21] =	ssyncset.done $0x0  }
0x163: {  	[sflag:s21] =	ssyncadd.s32 $0xFFFFF800  }
0x164: {  	[spmem:s2] =	stream.indirect.scatter.add.f32 [tilespmem:s30], [sflag:$0x6], $0x80, s31, s28, $0xb8;
	[tilespmem:$0x1F300] =	vst v63  }
0x165: {  	_ =	swait.ge [sflag:s15], $0x800  }
0x166: {  	s3 =	sshll.u32 s1, $0x6;
	s0 =	sadd.s32 $0x1, s0;
	[sflag:s15] =	ssyncset.done $0x0  }
0x167: {  	s13 =	sshrl.u32 s6, $0x3;
	p0 =	sne.s32 s0, s8;
	[sflag:s15] =	ssyncadd.s32 $0xFFFFF800  }
.Ltmp2:
0x168: {  	s3 =	sor.u32 $0x1C06, s3;
	[bflag:$0x0] =	sbarrier.arrive $0xFFFF;
	(pc) =	sbr.rel @p0 .LBB2_1-.Ltmp2, $4  }
0x169: {  	[hbm:s7], [sflag:s3] =	dma.local [spmem:s13], $0x2800  }
0x16a: {  	_ =	swait.ge [sflag:s15], $0x2800  }
0x16b: {  	[sflag:s15] =	ssyncset.done $0x0  }
0x16c: {  	[sflag:s15] =	ssyncadd.s32 $0xFFFFD800  }
0x16d: {  	_ =	sfence.sel $0x180000  }
0x16e: {  	[bflag:$0x0] =	sbarrier.arrive $0xFFFF  }
0x16f: {  	_ =	strace $0x9000004A  }
0x170: {  	[bflag:$0x2] =	sbarrier.arrive $0xFFFF  }
0x171: {  	p0 =	sne.s32 s1, $0x0;
	s0 =	rddreg [dreg:$0x2]  }
0x172: {  	s0 =	sadd.s32 @!p0 $0x100000, s0  }
0x173: {  	[sflag:s0] =	ssyncadd.tile.s32 @!p0 $0x1;
	_ =	shalt  }
.Lfunc_end2:
_tile_overlayer_lowered:
.L_overlay_start_2:
0x174: {  	(tag) =	ssettag $0x2  }
0x175: {  	s0 =	rddreg [dreg:$0x0];
	s2 =	stileid.u32  }
0x176: {  	s1 =	rddreg [dreg:$0x1];
	p0 =	sne.s32 s2, $0x0  }
0x177: {  	s3 =	rddreg [dreg:$0x2];
	[bflag:$0x3] =	sbarrier.arrive $0xFFFF;
	s2 =	simm.s32 @!p0 $0x1C06  }
0x178: {  	[timem:s3], [sflag:s2] =	dma.local @!p0 [hbm:s0], s1  }
0x179: {  	s0 =	simm.s32 @!p0 $0x6  }
0x17a: {  	_ =	swait.ge @!p0 [sflag:s0], s1  }
0x17b: {  	s1 =	ssub.s32 @!p0 $0x0, s1;
	[sflag:s0] =	ssyncset.done @!p0 $0x0  }
0x17c: {  	[sflag:s0] =	ssyncadd.s32 @!p0 s1  }
0x17d: {  	[bflag:$0x3] =	sbarrier.arrive $0xFFFF  }
0x17e: {  	_ =	shalt  }

// kernel: kernel.14.cloned.1.call-start
scs
__scs_entry_jumppad:
0x0: {  	(pc) =	sbr.rel $0x88, $3  }
0x1: {  	(tag) =	ssettag $0x0;
	lr =	simm.s32 $0x1  }
0x2: {  	[smem:$0x3F96] =	sst lr;
	_ =	strace $0xD0000000  }
0x3: {  	_ = 	snop  }
0x4: {  	_ = 	snop  }
0x5: {  	_ = 	snop  }
0x6: {  	_ = 	snop  }
0x7: {  	_ = 	snop  }
__scs_overlays_trampoline_lowered:
0x8: {  	[smem:$0x3FA5] =	sst s0  }
0x9: {  	[smem:$0x3FA6] =	sst s1  }
0xa: {  	[smem:$0x3FA7] =	sst s2  }
0xb: {  	[smem:$0x3FA8] =	sst s3  }
0xc: {  	[smem:$0x3FA9] =	sst s4  }
0xd: {  	[smem:$0x3FAA] =	sst s5  }
0xe: {  	[smem:$0x3FAB] =	sst s6  }
0xf: {  	[smem:$0x3FAC] =	sst s7  }
0x10: {  	[smem:$0x3FAD] =	sst s8  }
0x11: {  	[smem:$0x3FAE] =	sst s9;
	s0 =	simm.s32 @!p0 $0x0  }
0x12: {  	s1 =	sld [smem:$0x3F94];
	s0 =	simm.s32 @p0 $0x1  }
0x13: {  	[smem:$0x3FAF] =	sst s0;
	s0 =	simm.s32 @!p1 $0x0  }
0x14: {  	s2 =	sld [smem:$0x3F93];
	s0 =	simm.s32 @p1 $0x1  }
0x15: {  	[smem:$0x3FB0] =	sst s0;
	s0 =	simm.s32 @!p2 $0x0  }
0x16: {  	s3 =	sld [smem:$0x3FDB];
	s0 =	simm.s32 @p2 $0x1  }
0x17: {  	s4 =	simm.s32 $0x1BF5;
	[smem:$0x3FB2] =	sst s0  }
0x18: {  	s0 =	sld [smem:$0x3F95];
	_ =	swait.ge [sflag:s4], $0x0  }
0x19: {  	s7 =	sld [smem:$0x3F96]  }
0x1a: {  	s8 =	sadd.s32 $0xFFFFE003, lr  }
0x1b: {  	s9 =	sadd.s32 $0xFFFFFEF7, lr;
	s5 =	simm.s32 $0xFFFFFFFF;
	p2 =	slt.u32 s8, $0xFFFFF086  }
0x1c: {  	p1 =	slt.u32 s9, $0xF7A;
	s5 =	simm.s32 @!p2 $0x0  }
0x1d: {  	s5 =	simm.s32 @p1 $0x1;
	p0 =	seq.s32 s7, s2  }
0x1e: {  	s7 =	smul.u32 @!p0 $0xF7A, s2;
	p2 =	seq.s32 @!p0 s5, $0x0  }
0x1f: {  	s9 =	smul.u32 $0xF7A, s1;
	s8 =	simm.s32 @!p0 $0x1BF5;
	p2 =	por !p2, p0  }
0x20: {  	[sflag:s8] =	ssyncset.s32 @!p0 $0xFFFFF086;
	s6 =	sadd.s32 @!p0 s3, s7;
	s7 =	simm.s32 @!p0 $0x108  }
0x21: {  	s3 =	sadd.s32 s3, s9;
	s6 =	sadd.s32 @!p0 $0x88, s6;
	s7 =	simm.s32 @p2 $0x1082  }
0x22: {  	[simem:s7], [sflag:s8] =	dma.local @!p0 [hbm:s6], $0xF7A  }
0x23: {  	s9 =	sor.u32 $0xD0000000, s2;
	s6 =	simm.s32 $0x108;
	_ =	swait.ge @!p0 [sflag:s8], $0x0  }
0x24: {  	s3 =	sadd.s32 $0x88, s3;
	s6 =	simm.s32 @!p1 $0x1082;
	[sflag:s4] =	ssyncset.s32 $0xFFFFF086  }
0x25: {  	[simem:s6], [sflag:s4] =	dma.local [hbm:s3], $0xF7A  }
0x26: {  	[smem:$0x3F96] =	sst s1;
	(tag) =	ssettag s2;
	_ =	strace s9  }
0x27: {  	s1 =	sld [smem:$0x3FA6]  }
0x28: {  	s2 =	sld [smem:$0x3FA7]  }
0x29: {  	s4 =	sld [smem:$0x3FA9]  }
0x2a: {  	p0 =	seq.s32 s5, $0x0;
	s5 =	sld [smem:$0x3FAA]  }
0x2b: {  	s6 =	sld [smem:$0x3FAB]  }
0x2c: {  	s7 =	sld [smem:$0x3FAC]  }
0x2d: {  	s3 =	simm.s32 $0x108;
	s8 =	sld [smem:$0x3FAD]  }
0x2e: {  	s3 =	simm.s32 @!p0 $0x1082;
	s9 =	sld [smem:$0x3FAE]  }
0x2f: {  	lr =	sadd.s32 s0, s3;
	s0 =	sld [smem:$0x3FA5]  }
0x30: {  	s3 =	sld [smem:$0x3FA8]  }
0x31: {  	[smem:$0x3FB1] =	sst s10  }
0x32: {  	s10 =	sld [smem:$0x3FAF];
	_ =	sdelay $0x3  }
0x33: {  	p0 =	seq.s32 s10, $0x1;
	s10 =	sld [smem:$0x3FB1];
	_ =	sdelay $0x3  }
0x34: {  	[smem:$0x3FB1] =	sst s10  }
0x35: {  	s10 =	sld [smem:$0x3FB0];
	_ =	sdelay $0x3  }
0x36: {  	p1 =	seq.s32 s10, $0x1;
	s10 =	sld [smem:$0x3FB1];
	_ =	sdelay $0x3  }
0x37: {  	[smem:$0x3FB1] =	sst s10  }
0x38: {  	s10 =	sld [smem:$0x3FB2]  }
0x39: {  	_ = 	snop;
	(pc) =	sbr.ind lr, $3  }
0x3a: {  	_ = 	snop  }
0x3b: {  	_ = 	snop  }
0x3c: {  	p2 =	seq.s32 s10, $0x1;
	s10 =	sld [smem:$0x3FB1]  }
0x3d: {  	_ =	shalt  }
0x3e: {  	_ =	shalt  }
0x3f: {  	_ =	shalt  }
0x40: {  	_ =	shalt  }
0x41: {  	_ =	shalt  }
0x42: {  	_ =	shalt  }
0x43: {  	_ =	shalt  }
0x44: {  	_ =	shalt  }
0x45: {  	_ =	shalt  }
0x46: {  	_ =	shalt  }
0x47: {  	_ =	shalt  }
0x48: {  	_ =	shalt  }
0x49: {  	_ =	shalt  }
0x4a: {  	_ =	shalt  }
0x4b: {  	_ =	shalt  }
0x4c: {  	_ =	shalt  }
0x4d: {  	_ =	shalt  }
0x4e: {  	_ =	shalt  }
0x4f: {  	_ =	shalt  }
0x50: {  	_ =	shalt  }
0x51: {  	_ =	shalt  }
0x52: {  	_ =	shalt  }
0x53: {  	_ =	shalt  }
0x54: {  	_ =	shalt  }
0x55: {  	_ =	shalt  }
0x56: {  	_ =	shalt  }
0x57: {  	_ =	shalt  }
0x58: {  	_ =	shalt  }
0x59: {  	_ =	shalt  }
0x5a: {  	_ =	shalt  }
0x5b: {  	_ =	shalt  }
0x5c: {  	_ =	shalt  }
0x5d: {  	_ =	shalt  }
0x5e: {  	_ =	shalt  }
0x5f: {  	_ =	shalt  }
0x60: {  	_ =	shalt  }
0x61: {  	_ =	shalt  }
0x62: {  	_ =	shalt  }
0x63: {  	_ =	shalt  }
0x64: {  	_ =	shalt  }
0x65: {  	_ =	shalt  }
0x66: {  	_ =	shalt  }
0x67: {  	_ =	shalt  }
0x68: {  	_ =	shalt  }
0x69: {  	_ =	shalt  }
0x6a: {  	_ =	shalt  }
0x6b: {  	_ =	shalt  }
0x6c: {  	_ =	shalt  }
0x6d: {  	_ =	shalt  }
0x6e: {  	_ =	shalt  }
0x6f: {  	_ =	shalt  }
0x70: {  	_ =	shalt  }
0x71: {  	_ =	shalt  }
0x72: {  	_ =	shalt  }
0x73: {  	_ =	shalt  }
0x74: {  	_ =	shalt  }
0x75: {  	_ =	shalt  }
0x76: {  	_ =	shalt  }
0x77: {  	_ =	shalt  }
0x78: {  	_ =	shalt  }
0x79: {  	_ =	shalt  }
0x7a: {  	_ =	shalt  }
0x7b: {  	_ =	shalt  }
0x7c: {  	_ =	shalt  }
0x7d: {  	_ =	shalt  }
0x7e: {  	_ =	shalt  }
0x7f: {  	_ =	shalt  }
0x80: {  	_ =	shalt  }
0x81: {  	_ =	shalt  }
0x82: {  	_ =	shalt  }
0x83: {  	_ =	shalt  }
0x84: {  	_ =	shalt  }
0x85: {  	_ =	shalt  }
0x86: {  	_ =	shalt  }
0x87: {  	_ =	shalt  }
.Lfunc_end0:
.L_simem_size_0:
called_computation.2_lowered:
.L_overlay_start_0:
0x88: {  	s2 =	sld [smem:$0x3FD9]  }
0x89: {  	s3 =	sld [smem:$0x3FFE];
	_ =	sdelay $0x1  }
0x8a: {  	s1 =	srdreg.scid  }
0x8b: {  	s0 =	sand.u32 $0x1, s1  }
0x8c: {  	s16 =	sshll.u32 s0, $0xA;
	s2 =	sadd.s32 s3, s2  }
0x8d: {  	s2 =	sadd.s32 s2, s16  }
0x8e: {  	[smem:$0x3FBD] =	sst s2  }
0x8f: {  	_ = 	snop  }
0x90: {  	(tm) =	ssettm $0x1  }
0x91: {  	s17 =	sld [smem:$0x3FFB];
	_ =	sdelay $0x3  }
0x92: {  	_ =	strace s17  }
0x93: {  	s2 =	sld [smem:$0x3FFC];
	_ =	sdelay $0x3  }
0x94: {  	_ =	strace s2  }
0x95: {  	s2 =	sld [smem:$0x3FFD];
	_ =	sdelay $0x3  }
0x96: {  	_ =	strace s2  }
0x97: {  	_ =	strace $0x8FFFFFFF  }
0x98: {  	s18 =	sld [smem:$0x3FDB];
	_ =	sdelay $0x1  }
0x99: {  	s19 =	simm.s32 $_scs_section_size  }
0x9a: {  	s4 =	simm.s32 $_size__tile_overlayer_lowered;
	s5 =	simm.s32 $_tile_overlayer_lowered  }
0x9b: {  	s22 =	simm.s32 $0x1BFF;
	s21 =	sshll.u32 s5, $0x1;
	s2 =	sadd.s32 s19, s18  }
0x9c: {  	s6 =	simm.s32 $0x0;
	s20 =	sshll.u32 s4, $0x1;
	s4 =	sadd.s32 s21, s2  }
0x9d: {  	[timem:s6], [sflag:s22] =	dma.local [hbm:s4], s20  }
0x9e: {  	_ =	swait.ge [sflag:s22], s20  }
0x9f: {  	s3 =	ssub.s32 $0x0, s20;
	[sflag:s22] =	ssyncset.done $0x0  }
0xa0: {  	[sflag:s22] =	ssyncadd.s32 s3;
	_ =	sdelay $0x1  }
0xa1: {  	s23 =	simm.s32 $0x1B8B  }
0xa2: {  	_ =	swait.ge [sflag:s23], $0x1  }
0xa3: {  	[sflag:s23] =	ssyncset.done $0x0  }
0xa4: {  	s25 =	simm.s32 $0x1B8E;
	s24 =	sld [smem:$0x3FFE];
	[sflag:s23] =	ssyncadd.s32 $0xFFFFFFFF  }
0xa5: {  	s26 =	simm.s32 $execute0_lowered;
	[smem:$0x3FD2] =	sst s25  }
0xa6: {  	s4 =	sshll.u32 s26, $0x1;
	_ =	strace $0x8000004C;
	[dreg:$0x1] =	wrdreg $0xFFFFFFFF  }
0xa7: {  	s28 =	simm.s32 $_size_execute0_lowered;
	s2 =	sadd.s32 s2, s4;
	[dreg:$0x0] =	wrdreg $0x0  }
0xa8: {  	s4 =	sshll.u32 s28, $0x1;
	[dreg:$0x2] =	wrdreg s2  }
0xa9: {  	[dreg:$0x3] =	wrdreg s4  }
0xaa: {  	[dreg:$0x4] =	wrdreg $0xC0  }
0xab: {  	_ =	task [dreg:s6], $0x5FFFF  }
0xac: {  	[dreg:$0x1] =	wrdreg $0xFFFFFFFF  }
0xad: {  	[dreg:$0x0] =	wrdreg $0x60  }
0xae: {  	[dreg:$0x2] =	wrdreg s24  }
0xaf: {  	[dreg:$0x3] =	wrdreg $0x0  }
0xb0: {  	[dreg:$0x4] =	wrdreg $0x9  }
0xb1: {  	_ =	task.clear_ibuf [dreg:s6], $0x5FFFF;
	_ =	strace $0x9000004C  }
0xb2: {  	s29 =	simm.s32 $0x9;
	_ =	strace $0x8000004E  }
0xb3: {  	_ =	swait.ge [sflag:s29], $0x1  }
0xb4: {  	[sflag:s29] =	ssyncadd.s32 $0xFFFFFFFF  }
0xb5: {  	_ =	strace $0x9000004E  }
0xb6: {  	_ =	sfence  }
0xb7: {  	s30 =	sld [smem:$0x0];
	_ =	sdelay $0x2  }
0xb8: {  	s31 =	sshll.u32 s1, $0xD;
	s1 =	sshrl.u32 s1, $0x2  }
0xb9: {  	s3 =	sand.u32 $0x4000, s31;
	s1 =	sadd.s32 s1, s30  }
0xba: {  	s0 =	sor.u32 s3, s0;
	s1 =	sshll.u32 s1, $0x11  }
0xbb: {  	s0 =	sor.u32 s1, s0  }
0xbc: {  	s0 =	sadd.s32 $0x8F2B, s0  }
0xbd: {  	[sflag:s0] =	ssyncadd.remote.s32 $0x1  }
0xbe: {  	_ =	sfence.sel $0xFFFF  }
0xbf: {  	[dreg:$0x0] =	wrdreg $0xFFFFFFFF;
	(pc) =	sbr.abs _section_cstart, $3  }
0xc0: {  	[dreg:$0x1] =	wrdreg $0xFFFFFFFF  }
0xc1: {  	_ =	task.clear_ibuf [dreg:s6], $0x2FFFF;
	_ =	strace $0x9FFFFFFF  }
0xc2: {  	(tm) =	ssettm $0x7FFFFFFF  }
0xc3: {  	_ =	shalt  }
tec
execute0_lowered:
.L_overlay_start_1:
0x0: {  	(tag) =	ssettag $0x1  }
0x1: {  	s0 =	rddreg [dreg:$0x0]  }
0x2: {  	s2 =	rddreg [dreg:$0x1]  }
0x3: {  	s3 =	srdreg.scid;
	s1 =	stileid.u32  }
0x4: {  	s6 =	simm.s32 $0x0;
	s14 =	simm.s32 $0x14000;
	s15 =	simm.s32 $0x6  }
0x5: {  	s16 =	simm.s32 $0x1;
	s17 =	simm.s32 $0x80;
	s18 =	simm.s32 $0x1E800  }
0x6: {  	s19 =	simm.s32 $0x1E880;
	s20 =	simm.s32 $0x18000;
	s21 =	simm.s32 $0x2  }
0x7: {  	s22 =	simm.s32 $0x1E900;
	s23 =	simm.s32 $0x4;
	s24 =	simm.s32 $0x3  }
0x8: {  	s28 =	simm.s32 $0x10;
	s29 =	simm.s32 $0x1EA00;
	s30 =	simm.s32 $0x1EB00  }
0x9: {  	s31 =	simm.s32 $0x1EA80;
	s3 =	sand.u32 $0x1, s3;
	s7 =	smul.u32 $0x14000, s1  }
0xa: {  	s4 =	sshll.u32 s1, $0x1;
	[smem:$0x7FF] =	sst s6;
	s26 =	smul.u32 $0x50000, s1  }
0xb: {  	s5 =	smul.u32 $0x140000, s3;
	s25 =	sor.u32 s3, s4;
	_ =	strace $0x8000004D  }
0xc: {  	s4 =	sadd.s32 $0xD000, s0;
	s3 =	ssub.s32 $0x2, s3;
	s6 =	smul.u32 $0x500, s25  }
0xd: {  	s8 =	sshrl.u32 s3, $0x1;
	s25 =	simm.s32 $0x1E980;
	s5 =	sadd.s32 s7, s5  }
0xe: {  	s3 =	ssub.s32 s3, s8;
	s7 =	sshrl.u32 s26, $0x2;
	s26 =	simm.s32 $0x5  }
0xf: {  	s6 =	sadd.s32 s6, s0;
	s5 =	sshrl.u32 s5, $0x3;
	s8 =	smax.u32 s3, $0x1  }
0x10: {  	s0 =	sadd.s32 s5, s0;
	s5 =	sadd.s32 $0x3000, s6;
	s6 =	sadd.s32 s7, s2  }
0x11: {  	s7 =	sadd.s32 $0x35000, s0;
	s9 =	sadd.s32 $0x4000, s6;
	s10 =	sadd.s32 $0x8000, s6  }
0x12: {  	v0 =	vimm.f32 $0.0e+00;
	s11 =	sadd.s32 $0xC000, s6;
	s12 =	sadd.s32 $0x10000, s6;
	s0 =	simm.s32 $0x0  }
.LBB2_1:
0x13: {  	s3 =	simm.s32 $0x0;
	s13 =	simm.s32 $0x1C000  }
0x14: {  	[tilespmem:s13], [sflag:$0x1] =	stream.linear.gather [hbm4b:s5+s3], $0x2800, $0x38;
	[tilespmem:$0x1F300] =	vst v63  }
0x15: {  	s3 =	simm.s32 $0x0;
	s13 =	simm.s32 $0x200  }
.LBB2_2:
0x16: {  	p0 =	sne.s32 s13, $0xFE00;
	[tilespmem:s3+$0x14070] =	vst v0  }
0x17: {  	[tilespmem:s3+$0x14000] =	vst v0  }
0x18: {  	[tilespmem:s3+$0x14010] =	vst v0  }
.Ltmp0:
0x19: {  	[tilespmem:s3+$0x14020] =	vst v0;
	(pc) =	sbr.rel @p0 .LBB2_2-.Ltmp0, $4  }
0x1a: {  	[tilespmem:s3+$0x14030] =	vst v0  }
0x1b: {  	[tilespmem:s3+$0x14040] =	vst v0  }
0x1c: {  	[tilespmem:s3+$0x14050] =	vst v0  }
0x1d: {  	[tilespmem:s3+$0x14060] =	vst v0;
	s3 =	sshra.s32 s13, $0x2;
	s13 =	sadd.s32 $0x200, s13  }
0x1e: {  	[tilespmem:s3+$0x14070] =	vst v0  }
0x1f: {  	[tilespmem:s3+$0x14000] =	vst v0  }
0x20: {  	[tilespmem:s3+$0x14010] =	vst v0  }
0x21: {  	[tilespmem:s3+$0x14020] =	vst v0  }
0x22: {  	[tilespmem:s3+$0x14030] =	vst v0  }
0x23: {  	[tilespmem:s3+$0x14040] =	vst v0  }
0x24: {  	[tilespmem:s3+$0x14050] =	vst v0  }
0x25: {  	[tilespmem:s3+$0x14060] =	vst v0  }
0x26: {  	[spmem:s6] =	stream.linear.scatter [tilespmem:s14], [sflag:$0x6], $0x4000, $0x38;
	[tilespmem:$0x1F300] =	vst v63  }
0x27: {  	_ =	swait.ge [sflag:s15], $0x4000  }
0x28: {  	[sflag:s15] =	ssyncset.done $0x0  }
0x29: {  	[sflag:s15] =	ssyncadd.s32 $0xFFFFC000  }
0x2a: {  	[spmem:s9] =	stream.linear.scatter [tilespmem:s14], [sflag:$0x6], $0x4000, $0x38;
	[tilespmem:$0x1F300] =	vst v63  }
0x2b: {  	_ =	swait.ge [sflag:s15], $0x4000  }
0x2c: {  	[sflag:s15] =	ssyncset.done $0x0  }
0x2d: {  	[sflag:s15] =	ssyncadd.s32 $0xFFFFC000  }
0x2e: {  	[spmem:s10] =	stream.linear.scatter [tilespmem:s14], [sflag:$0x6], $0x4000, $0x38;
	[tilespmem:$0x1F300] =	vst v63  }
0x2f: {  	_ =	swait.ge [sflag:s15], $0x4000  }
0x30: {  	[sflag:s15] =	ssyncset.done $0x0  }
0x31: {  	[sflag:s15] =	ssyncadd.s32 $0xFFFFC000  }
0x32: {  	[spmem:s11] =	stream.linear.scatter [tilespmem:s14], [sflag:$0x6], $0x4000, $0x38;
	[tilespmem:$0x1F300] =	vst v63  }
0x33: {  	_ =	swait.ge [sflag:s15], $0x4000  }
0x34: {  	[sflag:s15] =	ssyncset.done $0x0  }
0x35: {  	[sflag:s15] =	ssyncadd.s32 $0xFFFFC000  }
0x36: {  	[spmem:s12] =	stream.linear.scatter [tilespmem:s14], [sflag:$0x6], $0x4000, $0x38;
	[tilespmem:$0x1F300] =	vst v63  }
0x37: {  	_ =	swait.ge [sflag:s15], $0x4000  }
0x38: {  	[sflag:s15] =	ssyncset.done $0x0  }
0x39: {  	[sflag:s15] =	ssyncadd.s32 $0xFFFFC000  }
0x3a: {  	[bflag:$0x0] =	sbarrier.arrive $0xFFFF  }
0x3b: {  	_ =	swait.ge [sflag:s16], $0x2800  }
0x3c: {  	[sflag:s16] =	ssyncset.done $0x0  }
0x3d: {  	[sflag:s16] =	ssyncadd.s32 $0xFFFFD800  }
0x3e: {  	v1 =	vld [tilespmem:$0x1C000]  }
0x3f: {  	v2 =	vld [tilespmem:$0x1C010]  }
0x40: {  	v3 =	vld [tilespmem:$0x1C020]  }
0x41: {  	v4 =	vld [tilespmem:$0x1C030]  }
0x42: {  	v5 =	vld [tilespmem:$0x1C040]  }
0x43: {  	v6 =	vld [tilespmem:$0x1C050];
	v1 =	vand.u32 $0xFFFF, v1  }
0x44: {  	[tilespmem:$0x1E800] =	vst v1;
	v1 =	vand.u32 $0xFFFF, v2;
	v2 =	vld [tilespmem:$0x1C060]  }
0x45: {  	[tilespmem:$0x1E810] =	vst v1;
	v1 =	vand.u32 $0xFFFF, v3;
	v3 =	vld [tilespmem:$0x1C070]  }
0x46: {  	v49 =	vld [tilespmem:$0x1C000];
	[tilespmem:$0x1E820] =	vst v1;
	v1 =	vand.u32 $0xFFFF, v4  }
0x47: {  	v50 =	vld [tilespmem:$0x1C010];
	[tilespmem:$0x1E830] =	vst v1;
	v1 =	vand.u32 $0xFFFF, v5  }
0x48: {  	v51 =	vld [tilespmem:$0x1C020];
	[tilespmem:$0x1E840] =	vst v1;
	v1 =	vand.u32 $0xFFFF, v6  }
0x49: {  	[tilespmem:$0x1E850] =	vst v1;
	v1 =	vand.u32 $0xFFFF, v2;
	v2 =	vld [tilespmem:$0x1C030]  }
0x4a: {  	[tilespmem:$0x1E860] =	vst v1;
	v1 =	vand.u32 $0xFFFF, v3;
	v3 =	vld [tilespmem:$0x1C040]  }
0x4b: {  	v52 =	vld [tilespmem:$0x1C050];
	[tilespmem:$0x1E870] =	vst v1;
	v1 =	vshrl.u32 v49, $0x10  }
0x4c: {  	v53 =	vld [tilespmem:$0x1C060];
	[tilespmem:$0x1E900] =	vst v1;
	v1 =	vshrl.u32 v50, $0x10  }
0x4d: {  	v54 =	vld [tilespmem:$0x1C070];
	[tilespmem:$0x1E910] =	vst v1;
	v1 =	vshrl.u32 v51, $0x10  }
0x4e: {  	[tilespmem:$0x1E920] =	vst v1;
	v1 =	vshrl.u32 v2, $0x10  }
0x4f: {  	[tilespmem:$0x1E930] =	vst v1;
	v1 =	vshrl.u32 v3, $0x10  }
0x50: {  	[tilespmem:$0x1E940] =	vst v1;
	v1 =	vshrl.u32 v52, $0x10  }
0x51: {  	[tilespmem:$0x1E950] =	vst v1;
	v1 =	vshrl.u32 v53, $0x10  }
0x52: {  	[tilespmem:$0x1E960] =	vst v1;
	v1 =	vshrl.u32 v54, $0x10  }
0x53: {  	[tilespmem:$0x1E970] =	vst v1  }
0x54: {  	[tilespmem:s14], [sflag:$0x2] =	stream.indirect.gather [hbm4b:s4+s17], $0x80, s18, s17, $0xb8;
	[tilespmem:$0x1F300] =	vst v63  }
0x55: {  	v1 =	vld [tilespmem:$0x1C080]  }
0x56: {  	v2 =	vld [tilespmem:$0x1C090]  }
0x57: {  	v3 =	vld [tilespmem:$0x1C0A0]  }
0x58: {  	v55 =	vld [tilespmem:$0x1C0B0]  }
0x59: {  	v56 =	vld [tilespmem:$0x1C0C0]  }
0x5a: {  	v57 =	vld [tilespmem:$0x1C0D0];
	v1 =	vand.u32 $0xFFFF, v1  }
0x5b: {  	[tilespmem:$0x1E880] =	vst v1;
	v1 =	vand.u32 $0xFFFF, v2;
	v2 =	vld [tilespmem:$0x1C0E0]  }
0x5c: {  	[tilespmem:$0x1E890] =	vst v1;
	v1 =	vand.u32 $0xFFFF, v3;
	v3 =	vld [tilespmem:$0x1C0F0]  }
0x5d: {  	v58 =	vld [tilespmem:$0x1C080];
	[tilespmem:$0x1E8A0] =	vst v1;
	v1 =	vand.u32 $0xFFFF, v55  }
0x5e: {  	v59 =	vld [tilespmem:$0x1C090];
	[tilespmem:$0x1E8B0] =	vst v1;
	v1 =	vand.u32 $0xFFFF, v56  }
0x5f: {  	v60 =	vld [tilespmem:$0x1C0A0];
	[tilespmem:$0x1E8C0] =	vst v1;
	v1 =	vand.u32 $0xFFFF, v57  }
0x60: {  	[tilespmem:$0x1E8D0] =	vst v1;
	v1 =	vand.u32 $0xFFFF, v2;
	v2 =	vld [tilespmem:$0x1C0B0]  }
0x61: {  	[tilespmem:$0x1E8E0] =	vst v1;
	v1 =	vand.u32 $0xFFFF, v3;
	v3 =	vld [tilespmem:$0x1C0C0]  }
0x62: {  	v61 =	vld [tilespmem:$0x1C0D0];
	[tilespmem:$0x1E8F0] =	vst v1;
	v1 =	vshrl.u32 v58, $0x10  }
0x63: {  	v62 =	vld [tilespmem:$0x1C0E0];
	[tilespmem:$0x1E980] =	vst v1;
	v1 =	vshrl.u32 v59, $0x10  }
0x64: {  	v63 =	vld [tilespmem:$0x1C0F0];
	[tilespmem:$0x1E990] =	vst v1;
	v1 =	vshrl.u32 v60, $0x10  }
0x65: {  	[tilespmem:$0x1E9A0] =	vst v1;
	v1 =	vshrl.u32 v2, $0x10  }
0x66: {  	[tilespmem:$0x1E9B0] =	vst v1;
	v1 =	vshrl.u32 v3, $0x10  }
0x67: {  	[tilespmem:$0x1E9C0] =	vst v1;
	v1 =	vshrl.u32 v61, $0x10  }
0x68: {  	[tilespmem:$0x1E9D0] =	vst v1;
	v1 =	vshrl.u32 v62, $0x10  }
0x69: {  	[tilespmem:$0x1E9E0] =	vst v1;
	v1 =	vshrl.u32 v63, $0x10  }
0x6a: {  	[tilespmem:$0x1E9F0] =	vst v1  }
0x6b: {  	[tilespmem:s20], [sflag:$0x3] =	stream.indirect.gather [hbm4b:s4+s17], $0x80, s19, s17, $0xb8;
	[tilespmem:$0x1F300] =	vst v63  }
0x6c: {  	_ =	swait.ge [sflag:s21], $0x4000  }
0x6d: {  	[sflag:s21] =	ssyncset.done $0x0  }
0x6e: {  	[sflag:s21] =	ssyncadd.s32 $0xFFFFC000  }
0x6f: {  	[spmem:s2] =	stream.indirect.scatter.add.f32 [tilespmem:s14], [sflag:$0x4], $0x80, s22, s17, $0xb8;
	[tilespmem:$0x1F300] =	vst v63  }
0x70: {  	_ =	swait.ge [sflag:s23], $0x4000  }
0x71: {  	[sflag:s23] =	ssyncset.done $0x0  }
0x72: {  	s13 =	simm.s32 $0x1F0;
	[sflag:s23] =	ssyncadd.s32 $0xFFFFC000  }
0x73: {  	v1 =	vld [tilespmem:s13+$0x1BF10];
	_ =	sdelay $0x4  }
0x74: {  	v1 =	vand.u32 $0xFFFF, v1  }
0x75: {  	[tilespmem:$0x1E800] =	vst v1  }
0x76: {  	v1 =	vld [tilespmem:s13+$0x1BF20];
	_ =	sdelay $0x4  }
0x77: {  	v1 =	vand.u32 $0xFFFF, v1  }
0x78: {  	[tilespmem:$0x1E810] =	vst v1  }
0x79: {  	v1 =	vld [tilespmem:s13+$0x1BF30];
	_ =	sdelay $0x4  }
0x7a: {  	v1 =	vand.u32 $0xFFFF, v1  }
0x7b: {  	[tilespmem:$0x1E820] =	vst v1  }
0x7c: {  	v1 =	vld [tilespmem:s13+$0x1BF40];
	_ =	sdelay $0x4  }
0x7d: {  	v1 =	vand.u32 $0xFFFF, v1  }
0x7e: {  	[tilespmem:$0x1E830] =	vst v1  }
0x7f: {  	v1 =	vld [tilespmem:s13+$0x1BF50];
	_ =	sdelay $0x4  }
0x80: {  	v1 =	vand.u32 $0xFFFF, v1  }
0x81: {  	[tilespmem:$0x1E840] =	vst v1  }
0x82: {  	v1 =	vld [tilespmem:s13+$0x1BF60];
	_ =	sdelay $0x4  }
0x83: {  	v1 =	vand.u32 $0xFFFF, v1  }
0x84: {  	[tilespmem:$0x1E850] =	vst v1  }
0x85: {  	v1 =	vld [tilespmem:s13+$0x1BF70];
	_ =	sdelay $0x4  }
0x86: {  	v1 =	vand.u32 $0xFFFF, v1  }
0x87: {  	[tilespmem:$0x1E860] =	vst v1  }
0x88: {  	v1 =	vld [tilespmem:s13+$0x1BF80];
	_ =	sdelay $0x4  }
0x89: {  	v1 =	vand.u32 $0xFFFF, v1  }
0x8a: {  	[tilespmem:$0x1E870] =	vst v1  }
0x8b: {  	v1 =	vld [tilespmem:s13+$0x1BF10];
	_ =	sdelay $0x4  }
0x8c: {  	v1 =	vshrl.u32 v1, $0x10  }
0x8d: {  	[tilespmem:$0x1E900] =	vst v1  }
0x8e: {  	v1 =	vld [tilespmem:s13+$0x1BF20];
	_ =	sdelay $0x4  }
0x8f: {  	v1 =	vshrl.u32 v1, $0x10  }
0x90: {  	[tilespmem:$0x1E910] =	vst v1  }
0x91: {  	v1 =	vld [tilespmem:s13+$0x1BF30];
	_ =	sdelay $0x4  }
0x92: {  	v1 =	vshrl.u32 v1, $0x10  }
0x93: {  	[tilespmem:$0x1E920] =	vst v1  }
0x94: {  	v1 =	vld [tilespmem:s13+$0x1BF40];
	_ =	sdelay $0x4  }
0x95: {  	v1 =	vshrl.u32 v1, $0x10  }
0x96: {  	[tilespmem:$0x1E930] =	vst v1  }
0x97: {  	v1 =	vld [tilespmem:s13+$0x1BF50];
	_ =	sdelay $0x4  }
0x98: {  	v1 =	vshrl.u32 v1, $0x10  }
0x99: {  	[tilespmem:$0x1E940] =	vst v1  }
0x9a: {  	v1 =	vld [tilespmem:s13+$0x1BF60];
	_ =	sdelay $0x4  }
0x9b: {  	v1 =	vshrl.u32 v1, $0x10  }
0x9c: {  	[tilespmem:$0x1E950] =	vst v1  }
0x9d: {  	v1 =	vld [tilespmem:s13+$0x1BF70];
	_ =	sdelay $0x4  }
0x9e: {  	v1 =	vshrl.u32 v1, $0x10  }
0x9f: {  	[tilespmem:$0x1E960] =	vst v1  }
0xa0: {  	v1 =	vld [tilespmem:s13+$0x1BF80];
	_ =	sdelay $0x4  }
0xa1: {  	v1 =	vshrl.u32 v1, $0x10  }
0xa2: {  	[tilespmem:$0x1E970] =	vst v1  }
0xa3: {  	[tilespmem:s14], [sflag:$0x2] =	stream.indirect.gather [hbm4b:s4+s17], $0x80, s18, s17, $0xb8;
	[tilespmem:$0x1F300] =	vst v63  }
0xa4: {  	_ =	swait.ge [sflag:s24], $0x4000  }
0xa5: {  	[sflag:s24] =	ssyncset.done $0x0  }
0xa6: {  	[sflag:s24] =	ssyncadd.s32 $0xFFFFC000  }
0xa7: {  	[spmem:s2] =	stream.indirect.scatter.add.f32 [tilespmem:s20], [sflag:$0x5], $0x80, s25, s17, $0xb8;
	[tilespmem:$0x1F300] =	vst v63  }
0xa8: {  	_ =	swait.ge [sflag:s26], $0x4000  }
0xa9: {  	[sflag:s26] =	ssyncset.done $0x0  }
0xaa: {  	[sflag:s26] =	ssyncadd.s32 $0xFFFFC000  }
0xab: {  	v1 =	vld [tilespmem:s13+$0x1BF90];
	_ =	sdelay $0x4  }
0xac: {  	v1 =	vand.u32 $0xFFFF, v1  }
0xad: {  	[tilespmem:$0x1E880] =	vst v1  }
0xae: {  	v1 =	vld [tilespmem:s13+$0x1BFA0];
	_ =	sdelay $0x4  }
0xaf: {  	v1 =	vand.u32 $0xFFFF, v1  }
0xb0: {  	[tilespmem:$0x1E890] =	vst v1  }
0xb1: {  	v1 =	vld [tilespmem:s13+$0x1BFB0];
	_ =	sdelay $0x4  }
0xb2: {  	v1 =	vand.u32 $0xFFFF, v1  }
0xb3: {  	[tilespmem:$0x1E8A0] =	vst v1  }
0xb4: {  	v1 =	vld [tilespmem:s13+$0x1BFC0];
	_ =	sdelay $0x4  }
0xb5: {  	v1 =	vand.u32 $0xFFFF, v1  }
0xb6: {  	[tilespmem:$0x1E8B0] =	vst v1  }
0xb7: {  	v1 =	vld [tilespmem:s13+$0x1BFD0];
	_ =	sdelay $0x4  }
0xb8: {  	v1 =	vand.u32 $0xFFFF, v1  }
0xb9: {  	[tilespmem:$0x1E8C0] =	vst v1  }
0xba: {  	v1 =	vld [tilespmem:s13+$0x1BFE0];
	_ =	sdelay $0x4  }
0xbb: {  	v1 =	vand.u32 $0xFFFF, v1  }
0xbc: {  	[tilespmem:$0x1E8D0] =	vst v1  }
0xbd: {  	v1 =	vld [tilespmem:s13+$0x1BFF0];
	_ =	sdelay $0x4  }
0xbe: {  	v1 =	vand.u32 $0xFFFF, v1  }
0xbf: {  	[tilespmem:$0x1E8E0] =	vst v1  }
0xc0: {  	v1 =	vld [tilespmem:s13+$0x1C000];
	_ =	sdelay $0x4  }
0xc1: {  	v1 =	vand.u32 $0xFFFF, v1  }
0xc2: {  	[tilespmem:$0x1E8F0] =	vst v1  }
0xc3: {  	v1 =	vld [tilespmem:s13+$0x1BF90];
	_ =	sdelay $0x4  }
0xc4: {  	v1 =	vshrl.u32 v1, $0x10  }
0xc5: {  	[tilespmem:$0x1E980] =	vst v1  }
0xc6: {  	v1 =	vld [tilespmem:s13+$0x1BFA0];
	_ =	sdelay $0x4  }
0xc7: {  	v1 =	vshrl.u32 v1, $0x10  }
0xc8: {  	[tilespmem:$0x1E990] =	vst v1  }
0xc9: {  	v1 =	vld [tilespmem:s13+$0x1BFB0];
	_ =	sdelay $0x4  }
0xca: {  	v1 =	vshrl.u32 v1, $0x10  }
0xcb: {  	[tilespmem:$0x1E9A0] =	vst v1  }
0xcc: {  	v1 =	vld [tilespmem:s13+$0x1BFC0];
	_ =	sdelay $0x4  }
0xcd: {  	v1 =	vshrl.u32 v1, $0x10  }
0xce: {  	[tilespmem:$0x1E9B0] =	vst v1  }
0xcf: {  	v1 =	vld [tilespmem:s13+$0x1BFD0];
	_ =	sdelay $0x4  }
0xd0: {  	v1 =	vshrl.u32 v1, $0x10  }
0xd1: {  	[tilespmem:$0x1E9C0] =	vst v1  }
0xd2: {  	v1 =	vld [tilespmem:s13+$0x1BFE0];
	_ =	sdelay $0x4  }
0xd3: {  	v1 =	vshrl.u32 v1, $0x10  }
0xd4: {  	[tilespmem:$0x1E9D0] =	vst v1  }
0xd5: {  	v1 =	vld [tilespmem:s13+$0x1BFF0];
	_ =	sdelay $0x4  }
0xd6: {  	v1 =	vshrl.u32 v1, $0x10  }
0xd7: {  	[tilespmem:$0x1E9E0] =	vst v1  }
0xd8: {  	v1 =	vld [tilespmem:s13+$0x1C000];
	_ =	sdelay $0x4  }
0xd9: {  	v1 =	vshrl.u32 v1, $0x10  }
0xda: {  	[tilespmem:$0x1E9F0] =	vst v1  }
0xdb: {  	[tilespmem:s20], [sflag:$0x3] =	stream.indirect.gather [hbm4b:s4+s17], $0x80, s19, s17, $0xb8;
	[tilespmem:$0x1F300] =	vst v63  }
0xdc: {  	_ =	swait.ge [sflag:s21], $0x4000  }
0xdd: {  	[sflag:s21] =	ssyncset.done $0x0  }
0xde: {  	s3 =	simm.s32 $0xBC0;
	[sflag:s21] =	ssyncadd.s32 $0xFFFFC000  }
.LBB2_4:
0xdf: {  	[spmem:s2] =	stream.indirect.scatter.add.f32 [tilespmem:s14], [sflag:$0x4], $0x80, s22, s17, $0xb8;
	[tilespmem:$0x1F300] =	vst v63  }
0xe0: {  	s13 =	smov.u32 s3  }
0xe1: {  	p0 =	sne.s32 s3, $0x9BC0;
	s3 =	sadd.s32 $0x400, s3;
	_ =	swait.ge [sflag:s23], $0x4000  }
0xe2: {  	[sflag:s23] =	ssyncset.done $0x0  }
0xe3: {  	s13 =	sshra.s32 s13, $0x2;
	[sflag:s23] =	ssyncadd.s32 $0xFFFFC000  }
0xe4: {  	v1 =	vld [tilespmem:s13+$0x1BF10];
	_ =	sdelay $0x4  }
0xe5: {  	v1 =	vand.u32 $0xFFFF, v1  }
0xe6: {  	[tilespmem:$0x1E800] =	vst v1  }
0xe7: {  	v1 =	vld [tilespmem:s13+$0x1BF20];
	_ =	sdelay $0x4  }
0xe8: {  	v1 =	vand.u32 $0xFFFF, v1  }
0xe9: {  	[tilespmem:$0x1E810] =	vst v1  }
0xea: {  	v1 =	vld [tilespmem:s13+$0x1BF30];
	_ =	sdelay $0x4  }
0xeb: {  	v1 =	vand.u32 $0xFFFF, v1  }
0xec: {  	[tilespmem:$0x1E820] =	vst v1  }
0xed: {  	v1 =	vld [tilespmem:s13+$0x1BF40];
	_ =	sdelay $0x4  }
0xee: {  	v1 =	vand.u32 $0xFFFF, v1  }
0xef: {  	[tilespmem:$0x1E830] =	vst v1  }
0xf0: {  	v1 =	vld [tilespmem:s13+$0x1BF50];
	_ =	sdelay $0x4  }
0xf1: {  	v1 =	vand.u32 $0xFFFF, v1  }
0xf2: {  	[tilespmem:$0x1E840] =	vst v1  }
0xf3: {  	v1 =	vld [tilespmem:s13+$0x1BF60];
	_ =	sdelay $0x4  }
0xf4: {  	v1 =	vand.u32 $0xFFFF, v1  }
0xf5: {  	[tilespmem:$0x1E850] =	vst v1  }
0xf6: {  	v1 =	vld [tilespmem:s13+$0x1BF70];
	_ =	sdelay $0x4  }
0xf7: {  	v1 =	vand.u32 $0xFFFF, v1  }
0xf8: {  	[tilespmem:$0x1E860] =	vst v1  }
0xf9: {  	v1 =	vld [tilespmem:s13+$0x1BF80];
	_ =	sdelay $0x4  }
0xfa: {  	v1 =	vand.u32 $0xFFFF, v1  }
0xfb: {  	[tilespmem:$0x1E870] =	vst v1  }
0xfc: {  	v1 =	vld [tilespmem:s13+$0x1BF10];
	_ =	sdelay $0x4  }
0xfd: {  	v1 =	vshrl.u32 v1, $0x10  }
0xfe: {  	[tilespmem:$0x1E900] =	vst v1  }
0xff: {  	v1 =	vld [tilespmem:s13+$0x1BF20];
	_ =	sdelay $0x4  }
0x100: {  	v1 =	vshrl.u32 v1, $0x10  }
0x101: {  	[tilespmem:$0x1E910] =	vst v1  }
0x102: {  	v1 =	vld [tilespmem:s13+$0x1BF30];
	_ =	sdelay $0x4  }
0x103: {  	v1 =	vshrl.u32 v1, $0x10  }
0x104: {  	[tilespmem:$0x1E920] =	vst v1  }
0x105: {  	v1 =	vld [tilespmem:s13+$0x1BF40];
	_ =	sdelay $0x4  }
0x106: {  	v1 =	vshrl.u32 v1, $0x10  }
0x107: {  	[tilespmem:$0x1E930] =	vst v1  }
0x108: {  	v1 =	vld [tilespmem:s13+$0x1BF50];
	_ =	sdelay $0x4  }
0x109: {  	v1 =	vshrl.u32 v1, $0x10  }
0x10a: {  	[tilespmem:$0x1E940] =	vst v1  }
0x10b: {  	v1 =	vld [tilespmem:s13+$0x1BF60];
	_ =	sdelay $0x4  }
0x10c: {  	v1 =	vshrl.u32 v1, $0x10  }
0x10d: {  	[tilespmem:$0x1E950] =	vst v1  }
0x10e: {  	v1 =	vld [tilespmem:s13+$0x1BF70];
	_ =	sdelay $0x4  }
0x10f: {  	v1 =	vshrl.u32 v1, $0x10  }
0x110: {  	[tilespmem:$0x1E960] =	vst v1  }
0x111: {  	v1 =	vld [tilespmem:s13+$0x1BF80];
	_ =	sdelay $0x4  }
0x112: {  	v1 =	vshrl.u32 v1, $0x10  }
0x113: {  	[tilespmem:$0x1E970] =	vst v1  }
0x114: {  	[tilespmem:s14], [sflag:$0x2] =	stream.indirect.gather [hbm4b:s4+s17], $0x80, s18, s17, $0xb8;
	[tilespmem:$0x1F300] =	vst v63  }
0x115: {  	_ =	swait.ge [sflag:s24], $0x4000  }
0x116: {  	[sflag:s24] =	ssyncset.done $0x0  }
0x117: {  	[sflag:s24] =	ssyncadd.s32 $0xFFFFC000  }
0x118: {  	[spmem:s2] =	stream.indirect.scatter.add.f32 [tilespmem:s20], [sflag:$0x5], $0x80, s25, s17, $0xb8;
	[tilespmem:$0x1F300] =	vst v63  }
0x119: {  	_ =	swait.ge [sflag:s26], $0x4000  }
0x11a: {  	[sflag:s26] =	ssyncset.done $0x0  }
0x11b: {  	[sflag:s26] =	ssyncadd.s32 $0xFFFFC000  }
0x11c: {  	v1 =	vld [tilespmem:s13+$0x1BF90];
	_ =	sdelay $0x4  }
0x11d: {  	v1 =	vand.u32 $0xFFFF, v1  }
0x11e: {  	[tilespmem:$0x1E880] =	vst v1  }
0x11f: {  	v1 =	vld [tilespmem:s13+$0x1BFA0];
	_ =	sdelay $0x4  }
0x120: {  	v1 =	vand.u32 $0xFFFF, v1  }
0x121: {  	[tilespmem:$0x1E890] =	vst v1  }
0x122: {  	v1 =	vld [tilespmem:s13+$0x1BFB0];
	_ =	sdelay $0x4  }
0x123: {  	v1 =	vand.u32 $0xFFFF, v1  }
0x124: {  	[tilespmem:$0x1E8A0] =	vst v1  }
0x125: {  	v1 =	vld [tilespmem:s13+$0x1BFC0];
	_ =	sdelay $0x4  }
0x126: {  	v1 =	vand.u32 $0xFFFF, v1  }
0x127: {  	[tilespmem:$0x1E8B0] =	vst v1  }
0x128: {  	v1 =	vld [tilespmem:s13+$0x1BFD0];
	_ =	sdelay $0x4  }
0x129: {  	v1 =	vand.u32 $0xFFFF, v1  }
0x12a: {  	[tilespmem:$0x1E8C0] =	vst v1  }
0x12b: {  	v1 =	vld [tilespmem:s13+$0x1BFE0];
	_ =	sdelay $0x4  }
0x12c: {  	v1 =	vand.u32 $0xFFFF, v1  }
0x12d: {  	[tilespmem:$0x1E8D0] =	vst v1  }
0x12e: {  	v1 =	vld [tilespmem:s13+$0x1BFF0];
	_ =	sdelay $0x4  }
0x12f: {  	v1 =	vand.u32 $0xFFFF, v1  }
0x130: {  	[tilespmem:$0x1E8E0] =	vst v1  }
0x131: {  	v1 =	vld [tilespmem:s13+$0x1C000];
	_ =	sdelay $0x4  }
0x132: {  	v1 =	vand.u32 $0xFFFF, v1  }
0x133: {  	[tilespmem:$0x1E8F0] =	vst v1  }
0x134: {  	v1 =	vld [tilespmem:s13+$0x1BF90];
	_ =	sdelay $0x4  }
0x135: {  	v1 =	vshrl.u32 v1, $0x10  }
0x136: {  	[tilespmem:$0x1E980] =	vst v1  }
0x137: {  	v1 =	vld [tilespmem:s13+$0x1BFA0];
	_ =	sdelay $0x4  }
0x138: {  	v1 =	vshrl.u32 v1, $0x10  }
0x139: {  	[tilespmem:$0x1E990] =	vst v1  }
0x13a: {  	v1 =	vld [tilespmem:s13+$0x1BFB0];
	_ =	sdelay $0x4  }
0x13b: {  	v1 =	vshrl.u32 v1, $0x10  }
0x13c: {  	[tilespmem:$0x1E9A0] =	vst v1  }
0x13d: {  	v1 =	vld [tilespmem:s13+$0x1BFC0];
	_ =	sdelay $0x4  }
0x13e: {  	v1 =	vshrl.u32 v1, $0x10  }
0x13f: {  	[tilespmem:$0x1E9B0] =	vst v1  }
0x140: {  	v1 =	vld [tilespmem:s13+$0x1BFD0];
	_ =	sdelay $0x4  }
0x141: {  	v1 =	vshrl.u32 v1, $0x10  }
0x142: {  	[tilespmem:$0x1E9C0] =	vst v1  }
0x143: {  	v1 =	vld [tilespmem:s13+$0x1BFE0];
	_ =	sdelay $0x4  }
0x144: {  	v1 =	vshrl.u32 v1, $0x10  }
0x145: {  	[tilespmem:$0x1E9D0] =	vst v1  }
0x146: {  	v1 =	vld [tilespmem:s13+$0x1BFF0];
	_ =	sdelay $0x4  }
0x147: {  	v1 =	vshrl.u32 v1, $0x10  }
0x148: {  	[tilespmem:$0x1E9E0] =	vst v1  }
0x149: {  	v1 =	vld [tilespmem:s13+$0x1C000];
	_ =	sdelay $0x4  }
0x14a: {  	v1 =	vshrl.u32 v1, $0x10  }
.Ltmp1:
0x14b: {  	[tilespmem:$0x1E9F0] =	vst v1;
	(pc) =	sbr.rel @p0 .LBB2_4-.Ltmp1, $4  }
0x14c: {  	[tilespmem:s20], [sflag:$0x3] =	stream.indirect.gather [hbm4b:s4+s17], $0x80, s19, s17, $0xb8;
	[tilespmem:$0x1F300] =	vst v63  }
0x14d: {  	_ =	swait.ge [sflag:s21], $0x4000  }
0x14e: {  	[sflag:s21] =	ssyncset.done $0x0  }
0x14f: {  	[sflag:s21] =	ssyncadd.s32 $0xFFFFC000  }
0x150: {  	[spmem:s2] =	stream.indirect.scatter.add.f32 [tilespmem:s14], [sflag:$0x4], $0x80, s22, s17, $0xb8;
	[tilespmem:$0x1F300] =	vst v63  }
0x151: {  	_ =	swait.ge [sflag:s24], $0x4000  }
0x152: {  	[sflag:s24] =	ssyncset.done $0x0  }
0x153: {  	[sflag:s24] =	ssyncadd.s32 $0xFFFFC000  }
0x154: {  	[spmem:s2] =	stream.indirect.scatter.add.f32 [tilespmem:s20], [sflag:$0x5], $0x80, s25, s17, $0xb8;
	[tilespmem:$0x1F300] =	vst v63  }
0x155: {  	_ =	swait.ge [sflag:s23], $0x4000  }
0x156: {  	[sflag:s23] =	ssyncset.done $0x0  }
0x157: {  	[sflag:s23] =	ssyncadd.s32 $0xFFFFC000  }
0x158: {  	_ =	swait.ge [sflag:s26], $0x4000  }
0x159: {  	[sflag:s26] =	ssyncset.done $0x0  }
0x15a: {  	[sflag:s26] =	ssyncadd.s32 $0xFFFFC000  }
0x15b: {  	v1 =	vld [tilespmem:$0x1E700]  }
0x15c: {  	v2 =	vld [tilespmem:$0x1E700];
	_ =	sdelay $0x3  }
0x15d: {  	v1 =	vand.u32 $0xFFFF, v1  }
0x15e: {  	[tilespmem:$0x1EA00] =	vst v1;
	v1 =	vshrl.u32 v2, $0x10  }
0x15f: {  	[tilespmem:$0x1EA80] =	vst v1  }
0x160: {  	[tilespmem:s30], [sflag:$0x2] =	stream.indirect.gather [hbm4b:s4+s28], $0x80, s29, s28, $0xb8;
	[tilespmem:$0x1F300] =	vst v63  }
0x161: {  	_ =	swait.ge [sflag:s21], $0x800  }
0x162: {  	[sflag:s21] =	ssyncset.done $0x0  }
0x163: {  	[sflag:s21] =	ssyncadd.s32 $0xFFFFF800  }
0x164: {  	[spmem:s2] =	stream.indirect.scatter.add.f32 [tilespmem:s30], [sflag:$0x6], $0x80, s31, s28, $0xb8;
	[tilespmem:$0x1F300] =	vst v63  }
0x165: {  	_ =	swait.ge [sflag:s15], $0x800  }
0x166: {  	s3 =	sshll.u32 s1, $0x6;
	s0 =	sadd.s32 $0x1, s0;
	[sflag:s15] =	ssyncset.done $0x0  }
0x167: {  	s13 =	sshrl.u32 s6, $0x3;
	p0 =	sne.s32 s0, s8;
	[sflag:s15] =	ssyncadd.s32 $0xFFFFF800  }
.Ltmp2:
0x168: {  	s3 =	sor.u32 $0x1C06, s3;
	[bflag:$0x0] =	sbarrier.arrive $0xFFFF;
	(pc) =	sbr.rel @p0 .LBB2_1-.Ltmp2, $4  }
0x169: {  	[hbm:s7], [sflag:s3] =	dma.local [spmem:s13], $0x2800  }
0x16a: {  	_ =	swait.ge [sflag:s15], $0x2800  }
0x16b: {  	[sflag:s15] =	ssyncset.done $0x0  }
0x16c: {  	[sflag:s15] =	ssyncadd.s32 $0xFFFFD800  }
0x16d: {  	_ =	sfence.sel $0x180000  }
0x16e: {  	[bflag:$0x0] =	sbarrier.arrive $0xFFFF  }
0x16f: {  	_ =	strace $0x9000004D  }
0x170: {  	[bflag:$0x2] =	sbarrier.arrive $0xFFFF  }
0x171: {  	p0 =	sne.s32 s1, $0x0;
	s0 =	rddreg [dreg:$0x2]  }
0x172: {  	s0 =	sadd.s32 @!p0 $0x100000, s0  }
0x173: {  	[sflag:s0] =	ssyncadd.tile.s32 @!p0 $0x1;
	_ =	shalt  }
.Lfunc_end2:
_tile_overlayer_lowered:
.L_overlay_start_2:
0x174: {  	(tag) =	ssettag $0x2  }
0x175: {  	s0 =	rddreg [dreg:$0x0];
	s2 =	stileid.u32  }
0x176: {  	s1 =	rddreg [dreg:$0x1];
	p0 =	sne.s32 s2, $0x0  }
0x177: {  	s3 =	rddreg [dreg:$0x2];
	[bflag:$0x3] =	sbarrier.arrive $0xFFFF;
	s2 =	simm.s32 @!p0 $0x1C06  }
0x178: {  	[timem:s3], [sflag:s2] =	dma.local @!p0 [hbm:s0], s1  }
0x179: {  	s0 =	simm.s32 @!p0 $0x6  }
0x17a: {  	_ =	swait.ge @!p0 [sflag:s0], s1  }
0x17b: {  	s1 =	ssub.s32 @!p0 $0x0, s1;
	[sflag:s0] =	ssyncset.done @!p0 $0x0  }
0x17c: {  	[sflag:s0] =	ssyncadd.s32 @!p0 s1  }
0x17d: {  	[bflag:$0x3] =	sbarrier.arrive $0xFFFF  }
0x17e: {  	_ =	shalt  }

// kernel: kernel.8.cloned.1.call-start
scs
__scs_entry_jumppad:
0x0: {  	(pc) =	sbr.rel $0x88, $3  }
0x1: {  	(tag) =	ssettag $0x0;
	lr =	simm.s32 $0x1  }
0x2: {  	[smem:$0x3F96] =	sst lr;
	_ =	strace $0xD0000000  }
0x3: {  	_ = 	snop  }
0x4: {  	_ = 	snop  }
0x5: {  	_ = 	snop  }
0x6: {  	_ = 	snop  }
0x7: {  	_ = 	snop  }
__scs_overlays_trampoline_lowered:
0x8: {  	[smem:$0x3FA5] =	sst s0  }
0x9: {  	[smem:$0x3FA6] =	sst s1  }
0xa: {  	[smem:$0x3FA7] =	sst s2  }
0xb: {  	[smem:$0x3FA8] =	sst s3  }
0xc: {  	[smem:$0x3FA9] =	sst s4  }
0xd: {  	[smem:$0x3FAA] =	sst s5  }
0xe: {  	[smem:$0x3FAB] =	sst s6  }
0xf: {  	[smem:$0x3FAC] =	sst s7  }
0x10: {  	[smem:$0x3FAD] =	sst s8  }
0x11: {  	[smem:$0x3FAE] =	sst s9;
	s0 =	simm.s32 @!p0 $0x0  }
0x12: {  	s1 =	sld [smem:$0x3F94];
	s0 =	simm.s32 @p0 $0x1  }
0x13: {  	[smem:$0x3FAF] =	sst s0;
	s0 =	simm.s32 @!p1 $0x0  }
0x14: {  	s2 =	sld [smem:$0x3F93];
	s0 =	simm.s32 @p1 $0x1  }
0x15: {  	[smem:$0x3FB0] =	sst s0;
	s0 =	simm.s32 @!p2 $0x0  }
0x16: {  	s3 =	sld [smem:$0x3FDB];
	s0 =	simm.s32 @p2 $0x1  }
0x17: {  	s4 =	simm.s32 $0x1BF5;
	[smem:$0x3FB2] =	sst s0  }
0x18: {  	s0 =	sld [smem:$0x3F95];
	_ =	swait.ge [sflag:s4], $0x0  }
0x19: {  	s7 =	sld [smem:$0x3F96]  }
0x1a: {  	s8 =	sadd.s32 $0xFFFFE003, lr  }
0x1b: {  	s9 =	sadd.s32 $0xFFFFFEF7, lr;
	s5 =	simm.s32 $0xFFFFFFFF;
	p2 =	slt.u32 s8, $0xFFFFF086  }
0x1c: {  	p1 =	slt.u32 s9, $0xF7A;
	s5 =	simm.s32 @!p2 $0x0  }
0x1d: {  	s5 =	simm.s32 @p1 $0x1;
	p0 =	seq.s32 s7, s2  }
0x1e: {  	s7 =	smul.u32 @!p0 $0xF7A, s2;
	p2 =	seq.s32 @!p0 s5, $0x0  }
0x1f: {  	s9 =	smul.u32 $0xF7A, s1;
	s8 =	simm.s32 @!p0 $0x1BF5;
	p2 =	por !p2, p0  }
0x20: {  	[sflag:s8] =	ssyncset.s32 @!p0 $0xFFFFF086;
	s6 =	sadd.s32 @!p0 s3, s7;
	s7 =	simm.s32 @!p0 $0x108  }
0x21: {  	s3 =	sadd.s32 s3, s9;
	s6 =	sadd.s32 @!p0 $0x88, s6;
	s7 =	simm.s32 @p2 $0x1082  }
0x22: {  	[simem:s7], [sflag:s8] =	dma.local @!p0 [hbm:s6], $0xF7A  }
0x23: {  	s9 =	sor.u32 $0xD0000000, s2;
	s6 =	simm.s32 $0x108;
	_ =	swait.ge @!p0 [sflag:s8], $0x0  }
0x24: {  	s3 =	sadd.s32 $0x88, s3;
	s6 =	simm.s32 @!p1 $0x1082;
	[sflag:s4] =	ssyncset.s32 $0xFFFFF086  }
0x25: {  	[simem:s6], [sflag:s4] =	dma.local [hbm:s3], $0xF7A  }
0x26: {  	[smem:$0x3F96] =	sst s1;
	(tag) =	ssettag s2;
	_ =	strace s9  }
0x27: {  	s1 =	sld [smem:$0x3FA6]  }
0x28: {  	s2 =	sld [smem:$0x3FA7]  }
0x29: {  	s4 =	sld [smem:$0x3FA9]  }
0x2a: {  	p0 =	seq.s32 s5, $0x0;
	s5 =	sld [smem:$0x3FAA]  }
0x2b: {  	s6 =	sld [smem:$0x3FAB]  }
0x2c: {  	s7 =	sld [smem:$0x3FAC]  }
0x2d: {  	s3 =	simm.s32 $0x108;
	s8 =	sld [smem:$0x3FAD]  }
0x2e: {  	s3 =	simm.s32 @!p0 $0x1082;
	s9 =	sld [smem:$0x3FAE]  }
0x2f: {  	lr =	sadd.s32 s0, s3;
	s0 =	sld [smem:$0x3FA5]  }
0x30: {  	s3 =	sld [smem:$0x3FA8]  }
0x31: {  	[smem:$0x3FB1] =	sst s10  }
0x32: {  	s10 =	sld [smem:$0x3FAF];
	_ =	sdelay $0x3  }
0x33: {  	p0 =	seq.s32 s10, $0x1;
	s10 =	sld [smem:$0x3FB1];
	_ =	sdelay $0x3  }
0x34: {  	[smem:$0x3FB1] =	sst s10  }
0x35: {  	s10 =	sld [smem:$0x3FB0];
	_ =	sdelay $0x3  }
0x36: {  	p1 =	seq.s32 s10, $0x1;
	s10 =	sld [smem:$0x3FB1];
	_ =	sdelay $0x3  }
0x37: {  	[smem:$0x3FB1] =	sst s10  }
0x38: {  	s10 =	sld [smem:$0x3FB2]  }
0x39: {  	_ = 	snop;
	(pc) =	sbr.ind lr, $3  }
0x3a: {  	_ = 	snop  }
0x3b: {  	_ = 	snop  }
0x3c: {  	p2 =	seq.s32 s10, $0x1;
	s10 =	sld [smem:$0x3FB1]  }
0x3d: {  	_ =	shalt  }
0x3e: {  	_ =	shalt  }
0x3f: {  	_ =	shalt  }
0x40: {  	_ =	shalt  }
0x41: {  	_ =	shalt  }
0x42: {  	_ =	shalt  }
0x43: {  	_ =	shalt  }
0x44: {  	_ =	shalt  }
0x45: {  	_ =	shalt  }
0x46: {  	_ =	shalt  }
0x47: {  	_ =	shalt  }
0x48: {  	_ =	shalt  }
0x49: {  	_ =	shalt  }
0x4a: {  	_ =	shalt  }
0x4b: {  	_ =	shalt  }
0x4c: {  	_ =	shalt  }
0x4d: {  	_ =	shalt  }
0x4e: {  	_ =	shalt  }
0x4f: {  	_ =	shalt  }
0x50: {  	_ =	shalt  }
0x51: {  	_ =	shalt  }
0x52: {  	_ =	shalt  }
0x53: {  	_ =	shalt  }
0x54: {  	_ =	shalt  }
0x55: {  	_ =	shalt  }
0x56: {  	_ =	shalt  }
0x57: {  	_ =	shalt  }
0x58: {  	_ =	shalt  }
0x59: {  	_ =	shalt  }
0x5a: {  	_ =	shalt  }
0x5b: {  	_ =	shalt  }
0x5c: {  	_ =	shalt  }
0x5d: {  	_ =	shalt  }
0x5e: {  	_ =	shalt  }
0x5f: {  	_ =	shalt  }
0x60: {  	_ =	shalt  }
0x61: {  	_ =	shalt  }
0x62: {  	_ =	shalt  }
0x63: {  	_ =	shalt  }
0x64: {  	_ =	shalt  }
0x65: {  	_ =	shalt  }
0x66: {  	_ =	shalt  }
0x67: {  	_ =	shalt  }
0x68: {  	_ =	shalt  }
0x69: {  	_ =	shalt  }
0x6a: {  	_ =	shalt  }
0x6b: {  	_ =	shalt  }
0x6c: {  	_ =	shalt  }
0x6d: {  	_ =	shalt  }
0x6e: {  	_ =	shalt  }
0x6f: {  	_ =	shalt  }
0x70: {  	_ =	shalt  }
0x71: {  	_ =	shalt  }
0x72: {  	_ =	shalt  }
0x73: {  	_ =	shalt  }
0x74: {  	_ =	shalt  }
0x75: {  	_ =	shalt  }
0x76: {  	_ =	shalt  }
0x77: {  	_ =	shalt  }
0x78: {  	_ =	shalt  }
0x79: {  	_ =	shalt  }
0x7a: {  	_ =	shalt  }
0x7b: {  	_ =	shalt  }
0x7c: {  	_ =	shalt  }
0x7d: {  	_ =	shalt  }
0x7e: {  	_ =	shalt  }
0x7f: {  	_ =	shalt  }
0x80: {  	_ =	shalt  }
0x81: {  	_ =	shalt  }
0x82: {  	_ =	shalt  }
0x83: {  	_ =	shalt  }
0x84: {  	_ =	shalt  }
0x85: {  	_ =	shalt  }
0x86: {  	_ =	shalt  }
0x87: {  	_ =	shalt  }
.Lfunc_end0:
.L_simem_size_0:
called_computation_lowered:
.L_overlay_start_0:
0x88: {  	s2 =	sld [smem:$0x3FD9]  }
0x89: {  	s3 =	sld [smem:$0x3FFE];
	_ =	sdelay $0x1  }
0x8a: {  	s1 =	srdreg.scid  }
0x8b: {  	s0 =	sand.u32 $0x1, s1  }
0x8c: {  	s16 =	sshll.u32 s0, $0xA;
	s2 =	sadd.s32 s3, s2  }
0x8d: {  	s2 =	sadd.s32 s2, s16  }
0x8e: {  	[smem:$0x3FBD] =	sst s2  }
0x8f: {  	_ = 	snop  }
0x90: {  	(tm) =	ssettm $0x1  }
0x91: {  	s17 =	sld [smem:$0x3FFB];
	_ =	sdelay $0x3  }
0x92: {  	_ =	strace s17  }
0x93: {  	s2 =	sld [smem:$0x3FFC];
	_ =	sdelay $0x3  }
0x94: {  	_ =	strace s2  }
0x95: {  	s2 =	sld [smem:$0x3FFD];
	_ =	sdelay $0x3  }
0x96: {  	_ =	strace s2  }
0x97: {  	_ =	strace $0x8FFFFFFF  }
0x98: {  	s18 =	sld [smem:$0x3FDB];
	_ =	sdelay $0x1  }
0x99: {  	s19 =	simm.s32 $_scs_section_size  }
0x9a: {  	s4 =	simm.s32 $_size__tile_overlayer_lowered;
	s5 =	simm.s32 $_tile_overlayer_lowered  }
0x9b: {  	s22 =	simm.s32 $0x1BFF;
	s21 =	sshll.u32 s5, $0x1;
	s2 =	sadd.s32 s19, s18  }
0x9c: {  	s6 =	simm.s32 $0x0;
	s20 =	sshll.u32 s4, $0x1;
	s4 =	sadd.s32 s21, s2  }
0x9d: {  	[timem:s6], [sflag:s22] =	dma.local [hbm:s4], s20  }
0x9e: {  	_ =	swait.ge [sflag:s22], s20  }
0x9f: {  	s3 =	ssub.s32 $0x0, s20;
	[sflag:s22] =	ssyncset.done $0x0  }
0xa0: {  	[sflag:s22] =	ssyncadd.s32 s3;
	_ =	sdelay $0x1  }
0xa1: {  	s23 =	simm.s32 $0x1B8B  }
0xa2: {  	_ =	swait.ge [sflag:s23], $0x1  }
0xa3: {  	[sflag:s23] =	ssyncset.done $0x0  }
0xa4: {  	s25 =	simm.s32 $0x1B8E;
	s24 =	sld [smem:$0x3FFE];
	[sflag:s23] =	ssyncadd.s32 $0xFFFFFFFF  }
0xa5: {  	s26 =	simm.s32 $execute0_lowered;
	[smem:$0x3FD2] =	sst s25  }
0xa6: {  	s4 =	sshll.u32 s26, $0x1;
	_ =	strace $0x80000046;
	[dreg:$0x1] =	wrdreg $0xFFFFFFFF  }
0xa7: {  	s28 =	simm.s32 $_size_execute0_lowered;
	s2 =	sadd.s32 s2, s4;
	[dreg:$0x0] =	wrdreg $0x0  }
0xa8: {  	s4 =	sshll.u32 s28, $0x1;
	[dreg:$0x2] =	wrdreg s2  }
0xa9: {  	[dreg:$0x3] =	wrdreg s4  }
0xaa: {  	[dreg:$0x4] =	wrdreg $0xC0  }
0xab: {  	_ =	task [dreg:s6], $0x5FFFF  }
0xac: {  	[dreg:$0x1] =	wrdreg $0xFFFFFFFF  }
0xad: {  	[dreg:$0x0] =	wrdreg $0x60  }
0xae: {  	[dreg:$0x2] =	wrdreg s24  }
0xaf: {  	[dreg:$0x3] =	wrdreg $0x0  }
0xb0: {  	[dreg:$0x4] =	wrdreg $0x9  }
0xb1: {  	_ =	task.clear_ibuf [dreg:s6], $0x5FFFF;
	_ =	strace $0x90000046  }
0xb2: {  	s29 =	simm.s32 $0x9;
	_ =	strace $0x80000048  }
0xb3: {  	_ =	swait.ge [sflag:s29], $0x1  }
0xb4: {  	[sflag:s29] =	ssyncadd.s32 $0xFFFFFFFF  }
0xb5: {  	_ =	strace $0x90000048  }
0xb6: {  	_ =	sfence  }
0xb7: {  	s30 =	sld [smem:$0x0];
	_ =	sdelay $0x2  }
0xb8: {  	s31 =	sshll.u32 s1, $0xD;
	s1 =	sshrl.u32 s1, $0x2  }
0xb9: {  	s3 =	sand.u32 $0x4000, s31;
	s1 =	sadd.s32 s1, s30  }
0xba: {  	s0 =	sor.u32 s3, s0;
	s1 =	sshll.u32 s1, $0x11  }
0xbb: {  	s0 =	sor.u32 s1, s0  }
0xbc: {  	s0 =	sadd.s32 $0x8F2B, s0  }
0xbd: {  	[sflag:s0] =	ssyncadd.remote.s32 $0x1  }
0xbe: {  	_ =	sfence.sel $0xFFFF  }
0xbf: {  	[dreg:$0x0] =	wrdreg $0xFFFFFFFF;
	(pc) =	sbr.abs _section_cstart, $3  }
0xc0: {  	[dreg:$0x1] =	wrdreg $0xFFFFFFFF  }
0xc1: {  	_ =	task.clear_ibuf [dreg:s6], $0x2FFFF;
	_ =	strace $0x9FFFFFFF  }
0xc2: {  	(tm) =	ssettm $0x7FFFFFFF  }
0xc3: {  	_ =	shalt  }
tec
execute0_lowered:
.L_overlay_start_1:
0x0: {  	(tag) =	ssettag $0x1  }
0x1: {  	s0 =	rddreg [dreg:$0x0]  }
0x2: {  	s2 =	rddreg [dreg:$0x1]  }
0x3: {  	s1 =	srdreg.scid;
	s6 =	stileid.u32;
	s5 =	simm.s32 $0x0  }
0x4: {  	s21 =	simm.s32 $0x280;
	s28 =	simm.s32 $0x3000;
	s29 =	simm.s32 $0x3080  }
0x5: {  	s30 =	simm.s32 $0x2;
	s31 =	simm.s32 $0x3;
	s1 =	sand.u32 $0x1, s1  }
0x6: {  	s3 =	sshll.u32 s6, $0x1;
	[smem:$0x7FF] =	sst s5;
	s23 =	sshll.u32 s6, $0xA  }
0x7: {  	s26 =	smul.u32 $0xA00, s6;
	p0 =	sgt.u32 s6, $0x9;
	s3 =	sor.u32 s1, s3  }
0x8: {  	s4 =	smul.u32 $0xA, s1;
	_ =	strace $0x80000047;
	s1 =	ssub.s32 $0x2, s1  }
0x9: {  	s5 =	sadd.s32 s23, s2;
	s23 =	simm.s32 $0x1;
	s3 =	smul.u32 $0x500, s3  }
0xa: {  	s22 =	sshrl.u32 s1, $0x1;
	s24 =	sadd.s32 $0x80, s5;
	s25 =	sadd.s32 $0x100, s5  }
0xb: {  	s8 =	sadd.s32 $0x180, s5;
	s9 =	sadd.s32 $0x200, s5;
	s10 =	sadd.s32 $0x280, s5  }
0xc: {  	s11 =	sadd.s32 $0x300, s5;
	s12 =	sadd.s32 $0x380, s5;
	[dreg:$0x4] =	wrdreg s24  }
0xd: {  	s4 =	sadd.s32 s6, s4;
	s1 =	ssub.s32 s1, s22;
	[dreg:$0x5] =	wrdreg s25  }
0xe: {  	s22 =	simm.s32 $0x6;
	s24 =	simm.s32 $0x80;
	s25 =	simm.s32 $0x2F00  }
0xf: {  	s3 =	sadd.s32 s3, s0;
	s4 =	sshll.u32 s4, $0x7;
	s14 =	smax.u32 s1, $0x1  }
.Ltmp0:
0x10: {  	s1 =	simm.s32 $0x5;
	s3 =	sadd.s32 $0x3000, s3;
	(pc) =	sbr.rel .LBB2_1-.Ltmp0, $4  }
0x11: {  	s0 =	sadd.s32 s4, s0;
	[dreg:$0x3] =	wrdreg s3;
	s3 =	sshrl.u32 s26, $0x2  }
0x12: {  	s13 =	sadd.s32 $0xD000, s0;
	s26 =	simm.s32 $0x2F80;
	s15 =	sadd.s32 s3, s2  }
0x13: {  	s0 =	simm.s32 $0x4;
	s3 =	simm.s32 $0x0;
	s16 =	sadd.s32 $0x80, s15  }
0x14: {  	v0 =	vimm.f32 $0.0e+00;
	v1 =	vimm.f32 $1.000000000e+00;
	s17 =	sadd.s32 $0x100, s15;
	s18 =	sadd.s32 $0x180, s15;
	s19 =	sadd.s32 $0x200, s15  }
.LBB2_4:
0x15: {  	_ =	swait.ge [sflag:s1], $0x80  }
0x16: {  	[sflag:s1] =	ssyncset.done $0x0  }
0x17: {  	[sflag:s1] =	ssyncadd.s32 $0xFFFFFF80  }
0x18: {  	_ =	swait.ge [sflag:s30], $0x80  }
0x19: {  	[sflag:s30] =	ssyncset.done $0x0  }
0x1a: {  	[sflag:s30] =	ssyncadd.s32 $0xFFFFFF80  }
0x1b: {  	_ =	swait.ge [sflag:s31], $0x80  }
0x1c: {  	[sflag:s31] =	ssyncset.done $0x0  }
0x1d: {  	[sflag:s31] =	ssyncadd.s32 $0xFFFFFF80  }
0x1e: {  	v2 =	vld [tilespmem:$0x2A00];
	_ =	sdelay $0x4  }
0x1f: {  	v2 =	vshrl.u32 v2, $0x10  }
0x20: {  	s4 =	simm.s32 $0x10;
	s6 =	simm.s32 $0x3100;
	[tilespmem:$0x3100] =	vst v2  }
0x21: {  	[spmem:s2] =	stream.indirect.scatter.add.f32 [tilespmem:s21], [sflag:$0x6], $0x1, s6, s4, $0xb8;
	[tilespmem:$0x3180] =	vst v63  }
0x22: {  	_ =	swait.ge [sflag:s22], $0x10  }
0x23: {  	[sflag:s22] =	ssyncset.done $0x0  }
0x24: {  	[sflag:s22] =	ssyncadd.s32 $0xFFFFFFF0  }
0x25: {  	s20 =	simm.s32 @!p0 $0x6;
	s4 =	simm.s32 @!p0 $0x2B00;
	[bflag:$0x0] =	sbarrier.arrive $0xFFFF  }
0x26: {  	[tilespmem:s4], [sflag:$0x6] =	stream.linear.gather @!p0 [spmem:s5], $0x80, $0x38;
	[tilespmem:$0x3180] =	vst v63  }
0x27: {  	_ =	swait.ge @!p0 [sflag:s20], $0x80  }
0x28: {  	[sflag:s20] =	ssyncset.done @!p0 $0x0  }
0x29: {  	s6 =	simm.s32 @!p0 $0x2B80;
	s7 =	rddreg [dreg:$0x4];
	[sflag:s20] =	ssyncadd.s32 @!p0 $0xFFFFFF80  }
0x2a: {  	[tilespmem:s6], [sflag:$0x6] =	stream.linear.gather @!p0 [spmem:s7], $0x80, $0x38;
	[tilespmem:$0x3180] =	vst v63  }
0x2b: {  	_ =	swait.ge @!p0 [sflag:s20], $0x80  }
0x2c: {  	[sflag:s20] =	ssyncset.done @!p0 $0x0  }
0x2d: {  	s6 =	simm.s32 @!p0 $0x2C00;
	s7 =	rddreg [dreg:$0x5];
	[sflag:s20] =	ssyncadd.s32 @!p0 $0xFFFFFF80  }
0x2e: {  	[tilespmem:s6], [sflag:$0x6] =	stream.linear.gather @!p0 [spmem:s7], $0x80, $0x38;
	[tilespmem:$0x3180] =	vst v63  }
0x2f: {  	_ =	swait.ge @!p0 [sflag:s20], $0x80  }
0x30: {  	[sflag:s20] =	ssyncset.done @!p0 $0x0  }
0x31: {  	s6 =	simm.s32 @!p0 $0x2C80;
	[sflag:s20] =	ssyncadd.s32 @!p0 $0xFFFFFF80  }
0x32: {  	[tilespmem:s6], [sflag:$0x6] =	stream.linear.gather @!p0 [spmem:s8], $0x80, $0x38;
	[tilespmem:$0x3180] =	vst v63  }
0x33: {  	_ =	swait.ge @!p0 [sflag:s20], $0x80  }
0x34: {  	[sflag:s20] =	ssyncset.done @!p0 $0x0  }
0x35: {  	s6 =	simm.s32 @!p0 $0x2D00;
	[sflag:s20] =	ssyncadd.s32 @!p0 $0xFFFFFF80  }
0x36: {  	[tilespmem:s6], [sflag:$0x6] =	stream.linear.gather @!p0 [spmem:s9], $0x80, $0x38;
	[tilespmem:$0x3180] =	vst v63  }
0x37: {  	_ =	swait.ge @!p0 [sflag:s20], $0x80  }
0x38: {  	[sflag:s20] =	ssyncset.done @!p0 $0x0  }
0x39: {  	s6 =	simm.s32 @!p0 $0x2D80;
	[sflag:s20] =	ssyncadd.s32 @!p0 $0xFFFFFF80  }
0x3a: {  	[tilespmem:s6], [sflag:$0x6] =	stream.linear.gather @!p0 [spmem:s10], $0x80, $0x38;
	[tilespmem:$0x3180] =	vst v63  }
0x3b: {  	_ =	swait.ge @!p0 [sflag:s20], $0x80  }
0x3c: {  	[sflag:s20] =	ssyncset.done @!p0 $0x0  }
0x3d: {  	s6 =	simm.s32 @!p0 $0x2E00;
	[sflag:s20] =	ssyncadd.s32 @!p0 $0xFFFFFF80  }
0x3e: {  	[tilespmem:s6], [sflag:$0x6] =	stream.linear.gather @!p0 [spmem:s11], $0x80, $0x38;
	[tilespmem:$0x3180] =	vst v63  }
0x3f: {  	_ =	swait.ge @!p0 [sflag:s20], $0x80  }
0x40: {  	[sflag:s20] =	ssyncset.done @!p0 $0x0  }
0x41: {  	s6 =	simm.s32 @!p0 $0x2E80;
	[sflag:s20] =	ssyncadd.s32 @!p0 $0xFFFFFF80  }
0x42: {  	[tilespmem:s6], [sflag:$0x6] =	stream.linear.gather @!p0 [spmem:s12], $0x80, $0x38;
	[tilespmem:$0x3180] =	vst v63  }
0x43: {  	s3 =	sadd.s32 $0x1, s3;
	_ =	swait.ge @!p0 [sflag:s20], $0x80  }
0x44: {  	p1 =	sne.s32 s3, s14;
	[sflag:s20] =	ssyncset.done @!p0 $0x0  }
.Ltmp1:
0x45: {  	s6 =	simm.s32 @!p0 $0x0;
	[sflag:s20] =	ssyncadd.s32 @!p0 $0xFFFFFF80;
	(pc) =	sbr.rel @!p1 .LBB2_5-.Ltmp1, $4  }
0x46: {  	[hbm4b:s13+s6] =	stream.linear.scatter @!p0 [tilespmem:s4], [sflag:$0x6], $0x400, $0x38;
	[tilespmem:$0x3180] =	vst v63  }
0x47: {  	_ =	swait.ge @!p0 [sflag:s20], $0x400  }
0x48: {  	[sflag:s20] =	ssyncset.done @!p0 $0x0  }
0x49: {  	[sflag:s20] =	ssyncadd.s32 @!p0 $0xFFFFFC00  }
.LBB2_1:
0x4a: {  	s4 =	simm.s32 $0x0;
	s6 =	rddreg [dreg:$0x3];
	s7 =	simm.s32 $0x300  }
0x4b: {  	[tilespmem:s7], [sflag:$0x1] =	stream.linear.gather [hbm4b:s6+s4], $0x2800, $0x38;
	[tilespmem:$0x3180] =	vst v63  }
0x4c: {  	[tilespmem:$0x280] =	vst v0  }
0x4d: {  	[tilespmem:$0x290] =	vst v0  }
0x4e: {  	[tilespmem:$0x2A0] =	vst v0  }
0x4f: {  	[tilespmem:$0x2B0] =	vst v0  }
0x50: {  	[tilespmem:$0x2C0] =	vst v0  }
0x51: {  	[tilespmem:$0x2D0] =	vst v0  }
0x52: {  	[tilespmem:$0x2E0] =	vst v0  }
0x53: {  	[tilespmem:$0x2F0] =	vst v0  }
0x54: {  	[spmem:s15] =	stream.linear.scatter [tilespmem:s21], [sflag:$0x6], $0x80, $0x38;
	[tilespmem:$0x3180] =	vst v63  }
0x55: {  	_ =	swait.ge [sflag:s22], $0x80  }
0x56: {  	[sflag:s22] =	ssyncset.done $0x0  }
0x57: {  	[sflag:s22] =	ssyncadd.s32 $0xFFFFFF80  }
0x58: {  	[spmem:s16] =	stream.linear.scatter [tilespmem:s21], [sflag:$0x6], $0x80, $0x38;
	[tilespmem:$0x3180] =	vst v63  }
0x59: {  	_ =	swait.ge [sflag:s22], $0x80  }
0x5a: {  	[sflag:s22] =	ssyncset.done $0x0  }
0x5b: {  	[sflag:s22] =	ssyncadd.s32 $0xFFFFFF80  }
0x5c: {  	[spmem:s17] =	stream.linear.scatter [tilespmem:s21], [sflag:$0x6], $0x80, $0x38;
	[tilespmem:$0x3180] =	vst v63  }
0x5d: {  	_ =	swait.ge [sflag:s22], $0x80  }
0x5e: {  	[sflag:s22] =	ssyncset.done $0x0  }
0x5f: {  	[sflag:s22] =	ssyncadd.s32 $0xFFFFFF80  }
0x60: {  	[spmem:s18] =	stream.linear.scatter [tilespmem:s21], [sflag:$0x6], $0x80, $0x38;
	[tilespmem:$0x3180] =	vst v63  }
0x61: {  	_ =	swait.ge [sflag:s22], $0x80  }
0x62: {  	[sflag:s22] =	ssyncset.done $0x0  }
0x63: {  	[sflag:s22] =	ssyncadd.s32 $0xFFFFFF80  }
0x64: {  	[spmem:s19] =	stream.linear.scatter [tilespmem:s21], [sflag:$0x6], $0x80, $0x38;
	[tilespmem:$0x3180] =	vst v63  }
0x65: {  	_ =	swait.ge [sflag:s22], $0x80  }
0x66: {  	[sflag:s22] =	ssyncset.done $0x0  }
0x67: {  	[sflag:s22] =	ssyncadd.s32 $0xFFFFFF80  }
0x68: {  	[tilespmem:$0x280] =	vst v1  }
0x69: {  	[tilespmem:$0x290] =	vst v1  }
0x6a: {  	[tilespmem:$0x2A0] =	vst v1  }
0x6b: {  	[tilespmem:$0x2B0] =	vst v1  }
0x6c: {  	[tilespmem:$0x2C0] =	vst v1  }
0x6d: {  	[tilespmem:$0x2D0] =	vst v1  }
0x6e: {  	[tilespmem:$0x2E0] =	vst v1  }
0x6f: {  	[tilespmem:$0x2F0] =	vst v1  }
0x70: {  	[bflag:$0x0] =	sbarrier.arrive $0xFFFF  }
0x71: {  	_ =	swait.ge [sflag:s23], $0x2800  }
0x72: {  	[sflag:s23] =	ssyncset.done $0x0  }
0x73: {  	[sflag:s23] =	ssyncadd.s32 $0xFFFFD800  }
0x74: {  	v2 =	vld [tilespmem:$0x300]  }
0x75: {  	v3 =	vld [tilespmem:$0x310]  }
0x76: {  	v4 =	vld [tilespmem:$0x320]  }
0x77: {  	v5 =	vld [tilespmem:$0x330]  }
0x78: {  	v6 =	vld [tilespmem:$0x340]  }
0x79: {  	v7 =	vld [tilespmem:$0x350];
	v2 =	vshrl.u32 v2, $0x10  }
0x7a: {  	[tilespmem:$0x2F00] =	vst v2;
	v2 =	vshrl.u32 v3, $0x10;
	v3 =	vld [tilespmem:$0x360]  }
0x7b: {  	v48 =	vld [tilespmem:$0x370];
	[tilespmem:$0x2F10] =	vst v2;
	v2 =	vshrl.u32 v4, $0x10  }
0x7c: {  	[tilespmem:$0x2F20] =	vst v2;
	v2 =	vshrl.u32 v5, $0x10  }
0x7d: {  	[tilespmem:$0x2F30] =	vst v2;
	v2 =	vshrl.u32 v6, $0x10  }
0x7e: {  	[tilespmem:$0x2F40] =	vst v2;
	v2 =	vshrl.u32 v7, $0x10  }
0x7f: {  	[tilespmem:$0x2F50] =	vst v2;
	v2 =	vshrl.u32 v3, $0x10  }
0x80: {  	[tilespmem:$0x2F60] =	vst v2;
	v2 =	vshrl.u32 v48, $0x10  }
0x81: {  	[tilespmem:$0x2F70] =	vst v2  }
0x82: {  	[spmem:s2] =	stream.indirect.scatter.add.f32 [tilespmem:s21], [sflag:$0x2], $0x1, s25, s24, $0xb8;
	[tilespmem:$0x3180] =	vst v63  }
0x83: {  	v2 =	vld [tilespmem:$0x380]  }
0x84: {  	v3 =	vld [tilespmem:$0x390]  }
0x85: {  	v49 =	vld [tilespmem:$0x3A0]  }
0x86: {  	v50 =	vld [tilespmem:$0x3B0]  }
0x87: {  	v51 =	vld [tilespmem:$0x3C0]  }
0x88: {  	v52 =	vld [tilespmem:$0x3D0];
	v2 =	vshrl.u32 v2, $0x10  }
0x89: {  	[tilespmem:$0x2F80] =	vst v2;
	v2 =	vshrl.u32 v3, $0x10;
	v3 =	vld [tilespmem:$0x3E0]  }
0x8a: {  	v53 =	vld [tilespmem:$0x3F0];
	[tilespmem:$0x2F90] =	vst v2;
	v2 =	vshrl.u32 v49, $0x10  }
0x8b: {  	[tilespmem:$0x2FA0] =	vst v2;
	v2 =	vshrl.u32 v50, $0x10  }
0x8c: {  	[tilespmem:$0x2FB0] =	vst v2;
	v2 =	vshrl.u32 v51, $0x10  }
0x8d: {  	[tilespmem:$0x2FC0] =	vst v2;
	v2 =	vshrl.u32 v52, $0x10  }
0x8e: {  	[tilespmem:$0x2FD0] =	vst v2;
	v2 =	vshrl.u32 v3, $0x10  }
0x8f: {  	[tilespmem:$0x2FE0] =	vst v2;
	v2 =	vshrl.u32 v53, $0x10  }
0x90: {  	[tilespmem:$0x2FF0] =	vst v2  }
0x91: {  	[spmem:s2] =	stream.indirect.scatter.add.f32 [tilespmem:s21], [sflag:$0x3], $0x1, s26, s24, $0xb8;
	[tilespmem:$0x3180] =	vst v63  }
0x92: {  	v2 =	vld [tilespmem:$0x400]  }
0x93: {  	v3 =	vld [tilespmem:$0x410]  }
0x94: {  	v54 =	vld [tilespmem:$0x420]  }
0x95: {  	v55 =	vld [tilespmem:$0x430]  }
0x96: {  	v56 =	vld [tilespmem:$0x440]  }
0x97: {  	v57 =	vld [tilespmem:$0x450];
	v2 =	vshrl.u32 v2, $0x10  }
0x98: {  	[tilespmem:$0x3000] =	vst v2;
	v2 =	vshrl.u32 v3, $0x10;
	v3 =	vld [tilespmem:$0x460]  }
0x99: {  	v58 =	vld [tilespmem:$0x470];
	[tilespmem:$0x3010] =	vst v2;
	v2 =	vshrl.u32 v54, $0x10  }
0x9a: {  	[tilespmem:$0x3020] =	vst v2;
	v2 =	vshrl.u32 v55, $0x10  }
0x9b: {  	[tilespmem:$0x3030] =	vst v2;
	v2 =	vshrl.u32 v56, $0x10  }
0x9c: {  	[tilespmem:$0x3040] =	vst v2;
	v2 =	vshrl.u32 v57, $0x10  }
0x9d: {  	[tilespmem:$0x3050] =	vst v2;
	v2 =	vshrl.u32 v3, $0x10  }
0x9e: {  	[tilespmem:$0x3060] =	vst v2;
	v2 =	vshrl.u32 v58, $0x10  }
0x9f: {  	[tilespmem:$0x3070] =	vst v2  }
0xa0: {  	[spmem:s2] =	stream.indirect.scatter.add.f32 [tilespmem:s21], [sflag:$0x4], $0x1, s28, s24, $0xb8;
	[tilespmem:$0x3180] =	vst v63  }
0xa1: {  	v2 =	vld [tilespmem:$0x480]  }
0xa2: {  	v3 =	vld [tilespmem:$0x490]  }
0xa3: {  	v59 =	vld [tilespmem:$0x4A0]  }
0xa4: {  	v60 =	vld [tilespmem:$0x4B0]  }
0xa5: {  	v61 =	vld [tilespmem:$0x4C0]  }
0xa6: {  	v62 =	vld [tilespmem:$0x4D0];
	v2 =	vshrl.u32 v2, $0x10  }
0xa7: {  	[tilespmem:$0x3080] =	vst v2;
	v2 =	vshrl.u32 v3, $0x10;
	v3 =	vld [tilespmem:$0x4E0]  }
0xa8: {  	v63 =	vld [tilespmem:$0x4F0];
	[tilespmem:$0x3090] =	vst v2;
	v2 =	vshrl.u32 v59, $0x10  }
0xa9: {  	[tilespmem:$0x30A0] =	vst v2;
	v2 =	vshrl.u32 v60, $0x10  }
0xaa: {  	[tilespmem:$0x30B0] =	vst v2;
	v2 =	vshrl.u32 v61, $0x10  }
0xab: {  	[tilespmem:$0x30C0] =	vst v2;
	v2 =	vshrl.u32 v62, $0x10  }
0xac: {  	[tilespmem:$0x30D0] =	vst v2;
	v2 =	vshrl.u32 v3, $0x10  }
0xad: {  	[tilespmem:$0x30E0] =	vst v2;
	v2 =	vshrl.u32 v63, $0x10  }
0xae: {  	s20 =	simm.s32 $0xFC0;
	[tilespmem:$0x30F0] =	vst v2  }
0xaf: {  	[spmem:s2] =	stream.indirect.scatter.add.f32 [tilespmem:s21], [sflag:$0x5], $0x1, s29, s24, $0xb8;
	[tilespmem:$0x3180] =	vst v63  }
.LBB2_2:
0xb0: {  	_ =	swait.ge [sflag:s30], $0x80  }
0xb1: {  	[sflag:s30] =	ssyncset.done $0x0  }
0xb2: {  	s4 =	sshra.s32 s20, $0x2;
	[sflag:s30] =	ssyncadd.s32 $0xFFFFFF80  }
0xb3: {  	v2 =	vld [tilespmem:s4+$0x110];
	_ =	sdelay $0x4  }
0xb4: {  	v2 =	vshrl.u32 v2, $0x10  }
0xb5: {  	[tilespmem:$0x2F00] =	vst v2  }
0xb6: {  	v2 =	vld [tilespmem:s4+$0x120];
	_ =	sdelay $0x4  }
0xb7: {  	v2 =	vshrl.u32 v2, $0x10  }
0xb8: {  	[tilespmem:$0x2F10] =	vst v2  }
0xb9: {  	v2 =	vld [tilespmem:s4+$0x130];
	_ =	sdelay $0x4  }
0xba: {  	v2 =	vshrl.u32 v2, $0x10  }
0xbb: {  	[tilespmem:$0x2F20] =	vst v2  }
0xbc: {  	v2 =	vld [tilespmem:s4+$0x140];
	_ =	sdelay $0x4  }
0xbd: {  	v2 =	vshrl.u32 v2, $0x10  }
0xbe: {  	[tilespmem:$0x2F30] =	vst v2  }
0xbf: {  	v2 =	vld [tilespmem:s4+$0x150];
	_ =	sdelay $0x4  }
0xc0: {  	v2 =	vshrl.u32 v2, $0x10  }
0xc1: {  	[tilespmem:$0x2F40] =	vst v2  }
0xc2: {  	v2 =	vld [tilespmem:s4+$0x160];
	_ =	sdelay $0x4  }
0xc3: {  	v2 =	vshrl.u32 v2, $0x10  }
0xc4: {  	[tilespmem:$0x2F50] =	vst v2  }
0xc5: {  	v2 =	vld [tilespmem:s4+$0x170];
	_ =	sdelay $0x4  }
0xc6: {  	v2 =	vshrl.u32 v2, $0x10  }
0xc7: {  	[tilespmem:$0x2F60] =	vst v2  }
0xc8: {  	v2 =	vld [tilespmem:s4+$0x180];
	_ =	sdelay $0x4  }
0xc9: {  	v2 =	vshrl.u32 v2, $0x10  }
0xca: {  	[tilespmem:$0x2F70] =	vst v2  }
0xcb: {  	[spmem:s2] =	stream.indirect.scatter.add.f32 [tilespmem:s21], [sflag:$0x2], $0x1, s25, s24, $0xb8;
	[tilespmem:$0x3180] =	vst v63  }
0xcc: {  	_ =	swait.ge [sflag:s31], $0x80  }
0xcd: {  	[sflag:s31] =	ssyncset.done $0x0  }
0xce: {  	[sflag:s31] =	ssyncadd.s32 $0xFFFFFF80  }
0xcf: {  	v2 =	vld [tilespmem:s4+$0x190];
	_ =	sdelay $0x4  }
0xd0: {  	v2 =	vshrl.u32 v2, $0x10  }
0xd1: {  	[tilespmem:$0x2F80] =	vst v2  }
0xd2: {  	v2 =	vld [tilespmem:s4+$0x1A0];
	_ =	sdelay $0x4  }
0xd3: {  	v2 =	vshrl.u32 v2, $0x10  }
0xd4: {  	[tilespmem:$0x2F90] =	vst v2  }
0xd5: {  	v2 =	vld [tilespmem:s4+$0x1B0];
	_ =	sdelay $0x4  }
0xd6: {  	v2 =	vshrl.u32 v2, $0x10  }
0xd7: {  	[tilespmem:$0x2FA0] =	vst v2  }
0xd8: {  	v2 =	vld [tilespmem:s4+$0x1C0];
	_ =	sdelay $0x4  }
0xd9: {  	v2 =	vshrl.u32 v2, $0x10  }
0xda: {  	[tilespmem:$0x2FB0] =	vst v2  }
0xdb: {  	v2 =	vld [tilespmem:s4+$0x1D0];
	_ =	sdelay $0x4  }
0xdc: {  	v2 =	vshrl.u32 v2, $0x10  }
0xdd: {  	[tilespmem:$0x2FC0] =	vst v2  }
0xde: {  	v2 =	vld [tilespmem:s4+$0x1E0];
	_ =	sdelay $0x4  }
0xdf: {  	v2 =	vshrl.u32 v2, $0x10  }
0xe0: {  	[tilespmem:$0x2FD0] =	vst v2  }
0xe1: {  	v2 =	vld [tilespmem:s4+$0x1F0];
	_ =	sdelay $0x4  }
0xe2: {  	v2 =	vshrl.u32 v2, $0x10  }
0xe3: {  	[tilespmem:$0x2FE0] =	vst v2  }
0xe4: {  	v2 =	vld [tilespmem:s4+$0x200];
	_ =	sdelay $0x4  }
0xe5: {  	p1 =	seq.s32 s20, $0x9FC0;
	v2 =	vshrl.u32 v2, $0x10  }
.Ltmp2:
0xe6: {  	[tilespmem:$0x2FF0] =	vst v2;
	(pc) =	sbr.rel @p1 .LBB2_4-.Ltmp2, $4  }
0xe7: {  	[spmem:s2] =	stream.indirect.scatter.add.f32 [tilespmem:s21], [sflag:$0x3], $0x1, s26, s24, $0xb8;
	[tilespmem:$0x3180] =	vst v63  }
0xe8: {  	_ =	swait.ge [sflag:s0], $0x80  }
0xe9: {  	[sflag:s0] =	ssyncset.done $0x0  }
0xea: {  	[sflag:s0] =	ssyncadd.s32 $0xFFFFFF80  }
0xeb: {  	v2 =	vld [tilespmem:s4+$0x210];
	_ =	sdelay $0x4  }
0xec: {  	v2 =	vshrl.u32 v2, $0x10  }
0xed: {  	[tilespmem:$0x3000] =	vst v2  }
0xee: {  	v2 =	vld [tilespmem:s4+$0x220];
	_ =	sdelay $0x4  }
0xef: {  	v2 =	vshrl.u32 v2, $0x10  }
0xf0: {  	[tilespmem:$0x3010] =	vst v2  }
0xf1: {  	v2 =	vld [tilespmem:s4+$0x230];
	_ =	sdelay $0x4  }
0xf2: {  	v2 =	vshrl.u32 v2, $0x10  }
0xf3: {  	[tilespmem:$0x3020] =	vst v2  }
0xf4: {  	v2 =	vld [tilespmem:s4+$0x240];
	_ =	sdelay $0x4  }
0xf5: {  	v2 =	vshrl.u32 v2, $0x10  }
0xf6: {  	[tilespmem:$0x3030] =	vst v2  }
0xf7: {  	v2 =	vld [tilespmem:s4+$0x250];
	_ =	sdelay $0x4  }
0xf8: {  	v2 =	vshrl.u32 v2, $0x10  }
0xf9: {  	[tilespmem:$0x3040] =	vst v2  }
0xfa: {  	v2 =	vld [tilespmem:s4+$0x260];
	_ =	sdelay $0x4  }
0xfb: {  	v2 =	vshrl.u32 v2, $0x10  }
0xfc: {  	[tilespmem:$0x3050] =	vst v2  }
0xfd: {  	v2 =	vld [tilespmem:s4+$0x270];
	_ =	sdelay $0x4  }
0xfe: {  	v2 =	vshrl.u32 v2, $0x10  }
0xff: {  	[tilespmem:$0x3060] =	vst v2  }
0x100: {  	v2 =	vld [tilespmem:s4+$0x280];
	_ =	sdelay $0x4  }
0x101: {  	v2 =	vshrl.u32 v2, $0x10  }
0x102: {  	[tilespmem:$0x3070] =	vst v2  }
0x103: {  	[spmem:s2] =	stream.indirect.scatter.add.f32 [tilespmem:s21], [sflag:$0x4], $0x1, s28, s24, $0xb8;
	[tilespmem:$0x3180] =	vst v63  }
0x104: {  	_ =	swait.ge [sflag:s1], $0x80  }
0x105: {  	[sflag:s1] =	ssyncset.done $0x0  }
0x106: {  	[sflag:s1] =	ssyncadd.s32 $0xFFFFFF80  }
0x107: {  	v2 =	vld [tilespmem:s4+$0x290];
	_ =	sdelay $0x4  }
0x108: {  	v2 =	vshrl.u32 v2, $0x10  }
0x109: {  	[tilespmem:$0x3080] =	vst v2  }
0x10a: {  	v2 =	vld [tilespmem:s4+$0x2A0];
	_ =	sdelay $0x4  }
0x10b: {  	v2 =	vshrl.u32 v2, $0x10  }
0x10c: {  	[tilespmem:$0x3090] =	vst v2  }
0x10d: {  	v2 =	vld [tilespmem:s4+$0x2B0];
	_ =	sdelay $0x4  }
0x10e: {  	v2 =	vshrl.u32 v2, $0x10  }
0x10f: {  	[tilespmem:$0x30A0] =	vst v2  }
0x110: {  	v2 =	vld [tilespmem:s4+$0x2C0];
	_ =	sdelay $0x4  }
0x111: {  	v2 =	vshrl.u32 v2, $0x10  }
0x112: {  	[tilespmem:$0x30B0] =	vst v2  }
0x113: {  	v2 =	vld [tilespmem:s4+$0x2D0];
	_ =	sdelay $0x4  }
0x114: {  	v2 =	vshrl.u32 v2, $0x10  }
0x115: {  	[tilespmem:$0x30C0] =	vst v2  }
0x116: {  	v2 =	vld [tilespmem:s4+$0x2E0];
	_ =	sdelay $0x4  }
0x117: {  	v2 =	vshrl.u32 v2, $0x10  }
0x118: {  	[tilespmem:$0x30D0] =	vst v2  }
0x119: {  	v2 =	vld [tilespmem:s4+$0x2F0];
	_ =	sdelay $0x4  }
0x11a: {  	v2 =	vshrl.u32 v2, $0x10  }
0x11b: {  	[tilespmem:$0x30E0] =	vst v2  }
0x11c: {  	v2 =	vld [tilespmem:s4+$0x300];
	_ =	sdelay $0x2  }
.Ltmp3:
0x11d: {  	_ = 	snop;
	(pc) =	sbr.rel .LBB2_2-.Ltmp3, $4  }
0x11e: {  	_ = 	snop  }
0x11f: {  	v2 =	vshrl.u32 v2, $0x10  }
0x120: {  	s20 =	sadd.s32 $0x800, s20;
	[tilespmem:$0x30F0] =	vst v2  }
0x121: {  	[spmem:s2] =	stream.indirect.scatter.add.f32 [tilespmem:s21], [sflag:$0x5], $0x1, s29, s24, $0xb8;
	[tilespmem:$0x3180] =	vst v63  }
.LBB2_5:
0x122: {  	_ =	sfence.sel $0x180000  }
0x123: {  	[bflag:$0x0] =	sbarrier.arrive $0xFFFF  }
0x124: {  	_ =	strace $0x90000047  }
0x125: {  	s0 =	stileid.u32;
	[bflag:$0x2] =	sbarrier.arrive $0xFFFF  }
0x126: {  	p0 =	sne.s32 s0, $0x0;
	s0 =	rddreg [dreg:$0x2]  }
0x127: {  	s0 =	sadd.s32 @!p0 $0x100000, s0  }
0x128: {  	[sflag:s0] =	ssyncadd.tile.s32 @!p0 $0x1;
	_ =	shalt  }
.Lfunc_end2:
_tile_overlayer_lowered:
.L_overlay_start_2:
0x129: {  	(tag) =	ssettag $0x2  }
0x12a: {  	s0 =	rddreg [dreg:$0x0];
	s2 =	stileid.u32  }
0x12b: {  	s1 =	rddreg [dreg:$0x1];
	p0 =	sne.s32 s2, $0x0  }
0x12c: {  	s3 =	rddreg [dreg:$0x2];
	[bflag:$0x3] =	sbarrier.arrive $0xFFFF;
	s2 =	simm.s32 @!p0 $0x1C06  }
0x12d: {  	[timem:s3], [sflag:s2] =	dma.local @!p0 [hbm:s0], s1  }
0x12e: {  	s0 =	simm.s32 @!p0 $0x6  }
0x12f: {  	_ =	swait.ge @!p0 [sflag:s0], s1  }
0x130: {  	s1 =	ssub.s32 @!p0 $0x0, s1;
	[sflag:s0] =	ssyncset.done @!p0 $0x0  }
0x131: {  	[sflag:s0] =	ssyncadd.s32 @!p0 s1  }
0x132: {  	[bflag:$0x3] =	sbarrier.arrive $0xFFFF  }
0x133: {  	_ =	shalt  }

</sc_bundles>
